<compile_context>
chip_gen: v7x
topology: tpu7x:2x2x1
jax: 0.10.2.dev20260603
libtpu: 0.0.44.dev20260713+nightly
codegen_flags: <defaults>
</compile_context>

<pallas_src>
import jax
import jax.numpy as jnp
from jax import lax
from jax.experimental import pallas as pl
from jax.experimental.pallas import tpu as pltpu
from jax.experimental.pallas import tpu_sc as plsc

_NC = 2
_NS = 16
_NW = _NC * _NS
_L = 16

_BN_EPS = 1e-5
_TM = 512
_V = 16
_NBUF = 3


def _gather_sum7_sc(table, idxw, n_out):
    T, C = table.shape
    CL = C // _L
    nch = idxw.shape[1]
    pw = nch * _V

    mesh = plsc.VectorSubcoreMesh(
        core_axis_name="c", subcore_axis_name="s",
        num_cores=_NC, num_subcores=_NS)

    def body(tab_hbm, idx_hbm, out_hbm,
             idx_all, r0, r1, r2, a0, a1, a2, g0, g1, g2, o0, o1, o2):
        rows = (r0, r1, r2)
        acc = (a0, a1, a2)
        semg = (g0, g1, g2)
        semo = (o0, o1, o2)
        wid = lax.axis_index("c") * _NS + lax.axis_index("s")
        base = wid * pw
        pltpu.sync_copy(idx_hbm.at[wid], idx_all)
        for b in range(_NBUF):
            pltpu.async_copy(tab_hbm.at[idx_all.at[b]], rows[b], semg[b])

        def group(g, carry):
            for b in range(_NBUF):
                ci = g * _NBUF + b
                pltpu.make_async_copy(
                    tab_hbm.at[idx_all.at[ci]], rows[b], semg[b]).wait()

                @pl.when(g > 0)
                def _():
                    pltpu.make_async_copy(
                        acc[b],
                        out_hbm.at[pl.ds(base + (ci - _NBUF) * _V, _V)],
                        semo[b]).wait()

                def per_row(v, c2):
                    for cc in range(CL):
                        sl = pl.ds(cc * _L, _L)
                        sv = rows[b][v * 7, sl]
                        for k in range(1, 7):
                            sv = sv + rows[b][v * 7 + k, sl]
                        acc[b][v, sl] = sv
                    return c2

                lax.fori_loop(0, _V, per_row, 0)
                pltpu.async_copy(
                    acc[b], out_hbm.at[pl.ds(base + ci * _V, _V)], semo[b])

                @pl.when(ci + _NBUF < nch)
                def _():
                    pltpu.async_copy(
                        tab_hbm.at[idx_all.at[ci + _NBUF]], rows[b], semg[b])
            return carry

        lax.fori_loop(0, nch // _NBUF, group, 0)
        for b in range(_NBUF):
            ci = nch - _NBUF + b
            pltpu.make_async_copy(
                acc[b], out_hbm.at[pl.ds(base + ci * _V, _V)], semo[b]).wait()

    f = pl.kernel(
        body,
        out_type=jax.ShapeDtypeStruct((n_out, C), jnp.float32),
        mesh=mesh,
        scratch_types=(
            [pltpu.VMEM((nch, _V * 7), jnp.int32)]
            + [pltpu.VMEM((_V * 7, C), jnp.float32)] * 3
            + [pltpu.VMEM((_V, C), jnp.float32)] * 3
            + [pltpu.SemaphoreType.DMA] * 6
        ),
    )
    return f(table, idxw)


def _zp_matmul_tc(xp, Wz, scale):
    P, C = xp.shape
    K7 = Wz.shape[1]

    def body(x_ref, w_ref, o_ref):
        o_ref[...] = jnp.dot(x_ref[...] * scale, w_ref[...],
                             preferred_element_type=jnp.float32)

    return pl.pallas_call(
        body,
        grid=(P // _TM,),
        in_specs=[pl.BlockSpec((_TM, C), lambda i: (i, 0)),
                  pl.BlockSpec((C, K7), lambda i: (0, 0))],
        out_specs=pl.BlockSpec((_TM, K7), lambda i: (i, 0)),
        out_shape=jax.ShapeDtypeStruct((P, K7), jnp.float32),
    )(xp, Wz)


def _stats_tc(z, n_valid):
    P, C = z.shape

    def body(z_ref, s_ref):
        i = pl.program_id(0)

        @pl.when(i == 0)
        def _():
            s_ref[...] = jnp.zeros_like(s_ref)

        rows = lax.broadcasted_iota(jnp.int32, (_TM, C), 0) + i * _TM
        zm = jnp.where(rows < n_valid, z_ref[...], 0.0)
        s_ref[0:1, :] += jnp.sum(zm, axis=0, keepdims=True)
        s_ref[1:2, :] += jnp.sum(zm * zm, axis=0, keepdims=True)

    return pl.pallas_call(
        body,
        grid=(P // _TM,),
        in_specs=[pl.BlockSpec((_TM, C), lambda i: (i, 0))],
        out_specs=pl.BlockSpec((8, C), lambda i: (0, 0)),
        out_shape=jax.ShapeDtypeStruct((8, C), jnp.float32),
    )(z)


def _final_tc(z, x1p, stats, params, WaT, WbT, n_valid):
    P, C = z.shape
    inv_n = 1.0 / float(n_valid)

    def body(z_ref, x1_ref, s_ref, p_ref, wa_ref, wb_ref, o_ref):
        mean = s_ref[0:1, :] * inv_n
        var = s_ref[1:2, :] * inv_n - mean * mean
        sc = p_ref[0:1, :] * lax.rsqrt(var + _BN_EPS)
        tr = p_ref[1:2, :] - mean * sc
        zn = z_ref[...] * sc + tr
        zn = jnp.where(zn >= 0, zn, 0.2 * zn)
        acc = jnp.dot(zn, wa_ref[...], preferred_element_type=jnp.float32)
        acc = acc + jnp.dot(x1_ref[...], wb_ref[...],
                            preferred_element_type=jnp.float32)
        o_ref[...] = acc + p_ref[2:3, :]

    return pl.pallas_call(
        body,
        grid=(P // _TM,),
        in_specs=[pl.BlockSpec((_TM, C), lambda i: (i, 0)),
                  pl.BlockSpec((_TM, C), lambda i: (i, 0)),
                  pl.BlockSpec((8, C), lambda i: (0, 0)),
                  pl.BlockSpec((8, C), lambda i: (0, 0)),
                  pl.BlockSpec((C, C), lambda i: (0, 0)),
                  pl.BlockSpec((C, C), lambda i: (0, 0))],
        out_specs=pl.BlockSpec((_TM, C), lambda i: (i, 0)),
        out_shape=jax.ShapeDtypeStruct((P, C), jnp.float32),
    )(z, x1p, stats, params, WaT, WbT)


def kernel(x, x1, neigh_orders, pool_neigh_orders, W1, b1, gamma, beta, Wc, bc):
    B, C, Nh = x.shape
    CO = x1.shape[1]
    Nl = (Nh + 6) // 4
    R = B * Nl
    P = ((R + _NW * _V - 1) // (_NW * _V)) * (_NW * _V)

    xT = x.transpose(0, 2, 1).reshape(B * Nh, C)
    x1p = jnp.pad(x1.transpose(0, 2, 1).reshape(R, CO), ((0, P - R), (0, 0)))

    boffs_h = (jnp.arange(B, dtype=jnp.int32) * Nh)[:, None]
    pool_abs = (pool_neigh_orders[: Nl * 7][None, :] + boffs_h).reshape(-1)
    pool_abs = jnp.pad(pool_abs, (0, (P - R) * 7))

    boffs_l = (jnp.arange(B, dtype=jnp.int32) * Nl)[:, None]
    k_off = jnp.tile(jnp.arange(7, dtype=jnp.int32), Nl)[None, :]
    ring_abs = ((neigh_orders[None, :] + boffs_l) * 7 + k_off).reshape(-1)
    ring_abs = jnp.pad(ring_abs, (0, (P - R) * 7))

    Wz = W1.reshape(CO, 7, C).transpose(2, 1, 0).reshape(C, 7 * CO)
    WaT = Wc[:, :CO].T
    WbT = Wc[:, CO:].T
    params = jnp.concatenate(
        [gamma[None, :], beta[None, :], bc[None, :],
         jnp.zeros((5, CO), jnp.float32)], axis=0)

    idx_shape = (_NW, P // (_V * _NW), _V * 7)
    xp = _gather_sum7_sc(xT, pool_abs.reshape(idx_shape), P)
    zp = _zp_matmul_tc(xp, Wz, 1.0 / 7.0)
    z = _gather_sum7_sc(zp.reshape(P * 7, CO),
                        ring_abs.reshape(idx_shape), P)
    stats = _stats_tc(z, R)
    yT = _final_tc(z, x1p, stats, params, WaT, WbT, R)
    return yT[:R].reshape(B, Nl, CO).transpose(0, 2, 1)

# --- scband reference (transcript-rebuilt; emitter-appended) ---
"""Pipeline reference for scband-hierarchical-down-block-batch-17557826306190 (READ-ONLY COPY).

The authoritative reference and input builder live on the scoring server;
editing this copy changes nothing except your own understanding.
"""

import jax, jax.numpy as jnp
import numpy as np

B = 4
IN_CH = 128
OUT_CH = 128
N_HIGH = 40962
N_LOW = 10242  # (N_HIGH + 6) // 4, icosphere relation
BN_EPS = 1e-5


def setup_inputs(seed: int = 0) -> dict:
    key = jax.random.key(seed)
    ks = jax.random.split(key, 8)
    x = jax.random.normal(ks[0], (B, IN_CH, N_HIGH), dtype=jnp.float32)
    x1 = jax.random.normal(ks[1], (B, OUT_CH, N_LOW), dtype=jnp.float32)
    neigh_orders = jax.random.randint(ks[2], (N_LOW * 7,), 0, N_LOW, dtype=jnp.int32)
    pool_neigh_orders = jax.random.randint(ks[3], (N_LOW * 7,), 0, N_HIGH, dtype=jnp.int32)
    # learned params: Linear(7*in_ch -> out_ch), BN affine, Conv1d(2*out_ch -> out_ch, k=1)
    W1 = jax.random.normal(ks[4], (OUT_CH, 7 * IN_CH), dtype=jnp.float32) * 0.02
    b1 = jnp.zeros((OUT_CH,), dtype=jnp.float32)
    gamma = jnp.ones((OUT_CH,), dtype=jnp.float32)
    beta = jnp.zeros((OUT_CH,), dtype=jnp.float32)
    Wc = jax.random.normal(ks[5], (OUT_CH, 2 * OUT_CH), dtype=jnp.float32) * 0.05
    bc = jnp.zeros((OUT_CH,), dtype=jnp.float32)
    return {"x": x, "x1": x1, "neigh_orders": neigh_orders,
            "pool_neigh_orders": pool_neigh_orders, "W1": W1, "b1": b1,
            "gamma": gamma, "beta": beta, "Wc": Wc, "bc": bc}


def reference(x, x1, neigh_orders, pool_neigh_orders, W1, b1, gamma, beta, Wc, bc):
    Bb, C, Nh = x.shape
    Nl = (Nh + 6) // 4
    # pool_layer_batch (mean over 7-ring gathered from high-res sphere)
    xp = jnp.take(x, pool_neigh_orders[: Nl * 7], axis=2)            # [B, C, Nl*7]
    xp = xp.reshape(Bb, C, Nl, 7).mean(axis=3)                        # [B, C, Nl]
    # onering_conv_layer_batch
    mat = jnp.take(xp, neigh_orders, axis=2)                          # [B, C, Nl*7]
    mat = mat.reshape(Bb, C, Nl, 7).transpose(0, 2, 3, 1)             # [B, Nl, 7, C]
    mat = mat.reshape(Bb, Nl, 7 * C)                                  # [B, Nl, 7*C]
    out = mat @ W1.T + b1                                             # [B, Nl, out_ch]
    out = out.transpose(0, 2, 1)                                      # [B, out_ch, Nl]
    # BatchNorm1d(track_running_stats=False): batch stats over (B, Nl), biased var
    mean = out.mean(axis=(0, 2), keepdims=True)
    var = out.var(axis=(0, 2), keepdims=True)
    out = (out - mean) / jnp.sqrt(var + BN_EPS)
    out = out * gamma[None, :, None] + beta[None, :, None]
    # LeakyReLU(0.2)
    out = jnp.where(out >= 0, out, 0.2 * out)
    # cat with skip x1 and 1x1 conv fuse
    cat = jnp.concatenate([out, x1], axis=1)                          # [B, 2*out_ch, Nl]
    y = jnp.einsum('bcn,oc->bon', cat, Wc) + bc[None, :, None]        # [B, out_ch, Nl]
    return y

if __name__ == "__main__":
    import jax
    _d = setup_inputs()
    print(jax.jit(kernel)(*tuple(_d.values())))

</pallas_src>

<mosaic_0001>
#map = affine_map<(d0, d1) -> (0, 0)>
#map1 = affine_map<(d0, d1) -> (0, 0, 0)>
module attributes {stable_mosaic.version = 14 : i64} {
  func.func @body(%arg0: i32, %arg1: i32, %arg2: memref<290304x128xf32, #tpu.memory_space<hbm>>, %arg3: memref<32x81x112xi32, #tpu.memory_space<hbm>>, %arg4: memref<41472x128xf32, #tpu.memory_space<hbm>>, %arg5: memref<81x112xi32, #tpu.memory_space<vmem>>, %arg6: memref<112x128xf32, #tpu.memory_space<vmem>>, %arg7: memref<112x128xf32, #tpu.memory_space<vmem>>, %arg8: memref<112x128xf32, #tpu.memory_space<vmem>>, %arg9: memref<16x128xf32, #tpu.memory_space<vmem>>, %arg10: memref<16x128xf32, #tpu.memory_space<vmem>>, %arg11: memref<16x128xf32, #tpu.memory_space<vmem>>, %arg12: memref<!tpu.dma_semaphore, #tpu.memory_space<semaphore_mem>>, %arg13: memref<!tpu.dma_semaphore, #tpu.memory_space<semaphore_mem>>, %arg14: memref<!tpu.dma_semaphore, #tpu.memory_space<semaphore_mem>>, %arg15: memref<!tpu.dma_semaphore, #tpu.memory_space<semaphore_mem>>, %arg16: memref<!tpu.dma_semaphore, #tpu.memory_space<semaphore_mem>>, %arg17: memref<!tpu.dma_semaphore, #tpu.memory_space<semaphore_mem>>) attributes {dimension_semantics = [#tpu.dimension_semantics<core_parallel>, #tpu.dimension_semantics<subcore_parallel>], iteration_bounds = array<i64: 2, 16>, scalar_prefetch = 0 : i64, scratch_operands = 13 : i64, tpu.core_type = #tpu.core_type<sc_vector_subcore>, window_params = [{transform_indices = #map}, {transform_indices = #map1}, {transform_indices = #map}]} {
    %mul3A = arith.constant 16 : i32
    %mul3A_0 = arith.muli %arg0, %mul3A : i32
    %add3A = arith.addi %mul3A_0, %arg1 : i32
    %mul3A_1 = arith.constant 1296 : i32
    %mul3A_2 = arith.muli %add3A, %mul3A_1 : i32
    "tpu.region"() ({
      %run_scoped3A = tpu.sem_alloc : memref<!tpu.dma_semaphore, #tpu.memory_space<semaphore_mem>>
      %dma_start3A_45 = arith.constant 0 : i32
      %dma_start3A_46 = arith.constant 0 : i32
      %dma_start3A_47 = tpu.memref_slice %arg3[%add3A, %dma_start3A_45, %dma_start3A_46] : memref<32x81x112xi32, #tpu.memory_space<hbm>> -> memref<1x81x112xi32, #tpu.memory_space<hbm>>
      %dma_start3A_48 = tpu.memref_squeeze %dma_start3A_47 : memref<1x81x112xi32, #tpu.memory_space<hbm>> -> memref<81x112xi32, #tpu.memory_space<hbm>>
      %dma_start3A_49 = arith.constant 0 : i32
      %dma_start3A_50 = arith.constant 0 : i32
      %dma_start3A_51 = tpu.memref_slice %arg3[%add3A, %dma_start3A_49, %dma_start3A_50] : memref<32x81x112xi32, #tpu.memory_space<hbm>> -> memref<1x81x112xi32, #tpu.memory_space<hbm>>
      %dma_start3A_52 = tpu.memref_squeeze %dma_start3A_51 : memref<1x81x112xi32, #tpu.memory_space<hbm>> -> memref<81x112xi32, #tpu.memory_space<hbm>>
      tpu.enqueue_dma source(%dma_start3A_52 : memref<81x112xi32, #tpu.memory_space<hbm>>) target(%arg5 : memref<81x112xi32, #tpu.memory_space<vmem>>) target_semaphore(%run_scoped3A : memref<!tpu.dma_semaphore, #tpu.memory_space<semaphore_mem>>)
      %dma_wait3A_53 = arith.constant 0 : i32
      %dma_wait3A_54 = arith.constant 0 : i32
      %dma_wait3A_55 = tpu.memref_slice %arg3[%add3A, %dma_wait3A_53, %dma_wait3A_54] : memref<32x81x112xi32, #tpu.memory_space<hbm>> -> memref<1x81x112xi32, #tpu.memory_space<hbm>>
      %dma_wait3A_56 = tpu.memref_squeeze %dma_wait3A_55 : memref<1x81x112xi32, #tpu.memory_space<hbm>> -> memref<81x112xi32, #tpu.memory_space<hbm>>
      %dma_wait3A_57 = arith.constant 0 : i32
      %dma_wait3A_58 = arith.constant 0 : i32
      %dma_wait3A_59 = tpu.memref_slice %arg3[%add3A, %dma_wait3A_57, %dma_wait3A_58] : memref<32x81x112xi32, #tpu.memory_space<hbm>> -> memref<1x81x112xi32, #tpu.memory_space<hbm>>
      %dma_wait3A_60 = tpu.memref_squeeze %dma_wait3A_59 : memref<1x81x112xi32, #tpu.memory_space<hbm>> -> memref<81x112xi32, #tpu.memory_space<hbm>>
      tpu.wait_dma2 semaphore(%run_scoped3A : memref<!tpu.dma_semaphore, #tpu.memory_space<semaphore_mem>>) src(%dma_wait3A_60 : memref<81x112xi32, #tpu.memory_space<hbm>>) dst(%arg5 : memref<81x112xi32, #tpu.memory_space<vmem>>)
      tpu.yield
    }) : () -> ()
    %dma_start3A = arith.constant 0 : i32
    %dma_start3A_3 = arith.constant 0 : i32
    %dma_start3A_4 = tpu.memref_slice %arg5[%dma_start3A, %dma_start3A_3] : memref<81x112xi32, #tpu.memory_space<vmem>> -> memref<1x112xi32, #tpu.memory_space<vmem>>
    %dma_start3A_5 = tpu.memref_squeeze %dma_start3A_4 : memref<1x112xi32, #tpu.memory_space<vmem>> -> memref<112xi32, #tpu.memory_space<vmem>>
    %dma_start3A_6 = arith.constant 0 : i32
    %dma_start3A_7 = arith.constant 0 : i32
    %dma_start3A_8 = tpu.memref_slice %arg2[%dma_start3A_6, %dma_start3A_7] : memref<290304x128xf32, #tpu.memory_space<hbm>> -> memref<290304x128xf32, #tpu.memory_space<hbm>>
    tpu.enqueue_indirect_dma source(%dma_start3A_8 : memref<290304x128xf32, #tpu.memory_space<hbm>>) target(%arg6 : memref<112x128xf32, #tpu.memory_space<vmem>>) offsets(%dma_start3A_5 : memref<112xi32, #tpu.memory_space<vmem>>) semaphore(%arg12 : memref<!tpu.dma_semaphore, #tpu.memory_space<semaphore_mem>>)
    %dma_start3A_9 = arith.constant 1 : i32
    %dma_start3A_10 = arith.constant 0 : i32
    %dma_start3A_11 = tpu.memref_slice %arg5[%dma_start3A_9, %dma_start3A_10] : memref<81x112xi32, #tpu.memory_space<vmem>> -> memref<1x112xi32, #tpu.memory_space<vmem>>
    %dma_start3A_12 = tpu.memref_squeeze %dma_start3A_11 : memref<1x112xi32, #tpu.memory_space<vmem>> -> memref<112xi32, #tpu.memory_space<vmem>>
    %dma_start3A_13 = arith.constant 0 : i32
    %dma_start3A_14 = arith.constant 0 : i32
    %dma_start3A_15 = tpu.memref_slice %arg2[%dma_start3A_13, %dma_start3A_14] : memref<290304x128xf32, #tpu.memory_space<hbm>> -> memref<290304x128xf32, #tpu.memory_space<hbm>>
    tpu.enqueue_indirect_dma source(%dma_start3A_15 : memref<290304x128xf32, #tpu.memory_space<hbm>>) target(%arg7 : memref<112x128xf32, #tpu.memory_space<vmem>>) offsets(%dma_start3A_12 : memref<112xi32, #tpu.memory_space<vmem>>) semaphore(%arg13 : memref<!tpu.dma_semaphore, #tpu.memory_space<semaphore_mem>>)
    %dma_start3A_16 = arith.constant 2 : i32
    %dma_start3A_17 = arith.constant 0 : i32
    %dma_start3A_18 = tpu.memref_slice %arg5[%dma_start3A_16, %dma_start3A_17] : memref<81x112xi32, #tpu.memory_space<vmem>> -> memref<1x112xi32, #tpu.memory_space<vmem>>
    %dma_start3A_19 = tpu.memref_squeeze %dma_start3A_18 : memref<1x112xi32, #tpu.memory_space<vmem>> -> memref<112xi32, #tpu.memory_space<vmem>>
    %dma_start3A_20 = arith.constant 0 : i32
    %dma_start3A_21 = arith.constant 0 : i32
    %dma_start3A_22 = tpu.memref_slice %arg2[%dma_start3A_20, %dma_start3A_21] : memref<290304x128xf32, #tpu.memory_space<hbm>> -> memref<290304x128xf32, #tpu.memory_space<hbm>>
    tpu.enqueue_indirect_dma source(%dma_start3A_22 : memref<290304x128xf32, #tpu.memory_space<hbm>>) target(%arg8 : memref<112x128xf32, #tpu.memory_space<vmem>>) offsets(%dma_start3A_19 : memref<112xi32, #tpu.memory_space<vmem>>) semaphore(%arg14 : memref<!tpu.dma_semaphore, #tpu.memory_space<semaphore_mem>>)
    %scan3A = arith.constant 0 : i32
    %scan3A_23 = arith.constant 0 : i32
    %scan3A_24 = arith.constant 27 : i32
    %scan3A_25 = arith.addi %scan3A_23, %scan3A_24 : i32
    %scan3A_26 = arith.constant 1 : i32
    scf.for %scan3A_45 = %scan3A_23 to %scan3A_25 step %scan3A_26  : i32 {
      %mul3A_46 = arith.constant 3 : i32
      %mul3A_47 = arith.muli %scan3A_45, %mul3A_46 : i32
      %add3A_48 = arith.constant 0 : i32
      %add3A_49 = arith.addi %mul3A_47, %add3A_48 : i32
      %dma_wait3A_50 = arith.constant 0 : i32
      %dma_wait3A_51 = tpu.memref_slice %arg5[%add3A_49, %dma_wait3A_50] : memref<81x112xi32, #tpu.memory_space<vmem>> -> memref<1x112xi32, #tpu.memory_space<vmem>>
      %dma_wait3A_52 = tpu.memref_squeeze %dma_wait3A_51 : memref<1x112xi32, #tpu.memory_space<vmem>> -> memref<112xi32, #tpu.memory_space<vmem>>
      %dma_wait3A_53 = arith.constant 0 : i32
      %dma_wait3A_54 = arith.constant 0 : i32
      %dma_wait3A_55 = tpu.memref_slice %arg2[%dma_wait3A_53, %dma_wait3A_54] : memref<290304x128xf32, #tpu.memory_space<hbm>> -> memref<290304x128xf32, #tpu.memory_space<hbm>>
      tpu.wait_indirect_dma semaphore(%arg12 : memref<!tpu.dma_semaphore, #tpu.memory_space<semaphore_mem>>) src(%dma_wait3A_55 : memref<290304x128xf32, #tpu.memory_space<hbm>>) dst(%arg6 : memref<112x128xf32, #tpu.memory_space<vmem>>)
      %gt3A = arith.constant 0 : i32
      %gt3A_56 = arith.cmpi sgt, %scan3A_45, %gt3A : i32
      %convert_element_type3A = arith.extui %gt3A_56 : i1 to i32
      %cond3A = arith.constant 0 : i32
      %cond3A_57 = arith.cmpi ne, %convert_element_type3A, %cond3A : i32
      scf.if %cond3A_57 {
        %sub3A = arith.constant 3 : i32
        %sub3A_147 = arith.subi %add3A_49, %sub3A : i32
        %mul3A_148 = arith.constant 16 : i32
        %mul3A_149 = arith.muli %sub3A_147, %mul3A_148 : i32
        %add3A_150 = arith.addi %mul3A_2, %mul3A_149 : i32
        %dma_wait3A_151 = arith.constant 0 : i32
        %dma_wait3A_152 = tpu.memref_slice %arg4[%add3A_150, %dma_wait3A_151] : memref<41472x128xf32, #tpu.memory_space<hbm>> -> memref<16x128xf32, #tpu.memory_space<hbm>>
        %dma_wait3A_153 = arith.constant 0 : i32
        %dma_wait3A_154 = tpu.memref_slice %arg4[%add3A_150, %dma_wait3A_153] : memref<41472x128xf32, #tpu.memory_space<hbm>> -> memref<16x128xf32, #tpu.memory_space<hbm>>
        tpu.wait_dma2 semaphore(%arg15 : memref<!tpu.dma_semaphore, #tpu.memory_space<semaphore_mem>>) src(%arg9 : memref<16x128xf32, #tpu.memory_space<vmem>>) dst(%dma_wait3A_154 : memref<16x128xf32, #tpu.memory_space<hbm>>)
      } else {
      }
      %scan3A_58 = arith.constant 0 : i32
      %scan3A_59 = arith.constant 0 : i32
      %scan3A_60 = arith.constant 16 : i32
      %scan3A_61 = arith.addi %scan3A_59, %scan3A_60 : i32
      %scan3A_62 = arith.constant 1 : i32
      scf.for %scan3A_147 = %scan3A_59 to %scan3A_61 step %scan3A_62  : i32 {
        %mul3A_148 = arith.constant 7 : i32
        %mul3A_149 = arith.muli %scan3A_147, %mul3A_148 : i32
        %get3A = arith.index_cast %mul3A_149 : i32 to index
        %get3A_150 = arith.constant 0 : index
        %get3A_151 = tpu.vector_load %arg6[%get3A, %get3A_150] {strides = array<i32>} : memref<112x128xf32, #tpu.memory_space<vmem>>, vector<1x16xf32>,
        %get3A_152 = vector.shape_cast %get3A_151 : vector<1x16xf32> to vector<16xf32>
        %mul3A_153 = arith.constant 7 : i32
        %mul3A_154 = arith.muli %scan3A_147, %mul3A_153 : i32
        %add3A_155 = arith.constant 1 : i32
        %add3A_156 = arith.addi %mul3A_154, %add3A_155 : i32
        %get3A_157 = arith.index_cast %add3A_156 : i32 to index
        %get3A_158 = arith.constant 0 : index
        %get3A_159 = tpu.vector_load %arg6[%get3A_157, %get3A_158] {strides = array<i32>} : memref<112x128xf32, #tpu.memory_space<vmem>>, vector<1x16xf32>,
        %get3A_160 = vector.shape_cast %get3A_159 : vector<1x16xf32> to vector<16xf32>
        %add3A_161 = arith.addf %get3A_152, %get3A_160 : vector<16xf32>
        %mul3A_162 = arith.constant 7 : i32
        %mul3A_163 = arith.muli %scan3A_147, %mul3A_162 : i32
        %add3A_164 = arith.constant 2 : i32
        %add3A_165 = arith.addi %mul3A_163, %add3A_164 : i32
        %get3A_166 = arith.index_cast %add3A_165 : i32 to index
        %get3A_167 = arith.constant 0 : index
        %get3A_168 = tpu.vector_load %arg6[%get3A_166, %get3A_167] {strides = array<i32>} : memref<112x128xf32, #tpu.memory_space<vmem>>, vector<1x16xf32>,
        %get3A_169 = vector.shape_cast %get3A_168 : vector<1x16xf32> to vector<16xf32>
        %add3A_170 = arith.addf %add3A_161, %get3A_169 : vector<16xf32>
        %mul3A_171 = arith.constant 7 : i32
        %mul3A_172 = arith.muli %scan3A_147, %mul3A_171 : i32
        %add3A_173 = arith.constant 3 : i32
        %add3A_174 = arith.addi %mul3A_172, %add3A_173 : i32
        %get3A_175 = arith.index_cast %add3A_174 : i32 to index
        %get3A_176 = arith.constant 0 : index
        %get3A_177 = tpu.vector_load %arg6[%get3A_175, %get3A_176] {strides = array<i32>} : memref<112x128xf32, #tpu.memory_space<vmem>>, vector<1x16xf32>,
        %get3A_178 = vector.shape_cast %get3A_177 : vector<1x16xf32> to vector<16xf32>
        %add3A_179 = arith.addf %add3A_170, %get3A_178 : vector<16xf32>
        %mul3A_180 = arith.constant 7 : i32
        %mul3A_181 = arith.muli %scan3A_147, %mul3A_180 : i32
        %add3A_182 = arith.constant 4 : i32
        %add3A_183 = arith.addi %mul3A_181, %add3A_182 : i32
        %get3A_184 = arith.index_cast %add3A_183 : i32 to index
        %get3A_185 = arith.constant 0 : index
        %get3A_186 = tpu.vector_load %arg6[%get3A_184, %get3A_185] {strides = array<i32>} : memref<112x128xf32, #tpu.memory_space<vmem>>, vector<1x16xf32>,
        %get3A_187 = vector.shape_cast %get3A_186 : vector<1x16xf32> to vector<16xf32>
        %add3A_188 = arith.addf %add3A_179, %get3A_187 : vector<16xf32>
        %mul3A_189 = arith.constant 7 : i32
        %mul3A_190 = arith.muli %scan3A_147, %mul3A_189 : i32
        %add3A_191 = arith.constant 5 : i32
        %add3A_192 = arith.addi %mul3A_190, %add3A_191 : i32
        %get3A_193 = arith.index_cast %add3A_192 : i32 to index
        %get3A_194 = arith.constant 0 : index
        %get3A_195 = tpu.vector_load %arg6[%get3A_193, %get3A_194] {strides = array<i32>} : memref<112x128xf32, #tpu.memory_space<vmem>>, vector<1x16xf32>,
        %get3A_196 = vector.shape_cast %get3A_195 : vector<1x16xf32> to vector<16xf32>
        %add3A_197 = arith.addf %add3A_188, %get3A_196 : vector<16xf32>
        %mul3A_198 = arith.constant 7 : i32
        %mul3A_199 = arith.muli %scan3A_147, %mul3A_198 : i32
        %add3A_200 = arith.constant 6 : i32
        %add3A_201 = arith.addi %mul3A_199, %add3A_200 : i32
        %get3A_202 = arith.index_cast %add3A_201 : i32 to index
        %get3A_203 = arith.constant 0 : index
        %get3A_204 = tpu.vector_load %arg6[%get3A_202, %get3A_203] {strides = array<i32>} : memref<112x128xf32, #tpu.memory_space<vmem>>, vector<1x16xf32>,
        %get3A_205 = vector.shape_cast %get3A_204 : vector<1x16xf32> to vector<16xf32>
        %add3A_206 = arith.addf %add3A_197, %get3A_205 : vector<16xf32>
        %swap3A = arith.index_cast %scan3A_147 : i32 to index
        %swap3A_207 = arith.constant 0 : index
        %swap3A_208 = tpu.vector_load %arg9[%swap3A, %swap3A_207] {strides = array<i32>} : memref<16x128xf32, #tpu.memory_space<vmem>>, vector<1x16xf32>,
        %swap3A_209 = vector.shape_cast %swap3A_208 : vector<1x16xf32> to vector<16xf32>
        %swap3A_210 = vector.shape_cast %add3A_206 : vector<16xf32> to vector<1x16xf32>
        tpu.vector_store %arg9[%swap3A, %swap3A_207], %swap3A_210 {strides = array<i32>} : memref<16x128xf32, #tpu.memory_space<vmem>>, vector<1x16xf32>,
        %mul3A_211 = arith.constant 7 : i32
        %mul3A_212 = arith.muli %scan3A_147, %mul3A_211 : i32
        %get3A_213 = arith.index_cast %mul3A_212 : i32 to index
        %get3A_214 = arith.constant 16 : index
        %get3A_215 = tpu.vector_load %arg6[%get3A_213, %get3A_214] {strides = array<i32>} : memref<112x128xf32, #tpu.memory_space<vmem>>, vector<1x16xf32>,
        %get3A_216 = vector.shape_cast %get3A_215 : vector<1x16xf32> to vector<16xf32>
        %mul3A_217 = arith.constant 7 : i32
        %mul3A_218 = arith.muli %scan3A_147, %mul3A_217 : i32
        %add3A_219 = arith.constant 1 : i32
        %add3A_220 = arith.addi %mul3A_218, %add3A_219 : i32
        %get3A_221 = arith.index_cast %add3A_220 : i32 to index
        %get3A_222 = arith.constant 16 : index
        %get3A_223 = tpu.vector_load %arg6[%get3A_221, %get3A_222] {strides = array<i32>} : memref<112x128xf32, #tpu.memory_space<vmem>>, vector<1x16xf32>,
        %get3A_224 = vector.shape_cast %get3A_223 : vector<1x16xf32> to vector<16xf32>
        %add3A_225 = arith.addf %get3A_216, %get3A_224 : vector<16xf32>
        %mul3A_226 = arith.constant 7 : i32
        %mul3A_227 = arith.muli %scan3A_147, %mul3A_226 : i32
        %add3A_228 = arith.constant 2 : i32
        %add3A_229 = arith.addi %mul3A_227, %add3A_228 : i32
        %get3A_230 = arith.index_cast %add3A_229 : i32 to index
        %get3A_231 = arith.constant 16 : index
        %get3A_232 = tpu.vector_load %arg6[%get3A_230, %get3A_231] {strides = array<i32>} : memref<112x128xf32, #tpu.memory_space<vmem>>, vector<1x16xf32>,
        %get3A_233 = vector.shape_cast %get3A_232 : vector<1x16xf32> to vector<16xf32>
        %add3A_234 = arith.addf %add3A_225, %get3A_233 : vector<16xf32>
        %mul3A_235 = arith.constant 7 : i32
        %mul3A_236 = arith.muli %scan3A_147, %mul3A_235 : i32
        %add3A_237 = arith.constant 3 : i32
        %add3A_238 = arith.addi %mul3A_236, %add3A_237 : i32
        %get3A_239 = arith.index_cast %add3A_238 : i32 to index
        %get3A_240 = arith.constant 16 : index
        %get3A_241 = tpu.vector_load %arg6[%get3A_239, %get3A_240] {strides = array<i32>} : memref<112x128xf32, #tpu.memory_space<vmem>>, vector<1x16xf32>,
        %get3A_242 = vector.shape_cast %get3A_241 : vector<1x16xf32> to vector<16xf32>
        %add3A_243 = arith.addf %add3A_234, %get3A_242 : vector<16xf32>
        %mul3A_244 = arith.constant 7 : i32
        %mul3A_245 = arith.muli %scan3A_147, %mul3A_244 : i32
        %add3A_246 = arith.constant 4 : i32
        %add3A_247 = arith.addi %mul3A_245, %add3A_246 : i32
        %get3A_248 = arith.index_cast %add3A_247 : i32 to index
        %get3A_249 = arith.constant 16 : index
        %get3A_250 = tpu.vector_load %arg6[%get3A_248, %get3A_249] {strides = array<i32>} : memref<112x128xf32, #tpu.memory_space<vmem>>, vector<1x16xf32>,
        %get3A_251 = vector.shape_cast %get3A_250 : vector<1x16xf32> to vector<16xf32>
        %add3A_252 = arith.addf %add3A_243, %get3A_251 : vector<16xf32>
        %mul3A_253 = arith.constant 7 : i32
        %mul3A_254 = arith.muli %scan3A_147, %mul3A_253 : i32
        %add3A_255 = arith.constant 5 : i32
        %add3A_256 = arith.addi %mul3A_254, %add3A_255 : i32
        %get3A_257 = arith.index_cast %add3A_256 : i32 to index
        %get3A_258 = arith.constant 16 : index
        %get3A_259 = tpu.vector_load %arg6[%get3A_257, %get3A_258] {strides = array<i32>} : memref<112x128xf32, #tpu.memory_space<vmem>>, vector<1x16xf32>,
        %get3A_260 = vector.shape_cast %get3A_259 : vector<1x16xf32> to vector<16xf32>
        %add3A_261 = arith.addf %add3A_252, %get3A_260 : vector<16xf32>
        %mul3A_262 = arith.constant 7 : i32
        %mul3A_263 = arith.muli %scan3A_147, %mul3A_262 : i32
        %add3A_264 = arith.constant 6 : i32
        %add3A_265 = arith.addi %mul3A_263, %add3A_264 : i32
        %get3A_266 = arith.index_cast %add3A_265 : i32 to index
        %get3A_267 = arith.constant 16 : index
        %get3A_268 = tpu.vector_load %arg6[%get3A_266, %get3A_267] {strides = array<i32>} : memref<112x128xf32, #tpu.memory_space<vmem>>, vector<1x16xf32>,
        %get3A_269 = vector.shape_cast %get3A_268 : vector<1x16xf32> to vector<16xf32>
        %add3A_270 = arith.addf %add3A_261, %get3A_269 : vector<16xf32>
        %swap3A_271 = arith.index_cast %scan3A_147 : i32 to index
        %swap3A_272 = arith.constant 16 : index
        %swap3A_273 = tpu.vector_load %arg9[%swap3A_271, %swap3A_272] {strides = array<i32>} : memref<16x128xf32, #tpu.memory_space<vmem>>, vector<1x16xf32>,
        %swap3A_274 = vector.shape_cast %swap3A_273 : vector<1x16xf32> to vector<16xf32>
        %swap3A_275 = vector.shape_cast %add3A_270 : vector<16xf32> to vector<1x16xf32>
        tpu.vector_store %arg9[%swap3A_271, %swap3A_272], %swap3A_275 {strides = array<i32>} : memref<16x128xf32, #tpu.memory_space<vmem>>, vector<1x16xf32>,
        %mul3A_276 = arith.constant 7 : i32
        %mul3A_277 = arith.muli %scan3A_147, %mul3A_276 : i32
        %get3A_278 = arith.index_cast %mul3A_277 : i32 to index
        %get3A_279 = arith.constant 32 : index
        %get3A_280 = tpu.vector_load %arg6[%get3A_278, %get3A_279] {strides = array<i32>} : memref<112x128xf32, #tpu.memory_space<vmem>>, vector<1x16xf32>,
        %get3A_281 = vector.shape_cast %get3A_280 : vector<1x16xf32> to vector<16xf32>
        %mul3A_282 = arith.constant 7 : i32
        %mul3A_283 = arith.muli %scan3A_147, %mul3A_282 : i32
        %add3A_284 = arith.constant 1 : i32
        %add3A_285 = arith.addi %mul3A_283, %add3A_284 : i32
        %get3A_286 = arith.index_cast %add3A_285 : i32 to index
        %get3A_287 = arith.constant 32 : index
        %get3A_288 = tpu.vector_load %arg6[%get3A_286, %get3A_287] {strides = array<i32>} : memref<112x128xf32, #tpu.memory_space<vmem>>, vector<1x16xf32>,
        %get3A_289 = vector.shape_cast %get3A_288 : vector<1x16xf32> to vector<16xf32>
        %add3A_290 = arith.addf %get3A_281, %get3A_289 : vector<16xf32>
        %mul3A_291 = arith.constant 7 : i32
        %mul3A_292 = arith.muli %scan3A_147, %mul3A_291 : i32
        %add3A_293 = arith.constant 2 : i32
        %add3A_294 = arith.addi %mul3A_292, %add3A_293 : i32
        %get3A_295 = arith.index_cast %add3A_294 : i32 to index
        %get3A_296 = arith.constant 32 : index
        %get3A_297 = tpu.vector_load %arg6[%get3A_295, %get3A_296] {strides = array<i32>} : memref<112x128xf32, #tpu.memory_space<vmem>>, vector<1x16xf32>,
        %get3A_298 = vector.shape_cast %get3A_297 : vector<1x16xf32> to vector<16xf32>
        %add3A_299 = arith.addf %add3A_290, %get3A_298 : vector<16xf32>
        %mul3A_300 = arith.constant 7 : i32
        %mul3A_301 = arith.muli %scan3A_147, %mul3A_300 : i32
        %add3A_302 = arith.constant 3 : i32
        %add3A_303 = arith.addi %mul3A_301, %add3A_302 : i32
        %get3A_304 = arith.index_cast %add3A_303 : i32 to index
        %get3A_305 = arith.constant 32 : index
        %get3A_306 = tpu.vector_load %arg6[%get3A_304, %get3A_305] {strides = array<i32>} : memref<112x128xf32, #tpu.memory_space<vmem>>, vector<1x16xf32>,
        %get3A_307 = vector.shape_cast %get3A_306 : vector<1x16xf32> to vector<16xf32>
        %add3A_308 = arith.addf %add3A_299, %get3A_307 : vector<16xf32>
        %mul3A_309 = arith.constant 7 : i32
        %mul3A_310 = arith.muli %scan3A_147, %mul3A_309 : i32
        %add3A_311 = arith.constant 4 : i32
        %add3A_312 = arith.addi %mul3A_310, %add3A_311 : i32
        %get3A_313 = arith.index_cast %add3A_312 : i32 to index
        %get3A_314 = arith.constant 32 : index
        %get3A_315 = tpu.vector_load %arg6[%get3A_313, %get3A_314] {strides = array<i32>} : memref<112x128xf32, #tpu.memory_space<vmem>>, vector<1x16xf32>,
        %get3A_316 = vector.shape_cast %get3A_315 : vector<1x16xf32> to vector<16xf32>
        %add3A_317 = arith.addf %add3A_308, %get3A_316 : vector<16xf32>
        %mul3A_318 = arith.constant 7 : i32
        %mul3A_319 = arith.muli %scan3A_147, %mul3A_318 : i32
        %add3A_320 = arith.constant 5 : i32
        %add3A_321 = arith.addi %mul3A_319, %add3A_320 : i32
        %get3A_322 = arith.index_cast %add3A_321 : i32 to index
        %get3A_323 = arith.constant 32 : index
        %get3A_324 = tpu.vector_load %arg6[%get3A_322, %get3A_323] {strides = array<i32>} : memref<112x128xf32, #tpu.memory_space<vmem>>, vector<1x16xf32>,
        %get3A_325 = vector.shape_cast %get3A_324 : vector<1x16xf32> to vector<16xf32>
        %add3A_326 = arith.addf %add3A_317, %get3A_325 : vector<16xf32>
        %mul3A_327 = arith.constant 7 : i32
        %mul3A_328 = arith.muli %scan3A_147, %mul3A_327 : i32
        %add3A_329 = arith.constant 6 : i32
        %add3A_330 = arith.addi %mul3A_328, %add3A_329 : i32
        %get3A_331 = arith.index_cast %add3A_330 : i32 to index
        %get3A_332 = arith.constant 32 : index
        %get3A_333 = tpu.vector_load %arg6[%get3A_331, %get3A_332] {strides = array<i32>} : memref<112x128xf32, #tpu.memory_space<vmem>>, vector<1x16xf32>,
        %get3A_334 = vector.shape_cast %get3A_333 : vector<1x16xf32> to vector<16xf32>
        %add3A_335 = arith.addf %add3A_326, %get3A_334 : vector<16xf32>
        %swap3A_336 = arith.index_cast %scan3A_147 : i32 to index
        %swap3A_337 = arith.constant 32 : index
        %swap3A_338 = tpu.vector_load %arg9[%swap3A_336, %swap3A_337] {strides = array<i32>} : memref<16x128xf32, #tpu.memory_space<vmem>>, vector<1x16xf32>,
        %swap3A_339 = vector.shape_cast %swap3A_338 : vector<1x16xf32> to vector<16xf32>
        %swap3A_340 = vector.shape_cast %add3A_335 : vector<16xf32> to vector<1x16xf32>
        tpu.vector_store %arg9[%swap3A_336, %swap3A_337], %swap3A_340 {strides = array<i32>} : memref<16x128xf32, #tpu.memory_space<vmem>>, vector<1x16xf32>,
        %mul3A_341 = arith.constant 7 : i32
        %mul3A_342 = arith.muli %scan3A_147, %mul3A_341 : i32
        %get3A_343 = arith.index_cast %mul3A_342 : i32 to index
        %get3A_344 = arith.constant 48 : index
        %get3A_345 = tpu.vector_load %arg6[%get3A_343, %get3A_344] {strides = array<i32>} : memref<112x128xf32, #tpu.memory_space<vmem>>, vector<1x16xf32>,
        %get3A_346 = vector.shape_cast %get3A_345 : vector<1x16xf32> to vector<16xf32>
        %mul3A_347 = arith.constant 7 : i32
        %mul3A_348 = arith.muli %scan3A_147, %mul3A_347 : i32
        %add3A_349 = arith.constant 1 : i32
        %add3A_350 = arith.addi %mul3A_348, %add3A_349 : i32
        %get3A_351 = arith.index_cast %add3A_350 : i32 to index
        %get3A_352 = arith.constant 48 : index
        %get3A_353 = tpu.vector_load %arg6[%get3A_351, %get3A_352] {strides = array<i32>} : memref<112x128xf32, #tpu.memory_space<vmem>>, vector<1x16xf32>,
        %get3A_354 = vector.shape_cast %get3A_353 : vector<1x16xf32> to vector<16xf32>
        %add3A_355 = arith.addf %get3A_346, %get3A_354 : vector<16xf32>
        %mul3A_356 = arith.constant 7 : i32
        %mul3A_357 = arith.muli %scan3A_147, %mul3A_356 : i32
        %add3A_358 = arith.constant 2 : i32
        %add3A_359 = arith.addi %mul3A_357, %add3A_358 : i32
        %get3A_360 = arith.index_cast %add3A_359 : i32 to index
        %get3A_361 = arith.constant 48 : index
        %get3A_362 = tpu.vector_load %arg6[%get3A_360, %get3A_361] {strides = array<i32>} : memref<112x128xf32, #tpu.memory_space<vmem>>, vector<1x16xf32>,
        %get3A_363 = vector.shape_cast %get3A_362 : vector<1x16xf32> to vector<16xf32>
        %add3A_364 = arith.addf %add3A_355, %get3A_363 : vector<16xf32>
        %mul3A_365 = arith.constant 7 : i32
        %mul3A_366 = arith.muli %scan3A_147, %mul3A_365 : i32
        %add3A_367 = arith.constant 3 : i32
        %add3A_368 = arith.addi %mul3A_366, %add3A_367 : i32
        %get3A_369 = arith.index_cast %add3A_368 : i32 to index
        %get3A_370 = arith.constant 48 : index
        %get3A_371 = tpu.vector_load %arg6[%get3A_369, %get3A_370] {strides = array<i32>} : memref<112x128xf32, #tpu.memory_space<vmem>>, vector<1x16xf32>,
        %get3A_372 = vector.shape_cast %get3A_371 : vector<1x16xf32> to vector<16xf32>
        %add3A_373 = arith.addf %add3A_364, %get3A_372 : vector<16xf32>
        %mul3A_374 = arith.constant 7 : i32
        %mul3A_375 = arith.muli %scan3A_147, %mul3A_374 : i32
        %add3A_376 = arith.constant 4 : i32
        %add3A_377 = arith.addi %mul3A_375, %add3A_376 : i32
        %get3A_378 = arith.index_cast %add3A_377 : i32 to index
        %get3A_379 = arith.constant 48 : index
        %get3A_380 = tpu.vector_load %arg6[%get3A_378, %get3A_379] {strides = array<i32>} : memref<112x128xf32, #tpu.memory_space<vmem>>, vector<1x16xf32>,
        %get3A_381 = vector.shape_cast %get3A_380 : vector<1x16xf32> to vector<16xf32>
        %add3A_382 = arith.addf %add3A_373, %get3A_381 : vector<16xf32>
        %mul3A_383 = arith.constant 7 : i32
        %mul3A_384 = arith.muli %scan3A_147, %mul3A_383 : i32
        %add3A_385 = arith.constant 5 : i32
        %add3A_386 = arith.addi %mul3A_384, %add3A_385 : i32
        %get3A_387 = arith.index_cast %add3A_386 : i32 to index
        %get3A_388 = arith.constant 48 : index
        %get3A_389 = tpu.vector_load %arg6[%get3A_387, %get3A_388] {strides = array<i32>} : memref<112x128xf32, #tpu.memory_space<vmem>>, vector<1x16xf32>,
        %get3A_390 = vector.shape_cast %get3A_389 : vector<1x16xf32> to vector<16xf32>
        %add3A_391 = arith.addf %add3A_382, %get3A_390 : vector<16xf32>
        %mul3A_392 = arith.constant 7 : i32
        %mul3A_393 = arith.muli %scan3A_147, %mul3A_392 : i32
        %add3A_394 = arith.constant 6 : i32
        %add3A_395 = arith.addi %mul3A_393, %add3A_394 : i32
        %get3A_396 = arith.index_cast %add3A_395 : i32 to index
        %get3A_397 = arith.constant 48 : index
        %get3A_398 = tpu.vector_load %arg6[%get3A_396, %get3A_397] {strides = array<i32>} : memref<112x128xf32, #tpu.memory_space<vmem>>, vector<1x16xf32>,
        %get3A_399 = vector.shape_cast %get3A_398 : vector<1x16xf32> to vector<16xf32>
        %add3A_400 = arith.addf %add3A_391, %get3A_399 : vector<16xf32>
        %swap3A_401 = arith.index_cast %scan3A_147 : i32 to index
        %swap3A_402 = arith.constant 48 : index
        %swap3A_403 = tpu.vector_load %arg9[%swap3A_401, %swap3A_402] {strides = array<i32>} : memref<16x128xf32, #tpu.memory_space<vmem>>, vector<1x16xf32>,
        %swap3A_404 = vector.shape_cast %swap3A_403 : vector<1x16xf32> to vector<16xf32>
        %swap3A_405 = vector.shape_cast %add3A_400 : vector<16xf32> to vector<1x16xf32>
        tpu.vector_store %arg9[%swap3A_401, %swap3A_402], %swap3A_405 {strides = array<i32>} : memref<16x128xf32, #tpu.memory_space<vmem>>, vector<1x16xf32>,
        %mul3A_406 = arith.constant 7 : i32
        %mul3A_407 = arith.muli %scan3A_147, %mul3A_406 : i32
        %get3A_408 = arith.index_cast %mul3A_407 : i32 to index
        %get3A_409 = arith.constant 64 : index
        %get3A_410 = tpu.vector_load %arg6[%get3A_408, %get3A_409] {strides = array<i32>} : memref<112x128xf32, #tpu.memory_space<vmem>>, vector<1x16xf32>,
        %get3A_411 = vector.shape_cast %get3A_410 : vector<1x16xf32> to vector<16xf32>
        %mul3A_412 = arith.constant 7 : i32
        %mul3A_413 = arith.muli %scan3A_147, %mul3A_412 : i32
        %add3A_414 = arith.constant 1 : i32
        %add3A_415 = arith.addi %mul3A_413, %add3A_414 : i32
        %get3A_416 = arith.index_cast %add3A_415 : i32 to index
        %get3A_417 = arith.constant 64 : index
        %get3A_418 = tpu.vector_load %arg6[%get3A_416, %get3A_417] {strides = array<i32>} : memref<112x128xf32, #tpu.memory_space<vmem>>, vector<1x16xf32>,
        %get3A_419 = vector.shape_cast %get3A_418 : vector<1x16xf32> to vector<16xf32>
        %add3A_420 = arith.addf %get3A_411, %get3A_419 : vector<16xf32>
        %mul3A_421 = arith.constant 7 : i32
        %mul3A_422 = arith.muli %scan3A_147, %mul3A_421 : i32
        %add3A_423 = arith.constant 2 : i32
        %add3A_424 = arith.addi %mul3A_422, %add3A_423 : i32
        %get3A_425 = arith.index_cast %add3A_424 : i32 to index
        %get3A_426 = arith.constant 64 : index
        %get3A_427 = tpu.vector_load %arg6[%get3A_425, %get3A_426] {strides = array<i32>} : memref<112x128xf32, #tpu.memory_space<vmem>>, vector<1x16xf32>,
        %get3A_428 = vector.shape_cast %get3A_427 : vector<1x16xf32> to vector<16xf32>
        %add3A_429 = arith.addf %add3A_420, %get3A_428 : vector<16xf32>
        %mul3A_430 = arith.constant 7 : i32
        %mul3A_431 = arith.muli %scan3A_147, %mul3A_430 : i32
        %add3A_432 = arith.constant 3 : i32
        %add3A_433 = arith.addi %mul3A_431, %add3A_432 : i32
        %get3A_434 = arith.index_cast %add3A_433 : i32 to index
        %get3A_435 = arith.constant 64 : index
        %get3A_436 = tpu.vector_load %arg6[%get3A_434, %get3A_435] {strides = array<i32>} : memref<112x128xf32, #tpu.memory_space<vmem>>, vector<1x16xf32>,
        %get3A_437 = vector.shape_cast %get3A_436 : vector<1x16xf32> to vector<16xf32>
        %add3A_438 = arith.addf %add3A_429, %get3A_437 : vector<16xf32>
        %mul3A_439 = arith.constant 7 : i32
        %mul3A_440 = arith.muli %scan3A_147, %mul3A_439 : i32
        %add3A_441 = arith.constant 4 : i32
        %add3A_442 = arith.addi %mul3A_440, %add3A_441 : i32
        %get3A_443 = arith.index_cast %add3A_442 : i32 to index
        %get3A_444 = arith.constant 64 : index
        %get3A_445 = tpu.vector_load %arg6[%get3A_443, %get3A_444] {strides = array<i32>} : memref<112x128xf32, #tpu.memory_space<vmem>>, vector<1x16xf32>,
        %get3A_446 = vector.shape_cast %get3A_445 : vector<1x16xf32> to vector<16xf32>
        %add3A_447 = arith.addf %add3A_438, %get3A_446 : vector<16xf32>
        %mul3A_448 = arith.constant 7 : i32
        %mul3A_449 = arith.muli %scan3A_147, %mul3A_448 : i32
        %add3A_450 = arith.constant 5 : i32
        %add3A_451 = arith.addi %mul3A_449, %add3A_450 : i32
        %get3A_452 = arith.index_cast %add3A_451 : i32 to index
        %get3A_453 = arith.constant 64 : index
        %get3A_454 = tpu.vector_load %arg6[%get3A_452, %get3A_453] {strides = array<i32>} : memref<112x128xf32, #tpu.memory_space<vmem>>, vector<1x16xf32>,
        %get3A_455 = vector.shape_cast %get3A_454 : vector<1x16xf32> to vector<16xf32>
        %add3A_456 = arith.addf %add3A_447, %get3A_455 : vector<16xf32>
        %mul3A_457 = arith.constant 7 : i32
        %mul3A_458 = arith.muli %scan3A_147, %mul3A_457 : i32
        %add3A_459 = arith.constant 6 : i32
        %add3A_460 = arith.addi %mul3A_458, %add3A_459 : i32
        %get3A_461 = arith.index_cast %add3A_460 : i32 to index
        %get3A_462 = arith.constant 64 : index
        %get3A_463 = tpu.vector_load %arg6[%get3A_461, %get3A_462] {strides = array<i32>} : memref<112x128xf32, #tpu.memory_space<vmem>>, vector<1x16xf32>,
        %get3A_464 = vector.shape_cast %get3A_463 : vector<1x16xf32> to vector<16xf32>
        %add3A_465 = arith.addf %add3A_456, %get3A_464 : vector<16xf32>
        %swap3A_466 = arith.index_cast %scan3A_147 : i32 to index
        %swap3A_467 = arith.constant 64 : index
        %swap3A_468 = tpu.vector_load %arg9[%swap3A_466, %swap3A_467] {strides = array<i32>} : memref<16x128xf32, #tpu.memory_space<vmem>>, vector<1x16xf32>,
        %swap3A_469 = vector.shape_cast %swap3A_468 : vector<1x16xf32> to vector<16xf32>
        %swap3A_470 = vector.shape_cast %add3A_465 : vector<16xf32> to vector<1x16xf32>
        tpu.vector_store %arg9[%swap3A_466, %swap3A_467], %swap3A_470 {strides = array<i32>} : memref<16x128xf32, #tpu.memory_space<vmem>>, vector<1x16xf32>,
        %mul3A_471 = arith.constant 7 : i32
        %mul3A_472 = arith.muli %scan3A_147, %mul3A_471 : i32
        %get3A_473 = arith.index_cast %mul3A_472 : i32 to index
        %get3A_474 = arith.constant 80 : index
        %get3A_475 = tpu.vector_load %arg6[%get3A_473, %get3A_474] {strides = array<i32>} : memref<112x128xf32, #tpu.memory_space<vmem>>, vector<1x16xf32>,
        %get3A_476 = vector.shape_cast %get3A_475 : vector<1x16xf32> to vector<16xf32>
        %mul3A_477 = arith.constant 7 : i32
        %mul3A_478 = arith.muli %scan3A_147, %mul3A_477 : i32
        %add3A_479 = arith.constant 1 : i32
        %add3A_480 = arith.addi %mul3A_478, %add3A_479 : i32
        %get3A_481 = arith.index_cast %add3A_480 : i32 to index
        %get3A_482 = arith.constant 80 : index
        %get3A_483 = tpu.vector_load %arg6[%get3A_481, %get3A_482] {strides = array<i32>} : memref<112x128xf32, #tpu.memory_space<vmem>>, vector<1x16xf32>,
        %get3A_484 = vector.shape_cast %get3A_483 : vector<1x16xf32> to vector<16xf32>
        %add3A_485 = arith.addf %get3A_476, %get3A_484 : vector<16xf32>
        %mul3A_486 = arith.constant 7 : i32
        %mul3A_487 = arith.muli %scan3A_147, %mul3A_486 : i32
        %add3A_488 = arith.constant 2 : i32
        %add3A_489 = arith.addi %mul3A_487, %add3A_488 : i32
        %get3A_490 = arith.index_cast %add3A_489 : i32 to index
        %get3A_491 = arith.constant 80 : index
        %get3A_492 = tpu.vector_load %arg6[%get3A_490, %get3A_491] {strides = array<i32>} : memref<112x128xf32, #tpu.memory_space<vmem>>, vector<1x16xf32>,
        %get3A_493 = vector.shape_cast %get3A_492 : vector<1x16xf32> to vector<16xf32>
        %add3A_494 = arith.addf %add3A_485, %get3A_493 : vector<16xf32>
        %mul3A_495 = arith.constant 7 : i32
        %mul3A_496 = arith.muli %scan3A_147, %mul3A_495 : i32
        %add3A_497 = arith.constant 3 : i32
        %add3A_498 = arith.addi %mul3A_496, %add3A_497 : i32
        %get3A_499 = arith.index_cast %add3A_498 : i32 to index
        %get3A_500 = arith.constant 80 : index
        %get3A_501 = tpu.vector_load %arg6[%get3A_499, %get3A_500] {strides = array<i32>} : memref<112x128xf32, #tpu.memory_space<vmem>>, vector<1x16xf32>,
        %get3A_502 = vector.shape_cast %get3A_501 : vector<1x16xf32> to vector<16xf32>
        %add3A_503 = arith.addf %add3A_494, %get3A_502 : vector<16xf32>
        %mul3A_504 = arith.constant 7 : i32
        %mul3A_505 = arith.muli %scan3A_147, %mul3A_504 : i32
        %add3A_506 = arith.constant 4 : i32
        %add3A_507 = arith.addi %mul3A_505, %add3A_506 : i32
        %get3A_508 = arith.index_cast %add3A_507 : i32 to index
        %get3A_509 = arith.constant 80 : index
        %get3A_510 = tpu.vector_load %arg6[%get3A_508, %get3A_509] {strides = array<i32>} : memref<112x128xf32, #tpu.memory_space<vmem>>, vector<1x16xf32>,
        %get3A_511 = vector.shape_cast %get3A_510 : vector<1x16xf32> to vector<16xf32>
        %add3A_512 = arith.addf %add3A_503, %get3A_511 : vector<16xf32>
        %mul3A_513 = arith.constant 7 : i32
        %mul3A_514 = arith.muli %scan3A_147, %mul3A_513 : i32
        %add3A_515 = arith.constant 5 : i32
        %add3A_516 = arith.addi %mul3A_514, %add3A_515 : i32
        %get3A_517 = arith.index_cast %add3A_516 : i32 to index
        %get3A_518 = arith.constant 80 : index
        %get3A_519 = tpu.vector_load %arg6[%get3A_517, %get3A_518] {strides = array<i32>} : memref<112x128xf32, #tpu.memory_space<vmem>>, vector<1x16xf32>,
        %get3A_520 = vector.shape_cast %get3A_519 : vector<1x16xf32> to vector<16xf32>
        %add3A_521 = arith.addf %add3A_512, %get3A_520 : vector<16xf32>
        %mul3A_522 = arith.constant 7 : i32
        %mul3A_523 = arith.muli %scan3A_147, %mul3A_522 : i32
        %add3A_524 = arith.constant 6 : i32
        %add3A_525 = arith.addi %mul3A_523, %add3A_524 : i32
        %get3A_526 = arith.index_cast %add3A_525 : i32 to index
        %get3A_527 = arith.constant 80 : index
        %get3A_528 = tpu.vector_load %arg6[%get3A_526, %get3A_527] {strides = array<i32>} : memref<112x128xf32, #tpu.memory_space<vmem>>, vector<1x16xf32>,
        %get3A_529 = vector.shape_cast %get3A_528 : vector<1x16xf32> to vector<16xf32>
        %add3A_530 = arith.addf %add3A_521, %get3A_529 : vector<16xf32>
        %swap3A_531 = arith.index_cast %scan3A_147 : i32 to index
        %swap3A_532 = arith.constant 80 : index
        %swap3A_533 = tpu.vector_load %arg9[%swap3A_531, %swap3A_532] {strides = array<i32>} : memref<16x128xf32, #tpu.memory_space<vmem>>, vector<1x16xf32>,
        %swap3A_534 = vector.shape_cast %swap3A_533 : vector<1x16xf32> to vector<16xf32>
        %swap3A_535 = vector.shape_cast %add3A_530 : vector<16xf32> to vector<1x16xf32>
        tpu.vector_store %arg9[%swap3A_531, %swap3A_532], %swap3A_535 {strides = array<i32>} : memref<16x128xf32, #tpu.memory_space<vmem>>, vector<1x16xf32>,
        %mul3A_536 = arith.constant 7 : i32
        %mul3A_537 = arith.muli %scan3A_147, %mul3A_536 : i32
        %get3A_538 = arith.index_cast %mul3A_537 : i32 to index
        %get3A_539 = arith.constant 96 : index
        %get3A_540 = tpu.vector_load %arg6[%get3A_538, %get3A_539] {strides = array<i32>} : memref<112x128xf32, #tpu.memory_space<vmem>>, vector<1x16xf32>,
        %get3A_541 = vector.shape_cast %get3A_540 : vector<1x16xf32> to vector<16xf32>
        %mul3A_542 = arith.constant 7 : i32
        %mul3A_543 = arith.muli %scan3A_147, %mul3A_542 : i32
        %add3A_544 = arith.constant 1 : i32
        %add3A_545 = arith.addi %mul3A_543, %add3A_544 : i32
        %get3A_546 = arith.index_cast %add3A_545 : i32 to index
        %get3A_547 = arith.constant 96 : index
        %get3A_548 = tpu.vector_load %arg6[%get3A_546, %get3A_547] {strides = array<i32>} : memref<112x128xf32, #tpu.memory_space<vmem>>, vector<1x16xf32>,
        %get3A_549 = vector.shape_cast %get3A_548 : vector<1x16xf32> to vector<16xf32>
        %add3A_550 = arith.addf %get3A_541, %get3A_549 : vector<16xf32>
        %mul3A_551 = arith.constant 7 : i32
        %mul3A_552 = arith.muli %scan3A_147, %mul3A_551 : i32
        %add3A_553 = arith.constant 2 : i32
        %add3A_554 = arith.addi %mul3A_552, %add3A_553 : i32
        %get3A_555 = arith.index_cast %add3A_554 : i32 to index
        %get3A_556 = arith.constant 96 : index
        %get3A_557 = tpu.vector_load %arg6[%get3A_555, %get3A_556] {strides = array<i32>} : memref<112x128xf32, #tpu.memory_space<vmem>>, vector<1x16xf32>,
        %get3A_558 = vector.shape_cast %get3A_557 : vector<1x16xf32> to vector<16xf32>
        %add3A_559 = arith.addf %add3A_550, %get3A_558 : vector<16xf32>
        %mul3A_560 = arith.constant 7 : i32
        %mul3A_561 = arith.muli %scan3A_147, %mul3A_560 : i32
        %add3A_562 = arith.constant 3 : i32
        %add3A_563 = arith.addi %mul3A_561, %add3A_562 : i32
        %get3A_564 = arith.index_cast %add3A_563 : i32 to index
        %get3A_565 = arith.constant 96 : index
        %get3A_566 = tpu.vector_load %arg6[%get3A_564, %get3A_565] {strides = array<i32>} : memref<112x128xf32, #tpu.memory_space<vmem>>, vector<1x16xf32>,
        %get3A_567 = vector.shape_cast %get3A_566 : vector<1x16xf32> to vector<16xf32>
        %add3A_568 = arith.addf %add3A_559, %get3A_567 : vector<16xf32>
        %mul3A_569 = arith.constant 7 : i32
        %mul3A_570 = arith.muli %scan3A_147, %mul3A_569 : i32
        %add3A_571 = arith.constant 4 : i32
        %add3A_572 = arith.addi %mul3A_570, %add3A_571 : i32
        %get3A_573 = arith.index_cast %add3A_572 : i32 to index
        %get3A_574 = arith.constant 96 : index
        %get3A_575 = tpu.vector_load %arg6[%get3A_573, %get3A_574] {strides = array<i32>} : memref<112x128xf32, #tpu.memory_space<vmem>>, vector<1x16xf32>,
        %get3A_576 = vector.shape_cast %get3A_575 : vector<1x16xf32> to vector<16xf32>
        %add3A_577 = arith.addf %add3A_568, %get3A_576 : vector<16xf32>
        %mul3A_578 = arith.constant 7 : i32
        %mul3A_579 = arith.muli %scan3A_147, %mul3A_578 : i32
        %add3A_580 = arith.constant 5 : i32
        %add3A_581 = arith.addi %mul3A_579, %add3A_580 : i32
        %get3A_582 = arith.index_cast %add3A_581 : i32 to index
        %get3A_583 = arith.constant 96 : index
        %get3A_584 = tpu.vector_load %arg6[%get3A_582, %get3A_583] {strides = array<i32>} : memref<112x128xf32, #tpu.memory_space<vmem>>, vector<1x16xf32>,
        %get3A_585 = vector.shape_cast %get3A_584 : vector<1x16xf32> to vector<16xf32>
        %add3A_586 = arith.addf %add3A_577, %get3A_585 : vector<16xf32>
        %mul3A_587 = arith.constant 7 : i32
        %mul3A_588 = arith.muli %scan3A_147, %mul3A_587 : i32
        %add3A_589 = arith.constant 6 : i32
        %add3A_590 = arith.addi %mul3A_588, %add3A_589 : i32
        %get3A_591 = arith.index_cast %add3A_590 : i32 to index
        %get3A_592 = arith.constant 96 : index
        %get3A_593 = tpu.vector_load %arg6[%get3A_591, %get3A_592] {strides = array<i32>} : memref<112x128xf32, #tpu.memory_space<vmem>>, vector<1x16xf32>,
        %get3A_594 = vector.shape_cast %get3A_593 : vector<1x16xf32> to vector<16xf32>
        %add3A_595 = arith.addf %add3A_586, %get3A_594 : vector<16xf32>
        %swap3A_596 = arith.index_cast %scan3A_147 : i32 to index
        %swap3A_597 = arith.constant 96 : index
        %swap3A_598 = tpu.vector_load %arg9[%swap3A_596, %swap3A_597] {strides = array<i32>} : memref<16x128xf32, #tpu.memory_space<vmem>>, vector<1x16xf32>,
        %swap3A_599 = vector.shape_cast %swap3A_598 : vector<1x16xf32> to vector<16xf32>
        %swap3A_600 = vector.shape_cast %add3A_595 : vector<16xf32> to vector<1x16xf32>
        tpu.vector_store %arg9[%swap3A_596, %swap3A_597], %swap3A_600 {strides = array<i32>} : memref<16x128xf32, #tpu.memory_space<vmem>>, vector<1x16xf32>,
        %mul3A_601 = arith.constant 7 : i32
        %mul3A_602 = arith.muli %scan3A_147, %mul3A_601 : i32
        %get3A_603 = arith.index_cast %mul3A_602 : i32 to index
        %get3A_604 = arith.constant 112 : index
        %get3A_605 = tpu.vector_load %arg6[%get3A_603, %get3A_604] {strides = array<i32>} : memref<112x128xf32, #tpu.memory_space<vmem>>, vector<1x16xf32>,
        %get3A_606 = vector.shape_cast %get3A_605 : vector<1x16xf32> to vector<16xf32>
        %mul3A_607 = arith.constant 7 : i32
        %mul3A_608 = arith.muli %scan3A_147, %mul3A_607 : i32
        %add3A_609 = arith.constant 1 : i32
        %add3A_610 = arith.addi %mul3A_608, %add3A_609 : i32
        %get3A_611 = arith.index_cast %add3A_610 : i32 to index
        %get3A_612 = arith.constant 112 : index
        %get3A_613 = tpu.vector_load %arg6[%get3A_611, %get3A_612] {strides = array<i32>} : memref<112x128xf32, #tpu.memory_space<vmem>>, vector<1x16xf32>,
        %get3A_614 = vector.shape_cast %get3A_613 : vector<1x16xf32> to vector<16xf32>
        %add3A_615 = arith.addf %get3A_606, %get3A_614 : vector<16xf32>
        %mul3A_616 = arith.constant 7 : i32
        %mul3A_617 = arith.muli %scan3A_147, %mul3A_616 : i32
        %add3A_618 = arith.constant 2 : i32
        %add3A_619 = arith.addi %mul3A_617, %add3A_618 : i32
        %get3A_620 = arith.index_cast %add3A_619 : i32 to index
        %get3A_621 = arith.constant 112 : index
        %get3A_622 = tpu.vector_load %arg6[%get3A_620, %get3A_621] {strides = array<i32>} : memref<112x128xf32, #tpu.memory_space<vmem>>, vector<1x16xf32>,
        %get3A_623 = vector.shape_cast %get3A_622 : vector<1x16xf32> to vector<16xf32>
        %add3A_624 = arith.addf %add3A_615, %get3A_623 : vector<16xf32>
        %mul3A_625 = arith.constant 7 : i32
        %mul3A_626 = arith.muli %scan3A_147, %mul3A_625 : i32
        %add3A_627 = arith.constant 3 : i32
        %add3A_628 = arith.addi %mul3A_626, %add3A_627 : i32
        %get3A_629 = arith.index_cast %add3A_628 : i32 to index
        %get3A_630 = arith.constant 112 : index
        %get3A_631 = tpu.vector_load %arg6[%get3A_629, %get3A_630] {strides = array<i32>} : memref<112x128xf32, #tpu.memory_space<vmem>>, vector<1x16xf32>,
        %get3A_632 = vector.shape_cast %get3A_631 : vector<1x16xf32> to vector<16xf32>
        %add3A_633 = arith.addf %add3A_624, %get3A_632 : vector<16xf32>
        %mul3A_634 = arith.constant 7 : i32
        %mul3A_635 = arith.muli %scan3A_147, %mul3A_634 : i32
        %add3A_636 = arith.constant 4 : i32
        %add3A_637 = arith.addi %mul3A_635, %add3A_636 : i32
        %get3A_638 = arith.index_cast %add3A_637 : i32 to index
        %get3A_639 = arith.constant 112 : index
        %get3A_640 = tpu.vector_load %arg6[%get3A_638, %get3A_639] {strides = array<i32>} : memref<112x128xf32, #tpu.memory_space<vmem>>, vector<1x16xf32>,
        %get3A_641 = vector.shape_cast %get3A_640 : vector<1x16xf32> to vector<16xf32>
        %add3A_642 = arith.addf %add3A_633, %get3A_641 : vector<16xf32>
        %mul3A_643 = arith.constant 7 : i32
        %mul3A_644 = arith.muli %scan3A_147, %mul3A_643 : i32
        %add3A_645 = arith.constant 5 : i32
        %add3A_646 = arith.addi %mul3A_644, %add3A_645 : i32
        %get3A_647 = arith.index_cast %add3A_646 : i32 to index
        %get3A_648 = arith.constant 112 : index
        %get3A_649 = tpu.vector_load %arg6[%get3A_647, %get3A_648] {strides = array<i32>} : memref<112x128xf32, #tpu.memory_space<vmem>>, vector<1x16xf32>,
        %get3A_650 = vector.shape_cast %get3A_649 : vector<1x16xf32> to vector<16xf32>
        %add3A_651 = arith.addf %add3A_642, %get3A_650 : vector<16xf32>
        %mul3A_652 = arith.constant 7 : i32
        %mul3A_653 = arith.muli %scan3A_147, %mul3A_652 : i32
        %add3A_654 = arith.constant 6 : i32
        %add3A_655 = arith.addi %mul3A_653, %add3A_654 : i32
        %get3A_656 = arith.index_cast %add3A_655 : i32 to index
        %get3A_657 = arith.constant 112 : index
        %get3A_658 = tpu.vector_load %arg6[%get3A_656, %get3A_657] {strides = array<i32>} : memref<112x128xf32, #tpu.memory_space<vmem>>, vector<1x16xf32>,
        %get3A_659 = vector.shape_cast %get3A_658 : vector<1x16xf32> to vector<16xf32>
        %add3A_660 = arith.addf %add3A_651, %get3A_659 : vector<16xf32>
        %swap3A_661 = arith.index_cast %scan3A_147 : i32 to index
        %swap3A_662 = arith.constant 112 : index
        %swap3A_663 = tpu.vector_load %arg9[%swap3A_661, %swap3A_662] {strides = array<i32>} : memref<16x128xf32, #tpu.memory_space<vmem>>, vector<1x16xf32>,
        %swap3A_664 = vector.shape_cast %swap3A_663 : vector<1x16xf32> to vector<16xf32>
        %swap3A_665 = vector.shape_cast %add3A_660 : vector<16xf32> to vector<1x16xf32>
        tpu.vector_store %arg9[%swap3A_661, %swap3A_662], %swap3A_665 {strides = array<i32>} : memref<16x128xf32, #tpu.memory_space<vmem>>, vector<1x16xf32>,
      }
      %scan3A_63 = arith.constant 16 : i32
      %mul3A_64 = arith.constant 16 : i32
      %mul3A_65 = arith.muli %add3A_49, %mul3A_64 : i32
      %add3A_66 = arith.addi %mul3A_2, %mul3A_65 : i32
      %dma_start3A_67 = arith.constant 0 : i32
      %dma_start3A_68 = tpu.memref_slice %arg4[%add3A_66, %dma_start3A_67] : memref<41472x128xf32, #tpu.memory_space<hbm>> -> memref<16x128xf32, #tpu.memory_space<hbm>>
      %dma_start3A_69 = arith.constant 0 : i32
      %dma_start3A_70 = tpu.memref_slice %arg4[%add3A_66, %dma_start3A_69] : memref<41472x128xf32, #tpu.memory_space<hbm>> -> memref<16x128xf32, #tpu.memory_space<hbm>>
      tpu.enqueue_dma source(%arg9 : memref<16x128xf32, #tpu.memory_space<vmem>>) target(%dma_start3A_70 : memref<16x128xf32, #tpu.memory_space<hbm>>) target_semaphore(%arg15 : memref<!tpu.dma_semaphore, #tpu.memory_space<semaphore_mem>>)
      %add3A_71 = arith.constant 3 : i32
      %add3A_72 = arith.addi %add3A_49, %add3A_71 : i32
      %lt3A = arith.constant 81 : i32
      %lt3A_73 = arith.cmpi slt, %add3A_72, %lt3A : i32
      %convert_element_type3A_74 = arith.extui %lt3A_73 : i1 to i32
      %cond3A_75 = arith.constant 0 : i32
      %cond3A_76 = arith.cmpi ne, %convert_element_type3A_74, %cond3A_75 : i32
      scf.if %cond3A_76 {
        %add3A_147 = arith.constant 3 : i32
        %add3A_148 = arith.addi %add3A_49, %add3A_147 : i32
        %dma_start3A_149 = arith.constant 0 : i32
        %dma_start3A_150 = tpu.memref_slice %arg5[%add3A_148, %dma_start3A_149] : memref<81x112xi32, #tpu.memory_space<vmem>> -> memref<1x112xi32, #tpu.memory_space<vmem>>
        %dma_start3A_151 = tpu.memref_squeeze %dma_start3A_150 : memref<1x112xi32, #tpu.memory_space<vmem>> -> memref<112xi32, #tpu.memory_space<vmem>>
        %dma_start3A_152 = arith.constant 0 : i32
        %dma_start3A_153 = arith.constant 0 : i32
        %dma_start3A_154 = tpu.memref_slice %arg2[%dma_start3A_152, %dma_start3A_153] : memref<290304x128xf32, #tpu.memory_space<hbm>> -> memref<290304x128xf32, #tpu.memory_space<hbm>>
        tpu.enqueue_indirect_dma source(%dma_start3A_154 : memref<290304x128xf32, #tpu.memory_space<hbm>>) target(%arg6 : memref<112x128xf32, #tpu.memory_space<vmem>>) offsets(%dma_start3A_151 : memref<112xi32, #tpu.memory_space<vmem>>) semaphore(%arg12 : memref<!tpu.dma_semaphore, #tpu.memory_space<semaphore_mem>>)
      } else {
      }
      %mul3A_77 = arith.constant 3 : i32
      %mul3A_78 = arith.muli %scan3A_45, %mul3A_77 : i32
      %add3A_79 = arith.constant 1 : i32
      %add3A_80 = arith.addi %mul3A_78, %add3A_79 : i32
      %dma_wait3A_81 = arith.constant 0 : i32
      %dma_wait3A_82 = tpu.memref_slice %arg5[%add3A_80, %dma_wait3A_81] : memref<81x112xi32, #tpu.memory_space<vmem>> -> memref<1x112xi32, #tpu.memory_space<vmem>>
      %dma_wait3A_83 = tpu.memref_squeeze %dma_wait3A_82 : memref<1x112xi32, #tpu.memory_space<vmem>> -> memref<112xi32, #tpu.memory_space<vmem>>
      %dma_wait3A_84 = arith.constant 0 : i32
      %dma_wait3A_85 = arith.constant 0 : i32
      %dma_wait3A_86 = tpu.memref_slice %arg2[%dma_wait3A_84, %dma_wait3A_85] : memref<290304x128xf32, #tpu.memory_space<hbm>> -> memref<290304x128xf32, #tpu.memory_space<hbm>>
      tpu.wait_indirect_dma semaphore(%arg13 : memref<!tpu.dma_semaphore, #tpu.memory_space<semaphore_mem>>) src(%dma_wait3A_86 : memref<290304x128xf32, #tpu.memory_space<hbm>>) dst(%arg7 : memref<112x128xf32, #tpu.memory_space<vmem>>)
      %gt3A_87 = arith.constant 0 : i32
      %gt3A_88 = arith.cmpi sgt, %scan3A_45, %gt3A_87 : i32
      %convert_element_type3A_89 = arith.extui %gt3A_88 : i1 to i32
      %cond3A_90 = arith.constant 0 : i32
      %cond3A_91 = arith.cmpi ne, %convert_element_type3A_89, %cond3A_90 : i32
      scf.if %cond3A_91 {
        %sub3A = arith.constant 3 : i32
        %sub3A_147 = arith.subi %add3A_80, %sub3A : i32
        %mul3A_148 = arith.constant 16 : i32
        %mul3A_149 = arith.muli %sub3A_147, %mul3A_148 : i32
        %add3A_150 = arith.addi %mul3A_2, %mul3A_149 : i32
        %dma_wait3A_151 = arith.constant 0 : i32
        %dma_wait3A_152 = tpu.memref_slice %arg4[%add3A_150, %dma_wait3A_151] : memref<41472x128xf32, #tpu.memory_space<hbm>> -> memref<16x128xf32, #tpu.memory_space<hbm>>
        %dma_wait3A_153 = arith.constant 0 : i32
        %dma_wait3A_154 = tpu.memref_slice %arg4[%add3A_150, %dma_wait3A_153] : memref<41472x128xf32, #tpu.memory_space<hbm>> -> memref<16x128xf32, #tpu.memory_space<hbm>>
        tpu.wait_dma2 semaphore(%arg16 : memref<!tpu.dma_semaphore, #tpu.memory_space<semaphore_mem>>) src(%arg10 : memref<16x128xf32, #tpu.memory_space<vmem>>) dst(%dma_wait3A_154 : memref<16x128xf32, #tpu.memory_space<hbm>>)
      } else {
      }
      %scan3A_92 = arith.constant 0 : i32
      %scan3A_93 = arith.constant 0 : i32
      %scan3A_94 = arith.constant 16 : i32
      %scan3A_95 = arith.addi %scan3A_93, %scan3A_94 : i32
      %scan3A_96 = arith.constant 1 : i32
      scf.for %scan3A_147 = %scan3A_93 to %scan3A_95 step %scan3A_96  : i32 {
        %mul3A_148 = arith.constant 7 : i32
        %mul3A_149 = arith.muli %scan3A_147, %mul3A_148 : i32
        %get3A = arith.index_cast %mul3A_149 : i32 to index
        %get3A_150 = arith.constant 0 : index
        %get3A_151 = tpu.vector_load %arg7[%get3A, %get3A_150] {strides = array<i32>} : memref<112x128xf32, #tpu.memory_space<vmem>>, vector<1x16xf32>,
        %get3A_152 = vector.shape_cast %get3A_151 : vector<1x16xf32> to vector<16xf32>
        %mul3A_153 = arith.constant 7 : i32
        %mul3A_154 = arith.muli %scan3A_147, %mul3A_153 : i32
        %add3A_155 = arith.constant 1 : i32
        %add3A_156 = arith.addi %mul3A_154, %add3A_155 : i32
        %get3A_157 = arith.index_cast %add3A_156 : i32 to index
        %get3A_158 = arith.constant 0 : index
        %get3A_159 = tpu.vector_load %arg7[%get3A_157, %get3A_158] {strides = array<i32>} : memref<112x128xf32, #tpu.memory_space<vmem>>, vector<1x16xf32>,
        %get3A_160 = vector.shape_cast %get3A_159 : vector<1x16xf32> to vector<16xf32>
        %add3A_161 = arith.addf %get3A_152, %get3A_160 : vector<16xf32>
        %mul3A_162 = arith.constant 7 : i32
        %mul3A_163 = arith.muli %scan3A_147, %mul3A_162 : i32
        %add3A_164 = arith.constant 2 : i32
        %add3A_165 = arith.addi %mul3A_163, %add3A_164 : i32
        %get3A_166 = arith.index_cast %add3A_165 : i32 to index
        %get3A_167 = arith.constant 0 : index
        %get3A_168 = tpu.vector_load %arg7[%get3A_166, %get3A_167] {strides = array<i32>} : memref<112x128xf32, #tpu.memory_space<vmem>>, vector<1x16xf32>,
        %get3A_169 = vector.shape_cast %get3A_168 : vector<1x16xf32> to vector<16xf32>
        %add3A_170 = arith.addf %add3A_161, %get3A_169 : vector<16xf32>
        %mul3A_171 = arith.constant 7 : i32
        %mul3A_172 = arith.muli %scan3A_147, %mul3A_171 : i32
        %add3A_173 = arith.constant 3 : i32
        %add3A_174 = arith.addi %mul3A_172, %add3A_173 : i32
        %get3A_175 = arith.index_cast %add3A_174 : i32 to index
        %get3A_176 = arith.constant 0 : index
        %get3A_177 = tpu.vector_load %arg7[%get3A_175, %get3A_176] {strides = array<i32>} : memref<112x128xf32, #tpu.memory_space<vmem>>, vector<1x16xf32>,
        %get3A_178 = vector.shape_cast %get3A_177 : vector<1x16xf32> to vector<16xf32>
        %add3A_179 = arith.addf %add3A_170, %get3A_178 : vector<16xf32>
        %mul3A_180 = arith.constant 7 : i32
        %mul3A_181 = arith.muli %scan3A_147, %mul3A_180 : i32
        %add3A_182 = arith.constant 4 : i32
        %add3A_183 = arith.addi %mul3A_181, %add3A_182 : i32
        %get3A_184 = arith.index_cast %add3A_183 : i32 to index
        %get3A_185 = arith.constant 0 : index
        %get3A_186 = tpu.vector_load %arg7[%get3A_184, %get3A_185] {strides = array<i32>} : memref<112x128xf32, #tpu.memory_space<vmem>>, vector<1x16xf32>,
        %get3A_187 = vector.shape_cast %get3A_186 : vector<1x16xf32> to vector<16xf32>
        %add3A_188 = arith.addf %add3A_179, %get3A_187 : vector<16xf32>
        %mul3A_189 = arith.constant 7 : i32
        %mul3A_190 = arith.muli %scan3A_147, %mul3A_189 : i32
        %add3A_191 = arith.constant 5 : i32
        %add3A_192 = arith.addi %mul3A_190, %add3A_191 : i32
        %get3A_193 = arith.index_cast %add3A_192 : i32 to index
        %get3A_194 = arith.constant 0 : index
        %get3A_195 = tpu.vector_load %arg7[%get3A_193, %get3A_194] {strides = array<i32>} : memref<112x128xf32, #tpu.memory_space<vmem>>, vector<1x16xf32>,
        %get3A_196 = vector.shape_cast %get3A_195 : vector<1x16xf32> to vector<16xf32>
        %add3A_197 = arith.addf %add3A_188, %get3A_196 : vector<16xf32>
        %mul3A_198 = arith.constant 7 : i32
        %mul3A_199 = arith.muli %scan3A_147, %mul3A_198 : i32
        %add3A_200 = arith.constant 6 : i32
        %add3A_201 = arith.addi %mul3A_199, %add3A_200 : i32
        %get3A_202 = arith.index_cast %add3A_201 : i32 to index
        %get3A_203 = arith.constant 0 : index
        %get3A_204 = tpu.vector_load %arg7[%get3A_202, %get3A_203] {strides = array<i32>} : memref<112x128xf32, #tpu.memory_space<vmem>>, vector<1x16xf32>,
        %get3A_205 = vector.shape_cast %get3A_204 : vector<1x16xf32> to vector<16xf32>
        %add3A_206 = arith.addf %add3A_197, %get3A_205 : vector<16xf32>
        %swap3A = arith.index_cast %scan3A_147 : i32 to index
        %swap3A_207 = arith.constant 0 : index
        %swap3A_208 = tpu.vector_load %arg10[%swap3A, %swap3A_207] {strides = array<i32>} : memref<16x128xf32, #tpu.memory_space<vmem>>, vector<1x16xf32>,
        %swap3A_209 = vector.shape_cast %swap3A_208 : vector<1x16xf32> to vector<16xf32>
        %swap3A_210 = vector.shape_cast %add3A_206 : vector<16xf32> to vector<1x16xf32>
        tpu.vector_store %arg10[%swap3A, %swap3A_207], %swap3A_210 {strides = array<i32>} : memref<16x128xf32, #tpu.memory_space<vmem>>, vector<1x16xf32>,
        %mul3A_211 = arith.constant 7 : i32
        %mul3A_212 = arith.muli %scan3A_147, %mul3A_211 : i32
        %get3A_213 = arith.index_cast %mul3A_212 : i32 to index
        %get3A_214 = arith.constant 16 : index
        %get3A_215 = tpu.vector_load %arg7[%get3A_213, %get3A_214] {strides = array<i32>} : memref<112x128xf32, #tpu.memory_space<vmem>>, vector<1x16xf32>,
        %get3A_216 = vector.shape_cast %get3A_215 : vector<1x16xf32> to vector<16xf32>
        %mul3A_217 = arith.constant 7 : i32
        %mul3A_218 = arith.muli %scan3A_147, %mul3A_217 : i32
        %add3A_219 = arith.constant 1 : i32
        %add3A_220 = arith.addi %mul3A_218, %add3A_219 : i32
        %get3A_221 = arith.index_cast %add3A_220 : i32 to index
        %get3A_222 = arith.constant 16 : index
        %get3A_223 = tpu.vector_load %arg7[%get3A_221, %get3A_222] {strides = array<i32>} : memref<112x128xf32, #tpu.memory_space<vmem>>, vector<1x16xf32>,
        %get3A_224 = vector.shape_cast %get3A_223 : vector<1x16xf32> to vector<16xf32>
        %add3A_225 = arith.addf %get3A_216, %get3A_224 : vector<16xf32>
        %mul3A_226 = arith.constant 7 : i32
        %mul3A_227 = arith.muli %scan3A_147, %mul3A_226 : i32
        %add3A_228 = arith.constant 2 : i32
        %add3A_229 = arith.addi %mul3A_227, %add3A_228 : i32
        %get3A_230 = arith.index_cast %add3A_229 : i32 to index
        %get3A_231 = arith.constant 16 : index
        %get3A_232 = tpu.vector_load %arg7[%get3A_230, %get3A_231] {strides = array<i32>} : memref<112x128xf32, #tpu.memory_space<vmem>>, vector<1x16xf32>,
        %get3A_233 = vector.shape_cast %get3A_232 : vector<1x16xf32> to vector<16xf32>
        %add3A_234 = arith.addf %add3A_225, %get3A_233 : vector<16xf32>
        %mul3A_235 = arith.constant 7 : i32
        %mul3A_236 = arith.muli %scan3A_147, %mul3A_235 : i32
        %add3A_237 = arith.constant 3 : i32
        %add3A_238 = arith.addi %mul3A_236, %add3A_237 : i32
        %get3A_239 = arith.index_cast %add3A_238 : i32 to index
        %get3A_240 = arith.constant 16 : index
        %get3A_241 = tpu.vector_load %arg7[%get3A_239, %get3A_240] {strides = array<i32>} : memref<112x128xf32, #tpu.memory_space<vmem>>, vector<1x16xf32>,
        %get3A_242 = vector.shape_cast %get3A_241 : vector<1x16xf32> to vector<16xf32>
        %add3A_243 = arith.addf %add3A_234, %get3A_242 : vector<16xf32>
        %mul3A_244 = arith.constant 7 : i32
        %mul3A_245 = arith.muli %scan3A_147, %mul3A_244 : i32
        %add3A_246 = arith.constant 4 : i32
        %add3A_247 = arith.addi %mul3A_245, %add3A_246 : i32
        %get3A_248 = arith.index_cast %add3A_247 : i32 to index
        %get3A_249 = arith.constant 16 : index
        %get3A_250 = tpu.vector_load %arg7[%get3A_248, %get3A_249] {strides = array<i32>} : memref<112x128xf32, #tpu.memory_space<vmem>>, vector<1x16xf32>,
        %get3A_251 = vector.shape_cast %get3A_250 : vector<1x16xf32> to vector<16xf32>
        %add3A_252 = arith.addf %add3A_243, %get3A_251 : vector<16xf32>
        %mul3A_253 = arith.constant 7 : i32
        %mul3A_254 = arith.muli %scan3A_147, %mul3A_253 : i32
        %add3A_255 = arith.constant 5 : i32
        %add3A_256 = arith.addi %mul3A_254, %add3A_255 : i32
        %get3A_257 = arith.index_cast %add3A_256 : i32 to index
        %get3A_258 = arith.constant 16 : index
        %get3A_259 = tpu.vector_load %arg7[%get3A_257, %get3A_258] {strides = array<i32>} : memref<112x128xf32, #tpu.memory_space<vmem>>, vector<1x16xf32>,
        %get3A_260 = vector.shape_cast %get3A_259 : vector<1x16xf32> to vector<16xf32>
        %add3A_261 = arith.addf %add3A_252, %get3A_260 : vector<16xf32>
        %mul3A_262 = arith.constant 7 : i32
        %mul3A_263 = arith.muli %scan3A_147, %mul3A_262 : i32
        %add3A_264 = arith.constant 6 : i32
        %add3A_265 = arith.addi %mul3A_263, %add3A_264 : i32
        %get3A_266 = arith.index_cast %add3A_265 : i32 to index
        %get3A_267 = arith.constant 16 : index
        %get3A_268 = tpu.vector_load %arg7[%get3A_266, %get3A_267] {strides = array<i32>} : memref<112x128xf32, #tpu.memory_space<vmem>>, vector<1x16xf32>,
        %get3A_269 = vector.shape_cast %get3A_268 : vector<1x16xf32> to vector<16xf32>
        %add3A_270 = arith.addf %add3A_261, %get3A_269 : vector<16xf32>
        %swap3A_271 = arith.index_cast %scan3A_147 : i32 to index
        %swap3A_272 = arith.constant 16 : index
        %swap3A_273 = tpu.vector_load %arg10[%swap3A_271, %swap3A_272] {strides = array<i32>} : memref<16x128xf32, #tpu.memory_space<vmem>>, vector<1x16xf32>,
        %swap3A_274 = vector.shape_cast %swap3A_273 : vector<1x16xf32> to vector<16xf32>
        %swap3A_275 = vector.shape_cast %add3A_270 : vector<16xf32> to vector<1x16xf32>
        tpu.vector_store %arg10[%swap3A_271, %swap3A_272], %swap3A_275 {strides = array<i32>} : memref<16x128xf32, #tpu.memory_space<vmem>>, vector<1x16xf32>,
        %mul3A_276 = arith.constant 7 : i32
        %mul3A_277 = arith.muli %scan3A_147, %mul3A_276 : i32
        %get3A_278 = arith.index_cast %mul3A_277 : i32 to index
        %get3A_279 = arith.constant 32 : index
        %get3A_280 = tpu.vector_load %arg7[%get3A_278, %get3A_279] {strides = array<i32>} : memref<112x128xf32, #tpu.memory_space<vmem>>, vector<1x16xf32>,
        %get3A_281 = vector.shape_cast %get3A_280 : vector<1x16xf32> to vector<16xf32>
        %mul3A_282 = arith.constant 7 : i32
        %mul3A_283 = arith.muli %scan3A_147, %mul3A_282 : i32
        %add3A_284 = arith.constant 1 : i32
        %add3A_285 = arith.addi %mul3A_283, %add3A_284 : i32
        %get3A_286 = arith.index_cast %add3A_285 : i32 to index
        %get3A_287 = arith.constant 32 : index
        %get3A_288 = tpu.vector_load %arg7[%get3A_286, %get3A_287] {strides = array<i32>} : memref<112x128xf32, #tpu.memory_space<vmem>>, vector<1x16xf32>,
        %get3A_289 = vector.shape_cast %get3A_288 : vector<1x16xf32> to vector<16xf32>
        %add3A_290 = arith.addf %get3A_281, %get3A_289 : vector<16xf32>
        %mul3A_291 = arith.constant 7 : i32
        %mul3A_292 = arith.muli %scan3A_147, %mul3A_291 : i32
        %add3A_293 = arith.constant 2 : i32
        %add3A_294 = arith.addi %mul3A_292, %add3A_293 : i32
        %get3A_295 = arith.index_cast %add3A_294 : i32 to index
        %get3A_296 = arith.constant 32 : index
        %get3A_297 = tpu.vector_load %arg7[%get3A_295, %get3A_296] {strides = array<i32>} : memref<112x128xf32, #tpu.memory_space<vmem>>, vector<1x16xf32>,
        %get3A_298 = vector.shape_cast %get3A_297 : vector<1x16xf32> to vector<16xf32>
        %add3A_299 = arith.addf %add3A_290, %get3A_298 : vector<16xf32>
        %mul3A_300 = arith.constant 7 : i32
        %mul3A_301 = arith.muli %scan3A_147, %mul3A_300 : i32
        %add3A_302 = arith.constant 3 : i32
        %add3A_303 = arith.addi %mul3A_301, %add3A_302 : i32
        %get3A_304 = arith.index_cast %add3A_303 : i32 to index
        %get3A_305 = arith.constant 32 : index
        %get3A_306 = tpu.vector_load %arg7[%get3A_304, %get3A_305] {strides = array<i32>} : memref<112x128xf32, #tpu.memory_space<vmem>>, vector<1x16xf32>,
        %get3A_307 = vector.shape_cast %get3A_306 : vector<1x16xf32> to vector<16xf32>
        %add3A_308 = arith.addf %add3A_299, %get3A_307 : vector<16xf32>
        %mul3A_309 = arith.constant 7 : i32
        %mul3A_310 = arith.muli %scan3A_147, %mul3A_309 : i32
        %add3A_311 = arith.constant 4 : i32
        %add3A_312 = arith.addi %mul3A_310, %add3A_311 : i32
        %get3A_313 = arith.index_cast %add3A_312 : i32 to index
        %get3A_314 = arith.constant 32 : index
        %get3A_315 = tpu.vector_load %arg7[%get3A_313, %get3A_314] {strides = array<i32>} : memref<112x128xf32, #tpu.memory_space<vmem>>, vector<1x16xf32>,
        %get3A_316 = vector.shape_cast %get3A_315 : vector<1x16xf32> to vector<16xf32>
        %add3A_317 = arith.addf %add3A_308, %get3A_316 : vector<16xf32>
        %mul3A_318 = arith.constant 7 : i32
        %mul3A_319 = arith.muli %scan3A_147, %mul3A_318 : i32
        %add3A_320 = arith.constant 5 : i32
        %add3A_321 = arith.addi %mul3A_319, %add3A_320 : i32
        %get3A_322 = arith.index_cast %add3A_321 : i32 to index
        %get3A_323 = arith.constant 32 : index
        %get3A_324 = tpu.vector_load %arg7[%get3A_322, %get3A_323] {strides = array<i32>} : memref<112x128xf32, #tpu.memory_space<vmem>>, vector<1x16xf32>,
        %get3A_325 = vector.shape_cast %get3A_324 : vector<1x16xf32> to vector<16xf32>
        %add3A_326 = arith.addf %add3A_317, %get3A_325 : vector<16xf32>
        %mul3A_327 = arith.constant 7 : i32
        %mul3A_328 = arith.muli %scan3A_147, %mul3A_327 : i32
        %add3A_329 = arith.constant 6 : i32
        %add3A_330 = arith.addi %mul3A_328, %add3A_329 : i32
        %get3A_331 = arith.index_cast %add3A_330 : i32 to index
        %get3A_332 = arith.constant 32 : index
        %get3A_333 = tpu.vector_load %arg7[%get3A_331, %get3A_332] {strides = array<i32>} : memref<112x128xf32, #tpu.memory_space<vmem>>, vector<1x16xf32>,
        %get3A_334 = vector.shape_cast %get3A_333 : vector<1x16xf32> to vector<16xf32>
        %add3A_335 = arith.addf %add3A_326, %get3A_334 : vector<16xf32>
        %swap3A_336 = arith.index_cast %scan3A_147 : i32 to index
        %swap3A_337 = arith.constant 32 : index
        %swap3A_338 = tpu.vector_load %arg10[%swap3A_336, %swap3A_337] {strides = array<i32>} : memref<16x128xf32, #tpu.memory_space<vmem>>, vector<1x16xf32>,
        %swap3A_339 = vector.shape_cast %swap3A_338 : vector<1x16xf32> to vector<16xf32>
        %swap3A_340 = vector.shape_cast %add3A_335 : vector<16xf32> to vector<1x16xf32>
        tpu.vector_store %arg10[%swap3A_336, %swap3A_337], %swap3A_340 {strides = array<i32>} : memref<16x128xf32, #tpu.memory_space<vmem>>, vector<1x16xf32>,
        %mul3A_341 = arith.constant 7 : i32
        %mul3A_342 = arith.muli %scan3A_147, %mul3A_341 : i32
        %get3A_343 = arith.index_cast %mul3A_342 : i32 to index
        %get3A_344 = arith.constant 48 : index
        %get3A_345 = tpu.vector_load %arg7[%get3A_343, %get3A_344] {strides = array<i32>} : memref<112x128xf32, #tpu.memory_space<vmem>>, vector<1x16xf32>,
        %get3A_346 = vector.shape_cast %get3A_345 : vector<1x16xf32> to vector<16xf32>
        %mul3A_347 = arith.constant 7 : i32
        %mul3A_348 = arith.muli %scan3A_147, %mul3A_347 : i32
        %add3A_349 = arith.constant 1 : i32
        %add3A_350 = arith.addi %mul3A_348, %add3A_349 : i32
        %get3A_351 = arith.index_cast %add3A_350 : i32 to index
        %get3A_352 = arith.constant 48 : index
        %get3A_353 = tpu.vector_load %arg7[%get3A_351, %get3A_352] {strides = array<i32>} : memref<112x128xf32, #tpu.memory_space<vmem>>, vector<1x16xf32>,
        %get3A_354 = vector.shape_cast %get3A_353 : vector<1x16xf32> to vector<16xf32>
        %add3A_355 = arith.addf %get3A_346, %get3A_354 : vector<16xf32>
        %mul3A_356 = arith.constant 7 : i32
        %mul3A_357 = arith.muli %scan3A_147, %mul3A_356 : i32
        %add3A_358 = arith.constant 2 : i32
        %add3A_359 = arith.addi %mul3A_357, %add3A_358 : i32
        %get3A_360 = arith.index_cast %add3A_359 : i32 to index
        %get3A_361 = arith.constant 48 : index
        %get3A_362 = tpu.vector_load %arg7[%get3A_360, %get3A_361] {strides = array<i32>} : memref<112x128xf32, #tpu.memory_space<vmem>>, vector<1x16xf32>,
        %get3A_363 = vector.shape_cast %get3A_362 : vector<1x16xf32> to vector<16xf32>
        %add3A_364 = arith.addf %add3A_355, %get3A_363 : vector<16xf32>
        %mul3A_365 = arith.constant 7 : i32
        %mul3A_366 = arith.muli %scan3A_147, %mul3A_365 : i32
        %add3A_367 = arith.constant 3 : i32
        %add3A_368 = arith.addi %mul3A_366, %add3A_367 : i32
        %get3A_369 = arith.index_cast %add3A_368 : i32 to index
        %get3A_370 = arith.constant 48 : index
        %get3A_371 = tpu.vector_load %arg7[%get3A_369, %get3A_370] {strides = array<i32>} : memref<112x128xf32, #tpu.memory_space<vmem>>, vector<1x16xf32>,
        %get3A_372 = vector.shape_cast %get3A_371 : vector<1x16xf32> to vector<16xf32>
        %add3A_373 = arith.addf %add3A_364, %get3A_372 : vector<16xf32>
        %mul3A_374 = arith.constant 7 : i32
        %mul3A_375 = arith.muli %scan3A_147, %mul3A_374 : i32
        %add3A_376 = arith.constant 4 : i32
        %add3A_377 = arith.addi %mul3A_375, %add3A_376 : i32
        %get3A_378 = arith.index_cast %add3A_377 : i32 to index
        %get3A_379 = arith.constant 48 : index
        %get3A_380 = tpu.vector_load %arg7[%get3A_378, %get3A_379] {strides = array<i32>} : memref<112x128xf32, #tpu.memory_space<vmem>>, vector<1x16xf32>,
        %get3A_381 = vector.shape_cast %get3A_380 : vector<1x16xf32> to vector<16xf32>
        %add3A_382 = arith.addf %add3A_373, %get3A_381 : vector<16xf32>
        %mul3A_383 = arith.constant 7 : i32
        %mul3A_384 = arith.muli %scan3A_147, %mul3A_383 : i32
        %add3A_385 = arith.constant 5 : i32
        %add3A_386 = arith.addi %mul3A_384, %add3A_385 : i32
        %get3A_387 = arith.index_cast %add3A_386 : i32 to index
        %get3A_388 = arith.constant 48 : index
        %get3A_389 = tpu.vector_load %arg7[%get3A_387, %get3A_388] {strides = array<i32>} : memref<112x128xf32, #tpu.memory_space<vmem>>, vector<1x16xf32>,
        %get3A_390 = vector.shape_cast %get3A_389 : vector<1x16xf32> to vector<16xf32>
        %add3A_391 = arith.addf %add3A_382, %get3A_390 : vector<16xf32>
        %mul3A_392 = arith.constant 7 : i32
        %mul3A_393 = arith.muli %scan3A_147, %mul3A_392 : i32
        %add3A_394 = arith.constant 6 : i32
        %add3A_395 = arith.addi %mul3A_393, %add3A_394 : i32
        %get3A_396 = arith.index_cast %add3A_395 : i32 to index
        %get3A_397 = arith.constant 48 : index
        %get3A_398 = tpu.vector_load %arg7[%get3A_396, %get3A_397] {strides = array<i32>} : memref<112x128xf32, #tpu.memory_space<vmem>>, vector<1x16xf32>,
        %get3A_399 = vector.shape_cast %get3A_398 : vector<1x16xf32> to vector<16xf32>
        %add3A_400 = arith.addf %add3A_391, %get3A_399 : vector<16xf32>
        %swap3A_401 = arith.index_cast %scan3A_147 : i32 to index
        %swap3A_402 = arith.constant 48 : index
        %swap3A_403 = tpu.vector_load %arg10[%swap3A_401, %swap3A_402] {strides = array<i32>} : memref<16x128xf32, #tpu.memory_space<vmem>>, vector<1x16xf32>,
        %swap3A_404 = vector.shape_cast %swap3A_403 : vector<1x16xf32> to vector<16xf32>
        %swap3A_405 = vector.shape_cast %add3A_400 : vector<16xf32> to vector<1x16xf32>
        tpu.vector_store %arg10[%swap3A_401, %swap3A_402], %swap3A_405 {strides = array<i32>} : memref<16x128xf32, #tpu.memory_space<vmem>>, vector<1x16xf32>,
        %mul3A_406 = arith.constant 7 : i32
        %mul3A_407 = arith.muli %scan3A_147, %mul3A_406 : i32
        %get3A_408 = arith.index_cast %mul3A_407 : i32 to index
        %get3A_409 = arith.constant 64 : index
        %get3A_410 = tpu.vector_load %arg7[%get3A_408, %get3A_409] {strides = array<i32>} : memref<112x128xf32, #tpu.memory_space<vmem>>, vector<1x16xf32>,
        %get3A_411 = vector.shape_cast %get3A_410 : vector<1x16xf32> to vector<16xf32>
        %mul3A_412 = arith.constant 7 : i32
        %mul3A_413 = arith.muli %scan3A_147, %mul3A_412 : i32
        %add3A_414 = arith.constant 1 : i32
        %add3A_415 = arith.addi %mul3A_413, %add3A_414 : i32
        %get3A_416 = arith.index_cast %add3A_415 : i32 to index
        %get3A_417 = arith.constant 64 : index
        %get3A_418 = tpu.vector_load %arg7[%get3A_416, %get3A_417] {strides = array<i32>} : memref<112x128xf32, #tpu.memory_space<vmem>>, vector<1x16xf32>,
        %get3A_419 = vector.shape_cast %get3A_418 : vector<1x16xf32> to vector<16xf32>
        %add3A_420 = arith.addf %get3A_411, %get3A_419 : vector<16xf32>
        %mul3A_421 = arith.constant 7 : i32
        %mul3A_422 = arith.muli %scan3A_147, %mul3A_421 : i32
        %add3A_423 = arith.constant 2 : i32
        %add3A_424 = arith.addi %mul3A_422, %add3A_423 : i32
        %get3A_425 = arith.index_cast %add3A_424 : i32 to index
        %get3A_426 = arith.constant 64 : index
        %get3A_427 = tpu.vector_load %arg7[%get3A_425, %get3A_426] {strides = array<i32>} : memref<112x128xf32, #tpu.memory_space<vmem>>, vector<1x16xf32>,
        %get3A_428 = vector.shape_cast %get3A_427 : vector<1x16xf32> to vector<16xf32>
        %add3A_429 = arith.addf %add3A_420, %get3A_428 : vector<16xf32>
        %mul3A_430 = arith.constant 7 : i32
        %mul3A_431 = arith.muli %scan3A_147, %mul3A_430 : i32
        %add3A_432 = arith.constant 3 : i32
        %add3A_433 = arith.addi %mul3A_431, %add3A_432 : i32
        %get3A_434 = arith.index_cast %add3A_433 : i32 to index
        %get3A_435 = arith.constant 64 : index
        %get3A_436 = tpu.vector_load %arg7[%get3A_434, %get3A_435] {strides = array<i32>} : memref<112x128xf32, #tpu.memory_space<vmem>>, vector<1x16xf32>,
        %get3A_437 = vector.shape_cast %get3A_436 : vector<1x16xf32> to vector<16xf32>
        %add3A_438 = arith.addf %add3A_429, %get3A_437 : vector<16xf32>
        %mul3A_439 = arith.constant 7 : i32
        %mul3A_440 = arith.muli %scan3A_147, %mul3A_439 : i32
        %add3A_441 = arith.constant 4 : i32
        %add3A_442 = arith.addi %mul3A_440, %add3A_441 : i32
        %get3A_443 = arith.index_cast %add3A_442 : i32 to index
        %get3A_444 = arith.constant 64 : index
        %get3A_445 = tpu.vector_load %arg7[%get3A_443, %get3A_444] {strides = array<i32>} : memref<112x128xf32, #tpu.memory_space<vmem>>, vector<1x16xf32>,
        %get3A_446 = vector.shape_cast %get3A_445 : vector<1x16xf32> to vector<16xf32>
        %add3A_447 = arith.addf %add3A_438, %get3A_446 : vector<16xf32>
        %mul3A_448 = arith.constant 7 : i32
        %mul3A_449 = arith.muli %scan3A_147, %mul3A_448 : i32
        %add3A_450 = arith.constant 5 : i32
        %add3A_451 = arith.addi %mul3A_449, %add3A_450 : i32
        %get3A_452 = arith.index_cast %add3A_451 : i32 to index
        %get3A_453 = arith.constant 64 : index
        %get3A_454 = tpu.vector_load %arg7[%get3A_452, %get3A_453] {strides = array<i32>} : memref<112x128xf32, #tpu.memory_space<vmem>>, vector<1x16xf32>,
        %get3A_455 = vector.shape_cast %get3A_454 : vector<1x16xf32> to vector<16xf32>
        %add3A_456 = arith.addf %add3A_447, %get3A_455 : vector<16xf32>
        %mul3A_457 = arith.constant 7 : i32
        %mul3A_458 = arith.muli %scan3A_147, %mul3A_457 : i32
        %add3A_459 = arith.constant 6 : i32
        %add3A_460 = arith.addi %mul3A_458, %add3A_459 : i32
        %get3A_461 = arith.index_cast %add3A_460 : i32 to index
        %get3A_462 = arith.constant 64 : index
        %get3A_463 = tpu.vector_load %arg7[%get3A_461, %get3A_462] {strides = array<i32>} : memref<112x128xf32, #tpu.memory_space<vmem>>, vector<1x16xf32>,
        %get3A_464 = vector.shape_cast %get3A_463 : vector<1x16xf32> to vector<16xf32>
        %add3A_465 = arith.addf %add3A_456, %get3A_464 : vector<16xf32>
        %swap3A_466 = arith.index_cast %scan3A_147 : i32 to index
        %swap3A_467 = arith.constant 64 : index
        %swap3A_468 = tpu.vector_load %arg10[%swap3A_466, %swap3A_467] {strides = array<i32>} : memref<16x128xf32, #tpu.memory_space<vmem>>, vector<1x16xf32>,
        %swap3A_469 = vector.shape_cast %swap3A_468 : vector<1x16xf32> to vector<16xf32>
        %swap3A_470 = vector.shape_cast %add3A_465 : vector<16xf32> to vector<1x16xf32>
        tpu.vector_store %arg10[%swap3A_466, %swap3A_467], %swap3A_470 {strides = array<i32>} : memref<16x128xf32, #tpu.memory_space<vmem>>, vector<1x16xf32>,
        %mul3A_471 = arith.constant 7 : i32
        %mul3A_472 = arith.muli %scan3A_147, %mul3A_471 : i32
        %get3A_473 = arith.index_cast %mul3A_472 : i32 to index
        %get3A_474 = arith.constant 80 : index
        %get3A_475 = tpu.vector_load %arg7[%get3A_473, %get3A_474] {strides = array<i32>} : memref<112x128xf32, #tpu.memory_space<vmem>>, vector<1x16xf32>,
        %get3A_476 = vector.shape_cast %get3A_475 : vector<1x16xf32> to vector<16xf32>
        %mul3A_477 = arith.constant 7 : i32
        %mul3A_478 = arith.muli %scan3A_147, %mul3A_477 : i32
        %add3A_479 = arith.constant 1 : i32
        %add3A_480 = arith.addi %mul3A_478, %add3A_479 : i32
        %get3A_481 = arith.index_cast %add3A_480 : i32 to index
        %get3A_482 = arith.constant 80 : index
        %get3A_483 = tpu.vector_load %arg7[%get3A_481, %get3A_482] {strides = array<i32>} : memref<112x128xf32, #tpu.memory_space<vmem>>, vector<1x16xf32>,
        %get3A_484 = vector.shape_cast %get3A_483 : vector<1x16xf32> to vector<16xf32>
        %add3A_485 = arith.addf %get3A_476, %get3A_484 : vector<16xf32>
        %mul3A_486 = arith.constant 7 : i32
        %mul3A_487 = arith.muli %scan3A_147, %mul3A_486 : i32
        %add3A_488 = arith.constant 2 : i32
        %add3A_489 = arith.addi %mul3A_487, %add3A_488 : i32
        %get3A_490 = arith.index_cast %add3A_489 : i32 to index
        %get3A_491 = arith.constant 80 : index
        %get3A_492 = tpu.vector_load %arg7[%get3A_490, %get3A_491] {strides = array<i32>} : memref<112x128xf32, #tpu.memory_space<vmem>>, vector<1x16xf32>,
        %get3A_493 = vector.shape_cast %get3A_492 : vector<1x16xf32> to vector<16xf32>
        %add3A_494 = arith.addf %add3A_485, %get3A_493 : vector<16xf32>
        %mul3A_495 = arith.constant 7 : i32
        %mul3A_496 = arith.muli %scan3A_147, %mul3A_495 : i32
        %add3A_497 = arith.constant 3 : i32
        %add3A_498 = arith.addi %mul3A_496, %add3A_497 : i32
        %get3A_499 = arith.index_cast %add3A_498 : i32 to index
        %get3A_500 = arith.constant 80 : index
        %get3A_501 = tpu.vector_load %arg7[%get3A_499, %get3A_500] {strides = array<i32>} : memref<112x128xf32, #tpu.memory_space<vmem>>, vector<1x16xf32>,
        %get3A_502 = vector.shape_cast %get3A_501 : vector<1x16xf32> to vector<16xf32>
        %add3A_503 = arith.addf %add3A_494, %get3A_502 : vector<16xf32>
        %mul3A_504 = arith.constant 7 : i32
        %mul3A_505 = arith.muli %scan3A_147, %mul3A_504 : i32
        %add3A_506 = arith.constant 4 : i32
        %add3A_507 = arith.addi %mul3A_505, %add3A_506 : i32
        %get3A_508 = arith.index_cast %add3A_507 : i32 to index
        %get3A_509 = arith.constant 80 : index
        %get3A_510 = tpu.vector_load %arg7[%get3A_508, %get3A_509] {strides = array<i32>} : memref<112x128xf32, #tpu.memory_space<vmem>>, vector<1x16xf32>,
        %get3A_511 = vector.shape_cast %get3A_510 : vector<1x16xf32> to vector<16xf32>
        %add3A_512 = arith.addf %add3A_503, %get3A_511 : vector<16xf32>
        %mul3A_513 = arith.constant 7 : i32
        %mul3A_514 = arith.muli %scan3A_147, %mul3A_513 : i32
        %add3A_515 = arith.constant 5 : i32
        %add3A_516 = arith.addi %mul3A_514, %add3A_515 : i32
        %get3A_517 = arith.index_cast %add3A_516 : i32 to index
        %get3A_518 = arith.constant 80 : index
        %get3A_519 = tpu.vector_load %arg7[%get3A_517, %get3A_518] {strides = array<i32>} : memref<112x128xf32, #tpu.memory_space<vmem>>, vector<1x16xf32>,
        %get3A_520 = vector.shape_cast %get3A_519 : vector<1x16xf32> to vector<16xf32>
        %add3A_521 = arith.addf %add3A_512, %get3A_520 : vector<16xf32>
        %mul3A_522 = arith.constant 7 : i32
        %mul3A_523 = arith.muli %scan3A_147, %mul3A_522 : i32
        %add3A_524 = arith.constant 6 : i32
        %add3A_525 = arith.addi %mul3A_523, %add3A_524 : i32
        %get3A_526 = arith.index_cast %add3A_525 : i32 to index
        %get3A_527 = arith.constant 80 : index
        %get3A_528 = tpu.vector_load %arg7[%get3A_526, %get3A_527] {strides = array<i32>} : memref<112x128xf32, #tpu.memory_space<vmem>>, vector<1x16xf32>,
        %get3A_529 = vector.shape_cast %get3A_528 : vector<1x16xf32> to vector<16xf32>
        %add3A_530 = arith.addf %add3A_521, %get3A_529 : vector<16xf32>
        %swap3A_531 = arith.index_cast %scan3A_147 : i32 to index
        %swap3A_532 = arith.constant 80 : index
        %swap3A_533 = tpu.vector_load %arg10[%swap3A_531, %swap3A_532] {strides = array<i32>} : memref<16x128xf32, #tpu.memory_space<vmem>>, vector<1x16xf32>,
        %swap3A_534 = vector.shape_cast %swap3A_533 : vector<1x16xf32> to vector<16xf32>
        %swap3A_535 = vector.shape_cast %add3A_530 : vector<16xf32> to vector<1x16xf32>
        tpu.vector_store %arg10[%swap3A_531, %swap3A_532], %swap3A_535 {strides = array<i32>} : memref<16x128xf32, #tpu.memory_space<vmem>>, vector<1x16xf32>,
        %mul3A_536 = arith.constant 7 : i32
        %mul3A_537 = arith.muli %scan3A_147, %mul3A_536 : i32
        %get3A_538 = arith.index_cast %mul3A_537 : i32 to index
        %get3A_539 = arith.constant 96 : index
        %get3A_540 = tpu.vector_load %arg7[%get3A_538, %get3A_539] {strides = array<i32>} : memref<112x128xf32, #tpu.memory_space<vmem>>, vector<1x16xf32>,
        %get3A_541 = vector.shape_cast %get3A_540 : vector<1x16xf32> to vector<16xf32>
        %mul3A_542 = arith.constant 7 : i32
        %mul3A_543 = arith.muli %scan3A_147, %mul3A_542 : i32
        %add3A_544 = arith.constant 1 : i32
        %add3A_545 = arith.addi %mul3A_543, %add3A_544 : i32
        %get3A_546 = arith.index_cast %add3A_545 : i32 to index
        %get3A_547 = arith.constant 96 : index
        %get3A_548 = tpu.vector_load %arg7[%get3A_546, %get3A_547] {strides = array<i32>} : memref<112x128xf32, #tpu.memory_space<vmem>>, vector<1x16xf32>,
        %get3A_549 = vector.shape_cast %get3A_548 : vector<1x16xf32> to vector<16xf32>
        %add3A_550 = arith.addf %get3A_541, %get3A_549 : vector<16xf32>
        %mul3A_551 = arith.constant 7 : i32
        %mul3A_552 = arith.muli %scan3A_147, %mul3A_551 : i32
        %add3A_553 = arith.constant 2 : i32
        %add3A_554 = arith.addi %mul3A_552, %add3A_553 : i32
        %get3A_555 = arith.index_cast %add3A_554 : i32 to index
        %get3A_556 = arith.constant 96 : index
        %get3A_557 = tpu.vector_load %arg7[%get3A_555, %get3A_556] {strides = array<i32>} : memref<112x128xf32, #tpu.memory_space<vmem>>, vector<1x16xf32>,
        %get3A_558 = vector.shape_cast %get3A_557 : vector<1x16xf32> to vector<16xf32>
        %add3A_559 = arith.addf %add3A_550, %get3A_558 : vector<16xf32>
        %mul3A_560 = arith.constant 7 : i32
        %mul3A_561 = arith.muli %scan3A_147, %mul3A_560 : i32
        %add3A_562 = arith.constant 3 : i32
        %add3A_563 = arith.addi %mul3A_561, %add3A_562 : i32
        %get3A_564 = arith.index_cast %add3A_563 : i32 to index
        %get3A_565 = arith.constant 96 : index
        %get3A_566 = tpu.vector_load %arg7[%get3A_564, %get3A_565] {strides = array<i32>} : memref<112x128xf32, #tpu.memory_space<vmem>>, vector<1x16xf32>,
        %get3A_567 = vector.shape_cast %get3A_566 : vector<1x16xf32> to vector<16xf32>
        %add3A_568 = arith.addf %add3A_559, %get3A_567 : vector<16xf32>
        %mul3A_569 = arith.constant 7 : i32
        %mul3A_570 = arith.muli %scan3A_147, %mul3A_569 : i32
        %add3A_571 = arith.constant 4 : i32
        %add3A_572 = arith.addi %mul3A_570, %add3A_571 : i32
        %get3A_573 = arith.index_cast %add3A_572 : i32 to index
        %get3A_574 = arith.constant 96 : index
        %get3A_575 = tpu.vector_load %arg7[%get3A_573, %get3A_574] {strides = array<i32>} : memref<112x128xf32, #tpu.memory_space<vmem>>, vector<1x16xf32>,
        %get3A_576 = vector.shape_cast %get3A_575 : vector<1x16xf32> to vector<16xf32>
        %add3A_577 = arith.addf %add3A_568, %get3A_576 : vector<16xf32>
        %mul3A_578 = arith.constant 7 : i32
        %mul3A_579 = arith.muli %scan3A_147, %mul3A_578 : i32
        %add3A_580 = arith.constant 5 : i32
        %add3A_581 = arith.addi %mul3A_579, %add3A_580 : i32
        %get3A_582 = arith.index_cast %add3A_581 : i32 to index
        %get3A_583 = arith.constant 96 : index
        %get3A_584 = tpu.vector_load %arg7[%get3A_582, %get3A_583] {strides = array<i32>} : memref<112x128xf32, #tpu.memory_space<vmem>>, vector<1x16xf32>,
        %get3A_585 = vector.shape_cast %get3A_584 : vector<1x16xf32> to vector<16xf32>
        %add3A_586 = arith.addf %add3A_577, %get3A_585 : vector<16xf32>
        %mul3A_587 = arith.constant 7 : i32
        %mul3A_588 = arith.muli %scan3A_147, %mul3A_587 : i32
        %add3A_589 = arith.constant 6 : i32
        %add3A_590 = arith.addi %mul3A_588, %add3A_589 : i32
        %get3A_591 = arith.index_cast %add3A_590 : i32 to index
        %get3A_592 = arith.constant 96 : index
        %get3A_593 = tpu.vector_load %arg7[%get3A_591, %get3A_592] {strides = array<i32>} : memref<112x128xf32, #tpu.memory_space<vmem>>, vector<1x16xf32>,
        %get3A_594 = vector.shape_cast %get3A_593 : vector<1x16xf32> to vector<16xf32>
        %add3A_595 = arith.addf %add3A_586, %get3A_594 : vector<16xf32>
        %swap3A_596 = arith.index_cast %scan3A_147 : i32 to index
        %swap3A_597 = arith.constant 96 : index
        %swap3A_598 = tpu.vector_load %arg10[%swap3A_596, %swap3A_597] {strides = array<i32>} : memref<16x128xf32, #tpu.memory_space<vmem>>, vector<1x16xf32>,
        %swap3A_599 = vector.shape_cast %swap3A_598 : vector<1x16xf32> to vector<16xf32>
        %swap3A_600 = vector.shape_cast %add3A_595 : vector<16xf32> to vector<1x16xf32>
        tpu.vector_store %arg10[%swap3A_596, %swap3A_597], %swap3A_600 {strides = array<i32>} : memref<16x128xf32, #tpu.memory_space<vmem>>, vector<1x16xf32>,
        %mul3A_601 = arith.constant 7 : i32
        %mul3A_602 = arith.muli %scan3A_147, %mul3A_601 : i32
        %get3A_603 = arith.index_cast %mul3A_602 : i32 to index
        %get3A_604 = arith.constant 112 : index
        %get3A_605 = tpu.vector_load %arg7[%get3A_603, %get3A_604] {strides = array<i32>} : memref<112x128xf32, #tpu.memory_space<vmem>>, vector<1x16xf32>,
        %get3A_606 = vector.shape_cast %get3A_605 : vector<1x16xf32> to vector<16xf32>
        %mul3A_607 = arith.constant 7 : i32
        %mul3A_608 = arith.muli %scan3A_147, %mul3A_607 : i32
        %add3A_609 = arith.constant 1 : i32
        %add3A_610 = arith.addi %mul3A_608, %add3A_609 : i32
        %get3A_611 = arith.index_cast %add3A_610 : i32 to index
        %get3A_612 = arith.constant 112 : index
        %get3A_613 = tpu.vector_load %arg7[%get3A_611, %get3A_612] {strides = array<i32>} : memref<112x128xf32, #tpu.memory_space<vmem>>, vector<1x16xf32>,
        %get3A_614 = vector.shape_cast %get3A_613 : vector<1x16xf32> to vector<16xf32>
        %add3A_615 = arith.addf %get3A_606, %get3A_614 : vector<16xf32>
        %mul3A_616 = arith.constant 7 : i32
        %mul3A_617 = arith.muli %scan3A_147, %mul3A_616 : i32
        %add3A_618 = arith.constant 2 : i32
        %add3A_619 = arith.addi %mul3A_617, %add3A_618 : i32
        %get3A_620 = arith.index_cast %add3A_619 : i32 to index
        %get3A_621 = arith.constant 112 : index
        %get3A_622 = tpu.vector_load %arg7[%get3A_620, %get3A_621] {strides = array<i32>} : memref<112x128xf32, #tpu.memory_space<vmem>>, vector<1x16xf32>,
        %get3A_623 = vector.shape_cast %get3A_622 : vector<1x16xf32> to vector<16xf32>
        %add3A_624 = arith.addf %add3A_615, %get3A_623 : vector<16xf32>
        %mul3A_625 = arith.constant 7 : i32
        %mul3A_626 = arith.muli %scan3A_147, %mul3A_625 : i32
        %add3A_627 = arith.constant 3 : i32
        %add3A_628 = arith.addi %mul3A_626, %add3A_627 : i32
        %get3A_629 = arith.index_cast %add3A_628 : i32 to index
        %get3A_630 = arith.constant 112 : index
        %get3A_631 = tpu.vector_load %arg7[%get3A_629, %get3A_630] {strides = array<i32>} : memref<112x128xf32, #tpu.memory_space<vmem>>, vector<1x16xf32>,
        %get3A_632 = vector.shape_cast %get3A_631 : vector<1x16xf32> to vector<16xf32>
        %add3A_633 = arith.addf %add3A_624, %get3A_632 : vector<16xf32>
        %mul3A_634 = arith.constant 7 : i32
        %mul3A_635 = arith.muli %scan3A_147, %mul3A_634 : i32
        %add3A_636 = arith.constant 4 : i32
        %add3A_637 = arith.addi %mul3A_635, %add3A_636 : i32
        %get3A_638 = arith.index_cast %add3A_637 : i32 to index
        %get3A_639 = arith.constant 112 : index
        %get3A_640 = tpu.vector_load %arg7[%get3A_638, %get3A_639] {strides = array<i32>} : memref<112x128xf32, #tpu.memory_space<vmem>>, vector<1x16xf32>,
        %get3A_641 = vector.shape_cast %get3A_640 : vector<1x16xf32> to vector<16xf32>
        %add3A_642 = arith.addf %add3A_633, %get3A_641 : vector<16xf32>
        %mul3A_643 = arith.constant 7 : i32
        %mul3A_644 = arith.muli %scan3A_147, %mul3A_643 : i32
        %add3A_645 = arith.constant 5 : i32
        %add3A_646 = arith.addi %mul3A_644, %add3A_645 : i32
        %get3A_647 = arith.index_cast %add3A_646 : i32 to index
        %get3A_648 = arith.constant 112 : index
        %get3A_649 = tpu.vector_load %arg7[%get3A_647, %get3A_648] {strides = array<i32>} : memref<112x128xf32, #tpu.memory_space<vmem>>, vector<1x16xf32>,
        %get3A_650 = vector.shape_cast %get3A_649 : vector<1x16xf32> to vector<16xf32>
        %add3A_651 = arith.addf %add3A_642, %get3A_650 : vector<16xf32>
        %mul3A_652 = arith.constant 7 : i32
        %mul3A_653 = arith.muli %scan3A_147, %mul3A_652 : i32
        %add3A_654 = arith.constant 6 : i32
        %add3A_655 = arith.addi %mul3A_653, %add3A_654 : i32
        %get3A_656 = arith.index_cast %add3A_655 : i32 to index
        %get3A_657 = arith.constant 112 : index
        %get3A_658 = tpu.vector_load %arg7[%get3A_656, %get3A_657] {strides = array<i32>} : memref<112x128xf32, #tpu.memory_space<vmem>>, vector<1x16xf32>,
        %get3A_659 = vector.shape_cast %get3A_658 : vector<1x16xf32> to vector<16xf32>
        %add3A_660 = arith.addf %add3A_651, %get3A_659 : vector<16xf32>
        %swap3A_661 = arith.index_cast %scan3A_147 : i32 to index
        %swap3A_662 = arith.constant 112 : index
        %swap3A_663 = tpu.vector_load %arg10[%swap3A_661, %swap3A_662] {strides = array<i32>} : memref<16x128xf32, #tpu.memory_space<vmem>>, vector<1x16xf32>,
        %swap3A_664 = vector.shape_cast %swap3A_663 : vector<1x16xf32> to vector<16xf32>
        %swap3A_665 = vector.shape_cast %add3A_660 : vector<16xf32> to vector<1x16xf32>
        tpu.vector_store %arg10[%swap3A_661, %swap3A_662], %swap3A_665 {strides = array<i32>} : memref<16x128xf32, #tpu.memory_space<vmem>>, vector<1x16xf32>,
      }
      %scan3A_97 = arith.constant 16 : i32
      %mul3A_98 = arith.constant 16 : i32
      %mul3A_99 = arith.muli %add3A_80, %mul3A_98 : i32
      %add3A_100 = arith.addi %mul3A_2, %mul3A_99 : i32
      %dma_start3A_101 = arith.constant 0 : i32
      %dma_start3A_102 = tpu.memref_slice %arg4[%add3A_100, %dma_start3A_101] : memref<41472x128xf32, #tpu.memory_space<hbm>> -> memref<16x128xf32, #tpu.memory_space<hbm>>
      %dma_start3A_103 = arith.constant 0 : i32
      %dma_start3A_104 = tpu.memref_slice %arg4[%add3A_100, %dma_start3A_103] : memref<41472x128xf32, #tpu.memory_space<hbm>> -> memref<16x128xf32, #tpu.memory_space<hbm>>
      tpu.enqueue_dma source(%arg10 : memref<16x128xf32, #tpu.memory_space<vmem>>) target(%dma_start3A_104 : memref<16x128xf32, #tpu.memory_space<hbm>>) target_semaphore(%arg16 : memref<!tpu.dma_semaphore, #tpu.memory_space<semaphore_mem>>)
      %add3A_105 = arith.constant 3 : i32
      %add3A_106 = arith.addi %add3A_80, %add3A_105 : i32
      %lt3A_107 = arith.constant 81 : i32
      %lt3A_108 = arith.cmpi slt, %add3A_106, %lt3A_107 : i32
      %convert_element_type3A_109 = arith.extui %lt3A_108 : i1 to i32
      %cond3A_110 = arith.constant 0 : i32
      %cond3A_111 = arith.cmpi ne, %convert_element_type3A_109, %cond3A_110 : i32
      scf.if %cond3A_111 {
        %add3A_147 = arith.constant 3 : i32
        %add3A_148 = arith.addi %add3A_80, %add3A_147 : i32
        %dma_start3A_149 = arith.constant 0 : i32
        %dma_start3A_150 = tpu.memref_slice %arg5[%add3A_148, %dma_start3A_149] : memref<81x112xi32, #tpu.memory_space<vmem>> -> memref<1x112xi32, #tpu.memory_space<vmem>>
        %dma_start3A_151 = tpu.memref_squeeze %dma_start3A_150 : memref<1x112xi32, #tpu.memory_space<vmem>> -> memref<112xi32, #tpu.memory_space<vmem>>
        %dma_start3A_152 = arith.constant 0 : i32
        %dma_start3A_153 = arith.constant 0 : i32
        %dma_start3A_154 = tpu.memref_slice %arg2[%dma_start3A_152, %dma_start3A_153] : memref<290304x128xf32, #tpu.memory_space<hbm>> -> memref<290304x128xf32, #tpu.memory_space<hbm>>
        tpu.enqueue_indirect_dma source(%dma_start3A_154 : memref<290304x128xf32, #tpu.memory_space<hbm>>) target(%arg7 : memref<112x128xf32, #tpu.memory_space<vmem>>) offsets(%dma_start3A_151 : memref<112xi32, #tpu.memory_space<vmem>>) semaphore(%arg13 : memref<!tpu.dma_semaphore, #tpu.memory_space<semaphore_mem>>)
      } else {
      }
      %mul3A_112 = arith.constant 3 : i32
      %mul3A_113 = arith.muli %scan3A_45, %mul3A_112 : i32
      %add3A_114 = arith.constant 2 : i32
      %add3A_115 = arith.addi %mul3A_113, %add3A_114 : i32
      %dma_wait3A_116 = arith.constant 0 : i32
      %dma_wait3A_117 = tpu.memref_slice %arg5[%add3A_115, %dma_wait3A_116] : memref<81x112xi32, #tpu.memory_space<vmem>> -> memref<1x112xi32, #tpu.memory_space<vmem>>
      %dma_wait3A_118 = tpu.memref_squeeze %dma_wait3A_117 : memref<1x112xi32, #tpu.memory_space<vmem>> -> memref<112xi32, #tpu.memory_space<vmem>>
      %dma_wait3A_119 = arith.constant 0 : i32
      %dma_wait3A_120 = arith.constant 0 : i32
      %dma_wait3A_121 = tpu.memref_slice %arg2[%dma_wait3A_119, %dma_wait3A_120] : memref<290304x128xf32, #tpu.memory_space<hbm>> -> memref<290304x128xf32, #tpu.memory_space<hbm>>
      tpu.wait_indirect_dma semaphore(%arg14 : memref<!tpu.dma_semaphore, #tpu.memory_space<semaphore_mem>>) src(%dma_wait3A_121 : memref<290304x128xf32, #tpu.memory_space<hbm>>) dst(%arg8 : memref<112x128xf32, #tpu.memory_space<vmem>>)
      %gt3A_122 = arith.constant 0 : i32
      %gt3A_123 = arith.cmpi sgt, %scan3A_45, %gt3A_122 : i32
      %convert_element_type3A_124 = arith.extui %gt3A_123 : i1 to i32
      %cond3A_125 = arith.constant 0 : i32
      %cond3A_126 = arith.cmpi ne, %convert_element_type3A_124, %cond3A_125 : i32
      scf.if %cond3A_126 {
        %sub3A = arith.constant 3 : i32
        %sub3A_147 = arith.subi %add3A_115, %sub3A : i32
        %mul3A_148 = arith.constant 16 : i32
        %mul3A_149 = arith.muli %sub3A_147, %mul3A_148 : i32
        %add3A_150 = arith.addi %mul3A_2, %mul3A_149 : i32
        %dma_wait3A_151 = arith.constant 0 : i32
        %dma_wait3A_152 = tpu.memref_slice %arg4[%add3A_150, %dma_wait3A_151] : memref<41472x128xf32, #tpu.memory_space<hbm>> -> memref<16x128xf32, #tpu.memory_space<hbm>>
        %dma_wait3A_153 = arith.constant 0 : i32
        %dma_wait3A_154 = tpu.memref_slice %arg4[%add3A_150, %dma_wait3A_153] : memref<41472x128xf32, #tpu.memory_space<hbm>> -> memref<16x128xf32, #tpu.memory_space<hbm>>
        tpu.wait_dma2 semaphore(%arg17 : memref<!tpu.dma_semaphore, #tpu.memory_space<semaphore_mem>>) src(%arg11 : memref<16x128xf32, #tpu.memory_space<vmem>>) dst(%dma_wait3A_154 : memref<16x128xf32, #tpu.memory_space<hbm>>)
      } else {
      }
      %scan3A_127 = arith.constant 0 : i32
      %scan3A_128 = arith.constant 0 : i32
      %scan3A_129 = arith.constant 16 : i32
      %scan3A_130 = arith.addi %scan3A_128, %scan3A_129 : i32
      %scan3A_131 = arith.constant 1 : i32
      scf.for %scan3A_147 = %scan3A_128 to %scan3A_130 step %scan3A_131  : i32 {
        %mul3A_148 = arith.constant 7 : i32
        %mul3A_149 = arith.muli %scan3A_147, %mul3A_148 : i32
        %get3A = arith.index_cast %mul3A_149 : i32 to index
        %get3A_150 = arith.constant 0 : index
        %get3A_151 = tpu.vector_load %arg8[%get3A, %get3A_150] {strides = array<i32>} : memref<112x128xf32, #tpu.memory_space<vmem>>, vector<1x16xf32>,
        %get3A_152 = vector.shape_cast %get3A_151 : vector<1x16xf32> to vector<16xf32>
        %mul3A_153 = arith.constant 7 : i32
        %mul3A_154 = arith.muli %scan3A_147, %mul3A_153 : i32
        %add3A_155 = arith.constant 1 : i32
        %add3A_156 = arith.addi %mul3A_154, %add3A_155 : i32
        %get3A_157 = arith.index_cast %add3A_156 : i32 to index
        %get3A_158 = arith.constant 0 : index
        %get3A_159 = tpu.vector_load %arg8[%get3A_157, %get3A_158] {strides = array<i32>} : memref<112x128xf32, #tpu.memory_space<vmem>>, vector<1x16xf32>,
        %get3A_160 = vector.shape_cast %get3A_159 : vector<1x16xf32> to vector<16xf32>
        %add3A_161 = arith.addf %get3A_152, %get3A_160 : vector<16xf32>
        %mul3A_162 = arith.constant 7 : i32
        %mul3A_163 = arith.muli %scan3A_147, %mul3A_162 : i32
        %add3A_164 = arith.constant 2 : i32
        %add3A_165 = arith.addi %mul3A_163, %add3A_164 : i32
        %get3A_166 = arith.index_cast %add3A_165 : i32 to index
        %get3A_167 = arith.constant 0 : index
        %get3A_168 = tpu.vector_load %arg8[%get3A_166, %get3A_167] {strides = array<i32>} : memref<112x128xf32, #tpu.memory_space<vmem>>, vector<1x16xf32>,
        %get3A_169 = vector.shape_cast %get3A_168 : vector<1x16xf32> to vector<16xf32>
        %add3A_170 = arith.addf %add3A_161, %get3A_169 : vector<16xf32>
        %mul3A_171 = arith.constant 7 : i32
        %mul3A_172 = arith.muli %scan3A_147, %mul3A_171 : i32
        %add3A_173 = arith.constant 3 : i32
        %add3A_174 = arith.addi %mul3A_172, %add3A_173 : i32
        %get3A_175 = arith.index_cast %add3A_174 : i32 to index
        %get3A_176 = arith.constant 0 : index
        %get3A_177 = tpu.vector_load %arg8[%get3A_175, %get3A_176] {strides = array<i32>} : memref<112x128xf32, #tpu.memory_space<vmem>>, vector<1x16xf32>,
        %get3A_178 = vector.shape_cast %get3A_177 : vector<1x16xf32> to vector<16xf32>
        %add3A_179 = arith.addf %add3A_170, %get3A_178 : vector<16xf32>
        %mul3A_180 = arith.constant 7 : i32
        %mul3A_181 = arith.muli %scan3A_147, %mul3A_180 : i32
        %add3A_182 = arith.constant 4 : i32
        %add3A_183 = arith.addi %mul3A_181, %add3A_182 : i32
        %get3A_184 = arith.index_cast %add3A_183 : i32 to index
        %get3A_185 = arith.constant 0 : index
        %get3A_186 = tpu.vector_load %arg8[%get3A_184, %get3A_185] {strides = array<i32>} : memref<112x128xf32, #tpu.memory_space<vmem>>, vector<1x16xf32>,
        %get3A_187 = vector.shape_cast %get3A_186 : vector<1x16xf32> to vector<16xf32>
        %add3A_188 = arith.addf %add3A_179, %get3A_187 : vector<16xf32>
        %mul3A_189 = arith.constant 7 : i32
        %mul3A_190 = arith.muli %scan3A_147, %mul3A_189 : i32
        %add3A_191 = arith.constant 5 : i32
        %add3A_192 = arith.addi %mul3A_190, %add3A_191 : i32
        %get3A_193 = arith.index_cast %add3A_192 : i32 to index
        %get3A_194 = arith.constant 0 : index
        %get3A_195 = tpu.vector_load %arg8[%get3A_193, %get3A_194] {strides = array<i32>} : memref<112x128xf32, #tpu.memory_space<vmem>>, vector<1x16xf32>,
        %get3A_196 = vector.shape_cast %get3A_195 : vector<1x16xf32> to vector<16xf32>
        %add3A_197 = arith.addf %add3A_188, %get3A_196 : vector<16xf32>
        %mul3A_198 = arith.constant 7 : i32
        %mul3A_199 = arith.muli %scan3A_147, %mul3A_198 : i32
        %add3A_200 = arith.constant 6 : i32
        %add3A_201 = arith.addi %mul3A_199, %add3A_200 : i32
        %get3A_202 = arith.index_cast %add3A_201 : i32 to index
        %get3A_203 = arith.constant 0 : index
        %get3A_204 = tpu.vector_load %arg8[%get3A_202, %get3A_203] {strides = array<i32>} : memref<112x128xf32, #tpu.memory_space<vmem>>, vector<1x16xf32>,
        %get3A_205 = vector.shape_cast %get3A_204 : vector<1x16xf32> to vector<16xf32>
        %add3A_206 = arith.addf %add3A_197, %get3A_205 : vector<16xf32>
        %swap3A = arith.index_cast %scan3A_147 : i32 to index
        %swap3A_207 = arith.constant 0 : index
        %swap3A_208 = tpu.vector_load %arg11[%swap3A, %swap3A_207] {strides = array<i32>} : memref<16x128xf32, #tpu.memory_space<vmem>>, vector<1x16xf32>,
        %swap3A_209 = vector.shape_cast %swap3A_208 : vector<1x16xf32> to vector<16xf32>
        %swap3A_210 = vector.shape_cast %add3A_206 : vector<16xf32> to vector<1x16xf32>
        tpu.vector_store %arg11[%swap3A, %swap3A_207], %swap3A_210 {strides = array<i32>} : memref<16x128xf32, #tpu.memory_space<vmem>>, vector<1x16xf32>,
        %mul3A_211 = arith.constant 7 : i32
        %mul3A_212 = arith.muli %scan3A_147, %mul3A_211 : i32
        %get3A_213 = arith.index_cast %mul3A_212 : i32 to index
        %get3A_214 = arith.constant 16 : index
        %get3A_215 = tpu.vector_load %arg8[%get3A_213, %get3A_214] {strides = array<i32>} : memref<112x128xf32, #tpu.memory_space<vmem>>, vector<1x16xf32>,
        %get3A_216 = vector.shape_cast %get3A_215 : vector<1x16xf32> to vector<16xf32>
        %mul3A_217 = arith.constant 7 : i32
        %mul3A_218 = arith.muli %scan3A_147, %mul3A_217 : i32
        %add3A_219 = arith.constant 1 : i32
        %add3A_220 = arith.addi %mul3A_218, %add3A_219 : i32
        %get3A_221 = arith.index_cast %add3A_220 : i32 to index
        %get3A_222 = arith.constant 16 : index
        %get3A_223 = tpu.vector_load %arg8[%get3A_221, %get3A_222] {strides = array<i32>} : memref<112x128xf32, #tpu.memory_space<vmem>>, vector<1x16xf32>,
        %get3A_224 = vector.shape_cast %get3A_223 : vector<1x16xf32> to vector<16xf32>
        %add3A_225 = arith.addf %get3A_216, %get3A_224 : vector<16xf32>
        %mul3A_226 = arith.constant 7 : i32
        %mul3A_227 = arith.muli %scan3A_147, %mul3A_226 : i32
        %add3A_228 = arith.constant 2 : i32
        %add3A_229 = arith.addi %mul3A_227, %add3A_228 : i32
        %get3A_230 = arith.index_cast %add3A_229 : i32 to index
        %get3A_231 = arith.constant 16 : index
        %get3A_232 = tpu.vector_load %arg8[%get3A_230, %get3A_231] {strides = array<i32>} : memref<112x128xf32, #tpu.memory_space<vmem>>, vector<1x16xf32>,
        %get3A_233 = vector.shape_cast %get3A_232 : vector<1x16xf32> to vector<16xf32>
        %add3A_234 = arith.addf %add3A_225, %get3A_233 : vector<16xf32>
        %mul3A_235 = arith.constant 7 : i32
        %mul3A_236 = arith.muli %scan3A_147, %mul3A_235 : i32
        %add3A_237 = arith.constant 3 : i32
        %add3A_238 = arith.addi %mul3A_236, %add3A_237 : i32
        %get3A_239 = arith.index_cast %add3A_238 : i32 to index
        %get3A_240 = arith.constant 16 : index
        %get3A_241 = tpu.vector_load %arg8[%get3A_239, %get3A_240] {strides = array<i32>} : memref<112x128xf32, #tpu.memory_space<vmem>>, vector<1x16xf32>,
        %get3A_242 = vector.shape_cast %get3A_241 : vector<1x16xf32> to vector<16xf32>
        %add3A_243 = arith.addf %add3A_234, %get3A_242 : vector<16xf32>
        %mul3A_244 = arith.constant 7 : i32
        %mul3A_245 = arith.muli %scan3A_147, %mul3A_244 : i32
        %add3A_246 = arith.constant 4 : i32
        %add3A_247 = arith.addi %mul3A_245, %add3A_246 : i32
        %get3A_248 = arith.index_cast %add3A_247 : i32 to index
        %get3A_249 = arith.constant 16 : index
        %get3A_250 = tpu.vector_load %arg8[%get3A_248, %get3A_249] {strides = array<i32>} : memref<112x128xf32, #tpu.memory_space<vmem>>, vector<1x16xf32>,
        %get3A_251 = vector.shape_cast %get3A_250 : vector<1x16xf32> to vector<16xf32>
        %add3A_252 = arith.addf %add3A_243, %get3A_251 : vector<16xf32>
        %mul3A_253 = arith.constant 7 : i32
        %mul3A_254 = arith.muli %scan3A_147, %mul3A_253 : i32
        %add3A_255 = arith.constant 5 : i32
        %add3A_256 = arith.addi %mul3A_254, %add3A_255 : i32
        %get3A_257 = arith.index_cast %add3A_256 : i32 to index
        %get3A_258 = arith.constant 16 : index
        %get3A_259 = tpu.vector_load %arg8[%get3A_257, %get3A_258] {strides = array<i32>} : memref<112x128xf32, #tpu.memory_space<vmem>>, vector<1x16xf32>,
        %get3A_260 = vector.shape_cast %get3A_259 : vector<1x16xf32> to vector<16xf32>
        %add3A_261 = arith.addf %add3A_252, %get3A_260 : vector<16xf32>
        %mul3A_262 = arith.constant 7 : i32
        %mul3A_263 = arith.muli %scan3A_147, %mul3A_262 : i32
        %add3A_264 = arith.constant 6 : i32
        %add3A_265 = arith.addi %mul3A_263, %add3A_264 : i32
        %get3A_266 = arith.index_cast %add3A_265 : i32 to index
        %get3A_267 = arith.constant 16 : index
        %get3A_268 = tpu.vector_load %arg8[%get3A_266, %get3A_267] {strides = array<i32>} : memref<112x128xf32, #tpu.memory_space<vmem>>, vector<1x16xf32>,
        %get3A_269 = vector.shape_cast %get3A_268 : vector<1x16xf32> to vector<16xf32>
        %add3A_270 = arith.addf %add3A_261, %get3A_269 : vector<16xf32>
        %swap3A_271 = arith.index_cast %scan3A_147 : i32 to index
        %swap3A_272 = arith.constant 16 : index
        %swap3A_273 = tpu.vector_load %arg11[%swap3A_271, %swap3A_272] {strides = array<i32>} : memref<16x128xf32, #tpu.memory_space<vmem>>, vector<1x16xf32>,
        %swap3A_274 = vector.shape_cast %swap3A_273 : vector<1x16xf32> to vector<16xf32>
        %swap3A_275 = vector.shape_cast %add3A_270 : vector<16xf32> to vector<1x16xf32>
        tpu.vector_store %arg11[%swap3A_271, %swap3A_272], %swap3A_275 {strides = array<i32>} : memref<16x128xf32, #tpu.memory_space<vmem>>, vector<1x16xf32>,
        %mul3A_276 = arith.constant 7 : i32
        %mul3A_277 = arith.muli %scan3A_147, %mul3A_276 : i32
        %get3A_278 = arith.index_cast %mul3A_277 : i32 to index
        %get3A_279 = arith.constant 32 : index
        %get3A_280 = tpu.vector_load %arg8[%get3A_278, %get3A_279] {strides = array<i32>} : memref<112x128xf32, #tpu.memory_space<vmem>>, vector<1x16xf32>,
        %get3A_281 = vector.shape_cast %get3A_280 : vector<1x16xf32> to vector<16xf32>
        %mul3A_282 = arith.constant 7 : i32
        %mul3A_283 = arith.muli %scan3A_147, %mul3A_282 : i32
        %add3A_284 = arith.constant 1 : i32
        %add3A_285 = arith.addi %mul3A_283, %add3A_284 : i32
        %get3A_286 = arith.index_cast %add3A_285 : i32 to index
        %get3A_287 = arith.constant 32 : index
        %get3A_288 = tpu.vector_load %arg8[%get3A_286, %get3A_287] {strides = array<i32>} : memref<112x128xf32, #tpu.memory_space<vmem>>, vector<1x16xf32>,
        %get3A_289 = vector.shape_cast %get3A_288 : vector<1x16xf32> to vector<16xf32>
        %add3A_290 = arith.addf %get3A_281, %get3A_289 : vector<16xf32>
        %mul3A_291 = arith.constant 7 : i32
        %mul3A_292 = arith.muli %scan3A_147, %mul3A_291 : i32
        %add3A_293 = arith.constant 2 : i32
        %add3A_294 = arith.addi %mul3A_292, %add3A_293 : i32
        %get3A_295 = arith.index_cast %add3A_294 : i32 to index
        %get3A_296 = arith.constant 32 : index
        %get3A_297 = tpu.vector_load %arg8[%get3A_295, %get3A_296] {strides = array<i32>} : memref<112x128xf32, #tpu.memory_space<vmem>>, vector<1x16xf32>,
        %get3A_298 = vector.shape_cast %get3A_297 : vector<1x16xf32> to vector<16xf32>
        %add3A_299 = arith.addf %add3A_290, %get3A_298 : vector<16xf32>
        %mul3A_300 = arith.constant 7 : i32
        %mul3A_301 = arith.muli %scan3A_147, %mul3A_300 : i32
        %add3A_302 = arith.constant 3 : i32
        %add3A_303 = arith.addi %mul3A_301, %add3A_302 : i32
        %get3A_304 = arith.index_cast %add3A_303 : i32 to index
        %get3A_305 = arith.constant 32 : index
        %get3A_306 = tpu.vector_load %arg8[%get3A_304, %get3A_305] {strides = array<i32>} : memref<112x128xf32, #tpu.memory_space<vmem>>, vector<1x16xf32>,
        %get3A_307 = vector.shape_cast %get3A_306 : vector<1x16xf32> to vector<16xf32>
        %add3A_308 = arith.addf %add3A_299, %get3A_307 : vector<16xf32>
        %mul3A_309 = arith.constant 7 : i32
        %mul3A_310 = arith.muli %scan3A_147, %mul3A_309 : i32
        %add3A_311 = arith.constant 4 : i32
        %add3A_312 = arith.addi %mul3A_310, %add3A_311 : i32
        %get3A_313 = arith.index_cast %add3A_312 : i32 to index
        %get3A_314 = arith.constant 32 : index
        %get3A_315 = tpu.vector_load %arg8[%get3A_313, %get3A_314] {strides = array<i32>} : memref<112x128xf32, #tpu.memory_space<vmem>>, vector<1x16xf32>,
        %get3A_316 = vector.shape_cast %get3A_315 : vector<1x16xf32> to vector<16xf32>
        %add3A_317 = arith.addf %add3A_308, %get3A_316 : vector<16xf32>
        %mul3A_318 = arith.constant 7 : i32
        %mul3A_319 = arith.muli %scan3A_147, %mul3A_318 : i32
        %add3A_320 = arith.constant 5 : i32
        %add3A_321 = arith.addi %mul3A_319, %add3A_320 : i32
        %get3A_322 = arith.index_cast %add3A_321 : i32 to index
        %get3A_323 = arith.constant 32 : index
        %get3A_324 = tpu.vector_load %arg8[%get3A_322, %get3A_323] {strides = array<i32>} : memref<112x128xf32, #tpu.memory_space<vmem>>, vector<1x16xf32>,
        %get3A_325 = vector.shape_cast %get3A_324 : vector<1x16xf32> to vector<16xf32>
        %add3A_326 = arith.addf %add3A_317, %get3A_325 : vector<16xf32>
        %mul3A_327 = arith.constant 7 : i32
        %mul3A_328 = arith.muli %scan3A_147, %mul3A_327 : i32
        %add3A_329 = arith.constant 6 : i32
        %add3A_330 = arith.addi %mul3A_328, %add3A_329 : i32
        %get3A_331 = arith.index_cast %add3A_330 : i32 to index
        %get3A_332 = arith.constant 32 : index
        %get3A_333 = tpu.vector_load %arg8[%get3A_331, %get3A_332] {strides = array<i32>} : memref<112x128xf32, #tpu.memory_space<vmem>>, vector<1x16xf32>,
        %get3A_334 = vector.shape_cast %get3A_333 : vector<1x16xf32> to vector<16xf32>
        %add3A_335 = arith.addf %add3A_326, %get3A_334 : vector<16xf32>
        %swap3A_336 = arith.index_cast %scan3A_147 : i32 to index
        %swap3A_337 = arith.constant 32 : index
        %swap3A_338 = tpu.vector_load %arg11[%swap3A_336, %swap3A_337] {strides = array<i32>} : memref<16x128xf32, #tpu.memory_space<vmem>>, vector<1x16xf32>,
        %swap3A_339 = vector.shape_cast %swap3A_338 : vector<1x16xf32> to vector<16xf32>
        %swap3A_340 = vector.shape_cast %add3A_335 : vector<16xf32> to vector<1x16xf32>
        tpu.vector_store %arg11[%swap3A_336, %swap3A_337], %swap3A_340 {strides = array<i32>} : memref<16x128xf32, #tpu.memory_space<vmem>>, vector<1x16xf32>,
        %mul3A_341 = arith.constant 7 : i32
        %mul3A_342 = arith.muli %scan3A_147, %mul3A_341 : i32
        %get3A_343 = arith.index_cast %mul3A_342 : i32 to index
        %get3A_344 = arith.constant 48 : index
        %get3A_345 = tpu.vector_load %arg8[%get3A_343, %get3A_344] {strides = array<i32>} : memref<112x128xf32, #tpu.memory_space<vmem>>, vector<1x16xf32>,
        %get3A_346 = vector.shape_cast %get3A_345 : vector<1x16xf32> to vector<16xf32>
        %mul3A_347 = arith.constant 7 : i32
        %mul3A_348 = arith.muli %scan3A_147, %mul3A_347 : i32
        %add3A_349 = arith.constant 1 : i32
        %add3A_350 = arith.addi %mul3A_348, %add3A_349 : i32
        %get3A_351 = arith.index_cast %add3A_350 : i32 to index
        %get3A_352 = arith.constant 48 : index
        %get3A_353 = tpu.vector_load %arg8[%get3A_351, %get3A_352] {strides = array<i32>} : memref<112x128xf32, #tpu.memory_space<vmem>>, vector<1x16xf32>,
        %get3A_354 = vector.shape_cast %get3A_353 : vector<1x16xf32> to vector<16xf32>
        %add3A_355 = arith.addf %get3A_346, %get3A_354 : vector<16xf32>
        %mul3A_356 = arith.constant 7 : i32
        %mul3A_357 = arith.muli %scan3A_147, %mul3A_356 : i32
        %add3A_358 = arith.constant 2 : i32
        %add3A_359 = arith.addi %mul3A_357, %add3A_358 : i32
        %get3A_360 = arith.index_cast %add3A_359 : i32 to index
        %get3A_361 = arith.constant 48 : index
        %get3A_362 = tpu.vector_load %arg8[%get3A_360, %get3A_361] {strides = array<i32>} : memref<112x128xf32, #tpu.memory_space<vmem>>, vector<1x16xf32>,
        %get3A_363 = vector.shape_cast %get3A_362 : vector<1x16xf32> to vector<16xf32>
        %add3A_364 = arith.addf %add3A_355, %get3A_363 : vector<16xf32>
        %mul3A_365 = arith.constant 7 : i32
        %mul3A_366 = arith.muli %scan3A_147, %mul3A_365 : i32
        %add3A_367 = arith.constant 3 : i32
        %add3A_368 = arith.addi %mul3A_366, %add3A_367 : i32
        %get3A_369 = arith.index_cast %add3A_368 : i32 to index
        %get3A_370 = arith.constant 48 : index
        %get3A_371 = tpu.vector_load %arg8[%get3A_369, %get3A_370] {strides = array<i32>} : memref<112x128xf32, #tpu.memory_space<vmem>>, vector<1x16xf32>,
        %get3A_372 = vector.shape_cast %get3A_371 : vector<1x16xf32> to vector<16xf32>
        %add3A_373 = arith.addf %add3A_364, %get3A_372 : vector<16xf32>
        %mul3A_374 = arith.constant 7 : i32
        %mul3A_375 = arith.muli %scan3A_147, %mul3A_374 : i32
        %add3A_376 = arith.constant 4 : i32
        %add3A_377 = arith.addi %mul3A_375, %add3A_376 : i32
        %get3A_378 = arith.index_cast %add3A_377 : i32 to index
        %get3A_379 = arith.constant 48 : index
        %get3A_380 = tpu.vector_load %arg8[%get3A_378, %get3A_379] {strides = array<i32>} : memref<112x128xf32, #tpu.memory_space<vmem>>, vector<1x16xf32>,
        %get3A_381 = vector.shape_cast %get3A_380 : vector<1x16xf32> to vector<16xf32>
        %add3A_382 = arith.addf %add3A_373, %get3A_381 : vector<16xf32>
        %mul3A_383 = arith.constant 7 : i32
        %mul3A_384 = arith.muli %scan3A_147, %mul3A_383 : i32
        %add3A_385 = arith.constant 5 : i32
        %add3A_386 = arith.addi %mul3A_384, %add3A_385 : i32
        %get3A_387 = arith.index_cast %add3A_386 : i32 to index
        %get3A_388 = arith.constant 48 : index
        %get3A_389 = tpu.vector_load %arg8[%get3A_387, %get3A_388] {strides = array<i32>} : memref<112x128xf32, #tpu.memory_space<vmem>>, vector<1x16xf32>,
        %get3A_390 = vector.shape_cast %get3A_389 : vector<1x16xf32> to vector<16xf32>
        %add3A_391 = arith.addf %add3A_382, %get3A_390 : vector<16xf32>
        %mul3A_392 = arith.constant 7 : i32
        %mul3A_393 = arith.muli %scan3A_147, %mul3A_392 : i32
        %add3A_394 = arith.constant 6 : i32
        %add3A_395 = arith.addi %mul3A_393, %add3A_394 : i32
        %get3A_396 = arith.index_cast %add3A_395 : i32 to index
        %get3A_397 = arith.constant 48 : index
        %get3A_398 = tpu.vector_load %arg8[%get3A_396, %get3A_397] {strides = array<i32>} : memref<112x128xf32, #tpu.memory_space<vmem>>, vector<1x16xf32>,
        %get3A_399 = vector.shape_cast %get3A_398 : vector<1x16xf32> to vector<16xf32>
        %add3A_400 = arith.addf %add3A_391, %get3A_399 : vector<16xf32>
        %swap3A_401 = arith.index_cast %scan3A_147 : i32 to index
        %swap3A_402 = arith.constant 48 : index
        %swap3A_403 = tpu.vector_load %arg11[%swap3A_401, %swap3A_402] {strides = array<i32>} : memref<16x128xf32, #tpu.memory_space<vmem>>, vector<1x16xf32>,
        %swap3A_404 = vector.shape_cast %swap3A_403 : vector<1x16xf32> to vector<16xf32>
        %swap3A_405 = vector.shape_cast %add3A_400 : vector<16xf32> to vector<1x16xf32>
        tpu.vector_store %arg11[%swap3A_401, %swap3A_402], %swap3A_405 {strides = array<i32>} : memref<16x128xf32, #tpu.memory_space<vmem>>, vector<1x16xf32>,
        %mul3A_406 = arith.constant 7 : i32
        %mul3A_407 = arith.muli %scan3A_147, %mul3A_406 : i32
        %get3A_408 = arith.index_cast %mul3A_407 : i32 to index
        %get3A_409 = arith.constant 64 : index
        %get3A_410 = tpu.vector_load %arg8[%get3A_408, %get3A_409] {strides = array<i32>} : memref<112x128xf32, #tpu.memory_space<vmem>>, vector<1x16xf32>,
        %get3A_411 = vector.shape_cast %get3A_410 : vector<1x16xf32> to vector<16xf32>
        %mul3A_412 = arith.constant 7 : i32
        %mul3A_413 = arith.muli %scan3A_147, %mul3A_412 : i32
        %add3A_414 = arith.constant 1 : i32
        %add3A_415 = arith.addi %mul3A_413, %add3A_414 : i32
        %get3A_416 = arith.index_cast %add3A_415 : i32 to index
        %get3A_417 = arith.constant 64 : index
        %get3A_418 = tpu.vector_load %arg8[%get3A_416, %get3A_417] {strides = array<i32>} : memref<112x128xf32, #tpu.memory_space<vmem>>, vector<1x16xf32>,
        %get3A_419 = vector.shape_cast %get3A_418 : vector<1x16xf32> to vector<16xf32>
        %add3A_420 = arith.addf %get3A_411, %get3A_419 : vector<16xf32>
        %mul3A_421 = arith.constant 7 : i32
        %mul3A_422 = arith.muli %scan3A_147, %mul3A_421 : i32
        %add3A_423 = arith.constant 2 : i32
        %add3A_424 = arith.addi %mul3A_422, %add3A_423 : i32
        %get3A_425 = arith.index_cast %add3A_424 : i32 to index
        %get3A_426 = arith.constant 64 : index
        %get3A_427 = tpu.vector_load %arg8[%get3A_425, %get3A_426] {strides = array<i32>} : memref<112x128xf32, #tpu.memory_space<vmem>>, vector<1x16xf32>,
        %get3A_428 = vector.shape_cast %get3A_427 : vector<1x16xf32> to vector<16xf32>
        %add3A_429 = arith.addf %add3A_420, %get3A_428 : vector<16xf32>
        %mul3A_430 = arith.constant 7 : i32
        %mul3A_431 = arith.muli %scan3A_147, %mul3A_430 : i32
        %add3A_432 = arith.constant 3 : i32
        %add3A_433 = arith.addi %mul3A_431, %add3A_432 : i32
        %get3A_434 = arith.index_cast %add3A_433 : i32 to index
        %get3A_435 = arith.constant 64 : index
        %get3A_436 = tpu.vector_load %arg8[%get3A_434, %get3A_435] {strides = array<i32>} : memref<112x128xf32, #tpu.memory_space<vmem>>, vector<1x16xf32>,
        %get3A_437 = vector.shape_cast %get3A_436 : vector<1x16xf32> to vector<16xf32>
        %add3A_438 = arith.addf %add3A_429, %get3A_437 : vector<16xf32>
        %mul3A_439 = arith.constant 7 : i32
        %mul3A_440 = arith.muli %scan3A_147, %mul3A_439 : i32
        %add3A_441 = arith.constant 4 : i32
        %add3A_442 = arith.addi %mul3A_440, %add3A_441 : i32
        %get3A_443 = arith.index_cast %add3A_442 : i32 to index
        %get3A_444 = arith.constant 64 : index
        %get3A_445 = tpu.vector_load %arg8[%get3A_443, %get3A_444] {strides = array<i32>} : memref<112x128xf32, #tpu.memory_space<vmem>>, vector<1x16xf32>,
        %get3A_446 = vector.shape_cast %get3A_445 : vector<1x16xf32> to vector<16xf32>
        %add3A_447 = arith.addf %add3A_438, %get3A_446 : vector<16xf32>
        %mul3A_448 = arith.constant 7 : i32
        %mul3A_449 = arith.muli %scan3A_147, %mul3A_448 : i32
        %add3A_450 = arith.constant 5 : i32
        %add3A_451 = arith.addi %mul3A_449, %add3A_450 : i32
        %get3A_452 = arith.index_cast %add3A_451 : i32 to index
        %get3A_453 = arith.constant 64 : index
        %get3A_454 = tpu.vector_load %arg8[%get3A_452, %get3A_453] {strides = array<i32>} : memref<112x128xf32, #tpu.memory_space<vmem>>, vector<1x16xf32>,
        %get3A_455 = vector.shape_cast %get3A_454 : vector<1x16xf32> to vector<16xf32>
        %add3A_456 = arith.addf %add3A_447, %get3A_455 : vector<16xf32>
        %mul3A_457 = arith.constant 7 : i32
        %mul3A_458 = arith.muli %scan3A_147, %mul3A_457 : i32
        %add3A_459 = arith.constant 6 : i32
        %add3A_460 = arith.addi %mul3A_458, %add3A_459 : i32
        %get3A_461 = arith.index_cast %add3A_460 : i32 to index
        %get3A_462 = arith.constant 64 : index
        %get3A_463 = tpu.vector_load %arg8[%get3A_461, %get3A_462] {strides = array<i32>} : memref<112x128xf32, #tpu.memory_space<vmem>>, vector<1x16xf32>,
        %get3A_464 = vector.shape_cast %get3A_463 : vector<1x16xf32> to vector<16xf32>
        %add3A_465 = arith.addf %add3A_456, %get3A_464 : vector<16xf32>
        %swap3A_466 = arith.index_cast %scan3A_147 : i32 to index
        %swap3A_467 = arith.constant 64 : index
        %swap3A_468 = tpu.vector_load %arg11[%swap3A_466, %swap3A_467] {strides = array<i32>} : memref<16x128xf32, #tpu.memory_space<vmem>>, vector<1x16xf32>,
        %swap3A_469 = vector.shape_cast %swap3A_468 : vector<1x16xf32> to vector<16xf32>
        %swap3A_470 = vector.shape_cast %add3A_465 : vector<16xf32> to vector<1x16xf32>
        tpu.vector_store %arg11[%swap3A_466, %swap3A_467], %swap3A_470 {strides = array<i32>} : memref<16x128xf32, #tpu.memory_space<vmem>>, vector<1x16xf32>,
        %mul3A_471 = arith.constant 7 : i32
        %mul3A_472 = arith.muli %scan3A_147, %mul3A_471 : i32
        %get3A_473 = arith.index_cast %mul3A_472 : i32 to index
        %get3A_474 = arith.constant 80 : index
        %get3A_475 = tpu.vector_load %arg8[%get3A_473, %get3A_474] {strides = array<i32>} : memref<112x128xf32, #tpu.memory_space<vmem>>, vector<1x16xf32>,
        %get3A_476 = vector.shape_cast %get3A_475 : vector<1x16xf32> to vector<16xf32>
        %mul3A_477 = arith.constant 7 : i32
        %mul3A_478 = arith.muli %scan3A_147, %mul3A_477 : i32
        %add3A_479 = arith.constant 1 : i32
        %add3A_480 = arith.addi %mul3A_478, %add3A_479 : i32
        %get3A_481 = arith.index_cast %add3A_480 : i32 to index
        %get3A_482 = arith.constant 80 : index
        %get3A_483 = tpu.vector_load %arg8[%get3A_481, %get3A_482] {strides = array<i32>} : memref<112x128xf32, #tpu.memory_space<vmem>>, vector<1x16xf32>,
        %get3A_484 = vector.shape_cast %get3A_483 : vector<1x16xf32> to vector<16xf32>
        %add3A_485 = arith.addf %get3A_476, %get3A_484 : vector<16xf32>
        %mul3A_486 = arith.constant 7 : i32
        %mul3A_487 = arith.muli %scan3A_147, %mul3A_486 : i32
        %add3A_488 = arith.constant 2 : i32
        %add3A_489 = arith.addi %mul3A_487, %add3A_488 : i32
        %get3A_490 = arith.index_cast %add3A_489 : i32 to index
        %get3A_491 = arith.constant 80 : index
        %get3A_492 = tpu.vector_load %arg8[%get3A_490, %get3A_491] {strides = array<i32>} : memref<112x128xf32, #tpu.memory_space<vmem>>, vector<1x16xf32>,
        %get3A_493 = vector.shape_cast %get3A_492 : vector<1x16xf32> to vector<16xf32>
        %add3A_494 = arith.addf %add3A_485, %get3A_493 : vector<16xf32>
        %mul3A_495 = arith.constant 7 : i32
        %mul3A_496 = arith.muli %scan3A_147, %mul3A_495 : i32
        %add3A_497 = arith.constant 3 : i32
        %add3A_498 = arith.addi %mul3A_496, %add3A_497 : i32
        %get3A_499 = arith.index_cast %add3A_498 : i32 to index
        %get3A_500 = arith.constant 80 : index
        %get3A_501 = tpu.vector_load %arg8[%get3A_499, %get3A_500] {strides = array<i32>} : memref<112x128xf32, #tpu.memory_space<vmem>>, vector<1x16xf32>,
        %get3A_502 = vector.shape_cast %get3A_501 : vector<1x16xf32> to vector<16xf32>
        %add3A_503 = arith.addf %add3A_494, %get3A_502 : vector<16xf32>
        %mul3A_504 = arith.constant 7 : i32
        %mul3A_505 = arith.muli %scan3A_147, %mul3A_504 : i32
        %add3A_506 = arith.constant 4 : i32
        %add3A_507 = arith.addi %mul3A_505, %add3A_506 : i32
        %get3A_508 = arith.index_cast %add3A_507 : i32 to index
        %get3A_509 = arith.constant 80 : index
        %get3A_510 = tpu.vector_load %arg8[%get3A_508, %get3A_509] {strides = array<i32>} : memref<112x128xf32, #tpu.memory_space<vmem>>, vector<1x16xf32>,
        %get3A_511 = vector.shape_cast %get3A_510 : vector<1x16xf32> to vector<16xf32>
        %add3A_512 = arith.addf %add3A_503, %get3A_511 : vector<16xf32>
        %mul3A_513 = arith.constant 7 : i32
        %mul3A_514 = arith.muli %scan3A_147, %mul3A_513 : i32
        %add3A_515 = arith.constant 5 : i32
        %add3A_516 = arith.addi %mul3A_514, %add3A_515 : i32
        %get3A_517 = arith.index_cast %add3A_516 : i32 to index
        %get3A_518 = arith.constant 80 : index
        %get3A_519 = tpu.vector_load %arg8[%get3A_517, %get3A_518] {strides = array<i32>} : memref<112x128xf32, #tpu.memory_space<vmem>>, vector<1x16xf32>,
        %get3A_520 = vector.shape_cast %get3A_519 : vector<1x16xf32> to vector<16xf32>
        %add3A_521 = arith.addf %add3A_512, %get3A_520 : vector<16xf32>
        %mul3A_522 = arith.constant 7 : i32
        %mul3A_523 = arith.muli %scan3A_147, %mul3A_522 : i32
        %add3A_524 = arith.constant 6 : i32
        %add3A_525 = arith.addi %mul3A_523, %add3A_524 : i32
        %get3A_526 = arith.index_cast %add3A_525 : i32 to index
        %get3A_527 = arith.constant 80 : index
        %get3A_528 = tpu.vector_load %arg8[%get3A_526, %get3A_527] {strides = array<i32>} : memref<112x128xf32, #tpu.memory_space<vmem>>, vector<1x16xf32>,
        %get3A_529 = vector.shape_cast %get3A_528 : vector<1x16xf32> to vector<16xf32>
        %add3A_530 = arith.addf %add3A_521, %get3A_529 : vector<16xf32>
        %swap3A_531 = arith.index_cast %scan3A_147 : i32 to index
        %swap3A_532 = arith.constant 80 : index
        %swap3A_533 = tpu.vector_load %arg11[%swap3A_531, %swap3A_532] {strides = array<i32>} : memref<16x128xf32, #tpu.memory_space<vmem>>, vector<1x16xf32>,
        %swap3A_534 = vector.shape_cast %swap3A_533 : vector<1x16xf32> to vector<16xf32>
        %swap3A_535 = vector.shape_cast %add3A_530 : vector<16xf32> to vector<1x16xf32>
        tpu.vector_store %arg11[%swap3A_531, %swap3A_532], %swap3A_535 {strides = array<i32>} : memref<16x128xf32, #tpu.memory_space<vmem>>, vector<1x16xf32>,
        %mul3A_536 = arith.constant 7 : i32
        %mul3A_537 = arith.muli %scan3A_147, %mul3A_536 : i32
        %get3A_538 = arith.index_cast %mul3A_537 : i32 to index
        %get3A_539 = arith.constant 96 : index
        %get3A_540 = tpu.vector_load %arg8[%get3A_538, %get3A_539] {strides = array<i32>} : memref<112x128xf32, #tpu.memory_space<vmem>>, vector<1x16xf32>,
        %get3A_541 = vector.shape_cast %get3A_540 : vector<1x16xf32> to vector<16xf32>
        %mul3A_542 = arith.constant 7 : i32
        %mul3A_543 = arith.muli %scan3A_147, %mul3A_542 : i32
        %add3A_544 = arith.constant 1 : i32
        %add3A_545 = arith.addi %mul3A_543, %add3A_544 : i32
        %get3A_546 = arith.index_cast %add3A_545 : i32 to index
        %get3A_547 = arith.constant 96 : index
        %get3A_548 = tpu.vector_load %arg8[%get3A_546, %get3A_547] {strides = array<i32>} : memref<112x128xf32, #tpu.memory_space<vmem>>, vector<1x16xf32>,
        %get3A_549 = vector.shape_cast %get3A_548 : vector<1x16xf32> to vector<16xf32>
        %add3A_550 = arith.addf %get3A_541, %get3A_549 : vector<16xf32>
        %mul3A_551 = arith.constant 7 : i32
        %mul3A_552 = arith.muli %scan3A_147, %mul3A_551 : i32
        %add3A_553 = arith.constant 2 : i32
        %add3A_554 = arith.addi %mul3A_552, %add3A_553 : i32
        %get3A_555 = arith.index_cast %add3A_554 : i32 to index
        %get3A_556 = arith.constant 96 : index
        %get3A_557 = tpu.vector_load %arg8[%get3A_555, %get3A_556] {strides = array<i32>} : memref<112x128xf32, #tpu.memory_space<vmem>>, vector<1x16xf32>,
        %get3A_558 = vector.shape_cast %get3A_557 : vector<1x16xf32> to vector<16xf32>
        %add3A_559 = arith.addf %add3A_550, %get3A_558 : vector<16xf32>
        %mul3A_560 = arith.constant 7 : i32
        %mul3A_561 = arith.muli %scan3A_147, %mul3A_560 : i32
        %add3A_562 = arith.constant 3 : i32
        %add3A_563 = arith.addi %mul3A_561, %add3A_562 : i32
        %get3A_564 = arith.index_cast %add3A_563 : i32 to index
        %get3A_565 = arith.constant 96 : index
        %get3A_566 = tpu.vector_load %arg8[%get3A_564, %get3A_565] {strides = array<i32>} : memref<112x128xf32, #tpu.memory_space<vmem>>, vector<1x16xf32>,
        %get3A_567 = vector.shape_cast %get3A_566 : vector<1x16xf32> to vector<16xf32>
        %add3A_568 = arith.addf %add3A_559, %get3A_567 : vector<16xf32>
        %mul3A_569 = arith.constant 7 : i32
        %mul3A_570 = arith.muli %scan3A_147, %mul3A_569 : i32
        %add3A_571 = arith.constant 4 : i32
        %add3A_572 = arith.addi %mul3A_570, %add3A_571 : i32
        %get3A_573 = arith.index_cast %add3A_572 : i32 to index
        %get3A_574 = arith.constant 96 : index
        %get3A_575 = tpu.vector_load %arg8[%get3A_573, %get3A_574] {strides = array<i32>} : memref<112x128xf32, #tpu.memory_space<vmem>>, vector<1x16xf32>,
        %get3A_576 = vector.shape_cast %get3A_575 : vector<1x16xf32> to vector<16xf32>
        %add3A_577 = arith.addf %add3A_568, %get3A_576 : vector<16xf32>
        %mul3A_578 = arith.constant 7 : i32
        %mul3A_579 = arith.muli %scan3A_147, %mul3A_578 : i32
        %add3A_580 = arith.constant 5 : i32
        %add3A_581 = arith.addi %mul3A_579, %add3A_580 : i32
        %get3A_582 = arith.index_cast %add3A_581 : i32 to index
        %get3A_583 = arith.constant 96 : index
        %get3A_584 = tpu.vector_load %arg8[%get3A_582, %get3A_583] {strides = array<i32>} : memref<112x128xf32, #tpu.memory_space<vmem>>, vector<1x16xf32>,
        %get3A_585 = vector.shape_cast %get3A_584 : vector<1x16xf32> to vector<16xf32>
        %add3A_586 = arith.addf %add3A_577, %get3A_585 : vector<16xf32>
        %mul3A_587 = arith.constant 7 : i32
        %mul3A_588 = arith.muli %scan3A_147, %mul3A_587 : i32
        %add3A_589 = arith.constant 6 : i32
        %add3A_590 = arith.addi %mul3A_588, %add3A_589 : i32
        %get3A_591 = arith.index_cast %add3A_590 : i32 to index
        %get3A_592 = arith.constant 96 : index
        %get3A_593 = tpu.vector_load %arg8[%get3A_591, %get3A_592] {strides = array<i32>} : memref<112x128xf32, #tpu.memory_space<vmem>>, vector<1x16xf32>,
        %get3A_594 = vector.shape_cast %get3A_593 : vector<1x16xf32> to vector<16xf32>
        %add3A_595 = arith.addf %add3A_586, %get3A_594 : vector<16xf32>
        %swap3A_596 = arith.index_cast %scan3A_147 : i32 to index
        %swap3A_597 = arith.constant 96 : index
        %swap3A_598 = tpu.vector_load %arg11[%swap3A_596, %swap3A_597] {strides = array<i32>} : memref<16x128xf32, #tpu.memory_space<vmem>>, vector<1x16xf32>,
        %swap3A_599 = vector.shape_cast %swap3A_598 : vector<1x16xf32> to vector<16xf32>
        %swap3A_600 = vector.shape_cast %add3A_595 : vector<16xf32> to vector<1x16xf32>
        tpu.vector_store %arg11[%swap3A_596, %swap3A_597], %swap3A_600 {strides = array<i32>} : memref<16x128xf32, #tpu.memory_space<vmem>>, vector<1x16xf32>,
        %mul3A_601 = arith.constant 7 : i32
        %mul3A_602 = arith.muli %scan3A_147, %mul3A_601 : i32
        %get3A_603 = arith.index_cast %mul3A_602 : i32 to index
        %get3A_604 = arith.constant 112 : index
        %get3A_605 = tpu.vector_load %arg8[%get3A_603, %get3A_604] {strides = array<i32>} : memref<112x128xf32, #tpu.memory_space<vmem>>, vector<1x16xf32>,
        %get3A_606 = vector.shape_cast %get3A_605 : vector<1x16xf32> to vector<16xf32>
        %mul3A_607 = arith.constant 7 : i32
        %mul3A_608 = arith.muli %scan3A_147, %mul3A_607 : i32
        %add3A_609 = arith.constant 1 : i32
        %add3A_610 = arith.addi %mul3A_608, %add3A_609 : i32
        %get3A_611 = arith.index_cast %add3A_610 : i32 to index
        %get3A_612 = arith.constant 112 : index
        %get3A_613 = tpu.vector_load %arg8[%get3A_611, %get3A_612] {strides = array<i32>} : memref<112x128xf32, #tpu.memory_space<vmem>>, vector<1x16xf32>,
        %get3A_614 = vector.shape_cast %get3A_613 : vector<1x16xf32> to vector<16xf32>
        %add3A_615 = arith.addf %get3A_606, %get3A_614 : vector<16xf32>
        %mul3A_616 = arith.constant 7 : i32
        %mul3A_617 = arith.muli %scan3A_147, %mul3A_616 : i32
        %add3A_618 = arith.constant 2 : i32
        %add3A_619 = arith.addi %mul3A_617, %add3A_618 : i32
        %get3A_620 = arith.index_cast %add3A_619 : i32 to index
        %get3A_621 = arith.constant 112 : index
        %get3A_622 = tpu.vector_load %arg8[%get3A_620, %get3A_621] {strides = array<i32>} : memref<112x128xf32, #tpu.memory_space<vmem>>, vector<1x16xf32>,
        %get3A_623 = vector.shape_cast %get3A_622 : vector<1x16xf32> to vector<16xf32>
        %add3A_624 = arith.addf %add3A_615, %get3A_623 : vector<16xf32>
        %mul3A_625 = arith.constant 7 : i32
        %mul3A_626 = arith.muli %scan3A_147, %mul3A_625 : i32
        %add3A_627 = arith.constant 3 : i32
        %add3A_628 = arith.addi %mul3A_626, %add3A_627 : i32
        %get3A_629 = arith.index_cast %add3A_628 : i32 to index
        %get3A_630 = arith.constant 112 : index
        %get3A_631 = tpu.vector_load %arg8[%get3A_629, %get3A_630] {strides = array<i32>} : memref<112x128xf32, #tpu.memory_space<vmem>>, vector<1x16xf32>,
        %get3A_632 = vector.shape_cast %get3A_631 : vector<1x16xf32> to vector<16xf32>
        %add3A_633 = arith.addf %add3A_624, %get3A_632 : vector<16xf32>
        %mul3A_634 = arith.constant 7 : i32
        %mul3A_635 = arith.muli %scan3A_147, %mul3A_634 : i32
        %add3A_636 = arith.constant 4 : i32
        %add3A_637 = arith.addi %mul3A_635, %add3A_636 : i32
        %get3A_638 = arith.index_cast %add3A_637 : i32 to index
        %get3A_639 = arith.constant 112 : index
        %get3A_640 = tpu.vector_load %arg8[%get3A_638, %get3A_639] {strides = array<i32>} : memref<112x128xf32, #tpu.memory_space<vmem>>, vector<1x16xf32>,
        %get3A_641 = vector.shape_cast %get3A_640 : vector<1x16xf32> to vector<16xf32>
        %add3A_642 = arith.addf %add3A_633, %get3A_641 : vector<16xf32>
        %mul3A_643 = arith.constant 7 : i32
        %mul3A_644 = arith.muli %scan3A_147, %mul3A_643 : i32
        %add3A_645 = arith.constant 5 : i32
        %add3A_646 = arith.addi %mul3A_644, %add3A_645 : i32
        %get3A_647 = arith.index_cast %add3A_646 : i32 to index
        %get3A_648 = arith.constant 112 : index
        %get3A_649 = tpu.vector_load %arg8[%get3A_647, %get3A_648] {strides = array<i32>} : memref<112x128xf32, #tpu.memory_space<vmem>>, vector<1x16xf32>,
        %get3A_650 = vector.shape_cast %get3A_649 : vector<1x16xf32> to vector<16xf32>
        %add3A_651 = arith.addf %add3A_642, %get3A_650 : vector<16xf32>
        %mul3A_652 = arith.constant 7 : i32
        %mul3A_653 = arith.muli %scan3A_147, %mul3A_652 : i32
        %add3A_654 = arith.constant 6 : i32
        %add3A_655 = arith.addi %mul3A_653, %add3A_654 : i32
        %get3A_656 = arith.index_cast %add3A_655 : i32 to index
        %get3A_657 = arith.constant 112 : index
        %get3A_658 = tpu.vector_load %arg8[%get3A_656, %get3A_657] {strides = array<i32>} : memref<112x128xf32, #tpu.memory_space<vmem>>, vector<1x16xf32>,
        %get3A_659 = vector.shape_cast %get3A_658 : vector<1x16xf32> to vector<16xf32>
        %add3A_660 = arith.addf %add3A_651, %get3A_659 : vector<16xf32>
        %swap3A_661 = arith.index_cast %scan3A_147 : i32 to index
        %swap3A_662 = arith.constant 112 : index
        %swap3A_663 = tpu.vector_load %arg11[%swap3A_661, %swap3A_662] {strides = array<i32>} : memref<16x128xf32, #tpu.memory_space<vmem>>, vector<1x16xf32>,
        %swap3A_664 = vector.shape_cast %swap3A_663 : vector<1x16xf32> to vector<16xf32>
        %swap3A_665 = vector.shape_cast %add3A_660 : vector<16xf32> to vector<1x16xf32>
        tpu.vector_store %arg11[%swap3A_661, %swap3A_662], %swap3A_665 {strides = array<i32>} : memref<16x128xf32, #tpu.memory_space<vmem>>, vector<1x16xf32>,
      }
      %scan3A_132 = arith.constant 16 : i32
      %mul3A_133 = arith.constant 16 : i32
      %mul3A_134 = arith.muli %add3A_115, %mul3A_133 : i32
      %add3A_135 = arith.addi %mul3A_2, %mul3A_134 : i32
      %dma_start3A_136 = arith.constant 0 : i32
      %dma_start3A_137 = tpu.memref_slice %arg4[%add3A_135, %dma_start3A_136] : memref<41472x128xf32, #tpu.memory_space<hbm>> -> memref<16x128xf32, #tpu.memory_space<hbm>>
      %dma_start3A_138 = arith.constant 0 : i32
      %dma_start3A_139 = tpu.memref_slice %arg4[%add3A_135, %dma_start3A_138] : memref<41472x128xf32, #tpu.memory_space<hbm>> -> memref<16x128xf32, #tpu.memory_space<hbm>>
      tpu.enqueue_dma source(%arg11 : memref<16x128xf32, #tpu.memory_space<vmem>>) target(%dma_start3A_139 : memref<16x128xf32, #tpu.memory_space<hbm>>) target_semaphore(%arg17 : memref<!tpu.dma_semaphore, #tpu.memory_space<semaphore_mem>>)
      %add3A_140 = arith.constant 3 : i32
      %add3A_141 = arith.addi %add3A_115, %add3A_140 : i32
      %lt3A_142 = arith.constant 81 : i32
      %lt3A_143 = arith.cmpi slt, %add3A_141, %lt3A_142 : i32
      %convert_element_type3A_144 = arith.extui %lt3A_143 : i1 to i32
      %cond3A_145 = arith.constant 0 : i32
      %cond3A_146 = arith.cmpi ne, %convert_element_type3A_144, %cond3A_145 : i32
      scf.if %cond3A_146 {
        %add3A_147 = arith.constant 3 : i32
        %add3A_148 = arith.addi %add3A_115, %add3A_147 : i32
        %dma_start3A_149 = arith.constant 0 : i32
        %dma_start3A_150 = tpu.memref_slice %arg5[%add3A_148, %dma_start3A_149] : memref<81x112xi32, #tpu.memory_space<vmem>> -> memref<1x112xi32, #tpu.memory_space<vmem>>
        %dma_start3A_151 = tpu.memref_squeeze %dma_start3A_150 : memref<1x112xi32, #tpu.memory_space<vmem>> -> memref<112xi32, #tpu.memory_space<vmem>>
        %dma_start3A_152 = arith.constant 0 : i32
        %dma_start3A_153 = arith.constant 0 : i32
        %dma_start3A_154 = tpu.memref_slice %arg2[%dma_start3A_152, %dma_start3A_153] : memref<290304x128xf32, #tpu.memory_space<hbm>> -> memref<290304x128xf32, #tpu.memory_space<hbm>>
        tpu.enqueue_indirect_dma source(%dma_start3A_154 : memref<290304x128xf32, #tpu.memory_space<hbm>>) target(%arg8 : memref<112x128xf32, #tpu.memory_space<vmem>>) offsets(%dma_start3A_151 : memref<112xi32, #tpu.memory_space<vmem>>) semaphore(%arg14 : memref<!tpu.dma_semaphore, #tpu.memory_space<semaphore_mem>>)
      } else {
      }
    }
    %scan3A_27 = arith.constant 27 : i32
    %add3A_28 = arith.constant 1248 : i32
    %add3A_29 = arith.addi %mul3A_2, %add3A_28 : i32
    %dma_wait3A = arith.constant 0 : i32
    %dma_wait3A_30 = tpu.memref_slice %arg4[%add3A_29, %dma_wait3A] : memref<41472x128xf32, #tpu.memory_space<hbm>> -> memref<16x128xf32, #tpu.memory_space<hbm>>
    %dma_wait3A_31 = arith.constant 0 : i32
    %dma_wait3A_32 = tpu.memref_slice %arg4[%add3A_29, %dma_wait3A_31] : memref<41472x128xf32, #tpu.memory_space<hbm>> -> memref<16x128xf32, #tpu.memory_space<hbm>>
    tpu.wait_dma2 semaphore(%arg15 : memref<!tpu.dma_semaphore, #tpu.memory_space<semaphore_mem>>) src(%arg9 : memref<16x128xf32, #tpu.memory_space<vmem>>) dst(%dma_wait3A_32 : memref<16x128xf32, #tpu.memory_space<hbm>>)
    %add3A_33 = arith.constant 1264 : i32
    %add3A_34 = arith.addi %mul3A_2, %add3A_33 : i32
    %dma_wait3A_35 = arith.constant 0 : i32
    %dma_wait3A_36 = tpu.memref_slice %arg4[%add3A_34, %dma_wait3A_35] : memref<41472x128xf32, #tpu.memory_space<hbm>> -> memref<16x128xf32, #tpu.memory_space<hbm>>
    %dma_wait3A_37 = arith.constant 0 : i32
    %dma_wait3A_38 = tpu.memref_slice %arg4[%add3A_34, %dma_wait3A_37] : memref<41472x128xf32, #tpu.memory_space<hbm>> -> memref<16x128xf32, #tpu.memory_space<hbm>>
    tpu.wait_dma2 semaphore(%arg16 : memref<!tpu.dma_semaphore, #tpu.memory_space<semaphore_mem>>) src(%arg10 : memref<16x128xf32, #tpu.memory_space<vmem>>) dst(%dma_wait3A_38 : memref<16x128xf32, #tpu.memory_space<hbm>>)
    %add3A_39 = arith.constant 1280 : i32
    %add3A_40 = arith.addi %mul3A_2, %add3A_39 : i32
    %dma_wait3A_41 = arith.constant 0 : i32
    %dma_wait3A_42 = tpu.memref_slice %arg4[%add3A_40, %dma_wait3A_41] : memref<41472x128xf32, #tpu.memory_space<hbm>> -> memref<16x128xf32, #tpu.memory_space<hbm>>
    %dma_wait3A_43 = arith.constant 0 : i32
    %dma_wait3A_44 = tpu.memref_slice %arg4[%add3A_40, %dma_wait3A_43] : memref<41472x128xf32, #tpu.memory_space<hbm>> -> memref<16x128xf32, #tpu.memory_space<hbm>>
    tpu.wait_dma2 semaphore(%arg17 : memref<!tpu.dma_semaphore, #tpu.memory_space<semaphore_mem>>) src(%arg11 : memref<16x128xf32, #tpu.memory_space<vmem>>) dst(%dma_wait3A_44 : memref<16x128xf32, #tpu.memory_space<hbm>>)
    return
  }
}

#map = affine_map<(d0, d1) -> (0, 0)>
#map1 = affine_map<(d0, d1) -> (0, 0, 0)>
module attributes {stable_mosaic.version = 14 : i64} {
  func.func @body(%arg0: i32, %arg1: i32, %arg2: memref<163848x128xf32, #tpu.memory_space<hbm>>, %arg3: memref<32x81x112xi32, #tpu.memory_space<hbm>>, %arg4: memref<41472x128xf32, #tpu.memory_space<hbm>>, %arg5: memref<81x112xi32, #tpu.memory_space<vmem>>, %arg6: memref<112x128xf32, #tpu.memory_space<vmem>>, %arg7: memref<112x128xf32, #tpu.memory_space<vmem>>, %arg8: memref<112x128xf32, #tpu.memory_space<vmem>>, %arg9: memref<16x128xf32, #tpu.memory_space<vmem>>, %arg10: memref<16x128xf32, #tpu.memory_space<vmem>>, %arg11: memref<16x128xf32, #tpu.memory_space<vmem>>, %arg12: memref<!tpu.dma_semaphore, #tpu.memory_space<semaphore_mem>>, %arg13: memref<!tpu.dma_semaphore, #tpu.memory_space<semaphore_mem>>, %arg14: memref<!tpu.dma_semaphore, #tpu.memory_space<semaphore_mem>>, %arg15: memref<!tpu.dma_semaphore, #tpu.memory_space<semaphore_mem>>, %arg16: memref<!tpu.dma_semaphore, #tpu.memory_space<semaphore_mem>>, %arg17: memref<!tpu.dma_semaphore, #tpu.memory_space<semaphore_mem>>) attributes {dimension_semantics = [#tpu.dimension_semantics<core_parallel>, #tpu.dimension_semantics<subcore_parallel>], iteration_bounds = array<i64: 2, 16>, scalar_prefetch = 0 : i64, scratch_operands = 13 : i64, tpu.core_type = #tpu.core_type<sc_vector_subcore>, window_params = [{transform_indices = #map}, {transform_indices = #map1}, {transform_indices = #map}]} {
    %mul3A = arith.constant 16 : i32
    %mul3A_0 = arith.muli %arg0, %mul3A : i32
    %add3A = arith.addi %mul3A_0, %arg1 : i32
    %mul3A_1 = arith.constant 1296 : i32
    %mul3A_2 = arith.muli %add3A, %mul3A_1 : i32
    "tpu.region"() ({
      %run_scoped3A = tpu.sem_alloc : memref<!tpu.dma_semaphore, #tpu.memory_space<semaphore_mem>>
      %dma_start3A_45 = arith.constant 0 : i32
      %dma_start3A_46 = arith.constant 0 : i32
      %dma_start3A_47 = tpu.memref_slice %arg3[%add3A, %dma_start3A_45, %dma_start3A_46] : memref<32x81x112xi32, #tpu.memory_space<hbm>> -> memref<1x81x112xi32, #tpu.memory_space<hbm>>
      %dma_start3A_48 = tpu.memref_squeeze %dma_start3A_47 : memref<1x81x112xi32, #tpu.memory_space<hbm>> -> memref<81x112xi32, #tpu.memory_space<hbm>>
      %dma_start3A_49 = arith.constant 0 : i32
      %dma_start3A_50 = arith.constant 0 : i32
      %dma_start3A_51 = tpu.memref_slice %arg3[%add3A, %dma_start3A_49, %dma_start3A_50] : memref<32x81x112xi32, #tpu.memory_space<hbm>> -> memref<1x81x112xi32, #tpu.memory_space<hbm>>
      %dma_start3A_52 = tpu.memref_squeeze %dma_start3A_51 : memref<1x81x112xi32, #tpu.memory_space<hbm>> -> memref<81x112xi32, #tpu.memory_space<hbm>>
      tpu.enqueue_dma source(%dma_start3A_52 : memref<81x112xi32, #tpu.memory_space<hbm>>) target(%arg5 : memref<81x112xi32, #tpu.memory_space<vmem>>) target_semaphore(%run_scoped3A : memref<!tpu.dma_semaphore, #tpu.memory_space<semaphore_mem>>)
      %dma_wait3A_53 = arith.constant 0 : i32
      %dma_wait3A_54 = arith.constant 0 : i32
      %dma_wait3A_55 = tpu.memref_slice %arg3[%add3A, %dma_wait3A_53, %dma_wait3A_54] : memref<32x81x112xi32, #tpu.memory_space<hbm>> -> memref<1x81x112xi32, #tpu.memory_space<hbm>>
      %dma_wait3A_56 = tpu.memref_squeeze %dma_wait3A_55 : memref<1x81x112xi32, #tpu.memory_space<hbm>> -> memref<81x112xi32, #tpu.memory_space<hbm>>
      %dma_wait3A_57 = arith.constant 0 : i32
      %dma_wait3A_58 = arith.constant 0 : i32
      %dma_wait3A_59 = tpu.memref_slice %arg3[%add3A, %dma_wait3A_57, %dma_wait3A_58] : memref<32x81x112xi32, #tpu.memory_space<hbm>> -> memref<1x81x112xi32, #tpu.memory_space<hbm>>
      %dma_wait3A_60 = tpu.memref_squeeze %dma_wait3A_59 : memref<1x81x112xi32, #tpu.memory_space<hbm>> -> memref<81x112xi32, #tpu.memory_space<hbm>>
      tpu.wait_dma2 semaphore(%run_scoped3A : memref<!tpu.dma_semaphore, #tpu.memory_space<semaphore_mem>>) src(%dma_wait3A_60 : memref<81x112xi32, #tpu.memory_space<hbm>>) dst(%arg5 : memref<81x112xi32, #tpu.memory_space<vmem>>)
      tpu.yield
    }) : () -> ()
    %dma_start3A = arith.constant 0 : i32
    %dma_start3A_3 = arith.constant 0 : i32
    %dma_start3A_4 = tpu.memref_slice %arg5[%dma_start3A, %dma_start3A_3] : memref<81x112xi32, #tpu.memory_space<vmem>> -> memref<1x112xi32, #tpu.memory_space<vmem>>
    %dma_start3A_5 = tpu.memref_squeeze %dma_start3A_4 : memref<1x112xi32, #tpu.memory_space<vmem>> -> memref<112xi32, #tpu.memory_space<vmem>>
    %dma_start3A_6 = arith.constant 0 : i32
    %dma_start3A_7 = arith.constant 0 : i32
    %dma_start3A_8 = tpu.memref_slice %arg2[%dma_start3A_6, %dma_start3A_7] : memref<163848x128xf32, #tpu.memory_space<hbm>> -> memref<163848x128xf32, #tpu.memory_space<hbm>>
    tpu.enqueue_indirect_dma source(%dma_start3A_8 : memref<163848x128xf32, #tpu.memory_space<hbm>>) target(%arg6 : memref<112x128xf32, #tpu.memory_space<vmem>>) offsets(%dma_start3A_5 : memref<112xi32, #tpu.memory_space<vmem>>) semaphore(%arg12 : memref<!tpu.dma_semaphore, #tpu.memory_space<semaphore_mem>>)
    %dma_start3A_9 = arith.constant 1 : i32
    %dma_start3A_10 = arith.constant 0 : i32
    %dma_start3A_11 = tpu.memref_slice %arg5[%dma_start3A_9, %dma_start3A_10] : memref<81x112xi32, #tpu.memory_space<vmem>> -> memref<1x112xi32, #tpu.memory_space<vmem>>
    %dma_start3A_12 = tpu.memref_squeeze %dma_start3A_11 : memref<1x112xi32, #tpu.memory_space<vmem>> -> memref<112xi32, #tpu.memory_space<vmem>>
    %dma_start3A_13 = arith.constant 0 : i32
    %dma_start3A_14 = arith.constant 0 : i32
    %dma_start3A_15 = tpu.memref_slice %arg2[%dma_start3A_13, %dma_start3A_14] : memref<163848x128xf32, #tpu.memory_space<hbm>> -> memref<163848x128xf32, #tpu.memory_space<hbm>>
    tpu.enqueue_indirect_dma source(%dma_start3A_15 : memref<163848x128xf32, #tpu.memory_space<hbm>>) target(%arg7 : memref<112x128xf32, #tpu.memory_space<vmem>>) offsets(%dma_start3A_12 : memref<112xi32, #tpu.memory_space<vmem>>) semaphore(%arg13 : memref<!tpu.dma_semaphore, #tpu.memory_space<semaphore_mem>>)
    %dma_start3A_16 = arith.constant 2 : i32
    %dma_start3A_17 = arith.constant 0 : i32
    %dma_start3A_18 = tpu.memref_slice %arg5[%dma_start3A_16, %dma_start3A_17] : memref<81x112xi32, #tpu.memory_space<vmem>> -> memref<1x112xi32, #tpu.memory_space<vmem>>
    %dma_start3A_19 = tpu.memref_squeeze %dma_start3A_18 : memref<1x112xi32, #tpu.memory_space<vmem>> -> memref<112xi32, #tpu.memory_space<vmem>>
    %dma_start3A_20 = arith.constant 0 : i32
    %dma_start3A_21 = arith.constant 0 : i32
    %dma_start3A_22 = tpu.memref_slice %arg2[%dma_start3A_20, %dma_start3A_21] : memref<163848x128xf32, #tpu.memory_space<hbm>> -> memref<163848x128xf32, #tpu.memory_space<hbm>>
    tpu.enqueue_indirect_dma source(%dma_start3A_22 : memref<163848x128xf32, #tpu.memory_space<hbm>>) target(%arg8 : memref<112x128xf32, #tpu.memory_space<vmem>>) offsets(%dma_start3A_19 : memref<112xi32, #tpu.memory_space<vmem>>) semaphore(%arg14 : memref<!tpu.dma_semaphore, #tpu.memory_space<semaphore_mem>>)
    %scan3A = arith.constant 0 : i32
    %scan3A_23 = arith.constant 0 : i32
    %scan3A_24 = arith.constant 27 : i32
    %scan3A_25 = arith.addi %scan3A_23, %scan3A_24 : i32
    %scan3A_26 = arith.constant 1 : i32
    scf.for %scan3A_45 = %scan3A_23 to %scan3A_25 step %scan3A_26  : i32 {
      %mul3A_46 = arith.constant 3 : i32
      %mul3A_47 = arith.muli %scan3A_45, %mul3A_46 : i32
      %add3A_48 = arith.constant 0 : i32
      %add3A_49 = arith.addi %mul3A_47, %add3A_48 : i32
      %dma_wait3A_50 = arith.constant 0 : i32
      %dma_wait3A_51 = tpu.memref_slice %arg5[%add3A_49, %dma_wait3A_50] : memref<81x112xi32, #tpu.memory_space<vmem>> -> memref<1x112xi32, #tpu.memory_space<vmem>>
      %dma_wait3A_52 = tpu.memref_squeeze %dma_wait3A_51 : memref<1x112xi32, #tpu.memory_space<vmem>> -> memref<112xi32, #tpu.memory_space<vmem>>
      %dma_wait3A_53 = arith.constant 0 : i32
      %dma_wait3A_54 = arith.constant 0 : i32
      %dma_wait3A_55 = tpu.memref_slice %arg2[%dma_wait3A_53, %dma_wait3A_54] : memref<163848x128xf32, #tpu.memory_space<hbm>> -> memref<163848x128xf32, #tpu.memory_space<hbm>>
      tpu.wait_indirect_dma semaphore(%arg12 : memref<!tpu.dma_semaphore, #tpu.memory_space<semaphore_mem>>) src(%dma_wait3A_55 : memref<163848x128xf32, #tpu.memory_space<hbm>>) dst(%arg6 : memref<112x128xf32, #tpu.memory_space<vmem>>)
      %gt3A = arith.constant 0 : i32
      %gt3A_56 = arith.cmpi sgt, %scan3A_45, %gt3A : i32
      %convert_element_type3A = arith.extui %gt3A_56 : i1 to i32
      %cond3A = arith.constant 0 : i32
      %cond3A_57 = arith.cmpi ne, %convert_element_type3A, %cond3A : i32
      scf.if %cond3A_57 {
        %sub3A = arith.constant 3 : i32
        %sub3A_147 = arith.subi %add3A_49, %sub3A : i32
        %mul3A_148 = arith.constant 16 : i32
        %mul3A_149 = arith.muli %sub3A_147, %mul3A_148 : i32
        %add3A_150 = arith.addi %mul3A_2, %mul3A_149 : i32
        %dma_wait3A_151 = arith.constant 0 : i32
        %dma_wait3A_152 = tpu.memref_slice %arg4[%add3A_150, %dma_wait3A_151] : memref<41472x128xf32, #tpu.memory_space<hbm>> -> memref<16x128xf32, #tpu.memory_space<hbm>>
        %dma_wait3A_153 = arith.constant 0 : i32
        %dma_wait3A_154 = tpu.memref_slice %arg4[%add3A_150, %dma_wait3A_153] : memref<41472x128xf32, #tpu.memory_space<hbm>> -> memref<16x128xf32, #tpu.memory_space<hbm>>
        tpu.wait_dma2 semaphore(%arg15 : memref<!tpu.dma_semaphore, #tpu.memory_space<semaphore_mem>>) src(%arg9 : memref<16x128xf32, #tpu.memory_space<vmem>>) dst(%dma_wait3A_154 : memref<16x128xf32, #tpu.memory_space<hbm>>)
      } else {
      }
      %scan3A_58 = arith.constant 0 : i32
      %scan3A_59 = arith.constant 0 : i32
      %scan3A_60 = arith.constant 16 : i32
      %scan3A_61 = arith.addi %scan3A_59, %scan3A_60 : i32
      %scan3A_62 = arith.constant 1 : i32
      scf.for %scan3A_147 = %scan3A_59 to %scan3A_61 step %scan3A_62  : i32 {
        %mul3A_148 = arith.constant 7 : i32
        %mul3A_149 = arith.muli %scan3A_147, %mul3A_148 : i32
        %get3A = arith.index_cast %mul3A_149 : i32 to index
        %get3A_150 = arith.constant 0 : index
        %get3A_151 = tpu.vector_load %arg6[%get3A, %get3A_150] {strides = array<i32>} : memref<112x128xf32, #tpu.memory_space<vmem>>, vector<1x16xf32>,
        %get3A_152 = vector.shape_cast %get3A_151 : vector<1x16xf32> to vector<16xf32>
        %mul3A_153 = arith.constant 7 : i32
        %mul3A_154 = arith.muli %scan3A_147, %mul3A_153 : i32
        %add3A_155 = arith.constant 1 : i32
        %add3A_156 = arith.addi %mul3A_154, %add3A_155 : i32
        %get3A_157 = arith.index_cast %add3A_156 : i32 to index
        %get3A_158 = arith.constant 0 : index
        %get3A_159 = tpu.vector_load %arg6[%get3A_157, %get3A_158] {strides = array<i32>} : memref<112x128xf32, #tpu.memory_space<vmem>>, vector<1x16xf32>,
        %get3A_160 = vector.shape_cast %get3A_159 : vector<1x16xf32> to vector<16xf32>
        %add3A_161 = arith.addf %get3A_152, %get3A_160 : vector<16xf32>
        %mul3A_162 = arith.constant 7 : i32
        %mul3A_163 = arith.muli %scan3A_147, %mul3A_162 : i32
        %add3A_164 = arith.constant 2 : i32
        %add3A_165 = arith.addi %mul3A_163, %add3A_164 : i32
        %get3A_166 = arith.index_cast %add3A_165 : i32 to index
        %get3A_167 = arith.constant 0 : index
        %get3A_168 = tpu.vector_load %arg6[%get3A_166, %get3A_167] {strides = array<i32>} : memref<112x128xf32, #tpu.memory_space<vmem>>, vector<1x16xf32>,
        %get3A_169 = vector.shape_cast %get3A_168 : vector<1x16xf32> to vector<16xf32>
        %add3A_170 = arith.addf %add3A_161, %get3A_169 : vector<16xf32>
        %mul3A_171 = arith.constant 7 : i32
        %mul3A_172 = arith.muli %scan3A_147, %mul3A_171 : i32
        %add3A_173 = arith.constant 3 : i32
        %add3A_174 = arith.addi %mul3A_172, %add3A_173 : i32
        %get3A_175 = arith.index_cast %add3A_174 : i32 to index
        %get3A_176 = arith.constant 0 : index
        %get3A_177 = tpu.vector_load %arg6[%get3A_175, %get3A_176] {strides = array<i32>} : memref<112x128xf32, #tpu.memory_space<vmem>>, vector<1x16xf32>,
        %get3A_178 = vector.shape_cast %get3A_177 : vector<1x16xf32> to vector<16xf32>
        %add3A_179 = arith.addf %add3A_170, %get3A_178 : vector<16xf32>
        %mul3A_180 = arith.constant 7 : i32
        %mul3A_181 = arith.muli %scan3A_147, %mul3A_180 : i32
        %add3A_182 = arith.constant 4 : i32
        %add3A_183 = arith.addi %mul3A_181, %add3A_182 : i32
        %get3A_184 = arith.index_cast %add3A_183 : i32 to index
        %get3A_185 = arith.constant 0 : index
        %get3A_186 = tpu.vector_load %arg6[%get3A_184, %get3A_185] {strides = array<i32>} : memref<112x128xf32, #tpu.memory_space<vmem>>, vector<1x16xf32>,
        %get3A_187 = vector.shape_cast %get3A_186 : vector<1x16xf32> to vector<16xf32>
        %add3A_188 = arith.addf %add3A_179, %get3A_187 : vector<16xf32>
        %mul3A_189 = arith.constant 7 : i32
        %mul3A_190 = arith.muli %scan3A_147, %mul3A_189 : i32
        %add3A_191 = arith.constant 5 : i32
        %add3A_192 = arith.addi %mul3A_190, %add3A_191 : i32
        %get3A_193 = arith.index_cast %add3A_192 : i32 to index
        %get3A_194 = arith.constant 0 : index
        %get3A_195 = tpu.vector_load %arg6[%get3A_193, %get3A_194] {strides = array<i32>} : memref<112x128xf32, #tpu.memory_space<vmem>>, vector<1x16xf32>,
        %get3A_196 = vector.shape_cast %get3A_195 : vector<1x16xf32> to vector<16xf32>
        %add3A_197 = arith.addf %add3A_188, %get3A_196 : vector<16xf32>
        %mul3A_198 = arith.constant 7 : i32
        %mul3A_199 = arith.muli %scan3A_147, %mul3A_198 : i32
        %add3A_200 = arith.constant 6 : i32
        %add3A_201 = arith.addi %mul3A_199, %add3A_200 : i32
        %get3A_202 = arith.index_cast %add3A_201 : i32 to index
        %get3A_203 = arith.constant 0 : index
        %get3A_204 = tpu.vector_load %arg6[%get3A_202, %get3A_203] {strides = array<i32>} : memref<112x128xf32, #tpu.memory_space<vmem>>, vector<1x16xf32>,
        %get3A_205 = vector.shape_cast %get3A_204 : vector<1x16xf32> to vector<16xf32>
        %add3A_206 = arith.addf %add3A_197, %get3A_205 : vector<16xf32>
        %swap3A = arith.index_cast %scan3A_147 : i32 to index
        %swap3A_207 = arith.constant 0 : index
        %swap3A_208 = tpu.vector_load %arg9[%swap3A, %swap3A_207] {strides = array<i32>} : memref<16x128xf32, #tpu.memory_space<vmem>>, vector<1x16xf32>,
        %swap3A_209 = vector.shape_cast %swap3A_208 : vector<1x16xf32> to vector<16xf32>
        %swap3A_210 = vector.shape_cast %add3A_206 : vector<16xf32> to vector<1x16xf32>
        tpu.vector_store %arg9[%swap3A, %swap3A_207], %swap3A_210 {strides = array<i32>} : memref<16x128xf32, #tpu.memory_space<vmem>>, vector<1x16xf32>,
        %mul3A_211 = arith.constant 7 : i32
        %mul3A_212 = arith.muli %scan3A_147, %mul3A_211 : i32
        %get3A_213 = arith.index_cast %mul3A_212 : i32 to index
        %get3A_214 = arith.constant 16 : index
        %get3A_215 = tpu.vector_load %arg6[%get3A_213, %get3A_214] {strides = array<i32>} : memref<112x128xf32, #tpu.memory_space<vmem>>, vector<1x16xf32>,
        %get3A_216 = vector.shape_cast %get3A_215 : vector<1x16xf32> to vector<16xf32>
        %mul3A_217 = arith.constant 7 : i32
        %mul3A_218 = arith.muli %scan3A_147, %mul3A_217 : i32
        %add3A_219 = arith.constant 1 : i32
        %add3A_220 = arith.addi %mul3A_218, %add3A_219 : i32
        %get3A_221 = arith.index_cast %add3A_220 : i32 to index
        %get3A_222 = arith.constant 16 : index
        %get3A_223 = tpu.vector_load %arg6[%get3A_221, %get3A_222] {strides = array<i32>} : memref<112x128xf32, #tpu.memory_space<vmem>>, vector<1x16xf32>,
        %get3A_224 = vector.shape_cast %get3A_223 : vector<1x16xf32> to vector<16xf32>
        %add3A_225 = arith.addf %get3A_216, %get3A_224 : vector<16xf32>
        %mul3A_226 = arith.constant 7 : i32
        %mul3A_227 = arith.muli %scan3A_147, %mul3A_226 : i32
        %add3A_228 = arith.constant 2 : i32
        %add3A_229 = arith.addi %mul3A_227, %add3A_228 : i32
        %get3A_230 = arith.index_cast %add3A_229 : i32 to index
        %get3A_231 = arith.constant 16 : index
        %get3A_232 = tpu.vector_load %arg6[%get3A_230, %get3A_231] {strides = array<i32>} : memref<112x128xf32, #tpu.memory_space<vmem>>, vector<1x16xf32>,
        %get3A_233 = vector.shape_cast %get3A_232 : vector<1x16xf32> to vector<16xf32>
        %add3A_234 = arith.addf %add3A_225, %get3A_233 : vector<16xf32>
        %mul3A_235 = arith.constant 7 : i32
        %mul3A_236 = arith.muli %scan3A_147, %mul3A_235 : i32
        %add3A_237 = arith.constant 3 : i32
        %add3A_238 = arith.addi %mul3A_236, %add3A_237 : i32
        %get3A_239 = arith.index_cast %add3A_238 : i32 to index
        %get3A_240 = arith.constant 16 : index
        %get3A_241 = tpu.vector_load %arg6[%get3A_239, %get3A_240] {strides = array<i32>} : memref<112x128xf32, #tpu.memory_space<vmem>>, vector<1x16xf32>,
        %get3A_242 = vector.shape_cast %get3A_241 : vector<1x16xf32> to vector<16xf32>
        %add3A_243 = arith.addf %add3A_234, %get3A_242 : vector<16xf32>
        %mul3A_244 = arith.constant 7 : i32
        %mul3A_245 = arith.muli %scan3A_147, %mul3A_244 : i32
        %add3A_246 = arith.constant 4 : i32
        %add3A_247 = arith.addi %mul3A_245, %add3A_246 : i32
        %get3A_248 = arith.index_cast %add3A_247 : i32 to index
        %get3A_249 = arith.constant 16 : index
        %get3A_250 = tpu.vector_load %arg6[%get3A_248, %get3A_249] {strides = array<i32>} : memref<112x128xf32, #tpu.memory_space<vmem>>, vector<1x16xf32>,
        %get3A_251 = vector.shape_cast %get3A_250 : vector<1x16xf32> to vector<16xf32>
        %add3A_252 = arith.addf %add3A_243, %get3A_251 : vector<16xf32>
        %mul3A_253 = arith.constant 7 : i32
        %mul3A_254 = arith.muli %scan3A_147, %mul3A_253 : i32
        %add3A_255 = arith.constant 5 : i32
        %add3A_256 = arith.addi %mul3A_254, %add3A_255 : i32
        %get3A_257 = arith.index_cast %add3A_256 : i32 to index
        %get3A_258 = arith.constant 16 : index
        %get3A_259 = tpu.vector_load %arg6[%get3A_257, %get3A_258] {strides = array<i32>} : memref<112x128xf32, #tpu.memory_space<vmem>>, vector<1x16xf32>,
        %get3A_260 = vector.shape_cast %get3A_259 : vector<1x16xf32> to vector<16xf32>
        %add3A_261 = arith.addf %add3A_252, %get3A_260 : vector<16xf32>
        %mul3A_262 = arith.constant 7 : i32
        %mul3A_263 = arith.muli %scan3A_147, %mul3A_262 : i32
        %add3A_264 = arith.constant 6 : i32
        %add3A_265 = arith.addi %mul3A_263, %add3A_264 : i32
        %get3A_266 = arith.index_cast %add3A_265 : i32 to index
        %get3A_267 = arith.constant 16 : index
        %get3A_268 = tpu.vector_load %arg6[%get3A_266, %get3A_267] {strides = array<i32>} : memref<112x128xf32, #tpu.memory_space<vmem>>, vector<1x16xf32>,
        %get3A_269 = vector.shape_cast %get3A_268 : vector<1x16xf32> to vector<16xf32>
        %add3A_270 = arith.addf %add3A_261, %get3A_269 : vector<16xf32>
        %swap3A_271 = arith.index_cast %scan3A_147 : i32 to index
        %swap3A_272 = arith.constant 16 : index
        %swap3A_273 = tpu.vector_load %arg9[%swap3A_271, %swap3A_272] {strides = array<i32>} : memref<16x128xf32, #tpu.memory_space<vmem>>, vector<1x16xf32>,
        %swap3A_274 = vector.shape_cast %swap3A_273 : vector<1x16xf32> to vector<16xf32>
        %swap3A_275 = vector.shape_cast %add3A_270 : vector<16xf32> to vector<1x16xf32>
        tpu.vector_store %arg9[%swap3A_271, %swap3A_272], %swap3A_275 {strides = array<i32>} : memref<16x128xf32, #tpu.memory_space<vmem>>, vector<1x16xf32>,
        %mul3A_276 = arith.constant 7 : i32
        %mul3A_277 = arith.muli %scan3A_147, %mul3A_276 : i32
        %get3A_278 = arith.index_cast %mul3A_277 : i32 to index
        %get3A_279 = arith.constant 32 : index
        %get3A_280 = tpu.vector_load %arg6[%get3A_278, %get3A_279] {strides = array<i32>} : memref<112x128xf32, #tpu.memory_space<vmem>>, vector<1x16xf32>,
        %get3A_281 = vector.shape_cast %get3A_280 : vector<1x16xf32> to vector<16xf32>
        %mul3A_282 = arith.constant 7 : i32
        %mul3A_283 = arith.muli %scan3A_147, %mul3A_282 : i32
        %add3A_284 = arith.constant 1 : i32
        %add3A_285 = arith.addi %mul3A_283, %add3A_284 : i32
        %get3A_286 = arith.index_cast %add3A_285 : i32 to index
        %get3A_287 = arith.constant 32 : index
        %get3A_288 = tpu.vector_load %arg6[%get3A_286, %get3A_287] {strides = array<i32>} : memref<112x128xf32, #tpu.memory_space<vmem>>, vector<1x16xf32>,
        %get3A_289 = vector.shape_cast %get3A_288 : vector<1x16xf32> to vector<16xf32>
        %add3A_290 = arith.addf %get3A_281, %get3A_289 : vector<16xf32>
        %mul3A_291 = arith.constant 7 : i32
        %mul3A_292 = arith.muli %scan3A_147, %mul3A_291 : i32
        %add3A_293 = arith.constant 2 : i32
        %add3A_294 = arith.addi %mul3A_292, %add3A_293 : i32
        %get3A_295 = arith.index_cast %add3A_294 : i32 to index
        %get3A_296 = arith.constant 32 : index
        %get3A_297 = tpu.vector_load %arg6[%get3A_295, %get3A_296] {strides = array<i32>} : memref<112x128xf32, #tpu.memory_space<vmem>>, vector<1x16xf32>,
        %get3A_298 = vector.shape_cast %get3A_297 : vector<1x16xf32> to vector<16xf32>
        %add3A_299 = arith.addf %add3A_290, %get3A_298 : vector<16xf32>
        %mul3A_300 = arith.constant 7 : i32
        %mul3A_301 = arith.muli %scan3A_147, %mul3A_300 : i32
        %add3A_302 = arith.constant 3 : i32
        %add3A_303 = arith.addi %mul3A_301, %add3A_302 : i32
        %get3A_304 = arith.index_cast %add3A_303 : i32 to index
        %get3A_305 = arith.constant 32 : index
        %get3A_306 = tpu.vector_load %arg6[%get3A_304, %get3A_305] {strides = array<i32>} : memref<112x128xf32, #tpu.memory_space<vmem>>, vector<1x16xf32>,
        %get3A_307 = vector.shape_cast %get3A_306 : vector<1x16xf32> to vector<16xf32>
        %add3A_308 = arith.addf %add3A_299, %get3A_307 : vector<16xf32>
        %mul3A_309 = arith.constant 7 : i32
        %mul3A_310 = arith.muli %scan3A_147, %mul3A_309 : i32
        %add3A_311 = arith.constant 4 : i32
        %add3A_312 = arith.addi %mul3A_310, %add3A_311 : i32
        %get3A_313 = arith.index_cast %add3A_312 : i32 to index
        %get3A_314 = arith.constant 32 : index
        %get3A_315 = tpu.vector_load %arg6[%get3A_313, %get3A_314] {strides = array<i32>} : memref<112x128xf32, #tpu.memory_space<vmem>>, vector<1x16xf32>,
        %get3A_316 = vector.shape_cast %get3A_315 : vector<1x16xf32> to vector<16xf32>
        %add3A_317 = arith.addf %add3A_308, %get3A_316 : vector<16xf32>
        %mul3A_318 = arith.constant 7 : i32
        %mul3A_319 = arith.muli %scan3A_147, %mul3A_318 : i32
        %add3A_320 = arith.constant 5 : i32
        %add3A_321 = arith.addi %mul3A_319, %add3A_320 : i32
        %get3A_322 = arith.index_cast %add3A_321 : i32 to index
        %get3A_323 = arith.constant 32 : index
        %get3A_324 = tpu.vector_load %arg6[%get3A_322, %get3A_323] {strides = array<i32>} : memref<112x128xf32, #tpu.memory_space<vmem>>, vector<1x16xf32>,
        %get3A_325 = vector.shape_cast %get3A_324 : vector<1x16xf32> to vector<16xf32>
        %add3A_326 = arith.addf %add3A_317, %get3A_325 : vector<16xf32>
        %mul3A_327 = arith.constant 7 : i32
        %mul3A_328 = arith.muli %scan3A_147, %mul3A_327 : i32
        %add3A_329 = arith.constant 6 : i32
        %add3A_330 = arith.addi %mul3A_328, %add3A_329 : i32
        %get3A_331 = arith.index_cast %add3A_330 : i32 to index
        %get3A_332 = arith.constant 32 : index
        %get3A_333 = tpu.vector_load %arg6[%get3A_331, %get3A_332] {strides = array<i32>} : memref<112x128xf32, #tpu.memory_space<vmem>>, vector<1x16xf32>,
        %get3A_334 = vector.shape_cast %get3A_333 : vector<1x16xf32> to vector<16xf32>
        %add3A_335 = arith.addf %add3A_326, %get3A_334 : vector<16xf32>
        %swap3A_336 = arith.index_cast %scan3A_147 : i32 to index
        %swap3A_337 = arith.constant 32 : index
        %swap3A_338 = tpu.vector_load %arg9[%swap3A_336, %swap3A_337] {strides = array<i32>} : memref<16x128xf32, #tpu.memory_space<vmem>>, vector<1x16xf32>,
        %swap3A_339 = vector.shape_cast %swap3A_338 : vector<1x16xf32> to vector<16xf32>
        %swap3A_340 = vector.shape_cast %add3A_335 : vector<16xf32> to vector<1x16xf32>
        tpu.vector_store %arg9[%swap3A_336, %swap3A_337], %swap3A_340 {strides = array<i32>} : memref<16x128xf32, #tpu.memory_space<vmem>>, vector<1x16xf32>,
        %mul3A_341 = arith.constant 7 : i32
        %mul3A_342 = arith.muli %scan3A_147, %mul3A_341 : i32
        %get3A_343 = arith.index_cast %mul3A_342 : i32 to index
        %get3A_344 = arith.constant 48 : index
        %get3A_345 = tpu.vector_load %arg6[%get3A_343, %get3A_344] {strides = array<i32>} : memref<112x128xf32, #tpu.memory_space<vmem>>, vector<1x16xf32>,
        %get3A_346 = vector.shape_cast %get3A_345 : vector<1x16xf32> to vector<16xf32>
        %mul3A_347 = arith.constant 7 : i32
        %mul3A_348 = arith.muli %scan3A_147, %mul3A_347 : i32
        %add3A_349 = arith.constant 1 : i32
        %add3A_350 = arith.addi %mul3A_348, %add3A_349 : i32
        %get3A_351 = arith.index_cast %add3A_350 : i32 to index
        %get3A_352 = arith.constant 48 : index
        %get3A_353 = tpu.vector_load %arg6[%get3A_351, %get3A_352] {strides = array<i32>} : memref<112x128xf32, #tpu.memory_space<vmem>>, vector<1x16xf32>,
        %get3A_354 = vector.shape_cast %get3A_353 : vector<1x16xf32> to vector<16xf32>
        %add3A_355 = arith.addf %get3A_346, %get3A_354 : vector<16xf32>
        %mul3A_356 = arith.constant 7 : i32
        %mul3A_357 = arith.muli %scan3A_147, %mul3A_356 : i32
        %add3A_358 = arith.constant 2 : i32
        %add3A_359 = arith.addi %mul3A_357, %add3A_358 : i32
        %get3A_360 = arith.index_cast %add3A_359 : i32 to index
        %get3A_361 = arith.constant 48 : index
        %get3A_362 = tpu.vector_load %arg6[%get3A_360, %get3A_361] {strides = array<i32>} : memref<112x128xf32, #tpu.memory_space<vmem>>, vector<1x16xf32>,
        %get3A_363 = vector.shape_cast %get3A_362 : vector<1x16xf32> to vector<16xf32>
        %add3A_364 = arith.addf %add3A_355, %get3A_363 : vector<16xf32>
        %mul3A_365 = arith.constant 7 : i32
        %mul3A_366 = arith.muli %scan3A_147, %mul3A_365 : i32
        %add3A_367 = arith.constant 3 : i32
        %add3A_368 = arith.addi %mul3A_366, %add3A_367 : i32
        %get3A_369 = arith.index_cast %add3A_368 : i32 to index
        %get3A_370 = arith.constant 48 : index
        %get3A_371 = tpu.vector_load %arg6[%get3A_369, %get3A_370] {strides = array<i32>} : memref<112x128xf32, #tpu.memory_space<vmem>>, vector<1x16xf32>,
        %get3A_372 = vector.shape_cast %get3A_371 : vector<1x16xf32> to vector<16xf32>
        %add3A_373 = arith.addf %add3A_364, %get3A_372 : vector<16xf32>
        %mul3A_374 = arith.constant 7 : i32
        %mul3A_375 = arith.muli %scan3A_147, %mul3A_374 : i32
        %add3A_376 = arith.constant 4 : i32
        %add3A_377 = arith.addi %mul3A_375, %add3A_376 : i32
        %get3A_378 = arith.index_cast %add3A_377 : i32 to index
        %get3A_379 = arith.constant 48 : index
        %get3A_380 = tpu.vector_load %arg6[%get3A_378, %get3A_379] {strides = array<i32>} : memref<112x128xf32, #tpu.memory_space<vmem>>, vector<1x16xf32>,
        %get3A_381 = vector.shape_cast %get3A_380 : vector<1x16xf32> to vector<16xf32>
        %add3A_382 = arith.addf %add3A_373, %get3A_381 : vector<16xf32>
        %mul3A_383 = arith.constant 7 : i32
        %mul3A_384 = arith.muli %scan3A_147, %mul3A_383 : i32
        %add3A_385 = arith.constant 5 : i32
        %add3A_386 = arith.addi %mul3A_384, %add3A_385 : i32
        %get3A_387 = arith.index_cast %add3A_386 : i32 to index
        %get3A_388 = arith.constant 48 : index
        %get3A_389 = tpu.vector_load %arg6[%get3A_387, %get3A_388] {strides = array<i32>} : memref<112x128xf32, #tpu.memory_space<vmem>>, vector<1x16xf32>,
        %get3A_390 = vector.shape_cast %get3A_389 : vector<1x16xf32> to vector<16xf32>
        %add3A_391 = arith.addf %add3A_382, %get3A_390 : vector<16xf32>
        %mul3A_392 = arith.constant 7 : i32
        %mul3A_393 = arith.muli %scan3A_147, %mul3A_392 : i32
        %add3A_394 = arith.constant 6 : i32
        %add3A_395 = arith.addi %mul3A_393, %add3A_394 : i32
        %get3A_396 = arith.index_cast %add3A_395 : i32 to index
        %get3A_397 = arith.constant 48 : index
        %get3A_398 = tpu.vector_load %arg6[%get3A_396, %get3A_397] {strides = array<i32>} : memref<112x128xf32, #tpu.memory_space<vmem>>, vector<1x16xf32>,
        %get3A_399 = vector.shape_cast %get3A_398 : vector<1x16xf32> to vector<16xf32>
        %add3A_400 = arith.addf %add3A_391, %get3A_399 : vector<16xf32>
        %swap3A_401 = arith.index_cast %scan3A_147 : i32 to index
        %swap3A_402 = arith.constant 48 : index
        %swap3A_403 = tpu.vector_load %arg9[%swap3A_401, %swap3A_402] {strides = array<i32>} : memref<16x128xf32, #tpu.memory_space<vmem>>, vector<1x16xf32>,
        %swap3A_404 = vector.shape_cast %swap3A_403 : vector<1x16xf32> to vector<16xf32>
        %swap3A_405 = vector.shape_cast %add3A_400 : vector<16xf32> to vector<1x16xf32>
        tpu.vector_store %arg9[%swap3A_401, %swap3A_402], %swap3A_405 {strides = array<i32>} : memref<16x128xf32, #tpu.memory_space<vmem>>, vector<1x16xf32>,
        %mul3A_406 = arith.constant 7 : i32
        %mul3A_407 = arith.muli %scan3A_147, %mul3A_406 : i32
        %get3A_408 = arith.index_cast %mul3A_407 : i32 to index
        %get3A_409 = arith.constant 64 : index
        %get3A_410 = tpu.vector_load %arg6[%get3A_408, %get3A_409] {strides = array<i32>} : memref<112x128xf32, #tpu.memory_space<vmem>>, vector<1x16xf32>,
        %get3A_411 = vector.shape_cast %get3A_410 : vector<1x16xf32> to vector<16xf32>
        %mul3A_412 = arith.constant 7 : i32
        %mul3A_413 = arith.muli %scan3A_147, %mul3A_412 : i32
        %add3A_414 = arith.constant 1 : i32
        %add3A_415 = arith.addi %mul3A_413, %add3A_414 : i32
        %get3A_416 = arith.index_cast %add3A_415 : i32 to index
        %get3A_417 = arith.constant 64 : index
        %get3A_418 = tpu.vector_load %arg6[%get3A_416, %get3A_417] {strides = array<i32>} : memref<112x128xf32, #tpu.memory_space<vmem>>, vector<1x16xf32>,
        %get3A_419 = vector.shape_cast %get3A_418 : vector<1x16xf32> to vector<16xf32>
        %add3A_420 = arith.addf %get3A_411, %get3A_419 : vector<16xf32>
        %mul3A_421 = arith.constant 7 : i32
        %mul3A_422 = arith.muli %scan3A_147, %mul3A_421 : i32
        %add3A_423 = arith.constant 2 : i32
        %add3A_424 = arith.addi %mul3A_422, %add3A_423 : i32
        %get3A_425 = arith.index_cast %add3A_424 : i32 to index
        %get3A_426 = arith.constant 64 : index
        %get3A_427 = tpu.vector_load %arg6[%get3A_425, %get3A_426] {strides = array<i32>} : memref<112x128xf32, #tpu.memory_space<vmem>>, vector<1x16xf32>,
        %get3A_428 = vector.shape_cast %get3A_427 : vector<1x16xf32> to vector<16xf32>
        %add3A_429 = arith.addf %add3A_420, %get3A_428 : vector<16xf32>
        %mul3A_430 = arith.constant 7 : i32
        %mul3A_431 = arith.muli %scan3A_147, %mul3A_430 : i32
        %add3A_432 = arith.constant 3 : i32
        %add3A_433 = arith.addi %mul3A_431, %add3A_432 : i32
        %get3A_434 = arith.index_cast %add3A_433 : i32 to index
        %get3A_435 = arith.constant 64 : index
        %get3A_436 = tpu.vector_load %arg6[%get3A_434, %get3A_435] {strides = array<i32>} : memref<112x128xf32, #tpu.memory_space<vmem>>, vector<1x16xf32>,
        %get3A_437 = vector.shape_cast %get3A_436 : vector<1x16xf32> to vector<16xf32>
        %add3A_438 = arith.addf %add3A_429, %get3A_437 : vector<16xf32>
        %mul3A_439 = arith.constant 7 : i32
        %mul3A_440 = arith.muli %scan3A_147, %mul3A_439 : i32
        %add3A_441 = arith.constant 4 : i32
        %add3A_442 = arith.addi %mul3A_440, %add3A_441 : i32
        %get3A_443 = arith.index_cast %add3A_442 : i32 to index
        %get3A_444 = arith.constant 64 : index
        %get3A_445 = tpu.vector_load %arg6[%get3A_443, %get3A_444] {strides = array<i32>} : memref<112x128xf32, #tpu.memory_space<vmem>>, vector<1x16xf32>,
        %get3A_446 = vector.shape_cast %get3A_445 : vector<1x16xf32> to vector<16xf32>
        %add3A_447 = arith.addf %add3A_438, %get3A_446 : vector<16xf32>
        %mul3A_448 = arith.constant 7 : i32
        %mul3A_449 = arith.muli %scan3A_147, %mul3A_448 : i32
        %add3A_450 = arith.constant 5 : i32
        %add3A_451 = arith.addi %mul3A_449, %add3A_450 : i32
        %get3A_452 = arith.index_cast %add3A_451 : i32 to index
        %get3A_453 = arith.constant 64 : index
        %get3A_454 = tpu.vector_load %arg6[%get3A_452, %get3A_453] {strides = array<i32>} : memref<112x128xf32, #tpu.memory_space<vmem>>, vector<1x16xf32>,
        %get3A_455 = vector.shape_cast %get3A_454 : vector<1x16xf32> to vector<16xf32>
        %add3A_456 = arith.addf %add3A_447, %get3A_455 : vector<16xf32>
        %mul3A_457 = arith.constant 7 : i32
        %mul3A_458 = arith.muli %scan3A_147, %mul3A_457 : i32
        %add3A_459 = arith.constant 6 : i32
        %add3A_460 = arith.addi %mul3A_458, %add3A_459 : i32
        %get3A_461 = arith.index_cast %add3A_460 : i32 to index
        %get3A_462 = arith.constant 64 : index
        %get3A_463 = tpu.vector_load %arg6[%get3A_461, %get3A_462] {strides = array<i32>} : memref<112x128xf32, #tpu.memory_space<vmem>>, vector<1x16xf32>,
        %get3A_464 = vector.shape_cast %get3A_463 : vector<1x16xf32> to vector<16xf32>
        %add3A_465 = arith.addf %add3A_456, %get3A_464 : vector<16xf32>
        %swap3A_466 = arith.index_cast %scan3A_147 : i32 to index
        %swap3A_467 = arith.constant 64 : index
        %swap3A_468 = tpu.vector_load %arg9[%swap3A_466, %swap3A_467] {strides = array<i32>} : memref<16x128xf32, #tpu.memory_space<vmem>>, vector<1x16xf32>,
        %swap3A_469 = vector.shape_cast %swap3A_468 : vector<1x16xf32> to vector<16xf32>
        %swap3A_470 = vector.shape_cast %add3A_465 : vector<16xf32> to vector<1x16xf32>
        tpu.vector_store %arg9[%swap3A_466, %swap3A_467], %swap3A_470 {strides = array<i32>} : memref<16x128xf32, #tpu.memory_space<vmem>>, vector<1x16xf32>,
        %mul3A_471 = arith.constant 7 : i32
        %mul3A_472 = arith.muli %scan3A_147, %mul3A_471 : i32
        %get3A_473 = arith.index_cast %mul3A_472 : i32 to index
        %get3A_474 = arith.constant 80 : index
        %get3A_475 = tpu.vector_load %arg6[%get3A_473, %get3A_474] {strides = array<i32>} : memref<112x128xf32, #tpu.memory_space<vmem>>, vector<1x16xf32>,
        %get3A_476 = vector.shape_cast %get3A_475 : vector<1x16xf32> to vector<16xf32>
        %mul3A_477 = arith.constant 7 : i32
        %mul3A_478 = arith.muli %scan3A_147, %mul3A_477 : i32
        %add3A_479 = arith.constant 1 : i32
        %add3A_480 = arith.addi %mul3A_478, %add3A_479 : i32
        %get3A_481 = arith.index_cast %add3A_480 : i32 to index
        %get3A_482 = arith.constant 80 : index
        %get3A_483 = tpu.vector_load %arg6[%get3A_481, %get3A_482] {strides = array<i32>} : memref<112x128xf32, #tpu.memory_space<vmem>>, vector<1x16xf32>,
        %get3A_484 = vector.shape_cast %get3A_483 : vector<1x16xf32> to vector<16xf32>
        %add3A_485 = arith.addf %get3A_476, %get3A_484 : vector<16xf32>
        %mul3A_486 = arith.constant 7 : i32
        %mul3A_487 = arith.muli %scan3A_147, %mul3A_486 : i32
        %add3A_488 = arith.constant 2 : i32
        %add3A_489 = arith.addi %mul3A_487, %add3A_488 : i32
        %get3A_490 = arith.index_cast %add3A_489 : i32 to index
        %get3A_491 = arith.constant 80 : index
        %get3A_492 = tpu.vector_load %arg6[%get3A_490, %get3A_491] {strides = array<i32>} : memref<112x128xf32, #tpu.memory_space<vmem>>, vector<1x16xf32>,
        %get3A_493 = vector.shape_cast %get3A_492 : vector<1x16xf32> to vector<16xf32>
        %add3A_494 = arith.addf %add3A_485, %get3A_493 : vector<16xf32>
        %mul3A_495 = arith.constant 7 : i32
        %mul3A_496 = arith.muli %scan3A_147, %mul3A_495 : i32
        %add3A_497 = arith.constant 3 : i32
        %add3A_498 = arith.addi %mul3A_496, %add3A_497 : i32
        %get3A_499 = arith.index_cast %add3A_498 : i32 to index
        %get3A_500 = arith.constant 80 : index
        %get3A_501 = tpu.vector_load %arg6[%get3A_499, %get3A_500] {strides = array<i32>} : memref<112x128xf32, #tpu.memory_space<vmem>>, vector<1x16xf32>,
        %get3A_502 = vector.shape_cast %get3A_501 : vector<1x16xf32> to vector<16xf32>
        %add3A_503 = arith.addf %add3A_494, %get3A_502 : vector<16xf32>
        %mul3A_504 = arith.constant 7 : i32
        %mul3A_505 = arith.muli %scan3A_147, %mul3A_504 : i32
        %add3A_506 = arith.constant 4 : i32
        %add3A_507 = arith.addi %mul3A_505, %add3A_506 : i32
        %get3A_508 = arith.index_cast %add3A_507 : i32 to index
        %get3A_509 = arith.constant 80 : index
        %get3A_510 = tpu.vector_load %arg6[%get3A_508, %get3A_509] {strides = array<i32>} : memref<112x128xf32, #tpu.memory_space<vmem>>, vector<1x16xf32>,
        %get3A_511 = vector.shape_cast %get3A_510 : vector<1x16xf32> to vector<16xf32>
        %add3A_512 = arith.addf %add3A_503, %get3A_511 : vector<16xf32>
        %mul3A_513 = arith.constant 7 : i32
        %mul3A_514 = arith.muli %scan3A_147, %mul3A_513 : i32
        %add3A_515 = arith.constant 5 : i32
        %add3A_516 = arith.addi %mul3A_514, %add3A_515 : i32
        %get3A_517 = arith.index_cast %add3A_516 : i32 to index
        %get3A_518 = arith.constant 80 : index
        %get3A_519 = tpu.vector_load %arg6[%get3A_517, %get3A_518] {strides = array<i32>} : memref<112x128xf32, #tpu.memory_space<vmem>>, vector<1x16xf32>,
        %get3A_520 = vector.shape_cast %get3A_519 : vector<1x16xf32> to vector<16xf32>
        %add3A_521 = arith.addf %add3A_512, %get3A_520 : vector<16xf32>
        %mul3A_522 = arith.constant 7 : i32
        %mul3A_523 = arith.muli %scan3A_147, %mul3A_522 : i32
        %add3A_524 = arith.constant 6 : i32
        %add3A_525 = arith.addi %mul3A_523, %add3A_524 : i32
        %get3A_526 = arith.index_cast %add3A_525 : i32 to index
        %get3A_527 = arith.constant 80 : index
        %get3A_528 = tpu.vector_load %arg6[%get3A_526, %get3A_527] {strides = array<i32>} : memref<112x128xf32, #tpu.memory_space<vmem>>, vector<1x16xf32>,
        %get3A_529 = vector.shape_cast %get3A_528 : vector<1x16xf32> to vector<16xf32>
        %add3A_530 = arith.addf %add3A_521, %get3A_529 : vector<16xf32>
        %swap3A_531 = arith.index_cast %scan3A_147 : i32 to index
        %swap3A_532 = arith.constant 80 : index
        %swap3A_533 = tpu.vector_load %arg9[%swap3A_531, %swap3A_532] {strides = array<i32>} : memref<16x128xf32, #tpu.memory_space<vmem>>, vector<1x16xf32>,
        %swap3A_534 = vector.shape_cast %swap3A_533 : vector<1x16xf32> to vector<16xf32>
        %swap3A_535 = vector.shape_cast %add3A_530 : vector<16xf32> to vector<1x16xf32>
        tpu.vector_store %arg9[%swap3A_531, %swap3A_532], %swap3A_535 {strides = array<i32>} : memref<16x128xf32, #tpu.memory_space<vmem>>, vector<1x16xf32>,
        %mul3A_536 = arith.constant 7 : i32
        %mul3A_537 = arith.muli %scan3A_147, %mul3A_536 : i32
        %get3A_538 = arith.index_cast %mul3A_537 : i32 to index
        %get3A_539 = arith.constant 96 : index
        %get3A_540 = tpu.vector_load %arg6[%get3A_538, %get3A_539] {strides = array<i32>} : memref<112x128xf32, #tpu.memory_space<vmem>>, vector<1x16xf32>,
        %get3A_541 = vector.shape_cast %get3A_540 : vector<1x16xf32> to vector<16xf32>
        %mul3A_542 = arith.constant 7 : i32
        %mul3A_543 = arith.muli %scan3A_147, %mul3A_542 : i32
        %add3A_544 = arith.constant 1 : i32
        %add3A_545 = arith.addi %mul3A_543, %add3A_544 : i32
        %get3A_546 = arith.index_cast %add3A_545 : i32 to index
        %get3A_547 = arith.constant 96 : index
        %get3A_548 = tpu.vector_load %arg6[%get3A_546, %get3A_547] {strides = array<i32>} : memref<112x128xf32, #tpu.memory_space<vmem>>, vector<1x16xf32>,
        %get3A_549 = vector.shape_cast %get3A_548 : vector<1x16xf32> to vector<16xf32>
        %add3A_550 = arith.addf %get3A_541, %get3A_549 : vector<16xf32>
        %mul3A_551 = arith.constant 7 : i32
        %mul3A_552 = arith.muli %scan3A_147, %mul3A_551 : i32
        %add3A_553 = arith.constant 2 : i32
        %add3A_554 = arith.addi %mul3A_552, %add3A_553 : i32
        %get3A_555 = arith.index_cast %add3A_554 : i32 to index
        %get3A_556 = arith.constant 96 : index
        %get3A_557 = tpu.vector_load %arg6[%get3A_555, %get3A_556] {strides = array<i32>} : memref<112x128xf32, #tpu.memory_space<vmem>>, vector<1x16xf32>,
        %get3A_558 = vector.shape_cast %get3A_557 : vector<1x16xf32> to vector<16xf32>
        %add3A_559 = arith.addf %add3A_550, %get3A_558 : vector<16xf32>
        %mul3A_560 = arith.constant 7 : i32
        %mul3A_561 = arith.muli %scan3A_147, %mul3A_560 : i32
        %add3A_562 = arith.constant 3 : i32
        %add3A_563 = arith.addi %mul3A_561, %add3A_562 : i32
        %get3A_564 = arith.index_cast %add3A_563 : i32 to index
        %get3A_565 = arith.constant 96 : index
        %get3A_566 = tpu.vector_load %arg6[%get3A_564, %get3A_565] {strides = array<i32>} : memref<112x128xf32, #tpu.memory_space<vmem>>, vector<1x16xf32>,
        %get3A_567 = vector.shape_cast %get3A_566 : vector<1x16xf32> to vector<16xf32>
        %add3A_568 = arith.addf %add3A_559, %get3A_567 : vector<16xf32>
        %mul3A_569 = arith.constant 7 : i32
        %mul3A_570 = arith.muli %scan3A_147, %mul3A_569 : i32
        %add3A_571 = arith.constant 4 : i32
        %add3A_572 = arith.addi %mul3A_570, %add3A_571 : i32
        %get3A_573 = arith.index_cast %add3A_572 : i32 to index
        %get3A_574 = arith.constant 96 : index
        %get3A_575 = tpu.vector_load %arg6[%get3A_573, %get3A_574] {strides = array<i32>} : memref<112x128xf32, #tpu.memory_space<vmem>>, vector<1x16xf32>,
        %get3A_576 = vector.shape_cast %get3A_575 : vector<1x16xf32> to vector<16xf32>
        %add3A_577 = arith.addf %add3A_568, %get3A_576 : vector<16xf32>
        %mul3A_578 = arith.constant 7 : i32
        %mul3A_579 = arith.muli %scan3A_147, %mul3A_578 : i32
        %add3A_580 = arith.constant 5 : i32
        %add3A_581 = arith.addi %mul3A_579, %add3A_580 : i32
        %get3A_582 = arith.index_cast %add3A_581 : i32 to index
        %get3A_583 = arith.constant 96 : index
        %get3A_584 = tpu.vector_load %arg6[%get3A_582, %get3A_583] {strides = array<i32>} : memref<112x128xf32, #tpu.memory_space<vmem>>, vector<1x16xf32>,
        %get3A_585 = vector.shape_cast %get3A_584 : vector<1x16xf32> to vector<16xf32>
        %add3A_586 = arith.addf %add3A_577, %get3A_585 : vector<16xf32>
        %mul3A_587 = arith.constant 7 : i32
        %mul3A_588 = arith.muli %scan3A_147, %mul3A_587 : i32
        %add3A_589 = arith.constant 6 : i32
        %add3A_590 = arith.addi %mul3A_588, %add3A_589 : i32
        %get3A_591 = arith.index_cast %add3A_590 : i32 to index
        %get3A_592 = arith.constant 96 : index
        %get3A_593 = tpu.vector_load %arg6[%get3A_591, %get3A_592] {strides = array<i32>} : memref<112x128xf32, #tpu.memory_space<vmem>>, vector<1x16xf32>,
        %get3A_594 = vector.shape_cast %get3A_593 : vector<1x16xf32> to vector<16xf32>
        %add3A_595 = arith.addf %add3A_586, %get3A_594 : vector<16xf32>
        %swap3A_596 = arith.index_cast %scan3A_147 : i32 to index
        %swap3A_597 = arith.constant 96 : index
        %swap3A_598 = tpu.vector_load %arg9[%swap3A_596, %swap3A_597] {strides = array<i32>} : memref<16x128xf32, #tpu.memory_space<vmem>>, vector<1x16xf32>,
        %swap3A_599 = vector.shape_cast %swap3A_598 : vector<1x16xf32> to vector<16xf32>
        %swap3A_600 = vector.shape_cast %add3A_595 : vector<16xf32> to vector<1x16xf32>
        tpu.vector_store %arg9[%swap3A_596, %swap3A_597], %swap3A_600 {strides = array<i32>} : memref<16x128xf32, #tpu.memory_space<vmem>>, vector<1x16xf32>,
        %mul3A_601 = arith.constant 7 : i32
        %mul3A_602 = arith.muli %scan3A_147, %mul3A_601 : i32
        %get3A_603 = arith.index_cast %mul3A_602 : i32 to index
        %get3A_604 = arith.constant 112 : index
        %get3A_605 = tpu.vector_load %arg6[%get3A_603, %get3A_604] {strides = array<i32>} : memref<112x128xf32, #tpu.memory_space<vmem>>, vector<1x16xf32>,
        %get3A_606 = vector.shape_cast %get3A_605 : vector<1x16xf32> to vector<16xf32>
        %mul3A_607 = arith.constant 7 : i32
        %mul3A_608 = arith.muli %scan3A_147, %mul3A_607 : i32
        %add3A_609 = arith.constant 1 : i32
        %add3A_610 = arith.addi %mul3A_608, %add3A_609 : i32
        %get3A_611 = arith.index_cast %add3A_610 : i32 to index
        %get3A_612 = arith.constant 112 : index
        %get3A_613 = tpu.vector_load %arg6[%get3A_611, %get3A_612] {strides = array<i32>} : memref<112x128xf32, #tpu.memory_space<vmem>>, vector<1x16xf32>,
        %get3A_614 = vector.shape_cast %get3A_613 : vector<1x16xf32> to vector<16xf32>
        %add3A_615 = arith.addf %get3A_606, %get3A_614 : vector<16xf32>
        %mul3A_616 = arith.constant 7 : i32
        %mul3A_617 = arith.muli %scan3A_147, %mul3A_616 : i32
        %add3A_618 = arith.constant 2 : i32
        %add3A_619 = arith.addi %mul3A_617, %add3A_618 : i32
        %get3A_620 = arith.index_cast %add3A_619 : i32 to index
        %get3A_621 = arith.constant 112 : index
        %get3A_622 = tpu.vector_load %arg6[%get3A_620, %get3A_621] {strides = array<i32>} : memref<112x128xf32, #tpu.memory_space<vmem>>, vector<1x16xf32>,
        %get3A_623 = vector.shape_cast %get3A_622 : vector<1x16xf32> to vector<16xf32>
        %add3A_624 = arith.addf %add3A_615, %get3A_623 : vector<16xf32>
        %mul3A_625 = arith.constant 7 : i32
        %mul3A_626 = arith.muli %scan3A_147, %mul3A_625 : i32
        %add3A_627 = arith.constant 3 : i32
        %add3A_628 = arith.addi %mul3A_626, %add3A_627 : i32
        %get3A_629 = arith.index_cast %add3A_628 : i32 to index
        %get3A_630 = arith.constant 112 : index
        %get3A_631 = tpu.vector_load %arg6[%get3A_629, %get3A_630] {strides = array<i32>} : memref<112x128xf32, #tpu.memory_space<vmem>>, vector<1x16xf32>,
        %get3A_632 = vector.shape_cast %get3A_631 : vector<1x16xf32> to vector<16xf32>
        %add3A_633 = arith.addf %add3A_624, %get3A_632 : vector<16xf32>
        %mul3A_634 = arith.constant 7 : i32
        %mul3A_635 = arith.muli %scan3A_147, %mul3A_634 : i32
        %add3A_636 = arith.constant 4 : i32
        %add3A_637 = arith.addi %mul3A_635, %add3A_636 : i32
        %get3A_638 = arith.index_cast %add3A_637 : i32 to index
        %get3A_639 = arith.constant 112 : index
        %get3A_640 = tpu.vector_load %arg6[%get3A_638, %get3A_639] {strides = array<i32>} : memref<112x128xf32, #tpu.memory_space<vmem>>, vector<1x16xf32>,
        %get3A_641 = vector.shape_cast %get3A_640 : vector<1x16xf32> to vector<16xf32>
        %add3A_642 = arith.addf %add3A_633, %get3A_641 : vector<16xf32>
        %mul3A_643 = arith.constant 7 : i32
        %mul3A_644 = arith.muli %scan3A_147, %mul3A_643 : i32
        %add3A_645 = arith.constant 5 : i32
        %add3A_646 = arith.addi %mul3A_644, %add3A_645 : i32
        %get3A_647 = arith.index_cast %add3A_646 : i32 to index
        %get3A_648 = arith.constant 112 : index
        %get3A_649 = tpu.vector_load %arg6[%get3A_647, %get3A_648] {strides = array<i32>} : memref<112x128xf32, #tpu.memory_space<vmem>>, vector<1x16xf32>,
        %get3A_650 = vector.shape_cast %get3A_649 : vector<1x16xf32> to vector<16xf32>
        %add3A_651 = arith.addf %add3A_642, %get3A_650 : vector<16xf32>
        %mul3A_652 = arith.constant 7 : i32
        %mul3A_653 = arith.muli %scan3A_147, %mul3A_652 : i32
        %add3A_654 = arith.constant 6 : i32
        %add3A_655 = arith.addi %mul3A_653, %add3A_654 : i32
        %get3A_656 = arith.index_cast %add3A_655 : i32 to index
        %get3A_657 = arith.constant 112 : index
        %get3A_658 = tpu.vector_load %arg6[%get3A_656, %get3A_657] {strides = array<i32>} : memref<112x128xf32, #tpu.memory_space<vmem>>, vector<1x16xf32>,
        %get3A_659 = vector.shape_cast %get3A_658 : vector<1x16xf32> to vector<16xf32>
        %add3A_660 = arith.addf %add3A_651, %get3A_659 : vector<16xf32>
        %swap3A_661 = arith.index_cast %scan3A_147 : i32 to index
        %swap3A_662 = arith.constant 112 : index
        %swap3A_663 = tpu.vector_load %arg9[%swap3A_661, %swap3A_662] {strides = array<i32>} : memref<16x128xf32, #tpu.memory_space<vmem>>, vector<1x16xf32>,
        %swap3A_664 = vector.shape_cast %swap3A_663 : vector<1x16xf32> to vector<16xf32>
        %swap3A_665 = vector.shape_cast %add3A_660 : vector<16xf32> to vector<1x16xf32>
        tpu.vector_store %arg9[%swap3A_661, %swap3A_662], %swap3A_665 {strides = array<i32>} : memref<16x128xf32, #tpu.memory_space<vmem>>, vector<1x16xf32>,
      }
      %scan3A_63 = arith.constant 16 : i32
      %mul3A_64 = arith.constant 16 : i32
      %mul3A_65 = arith.muli %add3A_49, %mul3A_64 : i32
      %add3A_66 = arith.addi %mul3A_2, %mul3A_65 : i32
      %dma_start3A_67 = arith.constant 0 : i32
      %dma_start3A_68 = tpu.memref_slice %arg4[%add3A_66, %dma_start3A_67] : memref<41472x128xf32, #tpu.memory_space<hbm>> -> memref<16x128xf32, #tpu.memory_space<hbm>>
      %dma_start3A_69 = arith.constant 0 : i32
      %dma_start3A_70 = tpu.memref_slice %arg4[%add3A_66, %dma_start3A_69] : memref<41472x128xf32, #tpu.memory_space<hbm>> -> memref<16x128xf32, #tpu.memory_space<hbm>>
      tpu.enqueue_dma source(%arg9 : memref<16x128xf32, #tpu.memory_space<vmem>>) target(%dma_start3A_70 : memref<16x128xf32, #tpu.memory_space<hbm>>) target_semaphore(%arg15 : memref<!tpu.dma_semaphore, #tpu.memory_space<semaphore_mem>>)
      %add3A_71 = arith.constant 3 : i32
      %add3A_72 = arith.addi %add3A_49, %add3A_71 : i32
      %lt3A = arith.constant 81 : i32
      %lt3A_73 = arith.cmpi slt, %add3A_72, %lt3A : i32
      %convert_element_type3A_74 = arith.extui %lt3A_73 : i1 to i32
      %cond3A_75 = arith.constant 0 : i32
      %cond3A_76 = arith.cmpi ne, %convert_element_type3A_74, %cond3A_75 : i32
      scf.if %cond3A_76 {
        %add3A_147 = arith.constant 3 : i32
        %add3A_148 = arith.addi %add3A_49, %add3A_147 : i32
        %dma_start3A_149 = arith.constant 0 : i32
        %dma_start3A_150 = tpu.memref_slice %arg5[%add3A_148, %dma_start3A_149] : memref<81x112xi32, #tpu.memory_space<vmem>> -> memref<1x112xi32, #tpu.memory_space<vmem>>
        %dma_start3A_151 = tpu.memref_squeeze %dma_start3A_150 : memref<1x112xi32, #tpu.memory_space<vmem>> -> memref<112xi32, #tpu.memory_space<vmem>>
        %dma_start3A_152 = arith.constant 0 : i32
        %dma_start3A_153 = arith.constant 0 : i32
        %dma_start3A_154 = tpu.memref_slice %arg2[%dma_start3A_152, %dma_start3A_153] : memref<163848x128xf32, #tpu.memory_space<hbm>> -> memref<163848x128xf32, #tpu.memory_space<hbm>>
        tpu.enqueue_indirect_dma source(%dma_start3A_154 : memref<163848x128xf32, #tpu.memory_space<hbm>>) target(%arg6 : memref<112x128xf32, #tpu.memory_space<vmem>>) offsets(%dma_start3A_151 : memref<112xi32, #tpu.memory_space<vmem>>) semaphore(%arg12 : memref<!tpu.dma_semaphore, #tpu.memory_space<semaphore_mem>>)
      } else {
      }
      %mul3A_77 = arith.constant 3 : i32
      %mul3A_78 = arith.muli %scan3A_45, %mul3A_77 : i32
      %add3A_79 = arith.constant 1 : i32
      %add3A_80 = arith.addi %mul3A_78, %add3A_79 : i32
      %dma_wait3A_81 = arith.constant 0 : i32
      %dma_wait3A_82 = tpu.memref_slice %arg5[%add3A_80, %dma_wait3A_81] : memref<81x112xi32, #tpu.memory_space<vmem>> -> memref<1x112xi32, #tpu.memory_space<vmem>>
      %dma_wait3A_83 = tpu.memref_squeeze %dma_wait3A_82 : memref<1x112xi32, #tpu.memory_space<vmem>> -> memref<112xi32, #tpu.memory_space<vmem>>
      %dma_wait3A_84 = arith.constant 0 : i32
      %dma_wait3A_85 = arith.constant 0 : i32
      %dma_wait3A_86 = tpu.memref_slice %arg2[%dma_wait3A_84, %dma_wait3A_85] : memref<163848x128xf32, #tpu.memory_space<hbm>> -> memref<163848x128xf32, #tpu.memory_space<hbm>>
      tpu.wait_indirect_dma semaphore(%arg13 : memref<!tpu.dma_semaphore, #tpu.memory_space<semaphore_mem>>) src(%dma_wait3A_86 : memref<163848x128xf32, #tpu.memory_space<hbm>>) dst(%arg7 : memref<112x128xf32, #tpu.memory_space<vmem>>)
      %gt3A_87 = arith.constant 0 : i32
      %gt3A_88 = arith.cmpi sgt, %scan3A_45, %gt3A_87 : i32
      %convert_element_type3A_89 = arith.extui %gt3A_88 : i1 to i32
      %cond3A_90 = arith.constant 0 : i32
      %cond3A_91 = arith.cmpi ne, %convert_element_type3A_89, %cond3A_90 : i32
      scf.if %cond3A_91 {
        %sub3A = arith.constant 3 : i32
        %sub3A_147 = arith.subi %add3A_80, %sub3A : i32
        %mul3A_148 = arith.constant 16 : i32
        %mul3A_149 = arith.muli %sub3A_147, %mul3A_148 : i32
        %add3A_150 = arith.addi %mul3A_2, %mul3A_149 : i32
        %dma_wait3A_151 = arith.constant 0 : i32
        %dma_wait3A_152 = tpu.memref_slice %arg4[%add3A_150, %dma_wait3A_151] : memref<41472x128xf32, #tpu.memory_space<hbm>> -> memref<16x128xf32, #tpu.memory_space<hbm>>
        %dma_wait3A_153 = arith.constant 0 : i32
        %dma_wait3A_154 = tpu.memref_slice %arg4[%add3A_150, %dma_wait3A_153] : memref<41472x128xf32, #tpu.memory_space<hbm>> -> memref<16x128xf32, #tpu.memory_space<hbm>>
        tpu.wait_dma2 semaphore(%arg16 : memref<!tpu.dma_semaphore, #tpu.memory_space<semaphore_mem>>) src(%arg10 : memref<16x128xf32, #tpu.memory_space<vmem>>) dst(%dma_wait3A_154 : memref<16x128xf32, #tpu.memory_space<hbm>>)
      } else {
      }
      %scan3A_92 = arith.constant 0 : i32
      %scan3A_93 = arith.constant 0 : i32
      %scan3A_94 = arith.constant 16 : i32
      %scan3A_95 = arith.addi %scan3A_93, %scan3A_94 : i32
      %scan3A_96 = arith.constant 1 : i32
      scf.for %scan3A_147 = %scan3A_93 to %scan3A_95 step %scan3A_96  : i32 {
        %mul3A_148 = arith.constant 7 : i32
        %mul3A_149 = arith.muli %scan3A_147, %mul3A_148 : i32
        %get3A = arith.index_cast %mul3A_149 : i32 to index
        %get3A_150 = arith.constant 0 : index
        %get3A_151 = tpu.vector_load %arg7[%get3A, %get3A_150] {strides = array<i32>} : memref<112x128xf32, #tpu.memory_space<vmem>>, vector<1x16xf32>,
        %get3A_152 = vector.shape_cast %get3A_151 : vector<1x16xf32> to vector<16xf32>
        %mul3A_153 = arith.constant 7 : i32
        %mul3A_154 = arith.muli %scan3A_147, %mul3A_153 : i32
        %add3A_155 = arith.constant 1 : i32
        %add3A_156 = arith.addi %mul3A_154, %add3A_155 : i32
        %get3A_157 = arith.index_cast %add3A_156 : i32 to index
        %get3A_158 = arith.constant 0 : index
        %get3A_159 = tpu.vector_load %arg7[%get3A_157, %get3A_158] {strides = array<i32>} : memref<112x128xf32, #tpu.memory_space<vmem>>, vector<1x16xf32>,
        %get3A_160 = vector.shape_cast %get3A_159 : vector<1x16xf32> to vector<16xf32>
        %add3A_161 = arith.addf %get3A_152, %get3A_160 : vector<16xf32>
        %mul3A_162 = arith.constant 7 : i32
        %mul3A_163 = arith.muli %scan3A_147, %mul3A_162 : i32
        %add3A_164 = arith.constant 2 : i32
        %add3A_165 = arith.addi %mul3A_163, %add3A_164 : i32
        %get3A_166 = arith.index_cast %add3A_165 : i32 to index
        %get3A_167 = arith.constant 0 : index
        %get3A_168 = tpu.vector_load %arg7[%get3A_166, %get3A_167] {strides = array<i32>} : memref<112x128xf32, #tpu.memory_space<vmem>>, vector<1x16xf32>,
        %get3A_169 = vector.shape_cast %get3A_168 : vector<1x16xf32> to vector<16xf32>
        %add3A_170 = arith.addf %add3A_161, %get3A_169 : vector<16xf32>
        %mul3A_171 = arith.constant 7 : i32
        %mul3A_172 = arith.muli %scan3A_147, %mul3A_171 : i32
        %add3A_173 = arith.constant 3 : i32
        %add3A_174 = arith.addi %mul3A_172, %add3A_173 : i32
        %get3A_175 = arith.index_cast %add3A_174 : i32 to index
        %get3A_176 = arith.constant 0 : index
        %get3A_177 = tpu.vector_load %arg7[%get3A_175, %get3A_176] {strides = array<i32>} : memref<112x128xf32, #tpu.memory_space<vmem>>, vector<1x16xf32>,
        %get3A_178 = vector.shape_cast %get3A_177 : vector<1x16xf32> to vector<16xf32>
        %add3A_179 = arith.addf %add3A_170, %get3A_178 : vector<16xf32>
        %mul3A_180 = arith.constant 7 : i32
        %mul3A_181 = arith.muli %scan3A_147, %mul3A_180 : i32
        %add3A_182 = arith.constant 4 : i32
        %add3A_183 = arith.addi %mul3A_181, %add3A_182 : i32
        %get3A_184 = arith.index_cast %add3A_183 : i32 to index
        %get3A_185 = arith.constant 0 : index
        %get3A_186 = tpu.vector_load %arg7[%get3A_184, %get3A_185] {strides = array<i32>} : memref<112x128xf32, #tpu.memory_space<vmem>>, vector<1x16xf32>,
        %get3A_187 = vector.shape_cast %get3A_186 : vector<1x16xf32> to vector<16xf32>
        %add3A_188 = arith.addf %add3A_179, %get3A_187 : vector<16xf32>
        %mul3A_189 = arith.constant 7 : i32
        %mul3A_190 = arith.muli %scan3A_147, %mul3A_189 : i32
        %add3A_191 = arith.constant 5 : i32
        %add3A_192 = arith.addi %mul3A_190, %add3A_191 : i32
        %get3A_193 = arith.index_cast %add3A_192 : i32 to index
        %get3A_194 = arith.constant 0 : index
        %get3A_195 = tpu.vector_load %arg7[%get3A_193, %get3A_194] {strides = array<i32>} : memref<112x128xf32, #tpu.memory_space<vmem>>, vector<1x16xf32>,
        %get3A_196 = vector.shape_cast %get3A_195 : vector<1x16xf32> to vector<16xf32>
        %add3A_197 = arith.addf %add3A_188, %get3A_196 : vector<16xf32>
        %mul3A_198 = arith.constant 7 : i32
        %mul3A_199 = arith.muli %scan3A_147, %mul3A_198 : i32
        %add3A_200 = arith.constant 6 : i32
        %add3A_201 = arith.addi %mul3A_199, %add3A_200 : i32
        %get3A_202 = arith.index_cast %add3A_201 : i32 to index
        %get3A_203 = arith.constant 0 : index
        %get3A_204 = tpu.vector_load %arg7[%get3A_202, %get3A_203] {strides = array<i32>} : memref<112x128xf32, #tpu.memory_space<vmem>>, vector<1x16xf32>,
        %get3A_205 = vector.shape_cast %get3A_204 : vector<1x16xf32> to vector<16xf32>
        %add3A_206 = arith.addf %add3A_197, %get3A_205 : vector<16xf32>
        %swap3A = arith.index_cast %scan3A_147 : i32 to index
        %swap3A_207 = arith.constant 0 : index
        %swap3A_208 = tpu.vector_load %arg10[%swap3A, %swap3A_207] {strides = array<i32>} : memref<16x128xf32, #tpu.memory_space<vmem>>, vector<1x16xf32>,
        %swap3A_209 = vector.shape_cast %swap3A_208 : vector<1x16xf32> to vector<16xf32>
        %swap3A_210 = vector.shape_cast %add3A_206 : vector<16xf32> to vector<1x16xf32>
        tpu.vector_store %arg10[%swap3A, %swap3A_207], %swap3A_210 {strides = array<i32>} : memref<16x128xf32, #tpu.memory_space<vmem>>, vector<1x16xf32>,
        %mul3A_211 = arith.constant 7 : i32
        %mul3A_212 = arith.muli %scan3A_147, %mul3A_211 : i32
        %get3A_213 = arith.index_cast %mul3A_212 : i32 to index
        %get3A_214 = arith.constant 16 : index
        %get3A_215 = tpu.vector_load %arg7[%get3A_213, %get3A_214] {strides = array<i32>} : memref<112x128xf32, #tpu.memory_space<vmem>>, vector<1x16xf32>,
        %get3A_216 = vector.shape_cast %get3A_215 : vector<1x16xf32> to vector<16xf32>
        %mul3A_217 = arith.constant 7 : i32
        %mul3A_218 = arith.muli %scan3A_147, %mul3A_217 : i32
        %add3A_219 = arith.constant 1 : i32
        %add3A_220 = arith.addi %mul3A_218, %add3A_219 : i32
        %get3A_221 = arith.index_cast %add3A_220 : i32 to index
        %get3A_222 = arith.constant 16 : index
        %get3A_223 = tpu.vector_load %arg7[%get3A_221, %get3A_222] {strides = array<i32>} : memref<112x128xf32, #tpu.memory_space<vmem>>, vector<1x16xf32>,
        %get3A_224 = vector.shape_cast %get3A_223 : vector<1x16xf32> to vector<16xf32>
        %add3A_225 = arith.addf %get3A_216, %get3A_224 : vector<16xf32>
        %mul3A_226 = arith.constant 7 : i32
        %mul3A_227 = arith.muli %scan3A_147, %mul3A_226 : i32
        %add3A_228 = arith.constant 2 : i32
        %add3A_229 = arith.addi %mul3A_227, %add3A_228 : i32
        %get3A_230 = arith.index_cast %add3A_229 : i32 to index
        %get3A_231 = arith.constant 16 : index
        %get3A_232 = tpu.vector_load %arg7[%get3A_230, %get3A_231] {strides = array<i32>} : memref<112x128xf32, #tpu.memory_space<vmem>>, vector<1x16xf32>,
        %get3A_233 = vector.shape_cast %get3A_232 : vector<1x16xf32> to vector<16xf32>
        %add3A_234 = arith.addf %add3A_225, %get3A_233 : vector<16xf32>
        %mul3A_235 = arith.constant 7 : i32
        %mul3A_236 = arith.muli %scan3A_147, %mul3A_235 : i32
        %add3A_237 = arith.constant 3 : i32
        %add3A_238 = arith.addi %mul3A_236, %add3A_237 : i32
        %get3A_239 = arith.index_cast %add3A_238 : i32 to index
        %get3A_240 = arith.constant 16 : index
        %get3A_241 = tpu.vector_load %arg7[%get3A_239, %get3A_240] {strides = array<i32>} : memref<112x128xf32, #tpu.memory_space<vmem>>, vector<1x16xf32>,
        %get3A_242 = vector.shape_cast %get3A_241 : vector<1x16xf32> to vector<16xf32>
        %add3A_243 = arith.addf %add3A_234, %get3A_242 : vector<16xf32>
        %mul3A_244 = arith.constant 7 : i32
        %mul3A_245 = arith.muli %scan3A_147, %mul3A_244 : i32
        %add3A_246 = arith.constant 4 : i32
        %add3A_247 = arith.addi %mul3A_245, %add3A_246 : i32
        %get3A_248 = arith.index_cast %add3A_247 : i32 to index
        %get3A_249 = arith.constant 16 : index
        %get3A_250 = tpu.vector_load %arg7[%get3A_248, %get3A_249] {strides = array<i32>} : memref<112x128xf32, #tpu.memory_space<vmem>>, vector<1x16xf32>,
        %get3A_251 = vector.shape_cast %get3A_250 : vector<1x16xf32> to vector<16xf32>
        %add3A_252 = arith.addf %add3A_243, %get3A_251 : vector<16xf32>
        %mul3A_253 = arith.constant 7 : i32
        %mul3A_254 = arith.muli %scan3A_147, %mul3A_253 : i32
        %add3A_255 = arith.constant 5 : i32
        %add3A_256 = arith.addi %mul3A_254, %add3A_255 : i32
        %get3A_257 = arith.index_cast %add3A_256 : i32 to index
        %get3A_258 = arith.constant 16 : index
        %get3A_259 = tpu.vector_load %arg7[%get3A_257, %get3A_258] {strides = array<i32>} : memref<112x128xf32, #tpu.memory_space<vmem>>, vector<1x16xf32>,
        %get3A_260 = vector.shape_cast %get3A_259 : vector<1x16xf32> to vector<16xf32>
        %add3A_261 = arith.addf %add3A_252, %get3A_260 : vector<16xf32>
        %mul3A_262 = arith.constant 7 : i32
        %mul3A_263 = arith.muli %scan3A_147, %mul3A_262 : i32
        %add3A_264 = arith.constant 6 : i32
        %add3A_265 = arith.addi %mul3A_263, %add3A_264 : i32
        %get3A_266 = arith.index_cast %add3A_265 : i32 to index
        %get3A_267 = arith.constant 16 : index
        %get3A_268 = tpu.vector_load %arg7[%get3A_266, %get3A_267] {strides = array<i32>} : memref<112x128xf32, #tpu.memory_space<vmem>>, vector<1x16xf32>,
        %get3A_269 = vector.shape_cast %get3A_268 : vector<1x16xf32> to vector<16xf32>
        %add3A_270 = arith.addf %add3A_261, %get3A_269 : vector<16xf32>
        %swap3A_271 = arith.index_cast %scan3A_147 : i32 to index
        %swap3A_272 = arith.constant 16 : index
        %swap3A_273 = tpu.vector_load %arg10[%swap3A_271, %swap3A_272] {strides = array<i32>} : memref<16x128xf32, #tpu.memory_space<vmem>>, vector<1x16xf32>,
        %swap3A_274 = vector.shape_cast %swap3A_273 : vector<1x16xf32> to vector<16xf32>
        %swap3A_275 = vector.shape_cast %add3A_270 : vector<16xf32> to vector<1x16xf32>
        tpu.vector_store %arg10[%swap3A_271, %swap3A_272], %swap3A_275 {strides = array<i32>} : memref<16x128xf32, #tpu.memory_space<vmem>>, vector<1x16xf32>,
        %mul3A_276 = arith.constant 7 : i32
        %mul3A_277 = arith.muli %scan3A_147, %mul3A_276 : i32
        %get3A_278 = arith.index_cast %mul3A_277 : i32 to index
        %get3A_279 = arith.constant 32 : index
        %get3A_280 = tpu.vector_load %arg7[%get3A_278, %get3A_279] {strides = array<i32>} : memref<112x128xf32, #tpu.memory_space<vmem>>, vector<1x16xf32>,
        %get3A_281 = vector.shape_cast %get3A_280 : vector<1x16xf32> to vector<16xf32>
        %mul3A_282 = arith.constant 7 : i32
        %mul3A_283 = arith.muli %scan3A_147, %mul3A_282 : i32
        %add3A_284 = arith.constant 1 : i32
        %add3A_285 = arith.addi %mul3A_283, %add3A_284 : i32
        %get3A_286 = arith.index_cast %add3A_285 : i32 to index
        %get3A_287 = arith.constant 32 : index
        %get3A_288 = tpu.vector_load %arg7[%get3A_286, %get3A_287] {strides = array<i32>} : memref<112x128xf32, #tpu.memory_space<vmem>>, vector<1x16xf32>,
        %get3A_289 = vector.shape_cast %get3A_288 : vector<1x16xf32> to vector<16xf32>
        %add3A_290 = arith.addf %get3A_281, %get3A_289 : vector<16xf32>
        %mul3A_291 = arith.constant 7 : i32
        %mul3A_292 = arith.muli %scan3A_147, %mul3A_291 : i32
        %add3A_293 = arith.constant 2 : i32
        %add3A_294 = arith.addi %mul3A_292, %add3A_293 : i32
        %get3A_295 = arith.index_cast %add3A_294 : i32 to index
        %get3A_296 = arith.constant 32 : index
        %get3A_297 = tpu.vector_load %arg7[%get3A_295, %get3A_296] {strides = array<i32>} : memref<112x128xf32, #tpu.memory_space<vmem>>, vector<1x16xf32>,
        %get3A_298 = vector.shape_cast %get3A_297 : vector<1x16xf32> to vector<16xf32>
        %add3A_299 = arith.addf %add3A_290, %get3A_298 : vector<16xf32>
        %mul3A_300 = arith.constant 7 : i32
        %mul3A_301 = arith.muli %scan3A_147, %mul3A_300 : i32
        %add3A_302 = arith.constant 3 : i32
        %add3A_303 = arith.addi %mul3A_301, %add3A_302 : i32
        %get3A_304 = arith.index_cast %add3A_303 : i32 to index
        %get3A_305 = arith.constant 32 : index
        %get3A_306 = tpu.vector_load %arg7[%get3A_304, %get3A_305] {strides = array<i32>} : memref<112x128xf32, #tpu.memory_space<vmem>>, vector<1x16xf32>,
        %get3A_307 = vector.shape_cast %get3A_306 : vector<1x16xf32> to vector<16xf32>
        %add3A_308 = arith.addf %add3A_299, %get3A_307 : vector<16xf32>
        %mul3A_309 = arith.constant 7 : i32
        %mul3A_310 = arith.muli %scan3A_147, %mul3A_309 : i32
        %add3A_311 = arith.constant 4 : i32
        %add3A_312 = arith.addi %mul3A_310, %add3A_311 : i32
        %get3A_313 = arith.index_cast %add3A_312 : i32 to index
        %get3A_314 = arith.constant 32 : index
        %get3A_315 = tpu.vector_load %arg7[%get3A_313, %get3A_314] {strides = array<i32>} : memref<112x128xf32, #tpu.memory_space<vmem>>, vector<1x16xf32>,
        %get3A_316 = vector.shape_cast %get3A_315 : vector<1x16xf32> to vector<16xf32>
        %add3A_317 = arith.addf %add3A_308, %get3A_316 : vector<16xf32>
        %mul3A_318 = arith.constant 7 : i32
        %mul3A_319 = arith.muli %scan3A_147, %mul3A_318 : i32
        %add3A_320 = arith.constant 5 : i32
        %add3A_321 = arith.addi %mul3A_319, %add3A_320 : i32
        %get3A_322 = arith.index_cast %add3A_321 : i32 to index
        %get3A_323 = arith.constant 32 : index
        %get3A_324 = tpu.vector_load %arg7[%get3A_322, %get3A_323] {strides = array<i32>} : memref<112x128xf32, #tpu.memory_space<vmem>>, vector<1x16xf32>,
        %get3A_325 = vector.shape_cast %get3A_324 : vector<1x16xf32> to vector<16xf32>
        %add3A_326 = arith.addf %add3A_317, %get3A_325 : vector<16xf32>
        %mul3A_327 = arith.constant 7 : i32
        %mul3A_328 = arith.muli %scan3A_147, %mul3A_327 : i32
        %add3A_329 = arith.constant 6 : i32
        %add3A_330 = arith.addi %mul3A_328, %add3A_329 : i32
        %get3A_331 = arith.index_cast %add3A_330 : i32 to index
        %get3A_332 = arith.constant 32 : index
        %get3A_333 = tpu.vector_load %arg7[%get3A_331, %get3A_332] {strides = array<i32>} : memref<112x128xf32, #tpu.memory_space<vmem>>, vector<1x16xf32>,
        %get3A_334 = vector.shape_cast %get3A_333 : vector<1x16xf32> to vector<16xf32>
        %add3A_335 = arith.addf %add3A_326, %get3A_334 : vector<16xf32>
        %swap3A_336 = arith.index_cast %scan3A_147 : i32 to index
        %swap3A_337 = arith.constant 32 : index
        %swap3A_338 = tpu.vector_load %arg10[%swap3A_336, %swap3A_337] {strides = array<i32>} : memref<16x128xf32, #tpu.memory_space<vmem>>, vector<1x16xf32>,
        %swap3A_339 = vector.shape_cast %swap3A_338 : vector<1x16xf32> to vector<16xf32>
        %swap3A_340 = vector.shape_cast %add3A_335 : vector<16xf32> to vector<1x16xf32>
        tpu.vector_store %arg10[%swap3A_336, %swap3A_337], %swap3A_340 {strides = array<i32>} : memref<16x128xf32, #tpu.memory_space<vmem>>, vector<1x16xf32>,
        %mul3A_341 = arith.constant 7 : i32
        %mul3A_342 = arith.muli %scan3A_147, %mul3A_341 : i32
        %get3A_343 = arith.index_cast %mul3A_342 : i32 to index
        %get3A_344 = arith.constant 48 : index
        %get3A_345 = tpu.vector_load %arg7[%get3A_343, %get3A_344] {strides = array<i32>} : memref<112x128xf32, #tpu.memory_space<vmem>>, vector<1x16xf32>,
        %get3A_346 = vector.shape_cast %get3A_345 : vector<1x16xf32> to vector<16xf32>
        %mul3A_347 = arith.constant 7 : i32
        %mul3A_348 = arith.muli %scan3A_147, %mul3A_347 : i32
        %add3A_349 = arith.constant 1 : i32
        %add3A_350 = arith.addi %mul3A_348, %add3A_349 : i32
        %get3A_351 = arith.index_cast %add3A_350 : i32 to index
        %get3A_352 = arith.constant 48 : index
        %get3A_353 = tpu.vector_load %arg7[%get3A_351, %get3A_352] {strides = array<i32>} : memref<112x128xf32, #tpu.memory_space<vmem>>, vector<1x16xf32>,
        %get3A_354 = vector.shape_cast %get3A_353 : vector<1x16xf32> to vector<16xf32>
        %add3A_355 = arith.addf %get3A_346, %get3A_354 : vector<16xf32>
        %mul3A_356 = arith.constant 7 : i32
        %mul3A_357 = arith.muli %scan3A_147, %mul3A_356 : i32
        %add3A_358 = arith.constant 2 : i32
        %add3A_359 = arith.addi %mul3A_357, %add3A_358 : i32
        %get3A_360 = arith.index_cast %add3A_359 : i32 to index
        %get3A_361 = arith.constant 48 : index
        %get3A_362 = tpu.vector_load %arg7[%get3A_360, %get3A_361] {strides = array<i32>} : memref<112x128xf32, #tpu.memory_space<vmem>>, vector<1x16xf32>,
        %get3A_363 = vector.shape_cast %get3A_362 : vector<1x16xf32> to vector<16xf32>
        %add3A_364 = arith.addf %add3A_355, %get3A_363 : vector<16xf32>
        %mul3A_365 = arith.constant 7 : i32
        %mul3A_366 = arith.muli %scan3A_147, %mul3A_365 : i32
        %add3A_367 = arith.constant 3 : i32
        %add3A_368 = arith.addi %mul3A_366, %add3A_367 : i32
        %get3A_369 = arith.index_cast %add3A_368 : i32 to index
        %get3A_370 = arith.constant 48 : index
        %get3A_371 = tpu.vector_load %arg7[%get3A_369, %get3A_370] {strides = array<i32>} : memref<112x128xf32, #tpu.memory_space<vmem>>, vector<1x16xf32>,
        %get3A_372 = vector.shape_cast %get3A_371 : vector<1x16xf32> to vector<16xf32>
        %add3A_373 = arith.addf %add3A_364, %get3A_372 : vector<16xf32>
        %mul3A_374 = arith.constant 7 : i32
        %mul3A_375 = arith.muli %scan3A_147, %mul3A_374 : i32
        %add3A_376 = arith.constant 4 : i32
        %add3A_377 = arith.addi %mul3A_375, %add3A_376 : i32
        %get3A_378 = arith.index_cast %add3A_377 : i32 to index
        %get3A_379 = arith.constant 48 : index
        %get3A_380 = tpu.vector_load %arg7[%get3A_378, %get3A_379] {strides = array<i32>} : memref<112x128xf32, #tpu.memory_space<vmem>>, vector<1x16xf32>,
        %get3A_381 = vector.shape_cast %get3A_380 : vector<1x16xf32> to vector<16xf32>
        %add3A_382 = arith.addf %add3A_373, %get3A_381 : vector<16xf32>
        %mul3A_383 = arith.constant 7 : i32
        %mul3A_384 = arith.muli %scan3A_147, %mul3A_383 : i32
        %add3A_385 = arith.constant 5 : i32
        %add3A_386 = arith.addi %mul3A_384, %add3A_385 : i32
        %get3A_387 = arith.index_cast %add3A_386 : i32 to index
        %get3A_388 = arith.constant 48 : index
        %get3A_389 = tpu.vector_load %arg7[%get3A_387, %get3A_388] {strides = array<i32>} : memref<112x128xf32, #tpu.memory_space<vmem>>, vector<1x16xf32>,
        %get3A_390 = vector.shape_cast %get3A_389 : vector<1x16xf32> to vector<16xf32>
        %add3A_391 = arith.addf %add3A_382, %get3A_390 : vector<16xf32>
        %mul3A_392 = arith.constant 7 : i32
        %mul3A_393 = arith.muli %scan3A_147, %mul3A_392 : i32
        %add3A_394 = arith.constant 6 : i32
        %add3A_395 = arith.addi %mul3A_393, %add3A_394 : i32
        %get3A_396 = arith.index_cast %add3A_395 : i32 to index
        %get3A_397 = arith.constant 48 : index
        %get3A_398 = tpu.vector_load %arg7[%get3A_396, %get3A_397] {strides = array<i32>} : memref<112x128xf32, #tpu.memory_space<vmem>>, vector<1x16xf32>,
        %get3A_399 = vector.shape_cast %get3A_398 : vector<1x16xf32> to vector<16xf32>
        %add3A_400 = arith.addf %add3A_391, %get3A_399 : vector<16xf32>
        %swap3A_401 = arith.index_cast %scan3A_147 : i32 to index
        %swap3A_402 = arith.constant 48 : index
        %swap3A_403 = tpu.vector_load %arg10[%swap3A_401, %swap3A_402] {strides = array<i32>} : memref<16x128xf32, #tpu.memory_space<vmem>>, vector<1x16xf32>,
        %swap3A_404 = vector.shape_cast %swap3A_403 : vector<1x16xf32> to vector<16xf32>
        %swap3A_405 = vector.shape_cast %add3A_400 : vector<16xf32> to vector<1x16xf32>
        tpu.vector_store %arg10[%swap3A_401, %swap3A_402], %swap3A_405 {strides = array<i32>} : memref<16x128xf32, #tpu.memory_space<vmem>>, vector<1x16xf32>,
        %mul3A_406 = arith.constant 7 : i32
        %mul3A_407 = arith.muli %scan3A_147, %mul3A_406 : i32
        %get3A_408 = arith.index_cast %mul3A_407 : i32 to index
        %get3A_409 = arith.constant 64 : index
        %get3A_410 = tpu.vector_load %arg7[%get3A_408, %get3A_409] {strides = array<i32>} : memref<112x128xf32, #tpu.memory_space<vmem>>, vector<1x16xf32>,
        %get3A_411 = vector.shape_cast %get3A_410 : vector<1x16xf32> to vector<16xf32>
        %mul3A_412 = arith.constant 7 : i32
        %mul3A_413 = arith.muli %scan3A_147, %mul3A_412 : i32
        %add3A_414 = arith.constant 1 : i32
        %add3A_415 = arith.addi %mul3A_413, %add3A_414 : i32
        %get3A_416 = arith.index_cast %add3A_415 : i32 to index
        %get3A_417 = arith.constant 64 : index
        %get3A_418 = tpu.vector_load %arg7[%get3A_416, %get3A_417] {strides = array<i32>} : memref<112x128xf32, #tpu.memory_space<vmem>>, vector<1x16xf32>,
        %get3A_419 = vector.shape_cast %get3A_418 : vector<1x16xf32> to vector<16xf32>
        %add3A_420 = arith.addf %get3A_411, %get3A_419 : vector<16xf32>
        %mul3A_421 = arith.constant 7 : i32
        %mul3A_422 = arith.muli %scan3A_147, %mul3A_421 : i32
        %add3A_423 = arith.constant 2 : i32
        %add3A_424 = arith.addi %mul3A_422, %add3A_423 : i32
        %get3A_425 = arith.index_cast %add3A_424 : i32 to index
        %get3A_426 = arith.constant 64 : index
        %get3A_427 = tpu.vector_load %arg7[%get3A_425, %get3A_426] {strides = array<i32>} : memref<112x128xf32, #tpu.memory_space<vmem>>, vector<1x16xf32>,
        %get3A_428 = vector.shape_cast %get3A_427 : vector<1x16xf32> to vector<16xf32>
        %add3A_429 = arith.addf %add3A_420, %get3A_428 : vector<16xf32>
        %mul3A_430 = arith.constant 7 : i32
        %mul3A_431 = arith.muli %scan3A_147, %mul3A_430 : i32
        %add3A_432 = arith.constant 3 : i32
        %add3A_433 = arith.addi %mul3A_431, %add3A_432 : i32
        %get3A_434 = arith.index_cast %add3A_433 : i32 to index
        %get3A_435 = arith.constant 64 : index
        %get3A_436 = tpu.vector_load %arg7[%get3A_434, %get3A_435] {strides = array<i32>} : memref<112x128xf32, #tpu.memory_space<vmem>>, vector<1x16xf32>,
        %get3A_437 = vector.shape_cast %get3A_436 : vector<1x16xf32> to vector<16xf32>
        %add3A_438 = arith.addf %add3A_429, %get3A_437 : vector<16xf32>
        %mul3A_439 = arith.constant 7 : i32
        %mul3A_440 = arith.muli %scan3A_147, %mul3A_439 : i32
        %add3A_441 = arith.constant 4 : i32
        %add3A_442 = arith.addi %mul3A_440, %add3A_441 : i32
        %get3A_443 = arith.index_cast %add3A_442 : i32 to index
        %get3A_444 = arith.constant 64 : index
        %get3A_445 = tpu.vector_load %arg7[%get3A_443, %get3A_444] {strides = array<i32>} : memref<112x128xf32, #tpu.memory_space<vmem>>, vector<1x16xf32>,
        %get3A_446 = vector.shape_cast %get3A_445 : vector<1x16xf32> to vector<16xf32>
        %add3A_447 = arith.addf %add3A_438, %get3A_446 : vector<16xf32>
        %mul3A_448 = arith.constant 7 : i32
        %mul3A_449 = arith.muli %scan3A_147, %mul3A_448 : i32
        %add3A_450 = arith.constant 5 : i32
        %add3A_451 = arith.addi %mul3A_449, %add3A_450 : i32
        %get3A_452 = arith.index_cast %add3A_451 : i32 to index
        %get3A_453 = arith.constant 64 : index
        %get3A_454 = tpu.vector_load %arg7[%get3A_452, %get3A_453] {strides = array<i32>} : memref<112x128xf32, #tpu.memory_space<vmem>>, vector<1x16xf32>,
        %get3A_455 = vector.shape_cast %get3A_454 : vector<1x16xf32> to vector<16xf32>
        %add3A_456 = arith.addf %add3A_447, %get3A_455 : vector<16xf32>
        %mul3A_457 = arith.constant 7 : i32
        %mul3A_458 = arith.muli %scan3A_147, %mul3A_457 : i32
        %add3A_459 = arith.constant 6 : i32
        %add3A_460 = arith.addi %mul3A_458, %add3A_459 : i32
        %get3A_461 = arith.index_cast %add3A_460 : i32 to index
        %get3A_462 = arith.constant 64 : index
        %get3A_463 = tpu.vector_load %arg7[%get3A_461, %get3A_462] {strides = array<i32>} : memref<112x128xf32, #tpu.memory_space<vmem>>, vector<1x16xf32>,
        %get3A_464 = vector.shape_cast %get3A_463 : vector<1x16xf32> to vector<16xf32>
        %add3A_465 = arith.addf %add3A_456, %get3A_464 : vector<16xf32>
        %swap3A_466 = arith.index_cast %scan3A_147 : i32 to index
        %swap3A_467 = arith.constant 64 : index
        %swap3A_468 = tpu.vector_load %arg10[%swap3A_466, %swap3A_467] {strides = array<i32>} : memref<16x128xf32, #tpu.memory_space<vmem>>, vector<1x16xf32>,
        %swap3A_469 = vector.shape_cast %swap3A_468 : vector<1x16xf32> to vector<16xf32>
        %swap3A_470 = vector.shape_cast %add3A_465 : vector<16xf32> to vector<1x16xf32>
        tpu.vector_store %arg10[%swap3A_466, %swap3A_467], %swap3A_470 {strides = array<i32>} : memref<16x128xf32, #tpu.memory_space<vmem>>, vector<1x16xf32>,
        %mul3A_471 = arith.constant 7 : i32
        %mul3A_472 = arith.muli %scan3A_147, %mul3A_471 : i32
        %get3A_473 = arith.index_cast %mul3A_472 : i32 to index
        %get3A_474 = arith.constant 80 : index
        %get3A_475 = tpu.vector_load %arg7[%get3A_473, %get3A_474] {strides = array<i32>} : memref<112x128xf32, #tpu.memory_space<vmem>>, vector<1x16xf32>,
        %get3A_476 = vector.shape_cast %get3A_475 : vector<1x16xf32> to vector<16xf32>
        %mul3A_477 = arith.constant 7 : i32
        %mul3A_478 = arith.muli %scan3A_147, %mul3A_477 : i32
        %add3A_479 = arith.constant 1 : i32
        %add3A_480 = arith.addi %mul3A_478, %add3A_479 : i32
        %get3A_481 = arith.index_cast %add3A_480 : i32 to index
        %get3A_482 = arith.constant 80 : index
        %get3A_483 = tpu.vector_load %arg7[%get3A_481, %get3A_482] {strides = array<i32>} : memref<112x128xf32, #tpu.memory_space<vmem>>, vector<1x16xf32>,
        %get3A_484 = vector.shape_cast %get3A_483 : vector<1x16xf32> to vector<16xf32>
        %add3A_485 = arith.addf %get3A_476, %get3A_484 : vector<16xf32>
        %mul3A_486 = arith.constant 7 : i32
        %mul3A_487 = arith.muli %scan3A_147, %mul3A_486 : i32
        %add3A_488 = arith.constant 2 : i32
        %add3A_489 = arith.addi %mul3A_487, %add3A_488 : i32
        %get3A_490 = arith.index_cast %add3A_489 : i32 to index
        %get3A_491 = arith.constant 80 : index
        %get3A_492 = tpu.vector_load %arg7[%get3A_490, %get3A_491] {strides = array<i32>} : memref<112x128xf32, #tpu.memory_space<vmem>>, vector<1x16xf32>,
        %get3A_493 = vector.shape_cast %get3A_492 : vector<1x16xf32> to vector<16xf32>
        %add3A_494 = arith.addf %add3A_485, %get3A_493 : vector<16xf32>
        %mul3A_495 = arith.constant 7 : i32
        %mul3A_496 = arith.muli %scan3A_147, %mul3A_495 : i32
        %add3A_497 = arith.constant 3 : i32
        %add3A_498 = arith.addi %mul3A_496, %add3A_497 : i32
        %get3A_499 = arith.index_cast %add3A_498 : i32 to index
        %get3A_500 = arith.constant 80 : index
        %get3A_501 = tpu.vector_load %arg7[%get3A_499, %get3A_500] {strides = array<i32>} : memref<112x128xf32, #tpu.memory_space<vmem>>, vector<1x16xf32>,
        %get3A_502 = vector.shape_cast %get3A_501 : vector<1x16xf32> to vector<16xf32>
        %add3A_503 = arith.addf %add3A_494, %get3A_502 : vector<16xf32>
        %mul3A_504 = arith.constant 7 : i32
        %mul3A_505 = arith.muli %scan3A_147, %mul3A_504 : i32
        %add3A_506 = arith.constant 4 : i32
        %add3A_507 = arith.addi %mul3A_505, %add3A_506 : i32
        %get3A_508 = arith.index_cast %add3A_507 : i32 to index
        %get3A_509 = arith.constant 80 : index
        %get3A_510 = tpu.vector_load %arg7[%get3A_508, %get3A_509] {strides = array<i32>} : memref<112x128xf32, #tpu.memory_space<vmem>>, vector<1x16xf32>,
        %get3A_511 = vector.shape_cast %get3A_510 : vector<1x16xf32> to vector<16xf32>
        %add3A_512 = arith.addf %add3A_503, %get3A_511 : vector<16xf32>
        %mul3A_513 = arith.constant 7 : i32
        %mul3A_514 = arith.muli %scan3A_147, %mul3A_513 : i32
        %add3A_515 = arith.constant 5 : i32
        %add3A_516 = arith.addi %mul3A_514, %add3A_515 : i32
        %get3A_517 = arith.index_cast %add3A_516 : i32 to index
        %get3A_518 = arith.constant 80 : index
        %get3A_519 = tpu.vector_load %arg7[%get3A_517, %get3A_518] {strides = array<i32>} : memref<112x128xf32, #tpu.memory_space<vmem>>, vector<1x16xf32>,
        %get3A_520 = vector.shape_cast %get3A_519 : vector<1x16xf32> to vector<16xf32>
        %add3A_521 = arith.addf %add3A_512, %get3A_520 : vector<16xf32>
        %mul3A_522 = arith.constant 7 : i32
        %mul3A_523 = arith.muli %scan3A_147, %mul3A_522 : i32
        %add3A_524 = arith.constant 6 : i32
        %add3A_525 = arith.addi %mul3A_523, %add3A_524 : i32
        %get3A_526 = arith.index_cast %add3A_525 : i32 to index
        %get3A_527 = arith.constant 80 : index
        %get3A_528 = tpu.vector_load %arg7[%get3A_526, %get3A_527] {strides = array<i32>} : memref<112x128xf32, #tpu.memory_space<vmem>>, vector<1x16xf32>,
        %get3A_529 = vector.shape_cast %get3A_528 : vector<1x16xf32> to vector<16xf32>
        %add3A_530 = arith.addf %add3A_521, %get3A_529 : vector<16xf32>
        %swap3A_531 = arith.index_cast %scan3A_147 : i32 to index
        %swap3A_532 = arith.constant 80 : index
        %swap3A_533 = tpu.vector_load %arg10[%swap3A_531, %swap3A_532] {strides = array<i32>} : memref<16x128xf32, #tpu.memory_space<vmem>>, vector<1x16xf32>,
        %swap3A_534 = vector.shape_cast %swap3A_533 : vector<1x16xf32> to vector<16xf32>
        %swap3A_535 = vector.shape_cast %add3A_530 : vector<16xf32> to vector<1x16xf32>
        tpu.vector_store %arg10[%swap3A_531, %swap3A_532], %swap3A_535 {strides = array<i32>} : memref<16x128xf32, #tpu.memory_space<vmem>>, vector<1x16xf32>,
        %mul3A_536 = arith.constant 7 : i32
        %mul3A_537 = arith.muli %scan3A_147, %mul3A_536 : i32
        %get3A_538 = arith.index_cast %mul3A_537 : i32 to index
        %get3A_539 = arith.constant 96 : index
        %get3A_540 = tpu.vector_load %arg7[%get3A_538, %get3A_539] {strides = array<i32>} : memref<112x128xf32, #tpu.memory_space<vmem>>, vector<1x16xf32>,
        %get3A_541 = vector.shape_cast %get3A_540 : vector<1x16xf32> to vector<16xf32>
        %mul3A_542 = arith.constant 7 : i32
        %mul3A_543 = arith.muli %scan3A_147, %mul3A_542 : i32
        %add3A_544 = arith.constant 1 : i32
        %add3A_545 = arith.addi %mul3A_543, %add3A_544 : i32
        %get3A_546 = arith.index_cast %add3A_545 : i32 to index
        %get3A_547 = arith.constant 96 : index
        %get3A_548 = tpu.vector_load %arg7[%get3A_546, %get3A_547] {strides = array<i32>} : memref<112x128xf32, #tpu.memory_space<vmem>>, vector<1x16xf32>,
        %get3A_549 = vector.shape_cast %get3A_548 : vector<1x16xf32> to vector<16xf32>
        %add3A_550 = arith.addf %get3A_541, %get3A_549 : vector<16xf32>
        %mul3A_551 = arith.constant 7 : i32
        %mul3A_552 = arith.muli %scan3A_147, %mul3A_551 : i32
        %add3A_553 = arith.constant 2 : i32
        %add3A_554 = arith.addi %mul3A_552, %add3A_553 : i32
        %get3A_555 = arith.index_cast %add3A_554 : i32 to index
        %get3A_556 = arith.constant 96 : index
        %get3A_557 = tpu.vector_load %arg7[%get3A_555, %get3A_556] {strides = array<i32>} : memref<112x128xf32, #tpu.memory_space<vmem>>, vector<1x16xf32>,
        %get3A_558 = vector.shape_cast %get3A_557 : vector<1x16xf32> to vector<16xf32>
        %add3A_559 = arith.addf %add3A_550, %get3A_558 : vector<16xf32>
        %mul3A_560 = arith.constant 7 : i32
        %mul3A_561 = arith.muli %scan3A_147, %mul3A_560 : i32
        %add3A_562 = arith.constant 3 : i32
        %add3A_563 = arith.addi %mul3A_561, %add3A_562 : i32
        %get3A_564 = arith.index_cast %add3A_563 : i32 to index
        %get3A_565 = arith.constant 96 : index
        %get3A_566 = tpu.vector_load %arg7[%get3A_564, %get3A_565] {strides = array<i32>} : memref<112x128xf32, #tpu.memory_space<vmem>>, vector<1x16xf32>,
        %get3A_567 = vector.shape_cast %get3A_566 : vector<1x16xf32> to vector<16xf32>
        %add3A_568 = arith.addf %add3A_559, %get3A_567 : vector<16xf32>
        %mul3A_569 = arith.constant 7 : i32
        %mul3A_570 = arith.muli %scan3A_147, %mul3A_569 : i32
        %add3A_571 = arith.constant 4 : i32
        %add3A_572 = arith.addi %mul3A_570, %add3A_571 : i32
        %get3A_573 = arith.index_cast %add3A_572 : i32 to index
        %get3A_574 = arith.constant 96 : index
        %get3A_575 = tpu.vector_load %arg7[%get3A_573, %get3A_574] {strides = array<i32>} : memref<112x128xf32, #tpu.memory_space<vmem>>, vector<1x16xf32>,
        %get3A_576 = vector.shape_cast %get3A_575 : vector<1x16xf32> to vector<16xf32>
        %add3A_577 = arith.addf %add3A_568, %get3A_576 : vector<16xf32>
        %mul3A_578 = arith.constant 7 : i32
        %mul3A_579 = arith.muli %scan3A_147, %mul3A_578 : i32
        %add3A_580 = arith.constant 5 : i32
        %add3A_581 = arith.addi %mul3A_579, %add3A_580 : i32
        %get3A_582 = arith.index_cast %add3A_581 : i32 to index
        %get3A_583 = arith.constant 96 : index
        %get3A_584 = tpu.vector_load %arg7[%get3A_582, %get3A_583] {strides = array<i32>} : memref<112x128xf32, #tpu.memory_space<vmem>>, vector<1x16xf32>,
        %get3A_585 = vector.shape_cast %get3A_584 : vector<1x16xf32> to vector<16xf32>
        %add3A_586 = arith.addf %add3A_577, %get3A_585 : vector<16xf32>
        %mul3A_587 = arith.constant 7 : i32
        %mul3A_588 = arith.muli %scan3A_147, %mul3A_587 : i32
        %add3A_589 = arith.constant 6 : i32
        %add3A_590 = arith.addi %mul3A_588, %add3A_589 : i32
        %get3A_591 = arith.index_cast %add3A_590 : i32 to index
        %get3A_592 = arith.constant 96 : index
        %get3A_593 = tpu.vector_load %arg7[%get3A_591, %get3A_592] {strides = array<i32>} : memref<112x128xf32, #tpu.memory_space<vmem>>, vector<1x16xf32>,
        %get3A_594 = vector.shape_cast %get3A_593 : vector<1x16xf32> to vector<16xf32>
        %add3A_595 = arith.addf %add3A_586, %get3A_594 : vector<16xf32>
        %swap3A_596 = arith.index_cast %scan3A_147 : i32 to index
        %swap3A_597 = arith.constant 96 : index
        %swap3A_598 = tpu.vector_load %arg10[%swap3A_596, %swap3A_597] {strides = array<i32>} : memref<16x128xf32, #tpu.memory_space<vmem>>, vector<1x16xf32>,
        %swap3A_599 = vector.shape_cast %swap3A_598 : vector<1x16xf32> to vector<16xf32>
        %swap3A_600 = vector.shape_cast %add3A_595 : vector<16xf32> to vector<1x16xf32>
        tpu.vector_store %arg10[%swap3A_596, %swap3A_597], %swap3A_600 {strides = array<i32>} : memref<16x128xf32, #tpu.memory_space<vmem>>, vector<1x16xf32>,
        %mul3A_601 = arith.constant 7 : i32
        %mul3A_602 = arith.muli %scan3A_147, %mul3A_601 : i32
        %get3A_603 = arith.index_cast %mul3A_602 : i32 to index
        %get3A_604 = arith.constant 112 : index
        %get3A_605 = tpu.vector_load %arg7[%get3A_603, %get3A_604] {strides = array<i32>} : memref<112x128xf32, #tpu.memory_space<vmem>>, vector<1x16xf32>,
        %get3A_606 = vector.shape_cast %get3A_605 : vector<1x16xf32> to vector<16xf32>
        %mul3A_607 = arith.constant 7 : i32
        %mul3A_608 = arith.muli %scan3A_147, %mul3A_607 : i32
        %add3A_609 = arith.constant 1 : i32
        %add3A_610 = arith.addi %mul3A_608, %add3A_609 : i32
        %get3A_611 = arith.index_cast %add3A_610 : i32 to index
        %get3A_612 = arith.constant 112 : index
        %get3A_613 = tpu.vector_load %arg7[%get3A_611, %get3A_612] {strides = array<i32>} : memref<112x128xf32, #tpu.memory_space<vmem>>, vector<1x16xf32>,
        %get3A_614 = vector.shape_cast %get3A_613 : vector<1x16xf32> to vector<16xf32>
        %add3A_615 = arith.addf %get3A_606, %get3A_614 : vector<16xf32>
        %mul3A_616 = arith.constant 7 : i32
        %mul3A_617 = arith.muli %scan3A_147, %mul3A_616 : i32
        %add3A_618 = arith.constant 2 : i32
        %add3A_619 = arith.addi %mul3A_617, %add3A_618 : i32
        %get3A_620 = arith.index_cast %add3A_619 : i32 to index
        %get3A_621 = arith.constant 112 : index
        %get3A_622 = tpu.vector_load %arg7[%get3A_620, %get3A_621] {strides = array<i32>} : memref<112x128xf32, #tpu.memory_space<vmem>>, vector<1x16xf32>,
        %get3A_623 = vector.shape_cast %get3A_622 : vector<1x16xf32> to vector<16xf32>
        %add3A_624 = arith.addf %add3A_615, %get3A_623 : vector<16xf32>
        %mul3A_625 = arith.constant 7 : i32
        %mul3A_626 = arith.muli %scan3A_147, %mul3A_625 : i32
        %add3A_627 = arith.constant 3 : i32
        %add3A_628 = arith.addi %mul3A_626, %add3A_627 : i32
        %get3A_629 = arith.index_cast %add3A_628 : i32 to index
        %get3A_630 = arith.constant 112 : index
        %get3A_631 = tpu.vector_load %arg7[%get3A_629, %get3A_630] {strides = array<i32>} : memref<112x128xf32, #tpu.memory_space<vmem>>, vector<1x16xf32>,
        %get3A_632 = vector.shape_cast %get3A_631 : vector<1x16xf32> to vector<16xf32>
        %add3A_633 = arith.addf %add3A_624, %get3A_632 : vector<16xf32>
        %mul3A_634 = arith.constant 7 : i32
        %mul3A_635 = arith.muli %scan3A_147, %mul3A_634 : i32
        %add3A_636 = arith.constant 4 : i32
        %add3A_637 = arith.addi %mul3A_635, %add3A_636 : i32
        %get3A_638 = arith.index_cast %add3A_637 : i32 to index
        %get3A_639 = arith.constant 112 : index
        %get3A_640 = tpu.vector_load %arg7[%get3A_638, %get3A_639] {strides = array<i32>} : memref<112x128xf32, #tpu.memory_space<vmem>>, vector<1x16xf32>,
        %get3A_641 = vector.shape_cast %get3A_640 : vector<1x16xf32> to vector<16xf32>
        %add3A_642 = arith.addf %add3A_633, %get3A_641 : vector<16xf32>
        %mul3A_643 = arith.constant 7 : i32
        %mul3A_644 = arith.muli %scan3A_147, %mul3A_643 : i32
        %add3A_645 = arith.constant 5 : i32
        %add3A_646 = arith.addi %mul3A_644, %add3A_645 : i32
        %get3A_647 = arith.index_cast %add3A_646 : i32 to index
        %get3A_648 = arith.constant 112 : index
        %get3A_649 = tpu.vector_load %arg7[%get3A_647, %get3A_648] {strides = array<i32>} : memref<112x128xf32, #tpu.memory_space<vmem>>, vector<1x16xf32>,
        %get3A_650 = vector.shape_cast %get3A_649 : vector<1x16xf32> to vector<16xf32>
        %add3A_651 = arith.addf %add3A_642, %get3A_650 : vector<16xf32>
        %mul3A_652 = arith.constant 7 : i32
        %mul3A_653 = arith.muli %scan3A_147, %mul3A_652 : i32
        %add3A_654 = arith.constant 6 : i32
        %add3A_655 = arith.addi %mul3A_653, %add3A_654 : i32
        %get3A_656 = arith.index_cast %add3A_655 : i32 to index
        %get3A_657 = arith.constant 112 : index
        %get3A_658 = tpu.vector_load %arg7[%get3A_656, %get3A_657] {strides = array<i32>} : memref<112x128xf32, #tpu.memory_space<vmem>>, vector<1x16xf32>,
        %get3A_659 = vector.shape_cast %get3A_658 : vector<1x16xf32> to vector<16xf32>
        %add3A_660 = arith.addf %add3A_651, %get3A_659 : vector<16xf32>
        %swap3A_661 = arith.index_cast %scan3A_147 : i32 to index
        %swap3A_662 = arith.constant 112 : index
        %swap3A_663 = tpu.vector_load %arg10[%swap3A_661, %swap3A_662] {strides = array<i32>} : memref<16x128xf32, #tpu.memory_space<vmem>>, vector<1x16xf32>,
        %swap3A_664 = vector.shape_cast %swap3A_663 : vector<1x16xf32> to vector<16xf32>
        %swap3A_665 = vector.shape_cast %add3A_660 : vector<16xf32> to vector<1x16xf32>
        tpu.vector_store %arg10[%swap3A_661, %swap3A_662], %swap3A_665 {strides = array<i32>} : memref<16x128xf32, #tpu.memory_space<vmem>>, vector<1x16xf32>,
      }
      %scan3A_97 = arith.constant 16 : i32
      %mul3A_98 = arith.constant 16 : i32
      %mul3A_99 = arith.muli %add3A_80, %mul3A_98 : i32
      %add3A_100 = arith.addi %mul3A_2, %mul3A_99 : i32
      %dma_start3A_101 = arith.constant 0 : i32
      %dma_start3A_102 = tpu.memref_slice %arg4[%add3A_100, %dma_start3A_101] : memref<41472x128xf32, #tpu.memory_space<hbm>> -> memref<16x128xf32, #tpu.memory_space<hbm>>
      %dma_start3A_103 = arith.constant 0 : i32
      %dma_start3A_104 = tpu.memref_slice %arg4[%add3A_100, %dma_start3A_103] : memref<41472x128xf32, #tpu.memory_space<hbm>> -> memref<16x128xf32, #tpu.memory_space<hbm>>
      tpu.enqueue_dma source(%arg10 : memref<16x128xf32, #tpu.memory_space<vmem>>) target(%dma_start3A_104 : memref<16x128xf32, #tpu.memory_space<hbm>>) target_semaphore(%arg16 : memref<!tpu.dma_semaphore, #tpu.memory_space<semaphore_mem>>)
      %add3A_105 = arith.constant 3 : i32
      %add3A_106 = arith.addi %add3A_80, %add3A_105 : i32
      %lt3A_107 = arith.constant 81 : i32
      %lt3A_108 = arith.cmpi slt, %add3A_106, %lt3A_107 : i32
      %convert_element_type3A_109 = arith.extui %lt3A_108 : i1 to i32
      %cond3A_110 = arith.constant 0 : i32
      %cond3A_111 = arith.cmpi ne, %convert_element_type3A_109, %cond3A_110 : i32
      scf.if %cond3A_111 {
        %add3A_147 = arith.constant 3 : i32
        %add3A_148 = arith.addi %add3A_80, %add3A_147 : i32
        %dma_start3A_149 = arith.constant 0 : i32
        %dma_start3A_150 = tpu.memref_slice %arg5[%add3A_148, %dma_start3A_149] : memref<81x112xi32, #tpu.memory_space<vmem>> -> memref<1x112xi32, #tpu.memory_space<vmem>>
        %dma_start3A_151 = tpu.memref_squeeze %dma_start3A_150 : memref<1x112xi32, #tpu.memory_space<vmem>> -> memref<112xi32, #tpu.memory_space<vmem>>
        %dma_start3A_152 = arith.constant 0 : i32
        %dma_start3A_153 = arith.constant 0 : i32
        %dma_start3A_154 = tpu.memref_slice %arg2[%dma_start3A_152, %dma_start3A_153] : memref<163848x128xf32, #tpu.memory_space<hbm>> -> memref<163848x128xf32, #tpu.memory_space<hbm>>
        tpu.enqueue_indirect_dma source(%dma_start3A_154 : memref<163848x128xf32, #tpu.memory_space<hbm>>) target(%arg7 : memref<112x128xf32, #tpu.memory_space<vmem>>) offsets(%dma_start3A_151 : memref<112xi32, #tpu.memory_space<vmem>>) semaphore(%arg13 : memref<!tpu.dma_semaphore, #tpu.memory_space<semaphore_mem>>)
      } else {
      }
      %mul3A_112 = arith.constant 3 : i32
      %mul3A_113 = arith.muli %scan3A_45, %mul3A_112 : i32
      %add3A_114 = arith.constant 2 : i32
      %add3A_115 = arith.addi %mul3A_113, %add3A_114 : i32
      %dma_wait3A_116 = arith.constant 0 : i32
      %dma_wait3A_117 = tpu.memref_slice %arg5[%add3A_115, %dma_wait3A_116] : memref<81x112xi32, #tpu.memory_space<vmem>> -> memref<1x112xi32, #tpu.memory_space<vmem>>
      %dma_wait3A_118 = tpu.memref_squeeze %dma_wait3A_117 : memref<1x112xi32, #tpu.memory_space<vmem>> -> memref<112xi32, #tpu.memory_space<vmem>>
      %dma_wait3A_119 = arith.constant 0 : i32
      %dma_wait3A_120 = arith.constant 0 : i32
      %dma_wait3A_121 = tpu.memref_slice %arg2[%dma_wait3A_119, %dma_wait3A_120] : memref<163848x128xf32, #tpu.memory_space<hbm>> -> memref<163848x128xf32, #tpu.memory_space<hbm>>
      tpu.wait_indirect_dma semaphore(%arg14 : memref<!tpu.dma_semaphore, #tpu.memory_space<semaphore_mem>>) src(%dma_wait3A_121 : memref<163848x128xf32, #tpu.memory_space<hbm>>) dst(%arg8 : memref<112x128xf32, #tpu.memory_space<vmem>>)
      %gt3A_122 = arith.constant 0 : i32
      %gt3A_123 = arith.cmpi sgt, %scan3A_45, %gt3A_122 : i32
      %convert_element_type3A_124 = arith.extui %gt3A_123 : i1 to i32
      %cond3A_125 = arith.constant 0 : i32
      %cond3A_126 = arith.cmpi ne, %convert_element_type3A_124, %cond3A_125 : i32
      scf.if %cond3A_126 {
        %sub3A = arith.constant 3 : i32
        %sub3A_147 = arith.subi %add3A_115, %sub3A : i32
        %mul3A_148 = arith.constant 16 : i32
        %mul3A_149 = arith.muli %sub3A_147, %mul3A_148 : i32
        %add3A_150 = arith.addi %mul3A_2, %mul3A_149 : i32
        %dma_wait3A_151 = arith.constant 0 : i32
        %dma_wait3A_152 = tpu.memref_slice %arg4[%add3A_150, %dma_wait3A_151] : memref<41472x128xf32, #tpu.memory_space<hbm>> -> memref<16x128xf32, #tpu.memory_space<hbm>>
        %dma_wait3A_153 = arith.constant 0 : i32
        %dma_wait3A_154 = tpu.memref_slice %arg4[%add3A_150, %dma_wait3A_153] : memref<41472x128xf32, #tpu.memory_space<hbm>> -> memref<16x128xf32, #tpu.memory_space<hbm>>
        tpu.wait_dma2 semaphore(%arg17 : memref<!tpu.dma_semaphore, #tpu.memory_space<semaphore_mem>>) src(%arg11 : memref<16x128xf32, #tpu.memory_space<vmem>>) dst(%dma_wait3A_154 : memref<16x128xf32, #tpu.memory_space<hbm>>)
      } else {
      }
      %scan3A_127 = arith.constant 0 : i32
      %scan3A_128 = arith.constant 0 : i32
      %scan3A_129 = arith.constant 16 : i32
      %scan3A_130 = arith.addi %scan3A_128, %scan3A_129 : i32
      %scan3A_131 = arith.constant 1 : i32
      scf.for %scan3A_147 = %scan3A_128 to %scan3A_130 step %scan3A_131  : i32 {
        %mul3A_148 = arith.constant 7 : i32
        %mul3A_149 = arith.muli %scan3A_147, %mul3A_148 : i32
        %get3A = arith.index_cast %mul3A_149 : i32 to index
        %get3A_150 = arith.constant 0 : index
        %get3A_151 = tpu.vector_load %arg8[%get3A, %get3A_150] {strides = array<i32>} : memref<112x128xf32, #tpu.memory_space<vmem>>, vector<1x16xf32>,
        %get3A_152 = vector.shape_cast %get3A_151 : vector<1x16xf32> to vector<16xf32>
        %mul3A_153 = arith.constant 7 : i32
        %mul3A_154 = arith.muli %scan3A_147, %mul3A_153 : i32
        %add3A_155 = arith.constant 1 : i32
        %add3A_156 = arith.addi %mul3A_154, %add3A_155 : i32
        %get3A_157 = arith.index_cast %add3A_156 : i32 to index
        %get3A_158 = arith.constant 0 : index
        %get3A_159 = tpu.vector_load %arg8[%get3A_157, %get3A_158] {strides = array<i32>} : memref<112x128xf32, #tpu.memory_space<vmem>>, vector<1x16xf32>,
        %get3A_160 = vector.shape_cast %get3A_159 : vector<1x16xf32> to vector<16xf32>
        %add3A_161 = arith.addf %get3A_152, %get3A_160 : vector<16xf32>
        %mul3A_162 = arith.constant 7 : i32
        %mul3A_163 = arith.muli %scan3A_147, %mul3A_162 : i32
        %add3A_164 = arith.constant 2 : i32
        %add3A_165 = arith.addi %mul3A_163, %add3A_164 : i32
        %get3A_166 = arith.index_cast %add3A_165 : i32 to index
        %get3A_167 = arith.constant 0 : index
        %get3A_168 = tpu.vector_load %arg8[%get3A_166, %get3A_167] {strides = array<i32>} : memref<112x128xf32, #tpu.memory_space<vmem>>, vector<1x16xf32>,
        %get3A_169 = vector.shape_cast %get3A_168 : vector<1x16xf32> to vector<16xf32>
        %add3A_170 = arith.addf %add3A_161, %get3A_169 : vector<16xf32>
        %mul3A_171 = arith.constant 7 : i32
        %mul3A_172 = arith.muli %scan3A_147, %mul3A_171 : i32
        %add3A_173 = arith.constant 3 : i32
        %add3A_174 = arith.addi %mul3A_172, %add3A_173 : i32
        %get3A_175 = arith.index_cast %add3A_174 : i32 to index
        %get3A_176 = arith.constant 0 : index
        %get3A_177 = tpu.vector_load %arg8[%get3A_175, %get3A_176] {strides = array<i32>} : memref<112x128xf32, #tpu.memory_space<vmem>>, vector<1x16xf32>,
        %get3A_178 = vector.shape_cast %get3A_177 : vector<1x16xf32> to vector<16xf32>
        %add3A_179 = arith.addf %add3A_170, %get3A_178 : vector<16xf32>
        %mul3A_180 = arith.constant 7 : i32
        %mul3A_181 = arith.muli %scan3A_147, %mul3A_180 : i32
        %add3A_182 = arith.constant 4 : i32
        %add3A_183 = arith.addi %mul3A_181, %add3A_182 : i32
        %get3A_184 = arith.index_cast %add3A_183 : i32 to index
        %get3A_185 = arith.constant 0 : index
        %get3A_186 = tpu.vector_load %arg8[%get3A_184, %get3A_185] {strides = array<i32>} : memref<112x128xf32, #tpu.memory_space<vmem>>, vector<1x16xf32>,
        %get3A_187 = vector.shape_cast %get3A_186 : vector<1x16xf32> to vector<16xf32>
        %add3A_188 = arith.addf %add3A_179, %get3A_187 : vector<16xf32>
        %mul3A_189 = arith.constant 7 : i32
        %mul3A_190 = arith.muli %scan3A_147, %mul3A_189 : i32
        %add3A_191 = arith.constant 5 : i32
        %add3A_192 = arith.addi %mul3A_190, %add3A_191 : i32
        %get3A_193 = arith.index_cast %add3A_192 : i32 to index
        %get3A_194 = arith.constant 0 : index
        %get3A_195 = tpu.vector_load %arg8[%get3A_193, %get3A_194] {strides = array<i32>} : memref<112x128xf32, #tpu.memory_space<vmem>>, vector<1x16xf32>,
        %get3A_196 = vector.shape_cast %get3A_195 : vector<1x16xf32> to vector<16xf32>
        %add3A_197 = arith.addf %add3A_188, %get3A_196 : vector<16xf32>
        %mul3A_198 = arith.constant 7 : i32
        %mul3A_199 = arith.muli %scan3A_147, %mul3A_198 : i32
        %add3A_200 = arith.constant 6 : i32
        %add3A_201 = arith.addi %mul3A_199, %add3A_200 : i32
        %get3A_202 = arith.index_cast %add3A_201 : i32 to index
        %get3A_203 = arith.constant 0 : index
        %get3A_204 = tpu.vector_load %arg8[%get3A_202, %get3A_203] {strides = array<i32>} : memref<112x128xf32, #tpu.memory_space<vmem>>, vector<1x16xf32>,
        %get3A_205 = vector.shape_cast %get3A_204 : vector<1x16xf32> to vector<16xf32>
        %add3A_206 = arith.addf %add3A_197, %get3A_205 : vector<16xf32>
        %swap3A = arith.index_cast %scan3A_147 : i32 to index
        %swap3A_207 = arith.constant 0 : index
        %swap3A_208 = tpu.vector_load %arg11[%swap3A, %swap3A_207] {strides = array<i32>} : memref<16x128xf32, #tpu.memory_space<vmem>>, vector<1x16xf32>,
        %swap3A_209 = vector.shape_cast %swap3A_208 : vector<1x16xf32> to vector<16xf32>
        %swap3A_210 = vector.shape_cast %add3A_206 : vector<16xf32> to vector<1x16xf32>
        tpu.vector_store %arg11[%swap3A, %swap3A_207], %swap3A_210 {strides = array<i32>} : memref<16x128xf32, #tpu.memory_space<vmem>>, vector<1x16xf32>,
        %mul3A_211 = arith.constant 7 : i32
        %mul3A_212 = arith.muli %scan3A_147, %mul3A_211 : i32
        %get3A_213 = arith.index_cast %mul3A_212 : i32 to index
        %get3A_214 = arith.constant 16 : index
        %get3A_215 = tpu.vector_load %arg8[%get3A_213, %get3A_214] {strides = array<i32>} : memref<112x128xf32, #tpu.memory_space<vmem>>, vector<1x16xf32>,
        %get3A_216 = vector.shape_cast %get3A_215 : vector<1x16xf32> to vector<16xf32>
        %mul3A_217 = arith.constant 7 : i32
        %mul3A_218 = arith.muli %scan3A_147, %mul3A_217 : i32
        %add3A_219 = arith.constant 1 : i32
        %add3A_220 = arith.addi %mul3A_218, %add3A_219 : i32
        %get3A_221 = arith.index_cast %add3A_220 : i32 to index
        %get3A_222 = arith.constant 16 : index
        %get3A_223 = tpu.vector_load %arg8[%get3A_221, %get3A_222] {strides = array<i32>} : memref<112x128xf32, #tpu.memory_space<vmem>>, vector<1x16xf32>,
        %get3A_224 = vector.shape_cast %get3A_223 : vector<1x16xf32> to vector<16xf32>
        %add3A_225 = arith.addf %get3A_216, %get3A_224 : vector<16xf32>
        %mul3A_226 = arith.constant 7 : i32
        %mul3A_227 = arith.muli %scan3A_147, %mul3A_226 : i32
        %add3A_228 = arith.constant 2 : i32
        %add3A_229 = arith.addi %mul3A_227, %add3A_228 : i32
        %get3A_230 = arith.index_cast %add3A_229 : i32 to index
        %get3A_231 = arith.constant 16 : index
        %get3A_232 = tpu.vector_load %arg8[%get3A_230, %get3A_231] {strides = array<i32>} : memref<112x128xf32, #tpu.memory_space<vmem>>, vector<1x16xf32>,
        %get3A_233 = vector.shape_cast %get3A_232 : vector<1x16xf32> to vector<16xf32>
        %add3A_234 = arith.addf %add3A_225, %get3A_233 : vector<16xf32>
        %mul3A_235 = arith.constant 7 : i32
        %mul3A_236 = arith.muli %scan3A_147, %mul3A_235 : i32
        %add3A_237 = arith.constant 3 : i32
        %add3A_238 = arith.addi %mul3A_236, %add3A_237 : i32
        %get3A_239 = arith.index_cast %add3A_238 : i32 to index
        %get3A_240 = arith.constant 16 : index
        %get3A_241 = tpu.vector_load %arg8[%get3A_239, %get3A_240] {strides = array<i32>} : memref<112x128xf32, #tpu.memory_space<vmem>>, vector<1x16xf32>,
        %get3A_242 = vector.shape_cast %get3A_241 : vector<1x16xf32> to vector<16xf32>
        %add3A_243 = arith.addf %add3A_234, %get3A_242 : vector<16xf32>
        %mul3A_244 = arith.constant 7 : i32
        %mul3A_245 = arith.muli %scan3A_147, %mul3A_244 : i32
        %add3A_246 = arith.constant 4 : i32
        %add3A_247 = arith.addi %mul3A_245, %add3A_246 : i32
        %get3A_248 = arith.index_cast %add3A_247 : i32 to index
        %get3A_249 = arith.constant 16 : index
        %get3A_250 = tpu.vector_load %arg8[%get3A_248, %get3A_249] {strides = array<i32>} : memref<112x128xf32, #tpu.memory_space<vmem>>, vector<1x16xf32>,
        %get3A_251 = vector.shape_cast %get3A_250 : vector<1x16xf32> to vector<16xf32>
        %add3A_252 = arith.addf %add3A_243, %get3A_251 : vector<16xf32>
        %mul3A_253 = arith.constant 7 : i32
        %mul3A_254 = arith.muli %scan3A_147, %mul3A_253 : i32
        %add3A_255 = arith.constant 5 : i32
        %add3A_256 = arith.addi %mul3A_254, %add3A_255 : i32
        %get3A_257 = arith.index_cast %add3A_256 : i32 to index
        %get3A_258 = arith.constant 16 : index
        %get3A_259 = tpu.vector_load %arg8[%get3A_257, %get3A_258] {strides = array<i32>} : memref<112x128xf32, #tpu.memory_space<vmem>>, vector<1x16xf32>,
        %get3A_260 = vector.shape_cast %get3A_259 : vector<1x16xf32> to vector<16xf32>
        %add3A_261 = arith.addf %add3A_252, %get3A_260 : vector<16xf32>
        %mul3A_262 = arith.constant 7 : i32
        %mul3A_263 = arith.muli %scan3A_147, %mul3A_262 : i32
        %add3A_264 = arith.constant 6 : i32
        %add3A_265 = arith.addi %mul3A_263, %add3A_264 : i32
        %get3A_266 = arith.index_cast %add3A_265 : i32 to index
        %get3A_267 = arith.constant 16 : index
        %get3A_268 = tpu.vector_load %arg8[%get3A_266, %get3A_267] {strides = array<i32>} : memref<112x128xf32, #tpu.memory_space<vmem>>, vector<1x16xf32>,
        %get3A_269 = vector.shape_cast %get3A_268 : vector<1x16xf32> to vector<16xf32>
        %add3A_270 = arith.addf %add3A_261, %get3A_269 : vector<16xf32>
        %swap3A_271 = arith.index_cast %scan3A_147 : i32 to index
        %swap3A_272 = arith.constant 16 : index
        %swap3A_273 = tpu.vector_load %arg11[%swap3A_271, %swap3A_272] {strides = array<i32>} : memref<16x128xf32, #tpu.memory_space<vmem>>, vector<1x16xf32>,
        %swap3A_274 = vector.shape_cast %swap3A_273 : vector<1x16xf32> to vector<16xf32>
        %swap3A_275 = vector.shape_cast %add3A_270 : vector<16xf32> to vector<1x16xf32>
        tpu.vector_store %arg11[%swap3A_271, %swap3A_272], %swap3A_275 {strides = array<i32>} : memref<16x128xf32, #tpu.memory_space<vmem>>, vector<1x16xf32>,
        %mul3A_276 = arith.constant 7 : i32
        %mul3A_277 = arith.muli %scan3A_147, %mul3A_276 : i32
        %get3A_278 = arith.index_cast %mul3A_277 : i32 to index
        %get3A_279 = arith.constant 32 : index
        %get3A_280 = tpu.vector_load %arg8[%get3A_278, %get3A_279] {strides = array<i32>} : memref<112x128xf32, #tpu.memory_space<vmem>>, vector<1x16xf32>,
        %get3A_281 = vector.shape_cast %get3A_280 : vector<1x16xf32> to vector<16xf32>
        %mul3A_282 = arith.constant 7 : i32
        %mul3A_283 = arith.muli %scan3A_147, %mul3A_282 : i32
        %add3A_284 = arith.constant 1 : i32
        %add3A_285 = arith.addi %mul3A_283, %add3A_284 : i32
        %get3A_286 = arith.index_cast %add3A_285 : i32 to index
        %get3A_287 = arith.constant 32 : index
        %get3A_288 = tpu.vector_load %arg8[%get3A_286, %get3A_287] {strides = array<i32>} : memref<112x128xf32, #tpu.memory_space<vmem>>, vector<1x16xf32>,
        %get3A_289 = vector.shape_cast %get3A_288 : vector<1x16xf32> to vector<16xf32>
        %add3A_290 = arith.addf %get3A_281, %get3A_289 : vector<16xf32>
        %mul3A_291 = arith.constant 7 : i32
        %mul3A_292 = arith.muli %scan3A_147, %mul3A_291 : i32
        %add3A_293 = arith.constant 2 : i32
        %add3A_294 = arith.addi %mul3A_292, %add3A_293 : i32
        %get3A_295 = arith.index_cast %add3A_294 : i32 to index
        %get3A_296 = arith.constant 32 : index
        %get3A_297 = tpu.vector_load %arg8[%get3A_295, %get3A_296] {strides = array<i32>} : memref<112x128xf32, #tpu.memory_space<vmem>>, vector<1x16xf32>,
        %get3A_298 = vector.shape_cast %get3A_297 : vector<1x16xf32> to vector<16xf32>
        %add3A_299 = arith.addf %add3A_290, %get3A_298 : vector<16xf32>
        %mul3A_300 = arith.constant 7 : i32
        %mul3A_301 = arith.muli %scan3A_147, %mul3A_300 : i32
        %add3A_302 = arith.constant 3 : i32
        %add3A_303 = arith.addi %mul3A_301, %add3A_302 : i32
        %get3A_304 = arith.index_cast %add3A_303 : i32 to index
        %get3A_305 = arith.constant 32 : index
        %get3A_306 = tpu.vector_load %arg8[%get3A_304, %get3A_305] {strides = array<i32>} : memref<112x128xf32, #tpu.memory_space<vmem>>, vector<1x16xf32>,
        %get3A_307 = vector.shape_cast %get3A_306 : vector<1x16xf32> to vector<16xf32>
        %add3A_308 = arith.addf %add3A_299, %get3A_307 : vector<16xf32>
        %mul3A_309 = arith.constant 7 : i32
        %mul3A_310 = arith.muli %scan3A_147, %mul3A_309 : i32
        %add3A_311 = arith.constant 4 : i32
        %add3A_312 = arith.addi %mul3A_310, %add3A_311 : i32
        %get3A_313 = arith.index_cast %add3A_312 : i32 to index
        %get3A_314 = arith.constant 32 : index
        %get3A_315 = tpu.vector_load %arg8[%get3A_313, %get3A_314] {strides = array<i32>} : memref<112x128xf32, #tpu.memory_space<vmem>>, vector<1x16xf32>,
        %get3A_316 = vector.shape_cast %get3A_315 : vector<1x16xf32> to vector<16xf32>
        %add3A_317 = arith.addf %add3A_308, %get3A_316 : vector<16xf32>
        %mul3A_318 = arith.constant 7 : i32
        %mul3A_319 = arith.muli %scan3A_147, %mul3A_318 : i32
        %add3A_320 = arith.constant 5 : i32
        %add3A_321 = arith.addi %mul3A_319, %add3A_320 : i32
        %get3A_322 = arith.index_cast %add3A_321 : i32 to index
        %get3A_323 = arith.constant 32 : index
        %get3A_324 = tpu.vector_load %arg8[%get3A_322, %get3A_323] {strides = array<i32>} : memref<112x128xf32, #tpu.memory_space<vmem>>, vector<1x16xf32>,
        %get3A_325 = vector.shape_cast %get3A_324 : vector<1x16xf32> to vector<16xf32>
        %add3A_326 = arith.addf %add3A_317, %get3A_325 : vector<16xf32>
        %mul3A_327 = arith.constant 7 : i32
        %mul3A_328 = arith.muli %scan3A_147, %mul3A_327 : i32
        %add3A_329 = arith.constant 6 : i32
        %add3A_330 = arith.addi %mul3A_328, %add3A_329 : i32
        %get3A_331 = arith.index_cast %add3A_330 : i32 to index
        %get3A_332 = arith.constant 32 : index
        %get3A_333 = tpu.vector_load %arg8[%get3A_331, %get3A_332] {strides = array<i32>} : memref<112x128xf32, #tpu.memory_space<vmem>>, vector<1x16xf32>,
        %get3A_334 = vector.shape_cast %get3A_333 : vector<1x16xf32> to vector<16xf32>
        %add3A_335 = arith.addf %add3A_326, %get3A_334 : vector<16xf32>
        %swap3A_336 = arith.index_cast %scan3A_147 : i32 to index
        %swap3A_337 = arith.constant 32 : index
        %swap3A_338 = tpu.vector_load %arg11[%swap3A_336, %swap3A_337] {strides = array<i32>} : memref<16x128xf32, #tpu.memory_space<vmem>>, vector<1x16xf32>,
        %swap3A_339 = vector.shape_cast %swap3A_338 : vector<1x16xf32> to vector<16xf32>
        %swap3A_340 = vector.shape_cast %add3A_335 : vector<16xf32> to vector<1x16xf32>
        tpu.vector_store %arg11[%swap3A_336, %swap3A_337], %swap3A_340 {strides = array<i32>} : memref<16x128xf32, #tpu.memory_space<vmem>>, vector<1x16xf32>,
        %mul3A_341 = arith.constant 7 : i32
        %mul3A_342 = arith.muli %scan3A_147, %mul3A_341 : i32
        %get3A_343 = arith.index_cast %mul3A_342 : i32 to index
        %get3A_344 = arith.constant 48 : index
        %get3A_345 = tpu.vector_load %arg8[%get3A_343, %get3A_344] {strides = array<i32>} : memref<112x128xf32, #tpu.memory_space<vmem>>, vector<1x16xf32>,
        %get3A_346 = vector.shape_cast %get3A_345 : vector<1x16xf32> to vector<16xf32>
        %mul3A_347 = arith.constant 7 : i32
        %mul3A_348 = arith.muli %scan3A_147, %mul3A_347 : i32
        %add3A_349 = arith.constant 1 : i32
        %add3A_350 = arith.addi %mul3A_348, %add3A_349 : i32
        %get3A_351 = arith.index_cast %add3A_350 : i32 to index
        %get3A_352 = arith.constant 48 : index
        %get3A_353 = tpu.vector_load %arg8[%get3A_351, %get3A_352] {strides = array<i32>} : memref<112x128xf32, #tpu.memory_space<vmem>>, vector<1x16xf32>,
        %get3A_354 = vector.shape_cast %get3A_353 : vector<1x16xf32> to vector<16xf32>
        %add3A_355 = arith.addf %get3A_346, %get3A_354 : vector<16xf32>
        %mul3A_356 = arith.constant 7 : i32
        %mul3A_357 = arith.muli %scan3A_147, %mul3A_356 : i32
        %add3A_358 = arith.constant 2 : i32
        %add3A_359 = arith.addi %mul3A_357, %add3A_358 : i32
        %get3A_360 = arith.index_cast %add3A_359 : i32 to index
        %get3A_361 = arith.constant 48 : index
        %get3A_362 = tpu.vector_load %arg8[%get3A_360, %get3A_361] {strides = array<i32>} : memref<112x128xf32, #tpu.memory_space<vmem>>, vector<1x16xf32>,
        %get3A_363 = vector.shape_cast %get3A_362 : vector<1x16xf32> to vector<16xf32>
        %add3A_364 = arith.addf %add3A_355, %get3A_363 : vector<16xf32>
        %mul3A_365 = arith.constant 7 : i32
        %mul3A_366 = arith.muli %scan3A_147, %mul3A_365 : i32
        %add3A_367 = arith.constant 3 : i32
        %add3A_368 = arith.addi %mul3A_366, %add3A_367 : i32
        %get3A_369 = arith.index_cast %add3A_368 : i32 to index
        %get3A_370 = arith.constant 48 : index
        %get3A_371 = tpu.vector_load %arg8[%get3A_369, %get3A_370] {strides = array<i32>} : memref<112x128xf32, #tpu.memory_space<vmem>>, vector<1x16xf32>,
        %get3A_372 = vector.shape_cast %get3A_371 : vector<1x16xf32> to vector<16xf32>
        %add3A_373 = arith.addf %add3A_364, %get3A_372 : vector<16xf32>
        %mul3A_374 = arith.constant 7 : i32
        %mul3A_375 = arith.muli %scan3A_147, %mul3A_374 : i32
        %add3A_376 = arith.constant 4 : i32
        %add3A_377 = arith.addi %mul3A_375, %add3A_376 : i32
        %get3A_378 = arith.index_cast %add3A_377 : i32 to index
        %get3A_379 = arith.constant 48 : index
        %get3A_380 = tpu.vector_load %arg8[%get3A_378, %get3A_379] {strides = array<i32>} : memref<112x128xf32, #tpu.memory_space<vmem>>, vector<1x16xf32>,
        %get3A_381 = vector.shape_cast %get3A_380 : vector<1x16xf32> to vector<16xf32>
        %add3A_382 = arith.addf %add3A_373, %get3A_381 : vector<16xf32>
        %mul3A_383 = arith.constant 7 : i32
        %mul3A_384 = arith.muli %scan3A_147, %mul3A_383 : i32
        %add3A_385 = arith.constant 5 : i32
        %add3A_386 = arith.addi %mul3A_384, %add3A_385 : i32
        %get3A_387 = arith.index_cast %add3A_386 : i32 to index
        %get3A_388 = arith.constant 48 : index
        %get3A_389 = tpu.vector_load %arg8[%get3A_387, %get3A_388] {strides = array<i32>} : memref<112x128xf32, #tpu.memory_space<vmem>>, vector<1x16xf32>,
        %get3A_390 = vector.shape_cast %get3A_389 : vector<1x16xf32> to vector<16xf32>
        %add3A_391 = arith.addf %add3A_382, %get3A_390 : vector<16xf32>
        %mul3A_392 = arith.constant 7 : i32
        %mul3A_393 = arith.muli %scan3A_147, %mul3A_392 : i32
        %add3A_394 = arith.constant 6 : i32
        %add3A_395 = arith.addi %mul3A_393, %add3A_394 : i32
        %get3A_396 = arith.index_cast %add3A_395 : i32 to index
        %get3A_397 = arith.constant 48 : index
        %get3A_398 = tpu.vector_load %arg8[%get3A_396, %get3A_397] {strides = array<i32>} : memref<112x128xf32, #tpu.memory_space<vmem>>, vector<1x16xf32>,
        %get3A_399 = vector.shape_cast %get3A_398 : vector<1x16xf32> to vector<16xf32>
        %add3A_400 = arith.addf %add3A_391, %get3A_399 : vector<16xf32>
        %swap3A_401 = arith.index_cast %scan3A_147 : i32 to index
        %swap3A_402 = arith.constant 48 : index
        %swap3A_403 = tpu.vector_load %arg11[%swap3A_401, %swap3A_402] {strides = array<i32>} : memref<16x128xf32, #tpu.memory_space<vmem>>, vector<1x16xf32>,
        %swap3A_404 = vector.shape_cast %swap3A_403 : vector<1x16xf32> to vector<16xf32>
        %swap3A_405 = vector.shape_cast %add3A_400 : vector<16xf32> to vector<1x16xf32>
        tpu.vector_store %arg11[%swap3A_401, %swap3A_402], %swap3A_405 {strides = array<i32>} : memref<16x128xf32, #tpu.memory_space<vmem>>, vector<1x16xf32>,
        %mul3A_406 = arith.constant 7 : i32
        %mul3A_407 = arith.muli %scan3A_147, %mul3A_406 : i32
        %get3A_408 = arith.index_cast %mul3A_407 : i32 to index
        %get3A_409 = arith.constant 64 : index
        %get3A_410 = tpu.vector_load %arg8[%get3A_408, %get3A_409] {strides = array<i32>} : memref<112x128xf32, #tpu.memory_space<vmem>>, vector<1x16xf32>,
        %get3A_411 = vector.shape_cast %get3A_410 : vector<1x16xf32> to vector<16xf32>
        %mul3A_412 = arith.constant 7 : i32
        %mul3A_413 = arith.muli %scan3A_147, %mul3A_412 : i32
        %add3A_414 = arith.constant 1 : i32
        %add3A_415 = arith.addi %mul3A_413, %add3A_414 : i32
        %get3A_416 = arith.index_cast %add3A_415 : i32 to index
        %get3A_417 = arith.constant 64 : index
        %get3A_418 = tpu.vector_load %arg8[%get3A_416, %get3A_417] {strides = array<i32>} : memref<112x128xf32, #tpu.memory_space<vmem>>, vector<1x16xf32>,
        %get3A_419 = vector.shape_cast %get3A_418 : vector<1x16xf32> to vector<16xf32>
        %add3A_420 = arith.addf %get3A_411, %get3A_419 : vector<16xf32>
        %mul3A_421 = arith.constant 7 : i32
        %mul3A_422 = arith.muli %scan3A_147, %mul3A_421 : i32
        %add3A_423 = arith.constant 2 : i32
        %add3A_424 = arith.addi %mul3A_422, %add3A_423 : i32
        %get3A_425 = arith.index_cast %add3A_424 : i32 to index
        %get3A_426 = arith.constant 64 : index
        %get3A_427 = tpu.vector_load %arg8[%get3A_425, %get3A_426] {strides = array<i32>} : memref<112x128xf32, #tpu.memory_space<vmem>>, vector<1x16xf32>,
        %get3A_428 = vector.shape_cast %get3A_427 : vector<1x16xf32> to vector<16xf32>
        %add3A_429 = arith.addf %add3A_420, %get3A_428 : vector<16xf32>
        %mul3A_430 = arith.constant 7 : i32
        %mul3A_431 = arith.muli %scan3A_147, %mul3A_430 : i32
        %add3A_432 = arith.constant 3 : i32
        %add3A_433 = arith.addi %mul3A_431, %add3A_432 : i32
        %get3A_434 = arith.index_cast %add3A_433 : i32 to index
        %get3A_435 = arith.constant 64 : index
        %get3A_436 = tpu.vector_load %arg8[%get3A_434, %get3A_435] {strides = array<i32>} : memref<112x128xf32, #tpu.memory_space<vmem>>, vector<1x16xf32>,
        %get3A_437 = vector.shape_cast %get3A_436 : vector<1x16xf32> to vector<16xf32>
        %add3A_438 = arith.addf %add3A_429, %get3A_437 : vector<16xf32>
        %mul3A_439 = arith.constant 7 : i32
        %mul3A_440 = arith.muli %scan3A_147, %mul3A_439 : i32
        %add3A_441 = arith.constant 4 : i32
        %add3A_442 = arith.addi %mul3A_440, %add3A_441 : i32
        %get3A_443 = arith.index_cast %add3A_442 : i32 to index
        %get3A_444 = arith.constant 64 : index
        %get3A_445 = tpu.vector_load %arg8[%get3A_443, %get3A_444] {strides = array<i32>} : memref<112x128xf32, #tpu.memory_space<vmem>>, vector<1x16xf32>,
        %get3A_446 = vector.shape_cast %get3A_445 : vector<1x16xf32> to vector<16xf32>
        %add3A_447 = arith.addf %add3A_438, %get3A_446 : vector<16xf32>
        %mul3A_448 = arith.constant 7 : i32
        %mul3A_449 = arith.muli %scan3A_147, %mul3A_448 : i32
        %add3A_450 = arith.constant 5 : i32
        %add3A_451 = arith.addi %mul3A_449, %add3A_450 : i32
        %get3A_452 = arith.index_cast %add3A_451 : i32 to index
        %get3A_453 = arith.constant 64 : index
        %get3A_454 = tpu.vector_load %arg8[%get3A_452, %get3A_453] {strides = array<i32>} : memref<112x128xf32, #tpu.memory_space<vmem>>, vector<1x16xf32>,
        %get3A_455 = vector.shape_cast %get3A_454 : vector<1x16xf32> to vector<16xf32>
        %add3A_456 = arith.addf %add3A_447, %get3A_455 : vector<16xf32>
        %mul3A_457 = arith.constant 7 : i32
        %mul3A_458 = arith.muli %scan3A_147, %mul3A_457 : i32
        %add3A_459 = arith.constant 6 : i32
        %add3A_460 = arith.addi %mul3A_458, %add3A_459 : i32
        %get3A_461 = arith.index_cast %add3A_460 : i32 to index
        %get3A_462 = arith.constant 64 : index
        %get3A_463 = tpu.vector_load %arg8[%get3A_461, %get3A_462] {strides = array<i32>} : memref<112x128xf32, #tpu.memory_space<vmem>>, vector<1x16xf32>,
        %get3A_464 = vector.shape_cast %get3A_463 : vector<1x16xf32> to vector<16xf32>
        %add3A_465 = arith.addf %add3A_456, %get3A_464 : vector<16xf32>
        %swap3A_466 = arith.index_cast %scan3A_147 : i32 to index
        %swap3A_467 = arith.constant 64 : index
        %swap3A_468 = tpu.vector_load %arg11[%swap3A_466, %swap3A_467] {strides = array<i32>} : memref<16x128xf32, #tpu.memory_space<vmem>>, vector<1x16xf32>,
        %swap3A_469 = vector.shape_cast %swap3A_468 : vector<1x16xf32> to vector<16xf32>
        %swap3A_470 = vector.shape_cast %add3A_465 : vector<16xf32> to vector<1x16xf32>
        tpu.vector_store %arg11[%swap3A_466, %swap3A_467], %swap3A_470 {strides = array<i32>} : memref<16x128xf32, #tpu.memory_space<vmem>>, vector<1x16xf32>,
        %mul3A_471 = arith.constant 7 : i32
        %mul3A_472 = arith.muli %scan3A_147, %mul3A_471 : i32
        %get3A_473 = arith.index_cast %mul3A_472 : i32 to index
        %get3A_474 = arith.constant 80 : index
        %get3A_475 = tpu.vector_load %arg8[%get3A_473, %get3A_474] {strides = array<i32>} : memref<112x128xf32, #tpu.memory_space<vmem>>, vector<1x16xf32>,
        %get3A_476 = vector.shape_cast %get3A_475 : vector<1x16xf32> to vector<16xf32>
        %mul3A_477 = arith.constant 7 : i32
        %mul3A_478 = arith.muli %scan3A_147, %mul3A_477 : i32
        %add3A_479 = arith.constant 1 : i32
        %add3A_480 = arith.addi %mul3A_478, %add3A_479 : i32
        %get3A_481 = arith.index_cast %add3A_480 : i32 to index
        %get3A_482 = arith.constant 80 : index
        %get3A_483 = tpu.vector_load %arg8[%get3A_481, %get3A_482] {strides = array<i32>} : memref<112x128xf32, #tpu.memory_space<vmem>>, vector<1x16xf32>,
        %get3A_484 = vector.shape_cast %get3A_483 : vector<1x16xf32> to vector<16xf32>
        %add3A_485 = arith.addf %get3A_476, %get3A_484 : vector<16xf32>
        %mul3A_486 = arith.constant 7 : i32
        %mul3A_487 = arith.muli %scan3A_147, %mul3A_486 : i32
        %add3A_488 = arith.constant 2 : i32
        %add3A_489 = arith.addi %mul3A_487, %add3A_488 : i32
        %get3A_490 = arith.index_cast %add3A_489 : i32 to index
        %get3A_491 = arith.constant 80 : index
        %get3A_492 = tpu.vector_load %arg8[%get3A_490, %get3A_491] {strides = array<i32>} : memref<112x128xf32, #tpu.memory_space<vmem>>, vector<1x16xf32>,
        %get3A_493 = vector.shape_cast %get3A_492 : vector<1x16xf32> to vector<16xf32>
        %add3A_494 = arith.addf %add3A_485, %get3A_493 : vector<16xf32>
        %mul3A_495 = arith.constant 7 : i32
        %mul3A_496 = arith.muli %scan3A_147, %mul3A_495 : i32
        %add3A_497 = arith.constant 3 : i32
        %add3A_498 = arith.addi %mul3A_496, %add3A_497 : i32
        %get3A_499 = arith.index_cast %add3A_498 : i32 to index
        %get3A_500 = arith.constant 80 : index
        %get3A_501 = tpu.vector_load %arg8[%get3A_499, %get3A_500] {strides = array<i32>} : memref<112x128xf32, #tpu.memory_space<vmem>>, vector<1x16xf32>,
        %get3A_502 = vector.shape_cast %get3A_501 : vector<1x16xf32> to vector<16xf32>
        %add3A_503 = arith.addf %add3A_494, %get3A_502 : vector<16xf32>
        %mul3A_504 = arith.constant 7 : i32
        %mul3A_505 = arith.muli %scan3A_147, %mul3A_504 : i32
        %add3A_506 = arith.constant 4 : i32
        %add3A_507 = arith.addi %mul3A_505, %add3A_506 : i32
        %get3A_508 = arith.index_cast %add3A_507 : i32 to index
        %get3A_509 = arith.constant 80 : index
        %get3A_510 = tpu.vector_load %arg8[%get3A_508, %get3A_509] {strides = array<i32>} : memref<112x128xf32, #tpu.memory_space<vmem>>, vector<1x16xf32>,
        %get3A_511 = vector.shape_cast %get3A_510 : vector<1x16xf32> to vector<16xf32>
        %add3A_512 = arith.addf %add3A_503, %get3A_511 : vector<16xf32>
        %mul3A_513 = arith.constant 7 : i32
        %mul3A_514 = arith.muli %scan3A_147, %mul3A_513 : i32
        %add3A_515 = arith.constant 5 : i32
        %add3A_516 = arith.addi %mul3A_514, %add3A_515 : i32
        %get3A_517 = arith.index_cast %add3A_516 : i32 to index
        %get3A_518 = arith.constant 80 : index
        %get3A_519 = tpu.vector_load %arg8[%get3A_517, %get3A_518] {strides = array<i32>} : memref<112x128xf32, #tpu.memory_space<vmem>>, vector<1x16xf32>,
        %get3A_520 = vector.shape_cast %get3A_519 : vector<1x16xf32> to vector<16xf32>
        %add3A_521 = arith.addf %add3A_512, %get3A_520 : vector<16xf32>
        %mul3A_522 = arith.constant 7 : i32
        %mul3A_523 = arith.muli %scan3A_147, %mul3A_522 : i32
        %add3A_524 = arith.constant 6 : i32
        %add3A_525 = arith.addi %mul3A_523, %add3A_524 : i32
        %get3A_526 = arith.index_cast %add3A_525 : i32 to index
        %get3A_527 = arith.constant 80 : index
        %get3A_528 = tpu.vector_load %arg8[%get3A_526, %get3A_527] {strides = array<i32>} : memref<112x128xf32, #tpu.memory_space<vmem>>, vector<1x16xf32>,
        %get3A_529 = vector.shape_cast %get3A_528 : vector<1x16xf32> to vector<16xf32>
        %add3A_530 = arith.addf %add3A_521, %get3A_529 : vector<16xf32>
        %swap3A_531 = arith.index_cast %scan3A_147 : i32 to index
        %swap3A_532 = arith.constant 80 : index
        %swap3A_533 = tpu.vector_load %arg11[%swap3A_531, %swap3A_532] {strides = array<i32>} : memref<16x128xf32, #tpu.memory_space<vmem>>, vector<1x16xf32>,
        %swap3A_534 = vector.shape_cast %swap3A_533 : vector<1x16xf32> to vector<16xf32>
        %swap3A_535 = vector.shape_cast %add3A_530 : vector<16xf32> to vector<1x16xf32>
        tpu.vector_store %arg11[%swap3A_531, %swap3A_532], %swap3A_535 {strides = array<i32>} : memref<16x128xf32, #tpu.memory_space<vmem>>, vector<1x16xf32>,
        %mul3A_536 = arith.constant 7 : i32
        %mul3A_537 = arith.muli %scan3A_147, %mul3A_536 : i32
        %get3A_538 = arith.index_cast %mul3A_537 : i32 to index
        %get3A_539 = arith.constant 96 : index
        %get3A_540 = tpu.vector_load %arg8[%get3A_538, %get3A_539] {strides = array<i32>} : memref<112x128xf32, #tpu.memory_space<vmem>>, vector<1x16xf32>,
        %get3A_541 = vector.shape_cast %get3A_540 : vector<1x16xf32> to vector<16xf32>
        %mul3A_542 = arith.constant 7 : i32
        %mul3A_543 = arith.muli %scan3A_147, %mul3A_542 : i32
        %add3A_544 = arith.constant 1 : i32
        %add3A_545 = arith.addi %mul3A_543, %add3A_544 : i32
        %get3A_546 = arith.index_cast %add3A_545 : i32 to index
        %get3A_547 = arith.constant 96 : index
        %get3A_548 = tpu.vector_load %arg8[%get3A_546, %get3A_547] {strides = array<i32>} : memref<112x128xf32, #tpu.memory_space<vmem>>, vector<1x16xf32>,
        %get3A_549 = vector.shape_cast %get3A_548 : vector<1x16xf32> to vector<16xf32>
        %add3A_550 = arith.addf %get3A_541, %get3A_549 : vector<16xf32>
        %mul3A_551 = arith.constant 7 : i32
        %mul3A_552 = arith.muli %scan3A_147, %mul3A_551 : i32
        %add3A_553 = arith.constant 2 : i32
        %add3A_554 = arith.addi %mul3A_552, %add3A_553 : i32
        %get3A_555 = arith.index_cast %add3A_554 : i32 to index
        %get3A_556 = arith.constant 96 : index
        %get3A_557 = tpu.vector_load %arg8[%get3A_555, %get3A_556] {strides = array<i32>} : memref<112x128xf32, #tpu.memory_space<vmem>>, vector<1x16xf32>,
        %get3A_558 = vector.shape_cast %get3A_557 : vector<1x16xf32> to vector<16xf32>
        %add3A_559 = arith.addf %add3A_550, %get3A_558 : vector<16xf32>
        %mul3A_560 = arith.constant 7 : i32
        %mul3A_561 = arith.muli %scan3A_147, %mul3A_560 : i32
        %add3A_562 = arith.constant 3 : i32
        %add3A_563 = arith.addi %mul3A_561, %add3A_562 : i32
        %get3A_564 = arith.index_cast %add3A_563 : i32 to index
        %get3A_565 = arith.constant 96 : index
        %get3A_566 = tpu.vector_load %arg8[%get3A_564, %get3A_565] {strides = array<i32>} : memref<112x128xf32, #tpu.memory_space<vmem>>, vector<1x16xf32>,
        %get3A_567 = vector.shape_cast %get3A_566 : vector<1x16xf32> to vector<16xf32>
        %add3A_568 = arith.addf %add3A_559, %get3A_567 : vector<16xf32>
        %mul3A_569 = arith.constant 7 : i32
        %mul3A_570 = arith.muli %scan3A_147, %mul3A_569 : i32
        %add3A_571 = arith.constant 4 : i32
        %add3A_572 = arith.addi %mul3A_570, %add3A_571 : i32
        %get3A_573 = arith.index_cast %add3A_572 : i32 to index
        %get3A_574 = arith.constant 96 : index
        %get3A_575 = tpu.vector_load %arg8[%get3A_573, %get3A_574] {strides = array<i32>} : memref<112x128xf32, #tpu.memory_space<vmem>>, vector<1x16xf32>,
        %get3A_576 = vector.shape_cast %get3A_575 : vector<1x16xf32> to vector<16xf32>
        %add3A_577 = arith.addf %add3A_568, %get3A_576 : vector<16xf32>
        %mul3A_578 = arith.constant 7 : i32
        %mul3A_579 = arith.muli %scan3A_147, %mul3A_578 : i32
        %add3A_580 = arith.constant 5 : i32
        %add3A_581 = arith.addi %mul3A_579, %add3A_580 : i32
        %get3A_582 = arith.index_cast %add3A_581 : i32 to index
        %get3A_583 = arith.constant 96 : index
        %get3A_584 = tpu.vector_load %arg8[%get3A_582, %get3A_583] {strides = array<i32>} : memref<112x128xf32, #tpu.memory_space<vmem>>, vector<1x16xf32>,
        %get3A_585 = vector.shape_cast %get3A_584 : vector<1x16xf32> to vector<16xf32>
        %add3A_586 = arith.addf %add3A_577, %get3A_585 : vector<16xf32>
        %mul3A_587 = arith.constant 7 : i32
        %mul3A_588 = arith.muli %scan3A_147, %mul3A_587 : i32
        %add3A_589 = arith.constant 6 : i32
        %add3A_590 = arith.addi %mul3A_588, %add3A_589 : i32
        %get3A_591 = arith.index_cast %add3A_590 : i32 to index
        %get3A_592 = arith.constant 96 : index
        %get3A_593 = tpu.vector_load %arg8[%get3A_591, %get3A_592] {strides = array<i32>} : memref<112x128xf32, #tpu.memory_space<vmem>>, vector<1x16xf32>,
        %get3A_594 = vector.shape_cast %get3A_593 : vector<1x16xf32> to vector<16xf32>
        %add3A_595 = arith.addf %add3A_586, %get3A_594 : vector<16xf32>
        %swap3A_596 = arith.index_cast %scan3A_147 : i32 to index
        %swap3A_597 = arith.constant 96 : index
        %swap3A_598 = tpu.vector_load %arg11[%swap3A_596, %swap3A_597] {strides = array<i32>} : memref<16x128xf32, #tpu.memory_space<vmem>>, vector<1x16xf32>,
        %swap3A_599 = vector.shape_cast %swap3A_598 : vector<1x16xf32> to vector<16xf32>
        %swap3A_600 = vector.shape_cast %add3A_595 : vector<16xf32> to vector<1x16xf32>
        tpu.vector_store %arg11[%swap3A_596, %swap3A_597], %swap3A_600 {strides = array<i32>} : memref<16x128xf32, #tpu.memory_space<vmem>>, vector<1x16xf32>,
        %mul3A_601 = arith.constant 7 : i32
        %mul3A_602 = arith.muli %scan3A_147, %mul3A_601 : i32
        %get3A_603 = arith.index_cast %mul3A_602 : i32 to index
        %get3A_604 = arith.constant 112 : index
        %get3A_605 = tpu.vector_load %arg8[%get3A_603, %get3A_604] {strides = array<i32>} : memref<112x128xf32, #tpu.memory_space<vmem>>, vector<1x16xf32>,
        %get3A_606 = vector.shape_cast %get3A_605 : vector<1x16xf32> to vector<16xf32>
        %mul3A_607 = arith.constant 7 : i32
        %mul3A_608 = arith.muli %scan3A_147, %mul3A_607 : i32
        %add3A_609 = arith.constant 1 : i32
        %add3A_610 = arith.addi %mul3A_608, %add3A_609 : i32
        %get3A_611 = arith.index_cast %add3A_610 : i32 to index
        %get3A_612 = arith.constant 112 : index
        %get3A_613 = tpu.vector_load %arg8[%get3A_611, %get3A_612] {strides = array<i32>} : memref<112x128xf32, #tpu.memory_space<vmem>>, vector<1x16xf32>,
        %get3A_614 = vector.shape_cast %get3A_613 : vector<1x16xf32> to vector<16xf32>
        %add3A_615 = arith.addf %get3A_606, %get3A_614 : vector<16xf32>
        %mul3A_616 = arith.constant 7 : i32
        %mul3A_617 = arith.muli %scan3A_147, %mul3A_616 : i32
        %add3A_618 = arith.constant 2 : i32
        %add3A_619 = arith.addi %mul3A_617, %add3A_618 : i32
        %get3A_620 = arith.index_cast %add3A_619 : i32 to index
        %get3A_621 = arith.constant 112 : index
        %get3A_622 = tpu.vector_load %arg8[%get3A_620, %get3A_621] {strides = array<i32>} : memref<112x128xf32, #tpu.memory_space<vmem>>, vector<1x16xf32>,
        %get3A_623 = vector.shape_cast %get3A_622 : vector<1x16xf32> to vector<16xf32>
        %add3A_624 = arith.addf %add3A_615, %get3A_623 : vector<16xf32>
        %mul3A_625 = arith.constant 7 : i32
        %mul3A_626 = arith.muli %scan3A_147, %mul3A_625 : i32
        %add3A_627 = arith.constant 3 : i32
        %add3A_628 = arith.addi %mul3A_626, %add3A_627 : i32
        %get3A_629 = arith.index_cast %add3A_628 : i32 to index
        %get3A_630 = arith.constant 112 : index
        %get3A_631 = tpu.vector_load %arg8[%get3A_629, %get3A_630] {strides = array<i32>} : memref<112x128xf32, #tpu.memory_space<vmem>>, vector<1x16xf32>,
        %get3A_632 = vector.shape_cast %get3A_631 : vector<1x16xf32> to vector<16xf32>
        %add3A_633 = arith.addf %add3A_624, %get3A_632 : vector<16xf32>
        %mul3A_634 = arith.constant 7 : i32
        %mul3A_635 = arith.muli %scan3A_147, %mul3A_634 : i32
        %add3A_636 = arith.constant 4 : i32
        %add3A_637 = arith.addi %mul3A_635, %add3A_636 : i32
        %get3A_638 = arith.index_cast %add3A_637 : i32 to index
        %get3A_639 = arith.constant 112 : index
        %get3A_640 = tpu.vector_load %arg8[%get3A_638, %get3A_639] {strides = array<i32>} : memref<112x128xf32, #tpu.memory_space<vmem>>, vector<1x16xf32>,
        %get3A_641 = vector.shape_cast %get3A_640 : vector<1x16xf32> to vector<16xf32>
        %add3A_642 = arith.addf %add3A_633, %get3A_641 : vector<16xf32>
        %mul3A_643 = arith.constant 7 : i32
        %mul3A_644 = arith.muli %scan3A_147, %mul3A_643 : i32
        %add3A_645 = arith.constant 5 : i32
        %add3A_646 = arith.addi %mul3A_644, %add3A_645 : i32
        %get3A_647 = arith.index_cast %add3A_646 : i32 to index
        %get3A_648 = arith.constant 112 : index
        %get3A_649 = tpu.vector_load %arg8[%get3A_647, %get3A_648] {strides = array<i32>} : memref<112x128xf32, #tpu.memory_space<vmem>>, vector<1x16xf32>,
        %get3A_650 = vector.shape_cast %get3A_649 : vector<1x16xf32> to vector<16xf32>
        %add3A_651 = arith.addf %add3A_642, %get3A_650 : vector<16xf32>
        %mul3A_652 = arith.constant 7 : i32
        %mul3A_653 = arith.muli %scan3A_147, %mul3A_652 : i32
        %add3A_654 = arith.constant 6 : i32
        %add3A_655 = arith.addi %mul3A_653, %add3A_654 : i32
        %get3A_656 = arith.index_cast %add3A_655 : i32 to index
        %get3A_657 = arith.constant 112 : index
        %get3A_658 = tpu.vector_load %arg8[%get3A_656, %get3A_657] {strides = array<i32>} : memref<112x128xf32, #tpu.memory_space<vmem>>, vector<1x16xf32>,
        %get3A_659 = vector.shape_cast %get3A_658 : vector<1x16xf32> to vector<16xf32>
        %add3A_660 = arith.addf %add3A_651, %get3A_659 : vector<16xf32>
        %swap3A_661 = arith.index_cast %scan3A_147 : i32 to index
        %swap3A_662 = arith.constant 112 : index
        %swap3A_663 = tpu.vector_load %arg11[%swap3A_661, %swap3A_662] {strides = array<i32>} : memref<16x128xf32, #tpu.memory_space<vmem>>, vector<1x16xf32>,
        %swap3A_664 = vector.shape_cast %swap3A_663 : vector<1x16xf32> to vector<16xf32>
        %swap3A_665 = vector.shape_cast %add3A_660 : vector<16xf32> to vector<1x16xf32>
        tpu.vector_store %arg11[%swap3A_661, %swap3A_662], %swap3A_665 {strides = array<i32>} : memref<16x128xf32, #tpu.memory_space<vmem>>, vector<1x16xf32>,
      }
      %scan3A_132 = arith.constant 16 : i32
      %mul3A_133 = arith.constant 16 : i32
      %mul3A_134 = arith.muli %add3A_115, %mul3A_133 : i32
      %add3A_135 = arith.addi %mul3A_2, %mul3A_134 : i32
      %dma_start3A_136 = arith.constant 0 : i32
      %dma_start3A_137 = tpu.memref_slice %arg4[%add3A_135, %dma_start3A_136] : memref<41472x128xf32, #tpu.memory_space<hbm>> -> memref<16x128xf32, #tpu.memory_space<hbm>>
      %dma_start3A_138 = arith.constant 0 : i32
      %dma_start3A_139 = tpu.memref_slice %arg4[%add3A_135, %dma_start3A_138] : memref<41472x128xf32, #tpu.memory_space<hbm>> -> memref<16x128xf32, #tpu.memory_space<hbm>>
      tpu.enqueue_dma source(%arg11 : memref<16x128xf32, #tpu.memory_space<vmem>>) target(%dma_start3A_139 : memref<16x128xf32, #tpu.memory_space<hbm>>) target_semaphore(%arg17 : memref<!tpu.dma_semaphore, #tpu.memory_space<semaphore_mem>>)
      %add3A_140 = arith.constant 3 : i32
      %add3A_141 = arith.addi %add3A_115, %add3A_140 : i32
      %lt3A_142 = arith.constant 81 : i32
      %lt3A_143 = arith.cmpi slt, %add3A_141, %lt3A_142 : i32
      %convert_element_type3A_144 = arith.extui %lt3A_143 : i1 to i32
      %cond3A_145 = arith.constant 0 : i32
      %cond3A_146 = arith.cmpi ne, %convert_element_type3A_144, %cond3A_145 : i32
      scf.if %cond3A_146 {
        %add3A_147 = arith.constant 3 : i32
        %add3A_148 = arith.addi %add3A_115, %add3A_147 : i32
        %dma_start3A_149 = arith.constant 0 : i32
        %dma_start3A_150 = tpu.memref_slice %arg5[%add3A_148, %dma_start3A_149] : memref<81x112xi32, #tpu.memory_space<vmem>> -> memref<1x112xi32, #tpu.memory_space<vmem>>
        %dma_start3A_151 = tpu.memref_squeeze %dma_start3A_150 : memref<1x112xi32, #tpu.memory_space<vmem>> -> memref<112xi32, #tpu.memory_space<vmem>>
        %dma_start3A_152 = arith.constant 0 : i32
        %dma_start3A_153 = arith.constant 0 : i32
        %dma_start3A_154 = tpu.memref_slice %arg2[%dma_start3A_152, %dma_start3A_153] : memref<163848x128xf32, #tpu.memory_space<hbm>> -> memref<163848x128xf32, #tpu.memory_space<hbm>>
        tpu.enqueue_indirect_dma source(%dma_start3A_154 : memref<163848x128xf32, #tpu.memory_space<hbm>>) target(%arg8 : memref<112x128xf32, #tpu.memory_space<vmem>>) offsets(%dma_start3A_151 : memref<112xi32, #tpu.memory_space<vmem>>) semaphore(%arg14 : memref<!tpu.dma_semaphore, #tpu.memory_space<semaphore_mem>>)
      } else {
      }
    }
    %scan3A_27 = arith.constant 27 : i32
    %add3A_28 = arith.constant 1248 : i32
    %add3A_29 = arith.addi %mul3A_2, %add3A_28 : i32
    %dma_wait3A = arith.constant 0 : i32
    %dma_wait3A_30 = tpu.memref_slice %arg4[%add3A_29, %dma_wait3A] : memref<41472x128xf32, #tpu.memory_space<hbm>> -> memref<16x128xf32, #tpu.memory_space<hbm>>
    %dma_wait3A_31 = arith.constant 0 : i32
    %dma_wait3A_32 = tpu.memref_slice %arg4[%add3A_29, %dma_wait3A_31] : memref<41472x128xf32, #tpu.memory_space<hbm>> -> memref<16x128xf32, #tpu.memory_space<hbm>>
    tpu.wait_dma2 semaphore(%arg15 : memref<!tpu.dma_semaphore, #tpu.memory_space<semaphore_mem>>) src(%arg9 : memref<16x128xf32, #tpu.memory_space<vmem>>) dst(%dma_wait3A_32 : memref<16x128xf32, #tpu.memory_space<hbm>>)
    %add3A_33 = arith.constant 1264 : i32
    %add3A_34 = arith.addi %mul3A_2, %add3A_33 : i32
    %dma_wait3A_35 = arith.constant 0 : i32
    %dma_wait3A_36 = tpu.memref_slice %arg4[%add3A_34, %dma_wait3A_35] : memref<41472x128xf32, #tpu.memory_space<hbm>> -> memref<16x128xf32, #tpu.memory_space<hbm>>
    %dma_wait3A_37 = arith.constant 0 : i32
    %dma_wait3A_38 = tpu.memref_slice %arg4[%add3A_34, %dma_wait3A_37] : memref<41472x128xf32, #tpu.memory_space<hbm>> -> memref<16x128xf32, #tpu.memory_space<hbm>>
    tpu.wait_dma2 semaphore(%arg16 : memref<!tpu.dma_semaphore, #tpu.memory_space<semaphore_mem>>) src(%arg10 : memref<16x128xf32, #tpu.memory_space<vmem>>) dst(%dma_wait3A_38 : memref<16x128xf32, #tpu.memory_space<hbm>>)
    %add3A_39 = arith.constant 1280 : i32
    %add3A_40 = arith.addi %mul3A_2, %add3A_39 : i32
    %dma_wait3A_41 = arith.constant 0 : i32
    %dma_wait3A_42 = tpu.memref_slice %arg4[%add3A_40, %dma_wait3A_41] : memref<41472x128xf32, #tpu.memory_space<hbm>> -> memref<16x128xf32, #tpu.memory_space<hbm>>
    %dma_wait3A_43 = arith.constant 0 : i32
    %dma_wait3A_44 = tpu.memref_slice %arg4[%add3A_40, %dma_wait3A_43] : memref<41472x128xf32, #tpu.memory_space<hbm>> -> memref<16x128xf32, #tpu.memory_space<hbm>>
    tpu.wait_dma2 semaphore(%arg17 : memref<!tpu.dma_semaphore, #tpu.memory_space<semaphore_mem>>) src(%arg11 : memref<16x128xf32, #tpu.memory_space<vmem>>) dst(%dma_wait3A_44 : memref<16x128xf32, #tpu.memory_space<hbm>>)
    return
  }
}

module attributes {stable_mosaic.version = 14 : i64} {
  func.func @body(%arg0: i32, %arg1: memref<512x128xf32, #tpu.memory_space<vmem>>, %arg2: memref<128x896xf32, #tpu.memory_space<vmem>>, %arg3: memref<512x896xf32, #tpu.memory_space<vmem>>) attributes {dimension_semantics = [#tpu.dimension_semantics<arbitrary>], iteration_bounds = array<i64: 81>, scalar_prefetch = 0 : i64, scratch_operands = 0 : i64, tpu.core_type = #tpu.core_type<tc>, window_params = [{transform_indices = @transform_0, window_bounds = array<i64: 512, 128>}, {pipeline_mode = #tpu.pipeline_mode<synchronous>, transform_indices = @transform_1, window_bounds = array<i64: 128, 896>}, {transform_indices = @transform_2, window_bounds = array<i64: 512, 896>}]} {
    %get3A = arith.constant 0 : index
    %get3A_0 = arith.constant 0 : index
    %get3A_1 = vector.load %arg1[%get3A, %get3A_0] : memref<512x128xf32, #tpu.memory_space<vmem>>, vector<512x128xf32>
    %mul3A = arith.constant 0.142857149 : f32
    %mul3A_2 = vector.broadcast %mul3A : f32 to vector<512x128xf32>
    %mul3A_3 = arith.mulf %get3A_1, %mul3A_2 : vector<512x128xf32>
    %get3A_4 = arith.constant 0 : index
    %get3A_5 = arith.constant 0 : index
    %get3A_6 = vector.load %arg2[%get3A_4, %get3A_5] : memref<128x896xf32, #tpu.memory_space<vmem>>, vector<128x896xf32>
    %dot_general3A = arith.constant dense<0.000000e+00> : vector<512x896xf32>
    %dot_general3A_7 = tpu.matmul %mul3A_3, %get3A_6, %dot_general3A {dimension_numbers = #tpu.dot_dimension_numbers<[1], [0], [0], [1], [0, 0, 1, 1], [], []>, transpose_lhs_hint = false} : vector<512x128xf32>, vector<128x896xf32>, vector<512x896xf32> -> vector<512x896xf32>
    %swap3A = arith.constant 0 : index
    %swap3A_8 = arith.constant 0 : index
    %swap3A_9 = vector.load %arg3[%swap3A, %swap3A_8] : memref<512x896xf32, #tpu.memory_space<vmem>>, vector<512x896xf32>
    tpu.vector_store %arg3[%swap3A, %swap3A_8], %dot_general3A_7 {strides = array<i32>} : memref<512x896xf32, #tpu.memory_space<vmem>>, vector<512x896xf32>,
    return
  }
  func.func @transform_0(%arg0: i32) -> (i32, i32) {
    %c0_i32 = arith.constant 0 : i32
    %c0_i32_0 = arith.constant 0 : i32
    return %arg0, %c0_i32 : i32, i32
  }
  func.func @transform_1(%arg0: i32) -> (i32, i32) {
    %c0_i32 = arith.constant 0 : i32
    %c0_i32_0 = arith.constant 0 : i32
    %c0_i32_1 = arith.constant 0 : i32
    return %c0_i32, %c0_i32_0 : i32, i32
  }
  func.func @transform_2(%arg0: i32) -> (i32, i32) {
    %c0_i32 = arith.constant 0 : i32
    %c0_i32_0 = arith.constant 0 : i32
    return %arg0, %c0_i32 : i32, i32
  }
}

module attributes {stable_mosaic.version = 14 : i64} {
  func.func @body(%arg0: i32, %arg1: memref<512x128xf32, #tpu.memory_space<vmem>>, %arg2: memref<8x128xf32, #tpu.memory_space<vmem>>) attributes {dimension_semantics = [#tpu.dimension_semantics<arbitrary>], iteration_bounds = array<i64: 81>, scalar_prefetch = 0 : i64, scratch_operands = 0 : i64, tpu.core_type = #tpu.core_type<tc>, window_params = [{transform_indices = @transform_0, window_bounds = array<i64: 512, 128>}, {pipeline_mode = #tpu.pipeline_mode<synchronous>, transform_indices = @transform_1, window_bounds = array<i64: 8, 128>}]} {
    %eq3A = arith.constant 0 : i32
    %eq3A_0 = arith.cmpi eq, %arg0, %eq3A : i32
    %convert_element_type3A = arith.extui %eq3A_0 : i1 to i32
    %cond3A = arith.constant 0 : i32
    %cond3A_1 = arith.cmpi ne, %convert_element_type3A, %cond3A : i32
    scf.if %cond3A_1 {
      %broadcast_in_dim3A_27 = arith.constant 0.000000e+00 : f32
      %broadcast_in_dim3A_28 = vector.broadcast %broadcast_in_dim3A_27 : f32 to vector<8x128xf32>
      %swap3A_29 = arith.constant 0 : index
      %swap3A_30 = arith.constant 0 : index
      %swap3A_31 = vector.load %arg2[%swap3A_29, %swap3A_30] : memref<8x128xf32, #tpu.memory_space<vmem>>, vector<8x128xf32>
      tpu.vector_store %arg2[%swap3A_29, %swap3A_30], %broadcast_in_dim3A_28 {strides = array<i32>} : memref<8x128xf32, #tpu.memory_space<vmem>>, vector<8x128xf32>,
    } else {
    }
    %iota3A = tpu.iota {dimensions = array<i32: 0>} : vector<512x128xi32>
    %mul3A = arith.constant 512 : i32
    %mul3A_2 = arith.muli %arg0, %mul3A : i32
    %add3A = vector.broadcast %mul3A_2 : i32 to vector<512x128xi32>
    %add3A_3 = arith.addi %iota3A, %add3A : vector<512x128xi32>
    %lt3A = arith.constant 40968 : i32
    %lt3A_4 = vector.broadcast %lt3A : i32 to vector<512x128xi32>
    %lt3A_5 = arith.cmpi slt, %add3A_3, %lt3A_4 : vector<512x128xi32>
    %get3A = arith.constant 0 : index
    %get3A_6 = arith.constant 0 : index
    %get3A_7 = vector.load %arg1[%get3A, %get3A_6] : memref<512x128xf32, #tpu.memory_space<vmem>>, vector<512x128xf32>
    %jit3A = arith.constant 0.000000e+00 : f32
    %broadcast_in_dim3A = vector.broadcast %jit3A : f32 to vector<512x128xf32>
    %select_n3A = arith.select %lt3A_5, %get3A_7, %broadcast_in_dim3A : vector<512x128xi1>, vector<512x128xf32>
    %get3A_8 = arith.constant 0 : index
    %get3A_9 = arith.constant 0 : index
    %get3A_10 = vector.load %arg2[%get3A_8, %get3A_9] : memref<8x128xf32, #tpu.memory_space<vmem>>, vector<1x128xf32>
    %reduce_sum3A = arith.constant dense<0.000000e+00> : vector<128xf32>
    %reduce_sum3A_11 = vector.multi_reduction <add>, %select_n3A, %reduce_sum3A [0] : vector<512x128xf32> to vector<128xf32>
    %broadcast_in_dim3A_12 = vector.shape_cast %reduce_sum3A_11 : vector<128xf32> to vector<1x128xf32>
    %add3A_13 = arith.addf %get3A_10, %broadcast_in_dim3A_12 : vector<1x128xf32>
    %swap3A = arith.constant 0 : index
    %swap3A_14 = arith.constant 0 : index
    %swap3A_15 = vector.load %arg2[%swap3A, %swap3A_14] : memref<8x128xf32, #tpu.memory_space<vmem>>, vector<1x128xf32>
    tpu.vector_store %arg2[%swap3A, %swap3A_14], %add3A_13 {strides = array<i32>} : memref<8x128xf32, #tpu.memory_space<vmem>>, vector<1x128xf32>,
    %get3A_16 = arith.constant 1 : index
    %get3A_17 = arith.constant 0 : index
    %get3A_18 = vector.load %arg2[%get3A_16, %get3A_17] : memref<8x128xf32, #tpu.memory_space<vmem>>, vector<1x128xf32>
    %mul3A_19 = arith.mulf %select_n3A, %select_n3A : vector<512x128xf32>
    %reduce_sum3A_20 = arith.constant dense<0.000000e+00> : vector<128xf32>
    %reduce_sum3A_21 = vector.multi_reduction <add>, %mul3A_19, %reduce_sum3A_20 [0] : vector<512x128xf32> to vector<128xf32>
    %broadcast_in_dim3A_22 = vector.shape_cast %reduce_sum3A_21 : vector<128xf32> to vector<1x128xf32>
    %add3A_23 = arith.addf %get3A_18, %broadcast_in_dim3A_22 : vector<1x128xf32>
    %swap3A_24 = arith.constant 1 : index
    %swap3A_25 = arith.constant 0 : index
    %swap3A_26 = vector.load %arg2[%swap3A_24, %swap3A_25] : memref<8x128xf32, #tpu.memory_space<vmem>>, vector<1x128xf32>
    tpu.vector_store %arg2[%swap3A_24, %swap3A_25], %add3A_23 {strides = array<i32>} : memref<8x128xf32, #tpu.memory_space<vmem>>, vector<1x128xf32>,
    return
  }
  func.func @transform_0(%arg0: i32) -> (i32, i32) {
    %c0_i32 = arith.constant 0 : i32
    %c0_i32_0 = arith.constant 0 : i32
    return %arg0, %c0_i32 : i32, i32
  }
  func.func @transform_1(%arg0: i32) -> (i32, i32) {
    %c0_i32 = arith.constant 0 : i32
    %c0_i32_0 = arith.constant 0 : i32
    %c0_i32_1 = arith.constant 0 : i32
    return %c0_i32, %c0_i32_0 : i32, i32
  }
}

module attributes {stable_mosaic.version = 14 : i64} {
  func.func @body(%arg0: i32, %arg1: memref<512x128xf32, #tpu.memory_space<vmem>>, %arg2: memref<512x128xf32, #tpu.memory_space<vmem>>, %arg3: memref<8x128xf32, #tpu.memory_space<vmem>>, %arg4: memref<8x128xf32, #tpu.memory_space<vmem>>, %arg5: memref<128x128xf32, #tpu.memory_space<vmem>>, %arg6: memref<128x128xf32, #tpu.memory_space<vmem>>, %arg7: memref<512x128xf32, #tpu.memory_space<vmem>>) attributes {dimension_semantics = [#tpu.dimension_semantics<arbitrary>], iteration_bounds = array<i64: 81>, scalar_prefetch = 0 : i64, scratch_operands = 0 : i64, tpu.core_type = #tpu.core_type<tc>, window_params = [{transform_indices = @transform_0, window_bounds = array<i64: 512, 128>}, {transform_indices = @transform_1, window_bounds = array<i64: 512, 128>}, {pipeline_mode = #tpu.pipeline_mode<synchronous>, transform_indices = @transform_2, window_bounds = array<i64: 8, 128>}, {pipeline_mode = #tpu.pipeline_mode<synchronous>, transform_indices = @transform_3, window_bounds = array<i64: 8, 128>}, {pipeline_mode = #tpu.pipeline_mode<synchronous>, transform_indices = @transform_4, window_bounds = array<i64: 128, 128>}, {pipeline_mode = #tpu.pipeline_mode<synchronous>, transform_indices = @transform_5, window_bounds = array<i64: 128, 128>}, {transform_indices = @transform_6, window_bounds = array<i64: 512, 128>}]} {
    %get3A = arith.constant 0 : index
    %get3A_0 = arith.constant 0 : index
    %get3A_1 = vector.load %arg3[%get3A, %get3A_0] : memref<8x128xf32, #tpu.memory_space<vmem>>, vector<1x128xf32>
    %mul3A = arith.constant 2.44092953E-5 : f32
    %mul3A_2 = vector.broadcast %mul3A : f32 to vector<1x128xf32>
    %mul3A_3 = arith.mulf %get3A_1, %mul3A_2 : vector<1x128xf32>
    %get3A_4 = arith.constant 1 : index
    %get3A_5 = arith.constant 0 : index
    %get3A_6 = vector.load %arg3[%get3A_4, %get3A_5] : memref<8x128xf32, #tpu.memory_space<vmem>>, vector<1x128xf32>
    %mul3A_7 = arith.constant 2.44092953E-5 : f32
    %mul3A_8 = vector.broadcast %mul3A_7 : f32 to vector<1x128xf32>
    %mul3A_9 = arith.mulf %get3A_6, %mul3A_8 : vector<1x128xf32>
    %mul3A_10 = arith.mulf %mul3A_3, %mul3A_3 : vector<1x128xf32>
    %sub3A = arith.subf %mul3A_9, %mul3A_10 : vector<1x128xf32>
    %get3A_11 = arith.constant 0 : index
    %get3A_12 = arith.constant 0 : index
    %get3A_13 = vector.load %arg4[%get3A_11, %get3A_12] : memref<8x128xf32, #tpu.memory_space<vmem>>, vector<1x128xf32>
    %add3A = arith.constant 9.99999974E-6 : f32
    %add3A_14 = vector.broadcast %add3A : f32 to vector<1x128xf32>
    %add3A_15 = arith.addf %sub3A, %add3A_14 : vector<1x128xf32>
    %rsqrt3A = math.rsqrt %add3A_15 : vector<1x128xf32>
    %mul3A_16 = arith.mulf %get3A_13, %rsqrt3A : vector<1x128xf32>
    %get3A_17 = arith.constant 1 : index
    %get3A_18 = arith.constant 0 : index
    %get3A_19 = vector.load %arg4[%get3A_17, %get3A_18] : memref<8x128xf32, #tpu.memory_space<vmem>>, vector<1x128xf32>
    %mul3A_20 = arith.mulf %mul3A_3, %mul3A_16 : vector<1x128xf32>
    %sub3A_21 = arith.subf %get3A_19, %mul3A_20 : vector<1x128xf32>
    %get3A_22 = arith.constant 0 : index
    %get3A_23 = arith.constant 0 : index
    %get3A_24 = vector.load %arg1[%get3A_22, %get3A_23] : memref<512x128xf32, #tpu.memory_space<vmem>>, vector<512x128xf32>
    %mul3A_25 = vector.broadcast %mul3A_16 : vector<1x128xf32> to vector<512x128xf32>
    %mul3A_26 = arith.mulf %get3A_24, %mul3A_25 : vector<512x128xf32>
    %add3A_27 = vector.broadcast %sub3A_21 : vector<1x128xf32> to vector<512x128xf32>
    %add3A_28 = arith.addf %mul3A_26, %add3A_27 : vector<512x128xf32>
    %ge3A = arith.constant 0.000000e+00 : f32
    %ge3A_29 = vector.broadcast %ge3A : f32 to vector<512x128xf32>
    %ge3A_30 = arith.cmpf oge, %add3A_28, %ge3A_29 : vector<512x128xf32>
    %mul3A_31 = arith.constant 2.000000e-01 : f32
    %mul3A_32 = vector.broadcast %mul3A_31 : f32 to vector<512x128xf32>
    %mul3A_33 = arith.mulf %mul3A_32, %add3A_28 : vector<512x128xf32>
    %select_n3A = arith.select %ge3A_30, %add3A_28, %mul3A_33 : vector<512x128xi1>, vector<512x128xf32>
    %get3A_34 = arith.constant 0 : index
    %get3A_35 = arith.constant 0 : index
    %get3A_36 = vector.load %arg5[%get3A_34, %get3A_35] : memref<128x128xf32, #tpu.memory_space<vmem>>, vector<128x128xf32>
    %dot_general3A = arith.constant dense<0.000000e+00> : vector<512x128xf32>
    %dot_general3A_37 = tpu.matmul %select_n3A, %get3A_36, %dot_general3A {dimension_numbers = #tpu.dot_dimension_numbers<[1], [0], [0], [1], [0, 0, 1, 1], [], []>, transpose_lhs_hint = false} : vector<512x128xf32>, vector<128x128xf32>, vector<512x128xf32> -> vector<512x128xf32>
    %get3A_38 = arith.constant 0 : index
    %get3A_39 = arith.constant 0 : index
    %get3A_40 = vector.load %arg2[%get3A_38, %get3A_39] : memref<512x128xf32, #tpu.memory_space<vmem>>, vector<512x128xf32>
    %get3A_41 = arith.constant 0 : index
    %get3A_42 = arith.constant 0 : index
    %get3A_43 = vector.load %arg6[%get3A_41, %get3A_42] : memref<128x128xf32, #tpu.memory_space<vmem>>, vector<128x128xf32>
    %dot_general3A_44 = arith.constant dense<0.000000e+00> : vector<512x128xf32>
    %dot_general3A_45 = tpu.matmul %get3A_40, %get3A_43, %dot_general3A_44 {dimension_numbers = #tpu.dot_dimension_numbers<[1], [0], [0], [1], [0, 0, 1, 1], [], []>, transpose_lhs_hint = false} : vector<512x128xf32>, vector<128x128xf32>, vector<512x128xf32> -> vector<512x128xf32>
    %add3A_46 = arith.addf %dot_general3A_37, %dot_general3A_45 : vector<512x128xf32>
    %get3A_47 = arith.constant 2 : index
    %get3A_48 = arith.constant 0 : index
    %get3A_49 = vector.load %arg4[%get3A_47, %get3A_48] : memref<8x128xf32, #tpu.memory_space<vmem>>, vector<1x128xf32>
    %add3A_50 = vector.broadcast %get3A_49 : vector<1x128xf32> to vector<512x128xf32>
    %add3A_51 = arith.addf %add3A_46, %add3A_50 : vector<512x128xf32>
    %swap3A = arith.constant 0 : index
    %swap3A_52 = arith.constant 0 : index
    %swap3A_53 = vector.load %arg7[%swap3A, %swap3A_52] : memref<512x128xf32, #tpu.memory_space<vmem>>, vector<512x128xf32>
    tpu.vector_store %arg7[%swap3A, %swap3A_52], %add3A_51 {strides = array<i32>} : memref<512x128xf32, #tpu.memory_space<vmem>>, vector<512x128xf32>,
    return
  }
  func.func @transform_0(%arg0: i32) -> (i32, i32) {
    %c0_i32 = arith.constant 0 : i32
    %c0_i32_0 = arith.constant 0 : i32
    return %arg0, %c0_i32 : i32, i32
  }
  func.func @transform_1(%arg0: i32) -> (i32, i32) {
    %c0_i32 = arith.constant 0 : i32
    %c0_i32_0 = arith.constant 0 : i32
    return %arg0, %c0_i32 : i32, i32
  }
  func.func @transform_2(%arg0: i32) -> (i32, i32) {
    %c0_i32 = arith.constant 0 : i32
    %c0_i32_0 = arith.constant 0 : i32
    %c0_i32_1 = arith.constant 0 : i32
    return %c0_i32, %c0_i32_0 : i32, i32
  }
  func.func @transform_3(%arg0: i32) -> (i32, i32) {
    %c0_i32 = arith.constant 0 : i32
    %c0_i32_0 = arith.constant 0 : i32
    %c0_i32_1 = arith.constant 0 : i32
    return %c0_i32, %c0_i32_0 : i32, i32
  }
  func.func @transform_4(%arg0: i32) -> (i32, i32) {
    %c0_i32 = arith.constant 0 : i32
    %c0_i32_0 = arith.constant 0 : i32
    %c0_i32_1 = arith.constant 0 : i32
    return %c0_i32, %c0_i32_0 : i32, i32
  }
  func.func @transform_5(%arg0: i32) -> (i32, i32) {
    %c0_i32 = arith.constant 0 : i32
    %c0_i32_0 = arith.constant 0 : i32
    %c0_i32_1 = arith.constant 0 : i32
    return %c0_i32, %c0_i32_0 : i32, i32
  }
  func.func @transform_6(%arg0: i32) -> (i32, i32) {
    %c0_i32 = arith.constant 0 : i32
    %c0_i32_0 = arith.constant 0 : i32
    return %arg0, %c0_i32 : i32, i32
  }
}

</mosaic_0001>

<sc_bundles>
// kernel: kernel.10.cloned.1.call-start
scs
__scs_entry_jumppad:
0x0: {  	(pc) =	sbr.rel $0x88, $3  }
0x1: {  	(tag) =	ssettag $0x0;
	lr =	simm.s32 $0x1  }
0x2: {  	[smem:$0x3F98] =	sst lr;
	_ =	strace $0xD0000000  }
0x3: {  	_ = 	snop  }
0x4: {  	_ = 	snop  }
0x5: {  	_ = 	snop  }
0x6: {  	_ = 	snop  }
0x7: {  	_ = 	snop  }
__scs_overlays_trampoline_lowered:
0x8: {  	[smem:$0x3FA7] =	sst s0  }
0x9: {  	[smem:$0x3FA8] =	sst s1  }
0xa: {  	[smem:$0x3FA9] =	sst s2  }
0xb: {  	[smem:$0x3FAA] =	sst s3  }
0xc: {  	[smem:$0x3FAB] =	sst s4  }
0xd: {  	[smem:$0x3FAC] =	sst s5  }
0xe: {  	[smem:$0x3FAD] =	sst s6  }
0xf: {  	[smem:$0x3FAE] =	sst s7  }
0x10: {  	[smem:$0x3FAF] =	sst s8  }
0x11: {  	[smem:$0x3FB0] =	sst s9;
	s0 =	simm.s32 @!p0 $0x0  }
0x12: {  	s1 =	sld [smem:$0x3F96];
	s0 =	simm.s32 @p0 $0x1  }
0x13: {  	[smem:$0x3FB1] =	sst s0;
	s0 =	simm.s32 @!p1 $0x0  }
0x14: {  	s2 =	sld [smem:$0x3F95];
	s0 =	simm.s32 @p1 $0x1  }
0x15: {  	[smem:$0x3FB2] =	sst s0;
	s0 =	simm.s32 @!p2 $0x0  }
0x16: {  	s3 =	sld [smem:$0x3FDB];
	s0 =	simm.s32 @p2 $0x1  }
0x17: {  	s4 =	simm.s32 $0x1BF5;
	[smem:$0x3FB4] =	sst s0  }
0x18: {  	s0 =	sld [smem:$0x3F97];
	_ =	swait.ge [sflag:s4], $0x0  }
0x19: {  	s7 =	sld [smem:$0x3F98]  }
0x1a: {  	s8 =	sadd.s32 $0xFFFFE003, lr  }
0x1b: {  	s9 =	sadd.s32 $0xFFFFFEF7, lr;
	s5 =	simm.s32 $0xFFFFFFFF;
	p2 =	slt.u32 s8, $0xFFFFF086  }
0x1c: {  	p1 =	slt.u32 s9, $0xF7A;
	s5 =	simm.s32 @!p2 $0x0  }
0x1d: {  	s5 =	simm.s32 @p1 $0x1;
	p0 =	seq.s32 s7, s2  }
0x1e: {  	s7 =	smul.u32 @!p0 $0xF7A, s2;
	p2 =	seq.s32 @!p0 s5, $0x0  }
0x1f: {  	s9 =	smul.u32 $0xF7A, s1;
	s8 =	simm.s32 @!p0 $0x1BF5;
	p2 =	por !p2, p0  }
0x20: {  	[sflag:s8] =	ssyncset.s32 @!p0 $0xFFFFF086;
	s6 =	sadd.s32 @!p0 s3, s7;
	s7 =	simm.s32 @!p0 $0x108  }
0x21: {  	s3 =	sadd.s32 s3, s9;
	s6 =	sadd.s32 @!p0 $0x88, s6;
	s7 =	simm.s32 @p2 $0x1082  }
0x22: {  	[simem:s7], [sflag:s8] =	dma.local @!p0 [hbm:s6], $0xF7A  }
0x23: {  	s9 =	sor.u32 $0xD0000000, s2;
	s6 =	simm.s32 $0x108;
	_ =	swait.ge @!p0 [sflag:s8], $0x0  }
0x24: {  	s3 =	sadd.s32 $0x88, s3;
	s6 =	simm.s32 @!p1 $0x1082;
	[sflag:s4] =	ssyncset.s32 $0xFFFFF086  }
0x25: {  	[simem:s6], [sflag:s4] =	dma.local [hbm:s3], $0xF7A  }
0x26: {  	[smem:$0x3F98] =	sst s1;
	(tag) =	ssettag s2;
	_ =	strace s9  }
0x27: {  	s1 =	sld [smem:$0x3FA8]  }
0x28: {  	s2 =	sld [smem:$0x3FA9]  }
0x29: {  	s4 =	sld [smem:$0x3FAB]  }
0x2a: {  	p0 =	seq.s32 s5, $0x0;
	s5 =	sld [smem:$0x3FAC]  }
0x2b: {  	s6 =	sld [smem:$0x3FAD]  }
0x2c: {  	s7 =	sld [smem:$0x3FAE]  }
0x2d: {  	s3 =	simm.s32 $0x108;
	s8 =	sld [smem:$0x3FAF]  }
0x2e: {  	s3 =	simm.s32 @!p0 $0x1082;
	s9 =	sld [smem:$0x3FB0]  }
0x2f: {  	lr =	sadd.s32 s0, s3;
	s0 =	sld [smem:$0x3FA7]  }
0x30: {  	s3 =	sld [smem:$0x3FAA]  }
0x31: {  	[smem:$0x3FB3] =	sst s10  }
0x32: {  	s10 =	sld [smem:$0x3FB1];
	_ =	sdelay $0x3  }
0x33: {  	p0 =	seq.s32 s10, $0x1;
	s10 =	sld [smem:$0x3FB3];
	_ =	sdelay $0x3  }
0x34: {  	[smem:$0x3FB3] =	sst s10  }
0x35: {  	s10 =	sld [smem:$0x3FB2];
	_ =	sdelay $0x3  }
0x36: {  	p1 =	seq.s32 s10, $0x1;
	s10 =	sld [smem:$0x3FB3];
	_ =	sdelay $0x3  }
0x37: {  	[smem:$0x3FB3] =	sst s10  }
0x38: {  	s10 =	sld [smem:$0x3FB4]  }
0x39: {  	_ = 	snop;
	(pc) =	sbr.ind lr, $3  }
0x3a: {  	_ = 	snop  }
0x3b: {  	_ = 	snop  }
0x3c: {  	p2 =	seq.s32 s10, $0x1;
	s10 =	sld [smem:$0x3FB3]  }
0x3d: {  	_ =	shalt  }
0x3e: {  	_ =	shalt  }
0x3f: {  	_ =	shalt  }
0x40: {  	_ =	shalt  }
0x41: {  	_ =	shalt  }
0x42: {  	_ =	shalt  }
0x43: {  	_ =	shalt  }
0x44: {  	_ =	shalt  }
0x45: {  	_ =	shalt  }
0x46: {  	_ =	shalt  }
0x47: {  	_ =	shalt  }
0x48: {  	_ =	shalt  }
0x49: {  	_ =	shalt  }
0x4a: {  	_ =	shalt  }
0x4b: {  	_ =	shalt  }
0x4c: {  	_ =	shalt  }
0x4d: {  	_ =	shalt  }
0x4e: {  	_ =	shalt  }
0x4f: {  	_ =	shalt  }
0x50: {  	_ =	shalt  }
0x51: {  	_ =	shalt  }
0x52: {  	_ =	shalt  }
0x53: {  	_ =	shalt  }
0x54: {  	_ =	shalt  }
0x55: {  	_ =	shalt  }
0x56: {  	_ =	shalt  }
0x57: {  	_ =	shalt  }
0x58: {  	_ =	shalt  }
0x59: {  	_ =	shalt  }
0x5a: {  	_ =	shalt  }
0x5b: {  	_ =	shalt  }
0x5c: {  	_ =	shalt  }
0x5d: {  	_ =	shalt  }
0x5e: {  	_ =	shalt  }
0x5f: {  	_ =	shalt  }
0x60: {  	_ =	shalt  }
0x61: {  	_ =	shalt  }
0x62: {  	_ =	shalt  }
0x63: {  	_ =	shalt  }
0x64: {  	_ =	shalt  }
0x65: {  	_ =	shalt  }
0x66: {  	_ =	shalt  }
0x67: {  	_ =	shalt  }
0x68: {  	_ =	shalt  }
0x69: {  	_ =	shalt  }
0x6a: {  	_ =	shalt  }
0x6b: {  	_ =	shalt  }
0x6c: {  	_ =	shalt  }
0x6d: {  	_ =	shalt  }
0x6e: {  	_ =	shalt  }
0x6f: {  	_ =	shalt  }
0x70: {  	_ =	shalt  }
0x71: {  	_ =	shalt  }
0x72: {  	_ =	shalt  }
0x73: {  	_ =	shalt  }
0x74: {  	_ =	shalt  }
0x75: {  	_ =	shalt  }
0x76: {  	_ =	shalt  }
0x77: {  	_ =	shalt  }
0x78: {  	_ =	shalt  }
0x79: {  	_ =	shalt  }
0x7a: {  	_ =	shalt  }
0x7b: {  	_ =	shalt  }
0x7c: {  	_ =	shalt  }
0x7d: {  	_ =	shalt  }
0x7e: {  	_ =	shalt  }
0x7f: {  	_ =	shalt  }
0x80: {  	_ =	shalt  }
0x81: {  	_ =	shalt  }
0x82: {  	_ =	shalt  }
0x83: {  	_ =	shalt  }
0x84: {  	_ =	shalt  }
0x85: {  	_ =	shalt  }
0x86: {  	_ =	shalt  }
0x87: {  	_ =	shalt  }
.Lfunc_end0:
.L_simem_size_0:
called_computation.2_lowered:
.L_overlay_start_0:
0x88: {  	s2 =	sld [smem:$0x3FD9]  }
0x89: {  	s3 =	sld [smem:$0x3FFE];
	_ =	sdelay $0x1  }
0x8a: {  	s1 =	srdreg.scid  }
0x8b: {  	s0 =	sand.u32 $0x1, s1  }
0x8c: {  	s16 =	sshll.u32 s0, $0xA;
	s2 =	sadd.s32 s3, s2  }
0x8d: {  	s2 =	sadd.s32 s2, s16  }
0x8e: {  	[smem:$0x3FBF] =	sst s2  }
0x8f: {  	_ = 	snop  }
0x90: {  	(tm) =	ssettm $0x1  }
0x91: {  	s17 =	sld [smem:$0x3FFB];
	_ =	sdelay $0x3  }
0x92: {  	_ =	strace s17  }
0x93: {  	s2 =	sld [smem:$0x3FFC];
	_ =	sdelay $0x3  }
0x94: {  	_ =	strace s2  }
0x95: {  	s2 =	sld [smem:$0x3FFD];
	_ =	sdelay $0x3  }
0x96: {  	_ =	strace s2  }
0x97: {  	_ =	strace $0x8FFFFFFF  }
0x98: {  	s18 =	sld [smem:$0x3FDB];
	_ =	sdelay $0x1  }
0x99: {  	s19 =	simm.s32 $_scs_section_size  }
0x9a: {  	s4 =	simm.s32 $_size__tile_overlayer_lowered;
	s5 =	simm.s32 $_tile_overlayer_lowered  }
0x9b: {  	s22 =	simm.s32 $0x1BFF;
	s21 =	sshll.u32 s5, $0x1;
	s2 =	sadd.s32 s19, s18  }
0x9c: {  	s6 =	simm.s32 $0x0;
	s20 =	sshll.u32 s4, $0x1;
	s4 =	sadd.s32 s21, s2  }
0x9d: {  	[timem:s6], [sflag:s22] =	dma.local [hbm:s4], s20  }
0x9e: {  	_ =	swait.ge [sflag:s22], s20  }
0x9f: {  	s3 =	ssub.s32 $0x0, s20;
	[sflag:s22] =	ssyncset.done $0x0  }
0xa0: {  	[sflag:s22] =	ssyncadd.s32 s3;
	_ =	sdelay $0x1  }
0xa1: {  	s23 =	simm.s32 $0x1B8B  }
0xa2: {  	_ =	swait.ge [sflag:s23], $0x1  }
0xa3: {  	[sflag:s23] =	ssyncset.done $0x0  }
0xa4: {  	s25 =	simm.s32 $0x1B8E;
	s24 =	sld [smem:$0x3FFE];
	[sflag:s23] =	ssyncadd.s32 $0xFFFFFFFF  }
0xa5: {  	s26 =	simm.s32 $execute0_lowered;
	[smem:$0x3FD2] =	sst s25  }
0xa6: {  	s4 =	sshll.u32 s26, $0x1;
	_ =	strace $0x8000004C;
	[dreg:$0x1] =	wrdreg $0xFFFFFFFF  }
0xa7: {  	s28 =	simm.s32 $_size_execute0_lowered;
	s2 =	sadd.s32 s2, s4;
	[dreg:$0x0] =	wrdreg $0x0  }
0xa8: {  	s4 =	sshll.u32 s28, $0x1;
	[dreg:$0x2] =	wrdreg s2  }
0xa9: {  	[dreg:$0x3] =	wrdreg s4  }
0xaa: {  	[dreg:$0x4] =	wrdreg $0xC0  }
0xab: {  	_ =	task [dreg:s6], $0x5FFFF  }
0xac: {  	[dreg:$0x1] =	wrdreg $0xFFFFFFFF  }
0xad: {  	[dreg:$0x0] =	wrdreg $0x60  }
0xae: {  	[dreg:$0x2] =	wrdreg s24  }
0xaf: {  	[dreg:$0x3] =	wrdreg $0x9  }
0xb0: {  	_ =	task.clear_ibuf [dreg:s6], $0x4FFFF;
	_ =	strace $0x9000004C  }
0xb1: {  	s29 =	simm.s32 $0x9;
	_ =	strace $0x8000004E  }
0xb2: {  	_ =	swait.ge [sflag:s29], $0x1  }
0xb3: {  	[sflag:s29] =	ssyncadd.s32 $0xFFFFFFFF  }
0xb4: {  	_ =	strace $0x9000004E  }
0xb5: {  	_ =	sfence  }
0xb6: {  	s30 =	sld [smem:$0x0];
	_ =	sdelay $0x2  }
0xb7: {  	s31 =	sshll.u32 s1, $0xD;
	s1 =	sshrl.u32 s1, $0x2  }
0xb8: {  	s3 =	sand.u32 $0x4000, s31;
	s1 =	sadd.s32 s1, s30  }
0xb9: {  	s0 =	sor.u32 s3, s0;
	s1 =	sshll.u32 s1, $0x11  }
0xba: {  	s0 =	sor.u32 s1, s0  }
0xbb: {  	s0 =	sadd.s32 $0x8F2B, s0  }
0xbc: {  	[sflag:s0] =	ssyncadd.remote.s32 $0x1  }
0xbd: {  	_ =	sfence.sel $0xFFFF  }
0xbe: {  	[dreg:$0x0] =	wrdreg $0xFFFFFFFF;
	(pc) =	sbr.abs _section_cstart, $3  }
0xbf: {  	[dreg:$0x1] =	wrdreg $0xFFFFFFFF  }
0xc0: {  	_ =	task.clear_ibuf [dreg:s6], $0x2FFFF;
	_ =	strace $0x9FFFFFFF  }
0xc1: {  	(tm) =	ssettm $0x7FFFFFFF  }
tec
execute0_lowered:
.L_overlay_start_1:
0x0: {  	(tag) =	ssettag $0x1  }
0x1: {  	s0 =	rddreg [dreg:$0x0];
	s1 =	srdreg.scid;
	s2 =	simm.s32 $0x0  }
0x2: {  	s30 =	stileid.u32;
	s10 =	simm.s32 $0x7;
	s11 =	simm.s32 $0x70  }
0x3: {  	s12 =	simm.s32 $0x2C00;
	s13 =	simm.s32 $0x80;
	s14 =	simm.s32 $0x6400  }
0x4: {  	s15 =	simm.s32 $0x100;
	s16 =	simm.s32 $0x9C00;
	s17 =	simm.s32 $0x1  }
0x5: {  	s18 =	simm.s32 $0xD400;
	s19 =	simm.s32 $0x2;
	s20 =	simm.s32 $0x5  }
0x6: {  	s21 =	simm.s32 $0xDC00;
	s22 =	simm.s32 $0x3;
	s23 =	simm.s32 $0x6  }
0x7: {  	s24 =	simm.s32 $0xE400;
	s25 =	simm.s32 $0x4;
	s3 =	sand.u32 $0x1, s1  }
0x8: {  	s26 =	simm.s32 $0x0;
	[smem:$0x7FF] =	sst s2;
	s4 =	sshll.u32 s3, $0x4  }
.Ltmp0:
0x9: {  	s6 =	ssub.s32 $0x2, s3;
	s4 =	sor.u32 s30, s4;
	(pc) =	sbr.rel .LBB2_1-.Ltmp0, $4  }
0xa: {  	_ =	strace $0x8000004D;
	s7 =	sshrl.u32 s6, $0x1;
	s5 =	smul.u32 $0x580, s4  }
0xb: {  	s3 =	sadd.s32 $0x51D000, s0;
	s4 =	smul.u32 $0x510, s4;
	s31 =	ssub.s32 s6, s7  }
0xc: {  	s9 =	smax.u32 s31, $0x1;
	s8 =	sadd.s32 s5, s0;
	s5 =	sadd.s32 $0x2000, s0  }
0xd: {  	s7 =	sadd.s32 $0x10, s4;
	s6 =	sadd.s32 $0xA4000, s8;
	s8 =	sadd.s32 $0x20, s4  }
.LBB2_18:
0xe: {  	_ =	swait.ge [sflag:s25], $0x800  }
0xf: {  	[sflag:s25] =	ssyncset.done $0x0  }
0x10: {  	s26 =	sadd.s32 $0x1, s26;
	[sflag:s25] =	ssyncadd.s32 $0xFFFFF800  }
0x11: {  	p0 =	sne.s32 s26, s9;
	_ =	swait.ge [sflag:s20], $0x800  }
.Ltmp1:
0x12: {  	[sflag:s20] =	ssyncset.done $0x0;
	(pc) =	sbr.rel @!p0 .LBB2_19-.Ltmp1, $4  }
0x13: {  	[sflag:s20] =	ssyncadd.s32 $0xFFFFF800  }
0x14: {  	_ =	swait.ge [sflag:s23], $0x800  }
0x15: {  	[sflag:s23] =	ssyncset.done $0x0  }
0x16: {  	[sflag:s23] =	ssyncadd.s32 $0xFFFFF800  }
.LBB2_1:
0x17: {  	[tilespmem:s2], [sflag:$0x7] =	stream.linear.gather [hbm4b:s6+s2], $0x2880, $0x38;
	[tilespmem:$0xEC00] =	vst v63  }
0x18: {  	_ =	swait.ge [sflag:s10], $0x2880  }
0x19: {  	[sflag:s10] =	ssyncset.done $0x0  }
0x1a: {  	[sflag:s10] =	ssyncadd.s32 $0xFFFFD780  }
0x1b: {  	[tilespmem:s12], [sflag:$0x1] =	stream.indirect.gather [hbm4b:s3+s11], $0x80, s2, s11, $0xb8;
	[tilespmem:$0xEC00] =	vst v63  }
0x1c: {  	_ = 	snop  }
0x1d: {  	[tilespmem:s14], [sflag:$0x2] =	stream.indirect.gather [hbm4b:s3+s11], $0x80, s13, s11, $0xb8;
	[tilespmem:$0xEC00] =	vst v63  }
0x1e: {  	s28 =	simm.s32 $0x0  }
0x1f: {  	[tilespmem:s16], [sflag:$0x3] =	stream.indirect.gather [hbm4b:s3+s11], $0x80, s15, s11, $0xb8;
	[tilespmem:$0xEC00] =	vst v63  }
.LBB2_2:
0x20: {  	_ =	swait.ge [sflag:s17], $0x3800  }
0x21: {  	p0 =	seq.s32 s28, $0x0;
	[sflag:s17] =	ssyncset.done $0x0  }
0x22: {  	s0 =	simm.s32 @!p0 $0x4;
	[sflag:s17] =	ssyncadd.s32 $0xFFFFC800  }
0x23: {  	_ =	swait.ge @!p0 [sflag:s0], $0x800  }
0x24: {  	[sflag:s0] =	ssyncset.done @!p0 $0x0  }
0x25: {  	s29 =	simm.s32 $0x2DC0;
	[sflag:s0] =	ssyncadd.s32 @!p0 $0xFFFFF800  }
0x26: {  	v0 =	vld [tilespmem:s29+$0xFFFFFEC0]  }
0x27: {  	v1 =	vld [tilespmem:s29+$0xFFFFFE40];
	_ =	sdelay $0x1  }
0x28: {  	v2 =	vld [tilespmem:s29+$0xFFFFFF40];
	_ =	sdelay $0x1  }
0x29: {  	v3 =	vld [tilespmem:s29+$0xFFFFFFC0]  }
0x2a: {  	v0 =	vadd.f32 v0, v1  }
0x2b: {  	v1 =	vld [tilespmem:s29+$0x40]  }
0x2c: {  	v0 =	vadd.f32 v2, v0  }
0x2d: {  	v2 =	vld [tilespmem:s29+$0xC0]  }
0x2e: {  	v0 =	vadd.f32 v3, v0  }
0x2f: {  	v3 =	vld [tilespmem:s29+$0x140]  }
0x30: {  	v0 =	vadd.f32 v1, v0;
	_ =	sdelay $0x1  }
0x31: {  	v0 =	vadd.f32 v2, v0;
	_ =	sdelay $0x1  }
0x32: {  	v0 =	vadd.f32 v3, v0  }
0x33: {  	s30 =	simm.s32 $0x0  }
0x34: {  	[tilespmem:s30+$0xD400] =	vst v0  }
0x35: {  	v0 =	vld [tilespmem:s29+$0xFFFFFE50]  }
0x36: {  	v1 =	vld [tilespmem:s29+$0xFFFFFED0];
	_ =	sdelay $0x1  }
0x37: {  	v2 =	vld [tilespmem:s29+$0xFFFFFF50];
	_ =	sdelay $0x1  }
0x38: {  	v3 =	vld [tilespmem:s29+$0xFFFFFFD0]  }
0x39: {  	v0 =	vadd.f32 v1, v0  }
0x3a: {  	v1 =	vld [tilespmem:s29+$0x50]  }
0x3b: {  	v0 =	vadd.f32 v2, v0  }
0x3c: {  	v2 =	vld [tilespmem:s29+$0xD0]  }
0x3d: {  	v0 =	vadd.f32 v3, v0  }
0x3e: {  	v3 =	vld [tilespmem:s29+$0x150]  }
0x3f: {  	v0 =	vadd.f32 v1, v0;
	_ =	sdelay $0x1  }
0x40: {  	v0 =	vadd.f32 v2, v0;
	_ =	sdelay $0x1  }
0x41: {  	v0 =	vadd.f32 v3, v0;
	_ =	sdelay $0x1  }
0x42: {  	[tilespmem:s30+$0xD410] =	vst v0  }
0x43: {  	v0 =	vld [tilespmem:s29+$0xFFFFFE60]  }
0x44: {  	v1 =	vld [tilespmem:s29+$0xFFFFFEE0];
	_ =	sdelay $0x1  }
0x45: {  	v2 =	vld [tilespmem:s29+$0xFFFFFF60];
	_ =	sdelay $0x1  }
0x46: {  	v3 =	vld [tilespmem:s29+$0xFFFFFFE0]  }
0x47: {  	v0 =	vadd.f32 v1, v0  }
0x48: {  	v1 =	vld [tilespmem:s29+$0x60]  }
0x49: {  	v0 =	vadd.f32 v2, v0  }
0x4a: {  	v2 =	vld [tilespmem:s29+$0xE0]  }
0x4b: {  	v0 =	vadd.f32 v3, v0  }
0x4c: {  	v3 =	vld [tilespmem:s29+$0x160]  }
0x4d: {  	v0 =	vadd.f32 v1, v0;
	_ =	sdelay $0x1  }
0x4e: {  	v0 =	vadd.f32 v2, v0;
	_ =	sdelay $0x1  }
0x4f: {  	v0 =	vadd.f32 v3, v0;
	_ =	sdelay $0x1  }
0x50: {  	[tilespmem:s30+$0xD420] =	vst v0  }
0x51: {  	v0 =	vld [tilespmem:s29+$0xFFFFFE70]  }
0x52: {  	v1 =	vld [tilespmem:s29+$0xFFFFFEF0];
	_ =	sdelay $0x1  }
0x53: {  	v2 =	vld [tilespmem:s29+$0xFFFFFF70];
	_ =	sdelay $0x1  }
0x54: {  	v3 =	vld [tilespmem:s29+$0xFFFFFFF0]  }
0x55: {  	v0 =	vadd.f32 v1, v0  }
0x56: {  	v1 =	vld [tilespmem:s29+$0x70]  }
0x57: {  	v0 =	vadd.f32 v2, v0  }
0x58: {  	v2 =	vld [tilespmem:s29+$0xF0]  }
0x59: {  	v0 =	vadd.f32 v3, v0  }
0x5a: {  	v3 =	vld [tilespmem:s29+$0x170]  }
0x5b: {  	v0 =	vadd.f32 v1, v0;
	_ =	sdelay $0x1  }
0x5c: {  	v0 =	vadd.f32 v2, v0;
	_ =	sdelay $0x1  }
0x5d: {  	v0 =	vadd.f32 v3, v0;
	_ =	sdelay $0x1  }
0x5e: {  	[tilespmem:s30+$0xD430] =	vst v0  }
0x5f: {  	v0 =	vld [tilespmem:s29+$0xFFFFFE80]  }
0x60: {  	v1 =	vld [tilespmem:s29+$0xFFFFFF00];
	_ =	sdelay $0x1  }
0x61: {  	v2 =	vld [tilespmem:s29+$0xFFFFFF80];
	_ =	sdelay $0x1  }
0x62: {  	v3 =	vld [tilespmem:s29+$0x0]  }
0x63: {  	v0 =	vadd.f32 v1, v0  }
0x64: {  	v1 =	vld [tilespmem:s29+$0x80]  }
0x65: {  	v0 =	vadd.f32 v2, v0  }
0x66: {  	v2 =	vld [tilespmem:s29+$0x100]  }
0x67: {  	v0 =	vadd.f32 v3, v0  }
0x68: {  	v3 =	vld [tilespmem:s29+$0x180]  }
0x69: {  	v0 =	vadd.f32 v1, v0;
	_ =	sdelay $0x1  }
0x6a: {  	v0 =	vadd.f32 v2, v0;
	_ =	sdelay $0x1  }
0x6b: {  	v0 =	vadd.f32 v3, v0;
	_ =	sdelay $0x1  }
0x6c: {  	[tilespmem:s30+$0xD440] =	vst v0  }
0x6d: {  	v0 =	vld [tilespmem:s29+$0xFFFFFE90]  }
0x6e: {  	v1 =	vld [tilespmem:s29+$0xFFFFFF10];
	_ =	sdelay $0x1  }
0x6f: {  	v2 =	vld [tilespmem:s29+$0xFFFFFF90];
	_ =	sdelay $0x1  }
0x70: {  	v3 =	vld [tilespmem:s29+$0x10]  }
0x71: {  	v0 =	vadd.f32 v1, v0  }
0x72: {  	v1 =	vld [tilespmem:s29+$0x90]  }
0x73: {  	v0 =	vadd.f32 v2, v0  }
0x74: {  	v2 =	vld [tilespmem:s29+$0x110]  }
0x75: {  	v0 =	vadd.f32 v3, v0  }
0x76: {  	v3 =	vld [tilespmem:s29+$0x190]  }
0x77: {  	v0 =	vadd.f32 v1, v0;
	_ =	sdelay $0x1  }
0x78: {  	v0 =	vadd.f32 v2, v0;
	_ =	sdelay $0x1  }
0x79: {  	v0 =	vadd.f32 v3, v0;
	_ =	sdelay $0x1  }
0x7a: {  	[tilespmem:s30+$0xD450] =	vst v0  }
0x7b: {  	v0 =	vld [tilespmem:s29+$0xFFFFFEA0]  }
0x7c: {  	v1 =	vld [tilespmem:s29+$0xFFFFFF20];
	_ =	sdelay $0x1  }
0x7d: {  	v2 =	vld [tilespmem:s29+$0xFFFFFFA0];
	_ =	sdelay $0x1  }
0x7e: {  	v3 =	vld [tilespmem:s29+$0x20]  }
0x7f: {  	v0 =	vadd.f32 v1, v0  }
0x80: {  	v1 =	vld [tilespmem:s29+$0xA0]  }
0x81: {  	v0 =	vadd.f32 v2, v0  }
0x82: {  	v2 =	vld [tilespmem:s29+$0x120]  }
0x83: {  	v0 =	vadd.f32 v3, v0  }
0x84: {  	v3 =	vld [tilespmem:s29+$0x1A0]  }
0x85: {  	v0 =	vadd.f32 v1, v0;
	_ =	sdelay $0x1  }
0x86: {  	v0 =	vadd.f32 v2, v0;
	_ =	sdelay $0x1  }
0x87: {  	v0 =	vadd.f32 v3, v0;
	_ =	sdelay $0x1  }
0x88: {  	[tilespmem:s30+$0xD460] =	vst v0  }
0x89: {  	v1 =	vld [tilespmem:s29+$0xFFFFFEB0]  }
0x8a: {  	v2 =	vld [tilespmem:s29+$0xFFFFFF30];
	_ =	sdelay $0x1  }
0x8b: {  	v4 =	vld [tilespmem:s29+$0xFFFFFFB0];
	_ =	sdelay $0x1  }
0x8c: {  	v3 =	vld [tilespmem:s29+$0x30]  }
0x8d: {  	v0 =	vld [tilespmem:s29+$0xB0];
	v5 =	vadd.f32 v2, v1  }
0x8e: {  	v1 =	vld [tilespmem:s29+$0x130]  }
0x8f: {  	s31 =	simm.s32 $0x200;
	v2 =	vld [tilespmem:s29+$0x1B0];
	v4 =	vadd.f32 v4, v5  }
.LBB2_3:
0x90: {  	p1 =	sne.s32 s31, $0x1E00  }
0x91: {  	s29 =	sadd.s32 $0x380, s29;
	s0 =	smov.u32 s31;
	s31 =	sadd.s32 $0x200, s31;
	v3 =	vadd.f32 v3, v4  }
0x92: {  	_ = 	snop  }
0x93: {  	v0 =	vadd.f32 v0, v3;
	_ =	sdelay $0x1  }
0x94: {  	v0 =	vadd.f32 v1, v0;
	_ =	sdelay $0x1  }
0x95: {  	v0 =	vadd.f32 v2, v0;
	_ =	sdelay $0x1  }
0x96: {  	[tilespmem:s30+$0xD470] =	vst v0  }
0x97: {  	v0 =	vld [tilespmem:s29+$0xFFFFFEC0]  }
0x98: {  	v1 =	vld [tilespmem:s29+$0xFFFFFE40]  }
0x99: {  	v2 =	vld [tilespmem:s29+$0xFFFFFF40];
	_ =	sdelay $0x2  }
0x9a: {  	v3 =	vld [tilespmem:s29+$0xFFFFFFC0]  }
0x9b: {  	v0 =	vadd.f32 v0, v1  }
0x9c: {  	v1 =	vld [tilespmem:s29+$0x40]  }
0x9d: {  	v0 =	vadd.f32 v2, v0  }
0x9e: {  	v2 =	vld [tilespmem:s29+$0xC0]  }
0x9f: {  	v0 =	vadd.f32 v3, v0  }
0xa0: {  	v3 =	vld [tilespmem:s29+$0x140]  }
0xa1: {  	v0 =	vadd.f32 v1, v0;
	_ =	sdelay $0x1  }
0xa2: {  	v0 =	vadd.f32 v2, v0;
	_ =	sdelay $0x1  }
0xa3: {  	v0 =	vadd.f32 v3, v0  }
0xa4: {  	s30 =	sshra.s32 s0, $0x2  }
0xa5: {  	[tilespmem:s30+$0xD400] =	vst v0  }
0xa6: {  	v0 =	vld [tilespmem:s29+$0xFFFFFE50]  }
0xa7: {  	v1 =	vld [tilespmem:s29+$0xFFFFFED0];
	_ =	sdelay $0x1  }
0xa8: {  	v2 =	vld [tilespmem:s29+$0xFFFFFF50];
	_ =	sdelay $0x1  }
0xa9: {  	v3 =	vld [tilespmem:s29+$0xFFFFFFD0]  }
0xaa: {  	v0 =	vadd.f32 v1, v0  }
0xab: {  	v1 =	vld [tilespmem:s29+$0x50]  }
0xac: {  	v0 =	vadd.f32 v2, v0  }
0xad: {  	v2 =	vld [tilespmem:s29+$0xD0]  }
0xae: {  	v0 =	vadd.f32 v3, v0  }
0xaf: {  	v3 =	vld [tilespmem:s29+$0x150]  }
0xb0: {  	v0 =	vadd.f32 v1, v0;
	_ =	sdelay $0x1  }
0xb1: {  	v0 =	vadd.f32 v2, v0;
	_ =	sdelay $0x1  }
0xb2: {  	v0 =	vadd.f32 v3, v0;
	_ =	sdelay $0x1  }
0xb3: {  	[tilespmem:s30+$0xD410] =	vst v0  }
0xb4: {  	v0 =	vld [tilespmem:s29+$0xFFFFFE60]  }
0xb5: {  	v1 =	vld [tilespmem:s29+$0xFFFFFEE0];
	_ =	sdelay $0x1  }
0xb6: {  	v2 =	vld [tilespmem:s29+$0xFFFFFF60];
	_ =	sdelay $0x1  }
0xb7: {  	v3 =	vld [tilespmem:s29+$0xFFFFFFE0]  }
0xb8: {  	v0 =	vadd.f32 v1, v0  }
0xb9: {  	v1 =	vld [tilespmem:s29+$0x60]  }
0xba: {  	v0 =	vadd.f32 v2, v0  }
0xbb: {  	v2 =	vld [tilespmem:s29+$0xE0]  }
0xbc: {  	v0 =	vadd.f32 v3, v0  }
0xbd: {  	v3 =	vld [tilespmem:s29+$0x160]  }
0xbe: {  	v0 =	vadd.f32 v1, v0;
	_ =	sdelay $0x1  }
0xbf: {  	v0 =	vadd.f32 v2, v0;
	_ =	sdelay $0x1  }
0xc0: {  	v0 =	vadd.f32 v3, v0;
	_ =	sdelay $0x1  }
0xc1: {  	[tilespmem:s30+$0xD420] =	vst v0  }
0xc2: {  	v0 =	vld [tilespmem:s29+$0xFFFFFE70]  }
0xc3: {  	v1 =	vld [tilespmem:s29+$0xFFFFFEF0]  }
0xc4: {  	v2 =	vld [tilespmem:s29+$0xFFFFFF70];
	_ =	sdelay $0x2  }
0xc5: {  	v3 =	vld [tilespmem:s29+$0xFFFFFFF0]  }
0xc6: {  	v0 =	vadd.f32 v1, v0  }
0xc7: {  	v1 =	vld [tilespmem:s29+$0x70]  }
0xc8: {  	v0 =	vadd.f32 v2, v0  }
0xc9: {  	v2 =	vld [tilespmem:s29+$0xF0]  }
0xca: {  	v0 =	vadd.f32 v3, v0  }
0xcb: {  	v3 =	vld [tilespmem:s29+$0x170]  }
0xcc: {  	v0 =	vadd.f32 v1, v0;
	_ =	sdelay $0x1  }
0xcd: {  	v0 =	vadd.f32 v2, v0;
	_ =	sdelay $0x1  }
0xce: {  	v0 =	vadd.f32 v3, v0;
	_ =	sdelay $0x1  }
0xcf: {  	[tilespmem:s30+$0xD430] =	vst v0  }
0xd0: {  	v0 =	vld [tilespmem:s29+$0xFFFFFE80]  }
0xd1: {  	v1 =	vld [tilespmem:s29+$0xFFFFFF00];
	_ =	sdelay $0x1  }
0xd2: {  	v2 =	vld [tilespmem:s29+$0xFFFFFF80];
	_ =	sdelay $0x1  }
0xd3: {  	v3 =	vld [tilespmem:s29+$0x0]  }
0xd4: {  	v0 =	vadd.f32 v1, v0  }
0xd5: {  	v1 =	vld [tilespmem:s29+$0x80]  }
0xd6: {  	v0 =	vadd.f32 v2, v0  }
0xd7: {  	v2 =	vld [tilespmem:s29+$0x100]  }
0xd8: {  	v0 =	vadd.f32 v3, v0  }
0xd9: {  	v3 =	vld [tilespmem:s29+$0x180]  }
0xda: {  	v0 =	vadd.f32 v1, v0;
	_ =	sdelay $0x1  }
0xdb: {  	v0 =	vadd.f32 v2, v0;
	_ =	sdelay $0x1  }
0xdc: {  	v0 =	vadd.f32 v3, v0;
	_ =	sdelay $0x1  }
0xdd: {  	[tilespmem:s30+$0xD440] =	vst v0  }
0xde: {  	v0 =	vld [tilespmem:s29+$0xFFFFFE90]  }
0xdf: {  	v1 =	vld [tilespmem:s29+$0xFFFFFF10]  }
0xe0: {  	v2 =	vld [tilespmem:s29+$0xFFFFFF90]  }
0xe1: {  	v3 =	vld [tilespmem:s29+$0x10]  }
0xe2: {  	v4 =	vld [tilespmem:s29+$0x90]  }
0xe3: {  	v5 =	vld [tilespmem:s29+$0x110]  }
0xe4: {  	v0 =	vadd.f32 v1, v0;
	v1 =	vld [tilespmem:s29+$0x190];
	_ =	sdelay $0x1  }
0xe5: {  	v0 =	vadd.f32 v2, v0;
	_ =	sdelay $0x1  }
0xe6: {  	v0 =	vadd.f32 v3, v0;
	_ =	sdelay $0x1  }
0xe7: {  	v0 =	vadd.f32 v4, v0;
	_ =	sdelay $0x1  }
0xe8: {  	v0 =	vadd.f32 v5, v0;
	_ =	sdelay $0x1  }
0xe9: {  	v0 =	vadd.f32 v1, v0;
	_ =	sdelay $0x1  }
0xea: {  	[tilespmem:s30+$0xD450] =	vst v0  }
0xeb: {  	v0 =	vld [tilespmem:s29+$0xFFFFFEA0]  }
0xec: {  	v1 =	vld [tilespmem:s29+$0xFFFFFF20]  }
0xed: {  	v2 =	vld [tilespmem:s29+$0xFFFFFFA0]  }
0xee: {  	v3 =	vld [tilespmem:s29+$0x20]  }
0xef: {  	v4 =	vld [tilespmem:s29+$0xA0]  }
0xf0: {  	v5 =	vld [tilespmem:s29+$0x120]  }
0xf1: {  	v0 =	vadd.f32 v1, v0;
	v1 =	vld [tilespmem:s29+$0x1A0];
	_ =	sdelay $0x1  }
0xf2: {  	v0 =	vadd.f32 v2, v0;
	_ =	sdelay $0x1  }
0xf3: {  	v0 =	vadd.f32 v3, v0;
	_ =	sdelay $0x1  }
0xf4: {  	v0 =	vadd.f32 v4, v0;
	_ =	sdelay $0x1  }
0xf5: {  	v0 =	vadd.f32 v5, v0;
	_ =	sdelay $0x1  }
0xf6: {  	v0 =	vadd.f32 v1, v0;
	_ =	sdelay $0x1  }
0xf7: {  	[tilespmem:s30+$0xD460] =	vst v0  }
0xf8: {  	v2 =	vld [tilespmem:s29+$0xFFFFFEB0]  }
0xf9: {  	v4 =	vld [tilespmem:s29+$0xFFFFFF30]  }
0xfa: {  	v5 =	vld [tilespmem:s29+$0xFFFFFFB0]  }
0xfb: {  	v3 =	vld [tilespmem:s29+$0x30]  }
.Ltmp2:
0xfc: {  	v0 =	vld [tilespmem:s29+$0xB0];
	(pc) =	sbr.rel @p1 .LBB2_3-.Ltmp2, $3  }
0xfd: {  	v1 =	vld [tilespmem:s29+$0x130]  }
0xfe: {  	v4 =	vadd.f32 v4, v2;
	v2 =	vld [tilespmem:s29+$0x1B0];
	_ =	sdelay $0x1  }
0xff: {  	v4 =	vadd.f32 v5, v4  }
0x100: {  	_ = 	snop  }
0x101: {  	v3 =	vadd.f32 v3, v4;
	_ =	sdelay $0x1  }
0x102: {  	v0 =	vadd.f32 v0, v3;
	_ =	sdelay $0x1  }
0x103: {  	s29 =	smul.u32 $0x30, s28;
	p1 =	sne.s32 s28, $0x1A;
	v0 =	vadd.f32 v1, v0  }
.Ltmp3:
0x104: {  	_ = 	snop;
	(pc) =	sbr.rel @p1 .LBB2_6-.Ltmp3, $4  }
0x105: {  	s0 =	sadd.s32 s4, s29;
	v0 =	vadd.f32 v2, v0  }
0x106: {  	s0 =	sshll.u32 s0, $0x4  }
0x107: {  	s0 =	sadd.s32 s5, s0;
	[tilespmem:s30+$0xD470] =	vst v0  }
0x108: {  	[hbm4b:s0+s2] =	stream.linear.scatter [tilespmem:s18], [sflag:$0x4], $0x800, $0x38;
	[tilespmem:$0xEC00] =	vst v63  }
.Ltmp4:
0x109: {  	(pc) =	sbr.rel .LBB2_7-.Ltmp4, $4  }
0x10a: {  	_ = 	snop  }
0x10b: {  	_ =	swait.ge [sflag:s19], $0x3800  }
0x10c: {  	[sflag:s19] =	ssyncset.done $0x0  }
0x10d: {  	[sflag:s19] =	ssyncadd.s32 $0xFFFFC800  }
.LBB2_6:
0x10e: {  	s0 =	smul.u32 $0x600, s28;
	_ =	sdelay $0x1  }
0x10f: {  	s0 =	sshra.s32 s0, $0x2  }
.Ltmp5:
0x110: {  	s0 =	sadd.s32 $0x180, s0;
	(pc) =	sbr.rel @p0 .LBB2_8-.Ltmp5, $4  }
0x111: {  	[tilespmem:s12], [sflag:$0x1] =	stream.indirect.gather [hbm4b:s3+s11], $0x80, s0, s11, $0xb8;
	[tilespmem:$0xEC00] =	vst v63  }
0x112: {  	_ =	swait.ge [sflag:s19], $0x3800  }
0x113: {  	[sflag:s19] =	ssyncset.done $0x0  }
0x114: {  	[sflag:s19] =	ssyncadd.s32 $0xFFFFC800  }
.LBB2_7:
0x115: {  	_ =	swait.ge [sflag:s20], $0x800  }
0x116: {  	[sflag:s20] =	ssyncset.done $0x0  }
0x117: {  	[sflag:s20] =	ssyncadd.s32 $0xFFFFF800  }
.LBB2_8:
0x118: {  	s30 =	simm.s32 $0x65C0  }
0x119: {  	v0 =	vld [tilespmem:s30+$0xFFFFFEC0]  }
0x11a: {  	v1 =	vld [tilespmem:s30+$0xFFFFFE40];
	_ =	sdelay $0x1  }
0x11b: {  	v2 =	vld [tilespmem:s30+$0xFFFFFF40];
	_ =	sdelay $0x1  }
0x11c: {  	v3 =	vld [tilespmem:s30+$0xFFFFFFC0]  }
0x11d: {  	v0 =	vadd.f32 v0, v1  }
0x11e: {  	v1 =	vld [tilespmem:s30+$0x40]  }
0x11f: {  	v0 =	vadd.f32 v2, v0  }
0x120: {  	v2 =	vld [tilespmem:s30+$0xC0]  }
0x121: {  	v0 =	vadd.f32 v3, v0  }
0x122: {  	v3 =	vld [tilespmem:s30+$0x140]  }
0x123: {  	v0 =	vadd.f32 v1, v0;
	_ =	sdelay $0x1  }
0x124: {  	v0 =	vadd.f32 v2, v0;
	_ =	sdelay $0x1  }
0x125: {  	v0 =	vadd.f32 v3, v0  }
0x126: {  	s31 =	simm.s32 $0x0  }
0x127: {  	[tilespmem:s31+$0xDC00] =	vst v0  }
0x128: {  	v0 =	vld [tilespmem:s30+$0xFFFFFE50]  }
0x129: {  	v1 =	vld [tilespmem:s30+$0xFFFFFED0];
	_ =	sdelay $0x1  }
0x12a: {  	v2 =	vld [tilespmem:s30+$0xFFFFFF50];
	_ =	sdelay $0x1  }
0x12b: {  	v3 =	vld [tilespmem:s30+$0xFFFFFFD0]  }
0x12c: {  	v0 =	vadd.f32 v1, v0  }
0x12d: {  	v1 =	vld [tilespmem:s30+$0x50]  }
0x12e: {  	v0 =	vadd.f32 v2, v0  }
0x12f: {  	v2 =	vld [tilespmem:s30+$0xD0]  }
0x130: {  	v0 =	vadd.f32 v3, v0  }
0x131: {  	v3 =	vld [tilespmem:s30+$0x150]  }
0x132: {  	v0 =	vadd.f32 v1, v0;
	_ =	sdelay $0x1  }
0x133: {  	v0 =	vadd.f32 v2, v0;
	_ =	sdelay $0x1  }
0x134: {  	v0 =	vadd.f32 v3, v0;
	_ =	sdelay $0x1  }
0x135: {  	[tilespmem:s31+$0xDC10] =	vst v0  }
0x136: {  	v0 =	vld [tilespmem:s30+$0xFFFFFE60]  }
0x137: {  	v1 =	vld [tilespmem:s30+$0xFFFFFEE0];
	_ =	sdelay $0x1  }
0x138: {  	v2 =	vld [tilespmem:s30+$0xFFFFFF60];
	_ =	sdelay $0x1  }
0x139: {  	v3 =	vld [tilespmem:s30+$0xFFFFFFE0]  }
0x13a: {  	v0 =	vadd.f32 v1, v0  }
0x13b: {  	v1 =	vld [tilespmem:s30+$0x60]  }
0x13c: {  	v0 =	vadd.f32 v2, v0  }
0x13d: {  	v2 =	vld [tilespmem:s30+$0xE0]  }
0x13e: {  	v0 =	vadd.f32 v3, v0  }
0x13f: {  	v3 =	vld [tilespmem:s30+$0x160]  }
0x140: {  	v0 =	vadd.f32 v1, v0;
	_ =	sdelay $0x1  }
0x141: {  	v0 =	vadd.f32 v2, v0;
	_ =	sdelay $0x1  }
0x142: {  	v0 =	vadd.f32 v3, v0;
	_ =	sdelay $0x1  }
0x143: {  	[tilespmem:s31+$0xDC20] =	vst v0  }
0x144: {  	v0 =	vld [tilespmem:s30+$0xFFFFFE70]  }
0x145: {  	v1 =	vld [tilespmem:s30+$0xFFFFFEF0];
	_ =	sdelay $0x1  }
0x146: {  	v2 =	vld [tilespmem:s30+$0xFFFFFF70];
	_ =	sdelay $0x1  }
0x147: {  	v3 =	vld [tilespmem:s30+$0xFFFFFFF0]  }
0x148: {  	v0 =	vadd.f32 v1, v0  }
0x149: {  	v1 =	vld [tilespmem:s30+$0x70]  }
0x14a: {  	v0 =	vadd.f32 v2, v0  }
0x14b: {  	v2 =	vld [tilespmem:s30+$0xF0]  }
0x14c: {  	v0 =	vadd.f32 v3, v0  }
0x14d: {  	v3 =	vld [tilespmem:s30+$0x170]  }
0x14e: {  	v0 =	vadd.f32 v1, v0;
	_ =	sdelay $0x1  }
0x14f: {  	v0 =	vadd.f32 v2, v0;
	_ =	sdelay $0x1  }
0x150: {  	v0 =	vadd.f32 v3, v0;
	_ =	sdelay $0x1  }
0x151: {  	[tilespmem:s31+$0xDC30] =	vst v0  }
0x152: {  	v0 =	vld [tilespmem:s30+$0xFFFFFE80]  }
0x153: {  	v1 =	vld [tilespmem:s30+$0xFFFFFF00];
	_ =	sdelay $0x1  }
0x154: {  	v2 =	vld [tilespmem:s30+$0xFFFFFF80];
	_ =	sdelay $0x1  }
0x155: {  	v3 =	vld [tilespmem:s30+$0x0]  }
0x156: {  	v0 =	vadd.f32 v1, v0  }
0x157: {  	v1 =	vld [tilespmem:s30+$0x80]  }
0x158: {  	v0 =	vadd.f32 v2, v0  }
0x159: {  	v2 =	vld [tilespmem:s30+$0x100]  }
0x15a: {  	v0 =	vadd.f32 v3, v0  }
0x15b: {  	v3 =	vld [tilespmem:s30+$0x180]  }
0x15c: {  	v0 =	vadd.f32 v1, v0;
	_ =	sdelay $0x1  }
0x15d: {  	v0 =	vadd.f32 v2, v0;
	_ =	sdelay $0x1  }
0x15e: {  	v0 =	vadd.f32 v3, v0;
	_ =	sdelay $0x1  }
0x15f: {  	[tilespmem:s31+$0xDC40] =	vst v0  }
0x160: {  	v0 =	vld [tilespmem:s30+$0xFFFFFE90]  }
0x161: {  	v1 =	vld [tilespmem:s30+$0xFFFFFF10];
	_ =	sdelay $0x1  }
0x162: {  	v2 =	vld [tilespmem:s30+$0xFFFFFF90];
	_ =	sdelay $0x1  }
0x163: {  	v3 =	vld [tilespmem:s30+$0x10]  }
0x164: {  	v0 =	vadd.f32 v1, v0  }
0x165: {  	v1 =	vld [tilespmem:s30+$0x90]  }
0x166: {  	v0 =	vadd.f32 v2, v0  }
0x167: {  	v2 =	vld [tilespmem:s30+$0x110]  }
0x168: {  	v0 =	vadd.f32 v3, v0  }
0x169: {  	v3 =	vld [tilespmem:s30+$0x190]  }
0x16a: {  	v0 =	vadd.f32 v1, v0;
	_ =	sdelay $0x1  }
0x16b: {  	v0 =	vadd.f32 v2, v0;
	_ =	sdelay $0x1  }
0x16c: {  	v0 =	vadd.f32 v3, v0;
	_ =	sdelay $0x1  }
0x16d: {  	[tilespmem:s31+$0xDC50] =	vst v0  }
0x16e: {  	v0 =	vld [tilespmem:s30+$0xFFFFFEA0]  }
0x16f: {  	v1 =	vld [tilespmem:s30+$0xFFFFFF20];
	_ =	sdelay $0x1  }
0x170: {  	v2 =	vld [tilespmem:s30+$0xFFFFFFA0];
	_ =	sdelay $0x1  }
0x171: {  	v3 =	vld [tilespmem:s30+$0x20]  }
0x172: {  	v0 =	vadd.f32 v1, v0  }
0x173: {  	v1 =	vld [tilespmem:s30+$0xA0]  }
0x174: {  	v0 =	vadd.f32 v2, v0  }
0x175: {  	v2 =	vld [tilespmem:s30+$0x120]  }
0x176: {  	v0 =	vadd.f32 v3, v0  }
0x177: {  	v3 =	vld [tilespmem:s30+$0x1A0]  }
0x178: {  	v0 =	vadd.f32 v1, v0;
	_ =	sdelay $0x1  }
0x179: {  	v0 =	vadd.f32 v2, v0;
	_ =	sdelay $0x1  }
0x17a: {  	v0 =	vadd.f32 v3, v0;
	_ =	sdelay $0x1  }
0x17b: {  	[tilespmem:s31+$0xDC60] =	vst v0  }
0x17c: {  	v1 =	vld [tilespmem:s30+$0xFFFFFEB0]  }
0x17d: {  	v2 =	vld [tilespmem:s30+$0xFFFFFF30];
	_ =	sdelay $0x1  }
0x17e: {  	v4 =	vld [tilespmem:s30+$0xFFFFFFB0];
	_ =	sdelay $0x1  }
0x17f: {  	v3 =	vld [tilespmem:s30+$0x30]  }
0x180: {  	v0 =	vld [tilespmem:s30+$0xB0];
	v5 =	vadd.f32 v2, v1  }
0x181: {  	v1 =	vld [tilespmem:s30+$0x130]  }
0x182: {  	s0 =	simm.s32 $0x200;
	v2 =	vld [tilespmem:s30+$0x1B0];
	v4 =	vadd.f32 v4, v5  }
.LBB2_9:
0x183: {  	p2 =	sne.s32 s0, $0x1E00  }
0x184: {  	s30 =	sadd.s32 $0x380, s30;
	s1 =	smov.u32 s0;
	s0 =	sadd.s32 $0x200, s0;
	v3 =	vadd.f32 v3, v4  }
0x185: {  	_ = 	snop  }
0x186: {  	v0 =	vadd.f32 v0, v3;
	_ =	sdelay $0x1  }
0x187: {  	v0 =	vadd.f32 v1, v0;
	_ =	sdelay $0x1  }
0x188: {  	v0 =	vadd.f32 v2, v0;
	_ =	sdelay $0x1  }
0x189: {  	[tilespmem:s31+$0xDC70] =	vst v0  }
0x18a: {  	v0 =	vld [tilespmem:s30+$0xFFFFFEC0]  }
0x18b: {  	v1 =	vld [tilespmem:s30+$0xFFFFFE40]  }
0x18c: {  	v2 =	vld [tilespmem:s30+$0xFFFFFF40];
	_ =	sdelay $0x2  }
0x18d: {  	v3 =	vld [tilespmem:s30+$0xFFFFFFC0]  }
0x18e: {  	v0 =	vadd.f32 v0, v1  }
0x18f: {  	v1 =	vld [tilespmem:s30+$0x40]  }
0x190: {  	v0 =	vadd.f32 v2, v0  }
0x191: {  	v2 =	vld [tilespmem:s30+$0xC0]  }
0x192: {  	v0 =	vadd.f32 v3, v0  }
0x193: {  	v3 =	vld [tilespmem:s30+$0x140]  }
0x194: {  	v0 =	vadd.f32 v1, v0;
	_ =	sdelay $0x1  }
0x195: {  	v0 =	vadd.f32 v2, v0;
	_ =	sdelay $0x1  }
0x196: {  	v0 =	vadd.f32 v3, v0  }
0x197: {  	s31 =	sshra.s32 s1, $0x2  }
0x198: {  	[tilespmem:s31+$0xDC00] =	vst v0  }
0x199: {  	v0 =	vld [tilespmem:s30+$0xFFFFFE50]  }
0x19a: {  	v1 =	vld [tilespmem:s30+$0xFFFFFED0];
	_ =	sdelay $0x1  }
0x19b: {  	v2 =	vld [tilespmem:s30+$0xFFFFFF50];
	_ =	sdelay $0x1  }
0x19c: {  	v3 =	vld [tilespmem:s30+$0xFFFFFFD0]  }
0x19d: {  	v0 =	vadd.f32 v1, v0  }
0x19e: {  	v1 =	vld [tilespmem:s30+$0x50]  }
0x19f: {  	v0 =	vadd.f32 v2, v0  }
0x1a0: {  	v2 =	vld [tilespmem:s30+$0xD0]  }
0x1a1: {  	v0 =	vadd.f32 v3, v0  }
0x1a2: {  	v3 =	vld [tilespmem:s30+$0x150]  }
0x1a3: {  	v0 =	vadd.f32 v1, v0;
	_ =	sdelay $0x1  }
0x1a4: {  	v0 =	vadd.f32 v2, v0;
	_ =	sdelay $0x1  }
0x1a5: {  	v0 =	vadd.f32 v3, v0;
	_ =	sdelay $0x1  }
0x1a6: {  	[tilespmem:s31+$0xDC10] =	vst v0  }
0x1a7: {  	v0 =	vld [tilespmem:s30+$0xFFFFFE60]  }
0x1a8: {  	v1 =	vld [tilespmem:s30+$0xFFFFFEE0];
	_ =	sdelay $0x1  }
0x1a9: {  	v2 =	vld [tilespmem:s30+$0xFFFFFF60];
	_ =	sdelay $0x1  }
0x1aa: {  	v3 =	vld [tilespmem:s30+$0xFFFFFFE0]  }
0x1ab: {  	v0 =	vadd.f32 v1, v0  }
0x1ac: {  	v1 =	vld [tilespmem:s30+$0x60]  }
0x1ad: {  	v0 =	vadd.f32 v2, v0  }
0x1ae: {  	v2 =	vld [tilespmem:s30+$0xE0]  }
0x1af: {  	v0 =	vadd.f32 v3, v0  }
0x1b0: {  	v3 =	vld [tilespmem:s30+$0x160]  }
0x1b1: {  	v0 =	vadd.f32 v1, v0;
	_ =	sdelay $0x1  }
0x1b2: {  	v0 =	vadd.f32 v2, v0;
	_ =	sdelay $0x1  }
0x1b3: {  	v0 =	vadd.f32 v3, v0;
	_ =	sdelay $0x1  }
0x1b4: {  	[tilespmem:s31+$0xDC20] =	vst v0  }
0x1b5: {  	v0 =	vld [tilespmem:s30+$0xFFFFFE70]  }
0x1b6: {  	v1 =	vld [tilespmem:s30+$0xFFFFFEF0]  }
0x1b7: {  	v2 =	vld [tilespmem:s30+$0xFFFFFF70];
	_ =	sdelay $0x2  }
0x1b8: {  	v3 =	vld [tilespmem:s30+$0xFFFFFFF0]  }
0x1b9: {  	v0 =	vadd.f32 v1, v0  }
0x1ba: {  	v1 =	vld [tilespmem:s30+$0x70]  }
0x1bb: {  	v0 =	vadd.f32 v2, v0  }
0x1bc: {  	v2 =	vld [tilespmem:s30+$0xF0]  }
0x1bd: {  	v0 =	vadd.f32 v3, v0  }
0x1be: {  	v3 =	vld [tilespmem:s30+$0x170]  }
0x1bf: {  	v0 =	vadd.f32 v1, v0;
	_ =	sdelay $0x1  }
0x1c0: {  	v0 =	vadd.f32 v2, v0;
	_ =	sdelay $0x1  }
0x1c1: {  	v0 =	vadd.f32 v3, v0;
	_ =	sdelay $0x1  }
0x1c2: {  	[tilespmem:s31+$0xDC30] =	vst v0  }
0x1c3: {  	v0 =	vld [tilespmem:s30+$0xFFFFFE80]  }
0x1c4: {  	v1 =	vld [tilespmem:s30+$0xFFFFFF00];
	_ =	sdelay $0x1  }
0x1c5: {  	v2 =	vld [tilespmem:s30+$0xFFFFFF80];
	_ =	sdelay $0x1  }
0x1c6: {  	v3 =	vld [tilespmem:s30+$0x0]  }
0x1c7: {  	v0 =	vadd.f32 v1, v0  }
0x1c8: {  	v1 =	vld [tilespmem:s30+$0x80]  }
0x1c9: {  	v0 =	vadd.f32 v2, v0  }
0x1ca: {  	v2 =	vld [tilespmem:s30+$0x100]  }
0x1cb: {  	v0 =	vadd.f32 v3, v0  }
0x1cc: {  	v3 =	vld [tilespmem:s30+$0x180]  }
0x1cd: {  	v0 =	vadd.f32 v1, v0;
	_ =	sdelay $0x1  }
0x1ce: {  	v0 =	vadd.f32 v2, v0;
	_ =	sdelay $0x1  }
0x1cf: {  	v0 =	vadd.f32 v3, v0;
	_ =	sdelay $0x1  }
0x1d0: {  	[tilespmem:s31+$0xDC40] =	vst v0  }
0x1d1: {  	v0 =	vld [tilespmem:s30+$0xFFFFFE90]  }
0x1d2: {  	v1 =	vld [tilespmem:s30+$0xFFFFFF10]  }
0x1d3: {  	v2 =	vld [tilespmem:s30+$0xFFFFFF90]  }
0x1d4: {  	v3 =	vld [tilespmem:s30+$0x10]  }
0x1d5: {  	v4 =	vld [tilespmem:s30+$0x90]  }
0x1d6: {  	v5 =	vld [tilespmem:s30+$0x110]  }
0x1d7: {  	v0 =	vadd.f32 v1, v0;
	v1 =	vld [tilespmem:s30+$0x190];
	_ =	sdelay $0x1  }
0x1d8: {  	v0 =	vadd.f32 v2, v0;
	_ =	sdelay $0x1  }
0x1d9: {  	v0 =	vadd.f32 v3, v0;
	_ =	sdelay $0x1  }
0x1da: {  	v0 =	vadd.f32 v4, v0;
	_ =	sdelay $0x1  }
0x1db: {  	v0 =	vadd.f32 v5, v0;
	_ =	sdelay $0x1  }
0x1dc: {  	v0 =	vadd.f32 v1, v0;
	_ =	sdelay $0x1  }
0x1dd: {  	[tilespmem:s31+$0xDC50] =	vst v0  }
0x1de: {  	v0 =	vld [tilespmem:s30+$0xFFFFFEA0]  }
0x1df: {  	v1 =	vld [tilespmem:s30+$0xFFFFFF20]  }
0x1e0: {  	v2 =	vld [tilespmem:s30+$0xFFFFFFA0]  }
0x1e1: {  	v3 =	vld [tilespmem:s30+$0x20]  }
0x1e2: {  	v4 =	vld [tilespmem:s30+$0xA0]  }
0x1e3: {  	v5 =	vld [tilespmem:s30+$0x120]  }
0x1e4: {  	v0 =	vadd.f32 v1, v0;
	v1 =	vld [tilespmem:s30+$0x1A0];
	_ =	sdelay $0x1  }
0x1e5: {  	v0 =	vadd.f32 v2, v0;
	_ =	sdelay $0x1  }
0x1e6: {  	v0 =	vadd.f32 v3, v0;
	_ =	sdelay $0x1  }
0x1e7: {  	v0 =	vadd.f32 v4, v0;
	_ =	sdelay $0x1  }
0x1e8: {  	v0 =	vadd.f32 v5, v0;
	_ =	sdelay $0x1  }
0x1e9: {  	v0 =	vadd.f32 v1, v0;
	_ =	sdelay $0x1  }
0x1ea: {  	[tilespmem:s31+$0xDC60] =	vst v0  }
0x1eb: {  	v2 =	vld [tilespmem:s30+$0xFFFFFEB0]  }
0x1ec: {  	v4 =	vld [tilespmem:s30+$0xFFFFFF30]  }
0x1ed: {  	v5 =	vld [tilespmem:s30+$0xFFFFFFB0]  }
0x1ee: {  	v3 =	vld [tilespmem:s30+$0x30]  }
.Ltmp6:
0x1ef: {  	v0 =	vld [tilespmem:s30+$0xB0];
	(pc) =	sbr.rel @p2 .LBB2_9-.Ltmp6, $3  }
0x1f0: {  	v1 =	vld [tilespmem:s30+$0x130]  }
0x1f1: {  	v4 =	vadd.f32 v4, v2;
	v2 =	vld [tilespmem:s30+$0x1B0];
	_ =	sdelay $0x1  }
0x1f2: {  	v4 =	vadd.f32 v5, v4  }
0x1f3: {  	_ = 	snop  }
0x1f4: {  	v3 =	vadd.f32 v3, v4;
	_ =	sdelay $0x1  }
0x1f5: {  	v0 =	vadd.f32 v0, v3;
	_ =	sdelay $0x1  }
0x1f6: {  	v0 =	vadd.f32 v1, v0  }
.Ltmp7:
0x1f7: {  	_ = 	snop;
	(pc) =	sbr.rel @p1 .LBB2_12-.Ltmp7, $4  }
0x1f8: {  	s0 =	sadd.s32 s29, s7;
	v0 =	vadd.f32 v2, v0  }
0x1f9: {  	s0 =	sshll.u32 s0, $0x4  }
0x1fa: {  	s0 =	sadd.s32 s5, s0;
	[tilespmem:s31+$0xDC70] =	vst v0  }
0x1fb: {  	[hbm4b:s0+s2] =	stream.linear.scatter [tilespmem:s21], [sflag:$0x5], $0x800, $0x38;
	[tilespmem:$0xEC00] =	vst v63  }
.Ltmp8:
0x1fc: {  	(pc) =	sbr.rel .LBB2_13-.Ltmp8, $4  }
0x1fd: {  	_ = 	snop  }
0x1fe: {  	_ =	swait.ge [sflag:s22], $0x3800  }
0x1ff: {  	[sflag:s22] =	ssyncset.done $0x0  }
0x200: {  	[sflag:s22] =	ssyncadd.s32 $0xFFFFC800  }
.LBB2_12:
0x201: {  	s0 =	smul.u32 $0x600, s28;
	_ =	sdelay $0x1  }
0x202: {  	s0 =	sshra.s32 s0, $0x2  }
.Ltmp9:
0x203: {  	s0 =	sadd.s32 $0x200, s0;
	(pc) =	sbr.rel @p0 .LBB2_14-.Ltmp9, $4  }
0x204: {  	[tilespmem:s14], [sflag:$0x2] =	stream.indirect.gather [hbm4b:s3+s11], $0x80, s0, s11, $0xb8;
	[tilespmem:$0xEC00] =	vst v63  }
0x205: {  	_ =	swait.ge [sflag:s22], $0x3800  }
0x206: {  	[sflag:s22] =	ssyncset.done $0x0  }
0x207: {  	[sflag:s22] =	ssyncadd.s32 $0xFFFFC800  }
.LBB2_13:
0x208: {  	_ =	swait.ge [sflag:s23], $0x800  }
0x209: {  	[sflag:s23] =	ssyncset.done $0x0  }
0x20a: {  	[sflag:s23] =	ssyncadd.s32 $0xFFFFF800  }
.LBB2_14:
0x20b: {  	s30 =	simm.s32 $0x9DC0  }
0x20c: {  	v0 =	vld [tilespmem:s30+$0xFFFFFEC0]  }
0x20d: {  	v1 =	vld [tilespmem:s30+$0xFFFFFE40];
	_ =	sdelay $0x1  }
0x20e: {  	v2 =	vld [tilespmem:s30+$0xFFFFFF40];
	_ =	sdelay $0x1  }
0x20f: {  	v3 =	vld [tilespmem:s30+$0xFFFFFFC0]  }
0x210: {  	v0 =	vadd.f32 v0, v1  }
0x211: {  	v1 =	vld [tilespmem:s30+$0x40]  }
0x212: {  	v0 =	vadd.f32 v2, v0  }
0x213: {  	v2 =	vld [tilespmem:s30+$0xC0]  }
0x214: {  	v0 =	vadd.f32 v3, v0  }
0x215: {  	v3 =	vld [tilespmem:s30+$0x140]  }
0x216: {  	v0 =	vadd.f32 v1, v0;
	_ =	sdelay $0x1  }
0x217: {  	v0 =	vadd.f32 v2, v0;
	_ =	sdelay $0x1  }
0x218: {  	v0 =	vadd.f32 v3, v0  }
0x219: {  	s31 =	simm.s32 $0x0  }
0x21a: {  	[tilespmem:s31+$0xE400] =	vst v0  }
0x21b: {  	v0 =	vld [tilespmem:s30+$0xFFFFFE50]  }
0x21c: {  	v1 =	vld [tilespmem:s30+$0xFFFFFED0];
	_ =	sdelay $0x1  }
0x21d: {  	v2 =	vld [tilespmem:s30+$0xFFFFFF50];
	_ =	sdelay $0x1  }
0x21e: {  	v3 =	vld [tilespmem:s30+$0xFFFFFFD0]  }
0x21f: {  	v0 =	vadd.f32 v1, v0  }
0x220: {  	v1 =	vld [tilespmem:s30+$0x50]  }
0x221: {  	v0 =	vadd.f32 v2, v0  }
0x222: {  	v2 =	vld [tilespmem:s30+$0xD0]  }
0x223: {  	v0 =	vadd.f32 v3, v0  }
0x224: {  	v3 =	vld [tilespmem:s30+$0x150]  }
0x225: {  	v0 =	vadd.f32 v1, v0;
	_ =	sdelay $0x1  }
0x226: {  	v0 =	vadd.f32 v2, v0;
	_ =	sdelay $0x1  }
0x227: {  	v0 =	vadd.f32 v3, v0;
	_ =	sdelay $0x1  }
0x228: {  	[tilespmem:s31+$0xE410] =	vst v0  }
0x229: {  	v0 =	vld [tilespmem:s30+$0xFFFFFE60]  }
0x22a: {  	v1 =	vld [tilespmem:s30+$0xFFFFFEE0];
	_ =	sdelay $0x1  }
0x22b: {  	v2 =	vld [tilespmem:s30+$0xFFFFFF60];
	_ =	sdelay $0x1  }
0x22c: {  	v3 =	vld [tilespmem:s30+$0xFFFFFFE0]  }
0x22d: {  	v0 =	vadd.f32 v1, v0  }
0x22e: {  	v1 =	vld [tilespmem:s30+$0x60]  }
0x22f: {  	v0 =	vadd.f32 v2, v0  }
0x230: {  	v2 =	vld [tilespmem:s30+$0xE0]  }
0x231: {  	v0 =	vadd.f32 v3, v0  }
0x232: {  	v3 =	vld [tilespmem:s30+$0x160]  }
0x233: {  	v0 =	vadd.f32 v1, v0;
	_ =	sdelay $0x1  }
0x234: {  	v0 =	vadd.f32 v2, v0;
	_ =	sdelay $0x1  }
0x235: {  	v0 =	vadd.f32 v3, v0;
	_ =	sdelay $0x1  }
0x236: {  	[tilespmem:s31+$0xE420] =	vst v0  }
0x237: {  	v0 =	vld [tilespmem:s30+$0xFFFFFE70]  }
0x238: {  	v1 =	vld [tilespmem:s30+$0xFFFFFEF0];
	_ =	sdelay $0x1  }
0x239: {  	v2 =	vld [tilespmem:s30+$0xFFFFFF70];
	_ =	sdelay $0x1  }
0x23a: {  	v3 =	vld [tilespmem:s30+$0xFFFFFFF0]  }
0x23b: {  	v0 =	vadd.f32 v1, v0  }
0x23c: {  	v1 =	vld [tilespmem:s30+$0x70]  }
0x23d: {  	v0 =	vadd.f32 v2, v0  }
0x23e: {  	v2 =	vld [tilespmem:s30+$0xF0]  }
0x23f: {  	v0 =	vadd.f32 v3, v0  }
0x240: {  	v3 =	vld [tilespmem:s30+$0x170]  }
0x241: {  	v0 =	vadd.f32 v1, v0;
	_ =	sdelay $0x1  }
0x242: {  	v0 =	vadd.f32 v2, v0;
	_ =	sdelay $0x1  }
0x243: {  	v0 =	vadd.f32 v3, v0;
	_ =	sdelay $0x1  }
0x244: {  	[tilespmem:s31+$0xE430] =	vst v0  }
0x245: {  	v0 =	vld [tilespmem:s30+$0xFFFFFE80]  }
0x246: {  	v1 =	vld [tilespmem:s30+$0xFFFFFF00];
	_ =	sdelay $0x1  }
0x247: {  	v2 =	vld [tilespmem:s30+$0xFFFFFF80];
	_ =	sdelay $0x1  }
0x248: {  	v3 =	vld [tilespmem:s30+$0x0]  }
0x249: {  	v0 =	vadd.f32 v1, v0  }
0x24a: {  	v1 =	vld [tilespmem:s30+$0x80]  }
0x24b: {  	v0 =	vadd.f32 v2, v0  }
0x24c: {  	v2 =	vld [tilespmem:s30+$0x100]  }
0x24d: {  	v0 =	vadd.f32 v3, v0  }
0x24e: {  	v3 =	vld [tilespmem:s30+$0x180]  }
0x24f: {  	v0 =	vadd.f32 v1, v0;
	_ =	sdelay $0x1  }
0x250: {  	v0 =	vadd.f32 v2, v0;
	_ =	sdelay $0x1  }
0x251: {  	v0 =	vadd.f32 v3, v0;
	_ =	sdelay $0x1  }
0x252: {  	[tilespmem:s31+$0xE440] =	vst v0  }
0x253: {  	v0 =	vld [tilespmem:s30+$0xFFFFFE90]  }
0x254: {  	v1 =	vld [tilespmem:s30+$0xFFFFFF10];
	_ =	sdelay $0x1  }
0x255: {  	v2 =	vld [tilespmem:s30+$0xFFFFFF90];
	_ =	sdelay $0x1  }
0x256: {  	v3 =	vld [tilespmem:s30+$0x10]  }
0x257: {  	v0 =	vadd.f32 v1, v0  }
0x258: {  	v1 =	vld [tilespmem:s30+$0x90]  }
0x259: {  	v0 =	vadd.f32 v2, v0  }
0x25a: {  	v2 =	vld [tilespmem:s30+$0x110]  }
0x25b: {  	v0 =	vadd.f32 v3, v0  }
0x25c: {  	v3 =	vld [tilespmem:s30+$0x190]  }
0x25d: {  	v0 =	vadd.f32 v1, v0;
	_ =	sdelay $0x1  }
0x25e: {  	v0 =	vadd.f32 v2, v0;
	_ =	sdelay $0x1  }
0x25f: {  	v0 =	vadd.f32 v3, v0;
	_ =	sdelay $0x1  }
0x260: {  	[tilespmem:s31+$0xE450] =	vst v0  }
0x261: {  	v0 =	vld [tilespmem:s30+$0xFFFFFEA0]  }
0x262: {  	v1 =	vld [tilespmem:s30+$0xFFFFFF20];
	_ =	sdelay $0x1  }
0x263: {  	v2 =	vld [tilespmem:s30+$0xFFFFFFA0];
	_ =	sdelay $0x1  }
0x264: {  	v3 =	vld [tilespmem:s30+$0x20]  }
0x265: {  	v0 =	vadd.f32 v1, v0  }
0x266: {  	v1 =	vld [tilespmem:s30+$0xA0]  }
0x267: {  	v0 =	vadd.f32 v2, v0  }
0x268: {  	v2 =	vld [tilespmem:s30+$0x120]  }
0x269: {  	v0 =	vadd.f32 v3, v0  }
0x26a: {  	v3 =	vld [tilespmem:s30+$0x1A0]  }
0x26b: {  	v0 =	vadd.f32 v1, v0;
	_ =	sdelay $0x1  }
0x26c: {  	v0 =	vadd.f32 v2, v0;
	_ =	sdelay $0x1  }
0x26d: {  	v0 =	vadd.f32 v3, v0;
	_ =	sdelay $0x1  }
0x26e: {  	[tilespmem:s31+$0xE460] =	vst v0  }
0x26f: {  	v1 =	vld [tilespmem:s30+$0xFFFFFEB0]  }
0x270: {  	v2 =	vld [tilespmem:s30+$0xFFFFFF30];
	_ =	sdelay $0x1  }
0x271: {  	v4 =	vld [tilespmem:s30+$0xFFFFFFB0];
	_ =	sdelay $0x1  }
0x272: {  	v3 =	vld [tilespmem:s30+$0x30]  }
0x273: {  	v0 =	vld [tilespmem:s30+$0xB0];
	v5 =	vadd.f32 v2, v1  }
0x274: {  	v1 =	vld [tilespmem:s30+$0x130]  }
0x275: {  	s0 =	simm.s32 $0x200;
	v2 =	vld [tilespmem:s30+$0x1B0];
	v4 =	vadd.f32 v4, v5  }
.LBB2_15:
0x276: {  	p0 =	sne.s32 s0, $0x1E00  }
0x277: {  	s30 =	sadd.s32 $0x380, s30;
	s1 =	smov.u32 s0;
	s0 =	sadd.s32 $0x200, s0;
	v3 =	vadd.f32 v3, v4  }
0x278: {  	_ = 	snop  }
0x279: {  	v0 =	vadd.f32 v0, v3;
	_ =	sdelay $0x1  }
0x27a: {  	v0 =	vadd.f32 v1, v0;
	_ =	sdelay $0x1  }
0x27b: {  	v0 =	vadd.f32 v2, v0;
	_ =	sdelay $0x1  }
0x27c: {  	[tilespmem:s31+$0xE470] =	vst v0  }
0x27d: {  	v0 =	vld [tilespmem:s30+$0xFFFFFEC0]  }
0x27e: {  	v1 =	vld [tilespmem:s30+$0xFFFFFE40]  }
0x27f: {  	v2 =	vld [tilespmem:s30+$0xFFFFFF40];
	_ =	sdelay $0x2  }
0x280: {  	v3 =	vld [tilespmem:s30+$0xFFFFFFC0]  }
0x281: {  	v0 =	vadd.f32 v0, v1  }
0x282: {  	v1 =	vld [tilespmem:s30+$0x40]  }
0x283: {  	v0 =	vadd.f32 v2, v0  }
0x284: {  	v2 =	vld [tilespmem:s30+$0xC0]  }
0x285: {  	v0 =	vadd.f32 v3, v0  }
0x286: {  	v3 =	vld [tilespmem:s30+$0x140]  }
0x287: {  	v0 =	vadd.f32 v1, v0;
	_ =	sdelay $0x1  }
0x288: {  	v0 =	vadd.f32 v2, v0;
	_ =	sdelay $0x1  }
0x289: {  	v0 =	vadd.f32 v3, v0  }
0x28a: {  	s31 =	sshra.s32 s1, $0x2  }
0x28b: {  	[tilespmem:s31+$0xE400] =	vst v0  }
0x28c: {  	v0 =	vld [tilespmem:s30+$0xFFFFFE50]  }
0x28d: {  	v1 =	vld [tilespmem:s30+$0xFFFFFED0];
	_ =	sdelay $0x1  }
0x28e: {  	v2 =	vld [tilespmem:s30+$0xFFFFFF50];
	_ =	sdelay $0x1  }
0x28f: {  	v3 =	vld [tilespmem:s30+$0xFFFFFFD0]  }
0x290: {  	v0 =	vadd.f32 v1, v0  }
0x291: {  	v1 =	vld [tilespmem:s30+$0x50]  }
0x292: {  	v0 =	vadd.f32 v2, v0  }
0x293: {  	v2 =	vld [tilespmem:s30+$0xD0]  }
0x294: {  	v0 =	vadd.f32 v3, v0  }
0x295: {  	v3 =	vld [tilespmem:s30+$0x150]  }
0x296: {  	v0 =	vadd.f32 v1, v0;
	_ =	sdelay $0x1  }
0x297: {  	v0 =	vadd.f32 v2, v0;
	_ =	sdelay $0x1  }
0x298: {  	v0 =	vadd.f32 v3, v0;
	_ =	sdelay $0x1  }
0x299: {  	[tilespmem:s31+$0xE410] =	vst v0  }
0x29a: {  	v0 =	vld [tilespmem:s30+$0xFFFFFE60]  }
0x29b: {  	v1 =	vld [tilespmem:s30+$0xFFFFFEE0];
	_ =	sdelay $0x1  }
0x29c: {  	v2 =	vld [tilespmem:s30+$0xFFFFFF60];
	_ =	sdelay $0x1  }
0x29d: {  	v3 =	vld [tilespmem:s30+$0xFFFFFFE0]  }
0x29e: {  	v0 =	vadd.f32 v1, v0  }
0x29f: {  	v1 =	vld [tilespmem:s30+$0x60]  }
0x2a0: {  	v0 =	vadd.f32 v2, v0  }
0x2a1: {  	v2 =	vld [tilespmem:s30+$0xE0]  }
0x2a2: {  	v0 =	vadd.f32 v3, v0  }
0x2a3: {  	v3 =	vld [tilespmem:s30+$0x160]  }
0x2a4: {  	v0 =	vadd.f32 v1, v0;
	_ =	sdelay $0x1  }
0x2a5: {  	v0 =	vadd.f32 v2, v0;
	_ =	sdelay $0x1  }
0x2a6: {  	v0 =	vadd.f32 v3, v0;
	_ =	sdelay $0x1  }
0x2a7: {  	[tilespmem:s31+$0xE420] =	vst v0  }
0x2a8: {  	v0 =	vld [tilespmem:s30+$0xFFFFFE70]  }
0x2a9: {  	v1 =	vld [tilespmem:s30+$0xFFFFFEF0]  }
0x2aa: {  	v2 =	vld [tilespmem:s30+$0xFFFFFF70];
	_ =	sdelay $0x2  }
0x2ab: {  	v3 =	vld [tilespmem:s30+$0xFFFFFFF0]  }
0x2ac: {  	v0 =	vadd.f32 v1, v0  }
0x2ad: {  	v1 =	vld [tilespmem:s30+$0x70]  }
0x2ae: {  	v0 =	vadd.f32 v2, v0  }
0x2af: {  	v2 =	vld [tilespmem:s30+$0xF0]  }
0x2b0: {  	v0 =	vadd.f32 v3, v0  }
0x2b1: {  	v3 =	vld [tilespmem:s30+$0x170]  }
0x2b2: {  	v0 =	vadd.f32 v1, v0;
	_ =	sdelay $0x1  }
0x2b3: {  	v0 =	vadd.f32 v2, v0;
	_ =	sdelay $0x1  }
0x2b4: {  	v0 =	vadd.f32 v3, v0;
	_ =	sdelay $0x1  }
0x2b5: {  	[tilespmem:s31+$0xE430] =	vst v0  }
0x2b6: {  	v0 =	vld [tilespmem:s30+$0xFFFFFE80]  }
0x2b7: {  	v1 =	vld [tilespmem:s30+$0xFFFFFF00];
	_ =	sdelay $0x1  }
0x2b8: {  	v2 =	vld [tilespmem:s30+$0xFFFFFF80];
	_ =	sdelay $0x1  }
0x2b9: {  	v3 =	vld [tilespmem:s30+$0x0]  }
0x2ba: {  	v0 =	vadd.f32 v1, v0  }
0x2bb: {  	v1 =	vld [tilespmem:s30+$0x80]  }
0x2bc: {  	v0 =	vadd.f32 v2, v0  }
0x2bd: {  	v2 =	vld [tilespmem:s30+$0x100]  }
0x2be: {  	v0 =	vadd.f32 v3, v0  }
0x2bf: {  	v3 =	vld [tilespmem:s30+$0x180]  }
0x2c0: {  	v0 =	vadd.f32 v1, v0;
	_ =	sdelay $0x1  }
0x2c1: {  	v0 =	vadd.f32 v2, v0;
	_ =	sdelay $0x1  }
0x2c2: {  	v0 =	vadd.f32 v3, v0;
	_ =	sdelay $0x1  }
0x2c3: {  	[tilespmem:s31+$0xE440] =	vst v0  }
0x2c4: {  	v0 =	vld [tilespmem:s30+$0xFFFFFE90]  }
0x2c5: {  	v1 =	vld [tilespmem:s30+$0xFFFFFF10]  }
0x2c6: {  	v2 =	vld [tilespmem:s30+$0xFFFFFF90]  }
0x2c7: {  	v3 =	vld [tilespmem:s30+$0x10]  }
0x2c8: {  	v4 =	vld [tilespmem:s30+$0x90]  }
0x2c9: {  	v5 =	vld [tilespmem:s30+$0x110]  }
0x2ca: {  	v0 =	vadd.f32 v1, v0;
	v1 =	vld [tilespmem:s30+$0x190];
	_ =	sdelay $0x1  }
0x2cb: {  	v0 =	vadd.f32 v2, v0;
	_ =	sdelay $0x1  }
0x2cc: {  	v0 =	vadd.f32 v3, v0;
	_ =	sdelay $0x1  }
0x2cd: {  	v0 =	vadd.f32 v4, v0;
	_ =	sdelay $0x1  }
0x2ce: {  	v0 =	vadd.f32 v5, v0;
	_ =	sdelay $0x1  }
0x2cf: {  	v0 =	vadd.f32 v1, v0;
	_ =	sdelay $0x1  }
0x2d0: {  	[tilespmem:s31+$0xE450] =	vst v0  }
0x2d1: {  	v0 =	vld [tilespmem:s30+$0xFFFFFEA0]  }
0x2d2: {  	v1 =	vld [tilespmem:s30+$0xFFFFFF20]  }
0x2d3: {  	v2 =	vld [tilespmem:s30+$0xFFFFFFA0]  }
0x2d4: {  	v3 =	vld [tilespmem:s30+$0x20]  }
0x2d5: {  	v4 =	vld [tilespmem:s30+$0xA0]  }
0x2d6: {  	v5 =	vld [tilespmem:s30+$0x120]  }
0x2d7: {  	v0 =	vadd.f32 v1, v0;
	v1 =	vld [tilespmem:s30+$0x1A0];
	_ =	sdelay $0x1  }
0x2d8: {  	v0 =	vadd.f32 v2, v0;
	_ =	sdelay $0x1  }
0x2d9: {  	v0 =	vadd.f32 v3, v0;
	_ =	sdelay $0x1  }
0x2da: {  	v0 =	vadd.f32 v4, v0;
	_ =	sdelay $0x1  }
0x2db: {  	v0 =	vadd.f32 v5, v0;
	_ =	sdelay $0x1  }
0x2dc: {  	v0 =	vadd.f32 v1, v0;
	_ =	sdelay $0x1  }
0x2dd: {  	[tilespmem:s31+$0xE460] =	vst v0  }
0x2de: {  	v2 =	vld [tilespmem:s30+$0xFFFFFEB0]  }
0x2df: {  	v4 =	vld [tilespmem:s30+$0xFFFFFF30]  }
0x2e0: {  	v5 =	vld [tilespmem:s30+$0xFFFFFFB0]  }
0x2e1: {  	v3 =	vld [tilespmem:s30+$0x30]  }
.Ltmp10:
0x2e2: {  	v0 =	vld [tilespmem:s30+$0xB0];
	(pc) =	sbr.rel @p0 .LBB2_15-.Ltmp10, $3  }
0x2e3: {  	v1 =	vld [tilespmem:s30+$0x130]  }
0x2e4: {  	v4 =	vadd.f32 v4, v2;
	v2 =	vld [tilespmem:s30+$0x1B0];
	_ =	sdelay $0x1  }
0x2e5: {  	v4 =	vadd.f32 v5, v4  }
0x2e6: {  	_ = 	snop  }
0x2e7: {  	v3 =	vadd.f32 v3, v4;
	_ =	sdelay $0x1  }
0x2e8: {  	v0 =	vadd.f32 v0, v3;
	_ =	sdelay $0x1  }
0x2e9: {  	p0 =	seq.s32 s28, $0x1A;
	v0 =	vadd.f32 v1, v0  }
.Ltmp11:
0x2ea: {  	_ = 	snop;
	(pc) =	sbr.rel @p0 .LBB2_18-.Ltmp11, $4  }
0x2eb: {  	s0 =	sadd.s32 s29, s8;
	v0 =	vadd.f32 v2, v0  }
0x2ec: {  	s0 =	sshll.u32 s0, $0x4  }
0x2ed: {  	s0 =	sadd.s32 s5, s0;
	[tilespmem:s31+$0xE470] =	vst v0  }
0x2ee: {  	[hbm4b:s0+s2] =	stream.linear.scatter [tilespmem:s24], [sflag:$0x6], $0x800, $0x38;
	[tilespmem:$0xEC00] =	vst v63  }
0x2ef: {  	s0 =	smul.u32 $0x600, s28  }
.Ltmp12:
0x2f0: {  	_ = 	snop;
	(pc) =	sbr.rel .LBB2_2-.Ltmp12, $4  }
0x2f1: {  	_ = 	snop  }
0x2f2: {  	s0 =	sshra.s32 s0, $0x2  }
0x2f3: {  	s28 =	sadd.s32 $0x1, s28;
	s0 =	sadd.s32 $0x280, s0  }
0x2f4: {  	[tilespmem:s16], [sflag:$0x3] =	stream.indirect.gather [hbm4b:s3+s11], $0x80, s0, s11, $0xb8;
	[tilespmem:$0xEC00] =	vst v63  }
.LBB2_19:
0x2f5: {  	_ =	sfence.sel $0x180000  }
0x2f6: {  	[bflag:$0x0] =	sbarrier.arrive $0xFFFF  }
0x2f7: {  	_ =	strace $0x9000004D  }
0x2f8: {  	s0 =	stileid.u32;
	[bflag:$0x2] =	sbarrier.arrive $0xFFFF  }
0x2f9: {  	p0 =	sne.s32 s0, $0x0;
	s0 =	rddreg [dreg:$0x1]  }
0x2fa: {  	s0 =	sadd.s32 @!p0 $0x100000, s0  }
0x2fb: {  	[sflag:s0] =	ssyncadd.tile.s32 @!p0 $0x1;
	_ =	shalt  }
.Lfunc_end2:
_tile_overlayer_lowered:
.L_overlay_start_2:
0x2fc: {  	(tag) =	ssettag $0x2  }
0x2fd: {  	s0 =	rddreg [dreg:$0x0];
	s2 =	stileid.u32  }
0x2fe: {  	s1 =	rddreg [dreg:$0x1];
	p0 =	sne.s32 s2, $0x0  }
0x2ff: {  	s3 =	rddreg [dreg:$0x2];
	[bflag:$0x3] =	sbarrier.arrive $0xFFFF;
	s2 =	simm.s32 @!p0 $0x1C07  }
0x300: {  	[timem:s3], [sflag:s2] =	dma.local @!p0 [hbm:s0], s1  }
0x301: {  	s0 =	simm.s32 @!p0 $0x7  }
0x302: {  	_ =	swait.ge @!p0 [sflag:s0], s1  }
0x303: {  	s1 =	ssub.s32 @!p0 $0x0, s1;
	[sflag:s0] =	ssyncset.done @!p0 $0x0  }
0x304: {  	[sflag:s0] =	ssyncadd.s32 @!p0 s1  }
0x305: {  	[bflag:$0x3] =	sbarrier.arrive $0xFFFF  }
0x306: {  	_ =	shalt  }

// kernel: kernel.7.cloned.1.call-start
scs
__scs_entry_jumppad:
0x0: {  	(pc) =	sbr.rel $0x88, $3  }
0x1: {  	(tag) =	ssettag $0x0;
	lr =	simm.s32 $0x1  }
0x2: {  	[smem:$0x3F98] =	sst lr;
	_ =	strace $0xD0000000  }
0x3: {  	_ = 	snop  }
0x4: {  	_ = 	snop  }
0x5: {  	_ = 	snop  }
0x6: {  	_ = 	snop  }
0x7: {  	_ = 	snop  }
__scs_overlays_trampoline_lowered:
0x8: {  	[smem:$0x3FA7] =	sst s0  }
0x9: {  	[smem:$0x3FA8] =	sst s1  }
0xa: {  	[smem:$0x3FA9] =	sst s2  }
0xb: {  	[smem:$0x3FAA] =	sst s3  }
0xc: {  	[smem:$0x3FAB] =	sst s4  }
0xd: {  	[smem:$0x3FAC] =	sst s5  }
0xe: {  	[smem:$0x3FAD] =	sst s6  }
0xf: {  	[smem:$0x3FAE] =	sst s7  }
0x10: {  	[smem:$0x3FAF] =	sst s8  }
0x11: {  	[smem:$0x3FB0] =	sst s9;
	s0 =	simm.s32 @!p0 $0x0  }
0x12: {  	s1 =	sld [smem:$0x3F96];
	s0 =	simm.s32 @p0 $0x1  }
0x13: {  	[smem:$0x3FB1] =	sst s0;
	s0 =	simm.s32 @!p1 $0x0  }
0x14: {  	s2 =	sld [smem:$0x3F95];
	s0 =	simm.s32 @p1 $0x1  }
0x15: {  	[smem:$0x3FB2] =	sst s0;
	s0 =	simm.s32 @!p2 $0x0  }
0x16: {  	s3 =	sld [smem:$0x3FDB];
	s0 =	simm.s32 @p2 $0x1  }
0x17: {  	s4 =	simm.s32 $0x1BF5;
	[smem:$0x3FB4] =	sst s0  }
0x18: {  	s0 =	sld [smem:$0x3F97];
	_ =	swait.ge [sflag:s4], $0x0  }
0x19: {  	s7 =	sld [smem:$0x3F98]  }
0x1a: {  	s8 =	sadd.s32 $0xFFFFE003, lr  }
0x1b: {  	s9 =	sadd.s32 $0xFFFFFEF7, lr;
	s5 =	simm.s32 $0xFFFFFFFF;
	p2 =	slt.u32 s8, $0xFFFFF086  }
0x1c: {  	p1 =	slt.u32 s9, $0xF7A;
	s5 =	simm.s32 @!p2 $0x0  }
0x1d: {  	s5 =	simm.s32 @p1 $0x1;
	p0 =	seq.s32 s7, s2  }
0x1e: {  	s7 =	smul.u32 @!p0 $0xF7A, s2;
	p2 =	seq.s32 @!p0 s5, $0x0  }
0x1f: {  	s9 =	smul.u32 $0xF7A, s1;
	s8 =	simm.s32 @!p0 $0x1BF5;
	p2 =	por !p2, p0  }
0x20: {  	[sflag:s8] =	ssyncset.s32 @!p0 $0xFFFFF086;
	s6 =	sadd.s32 @!p0 s3, s7;
	s7 =	simm.s32 @!p0 $0x108  }
0x21: {  	s3 =	sadd.s32 s3, s9;
	s6 =	sadd.s32 @!p0 $0x88, s6;
	s7 =	simm.s32 @p2 $0x1082  }
0x22: {  	[simem:s7], [sflag:s8] =	dma.local @!p0 [hbm:s6], $0xF7A  }
0x23: {  	s9 =	sor.u32 $0xD0000000, s2;
	s6 =	simm.s32 $0x108;
	_ =	swait.ge @!p0 [sflag:s8], $0x0  }
0x24: {  	s3 =	sadd.s32 $0x88, s3;
	s6 =	simm.s32 @!p1 $0x1082;
	[sflag:s4] =	ssyncset.s32 $0xFFFFF086  }
0x25: {  	[simem:s6], [sflag:s4] =	dma.local [hbm:s3], $0xF7A  }
0x26: {  	[smem:$0x3F98] =	sst s1;
	(tag) =	ssettag s2;
	_ =	strace s9  }
0x27: {  	s1 =	sld [smem:$0x3FA8]  }
0x28: {  	s2 =	sld [smem:$0x3FA9]  }
0x29: {  	s4 =	sld [smem:$0x3FAB]  }
0x2a: {  	p0 =	seq.s32 s5, $0x0;
	s5 =	sld [smem:$0x3FAC]  }
0x2b: {  	s6 =	sld [smem:$0x3FAD]  }
0x2c: {  	s7 =	sld [smem:$0x3FAE]  }
0x2d: {  	s3 =	simm.s32 $0x108;
	s8 =	sld [smem:$0x3FAF]  }
0x2e: {  	s3 =	simm.s32 @!p0 $0x1082;
	s9 =	sld [smem:$0x3FB0]  }
0x2f: {  	lr =	sadd.s32 s0, s3;
	s0 =	sld [smem:$0x3FA7]  }
0x30: {  	s3 =	sld [smem:$0x3FAA]  }
0x31: {  	[smem:$0x3FB3] =	sst s10  }
0x32: {  	s10 =	sld [smem:$0x3FB1];
	_ =	sdelay $0x3  }
0x33: {  	p0 =	seq.s32 s10, $0x1;
	s10 =	sld [smem:$0x3FB3];
	_ =	sdelay $0x3  }
0x34: {  	[smem:$0x3FB3] =	sst s10  }
0x35: {  	s10 =	sld [smem:$0x3FB2];
	_ =	sdelay $0x3  }
0x36: {  	p1 =	seq.s32 s10, $0x1;
	s10 =	sld [smem:$0x3FB3];
	_ =	sdelay $0x3  }
0x37: {  	[smem:$0x3FB3] =	sst s10  }
0x38: {  	s10 =	sld [smem:$0x3FB4]  }
0x39: {  	_ = 	snop;
	(pc) =	sbr.ind lr, $3  }
0x3a: {  	_ = 	snop  }
0x3b: {  	_ = 	snop  }
0x3c: {  	p2 =	seq.s32 s10, $0x1;
	s10 =	sld [smem:$0x3FB3]  }
0x3d: {  	_ =	shalt  }
0x3e: {  	_ =	shalt  }
0x3f: {  	_ =	shalt  }
0x40: {  	_ =	shalt  }
0x41: {  	_ =	shalt  }
0x42: {  	_ =	shalt  }
0x43: {  	_ =	shalt  }
0x44: {  	_ =	shalt  }
0x45: {  	_ =	shalt  }
0x46: {  	_ =	shalt  }
0x47: {  	_ =	shalt  }
0x48: {  	_ =	shalt  }
0x49: {  	_ =	shalt  }
0x4a: {  	_ =	shalt  }
0x4b: {  	_ =	shalt  }
0x4c: {  	_ =	shalt  }
0x4d: {  	_ =	shalt  }
0x4e: {  	_ =	shalt  }
0x4f: {  	_ =	shalt  }
0x50: {  	_ =	shalt  }
0x51: {  	_ =	shalt  }
0x52: {  	_ =	shalt  }
0x53: {  	_ =	shalt  }
0x54: {  	_ =	shalt  }
0x55: {  	_ =	shalt  }
0x56: {  	_ =	shalt  }
0x57: {  	_ =	shalt  }
0x58: {  	_ =	shalt  }
0x59: {  	_ =	shalt  }
0x5a: {  	_ =	shalt  }
0x5b: {  	_ =	shalt  }
0x5c: {  	_ =	shalt  }
0x5d: {  	_ =	shalt  }
0x5e: {  	_ =	shalt  }
0x5f: {  	_ =	shalt  }
0x60: {  	_ =	shalt  }
0x61: {  	_ =	shalt  }
0x62: {  	_ =	shalt  }
0x63: {  	_ =	shalt  }
0x64: {  	_ =	shalt  }
0x65: {  	_ =	shalt  }
0x66: {  	_ =	shalt  }
0x67: {  	_ =	shalt  }
0x68: {  	_ =	shalt  }
0x69: {  	_ =	shalt  }
0x6a: {  	_ =	shalt  }
0x6b: {  	_ =	shalt  }
0x6c: {  	_ =	shalt  }
0x6d: {  	_ =	shalt  }
0x6e: {  	_ =	shalt  }
0x6f: {  	_ =	shalt  }
0x70: {  	_ =	shalt  }
0x71: {  	_ =	shalt  }
0x72: {  	_ =	shalt  }
0x73: {  	_ =	shalt  }
0x74: {  	_ =	shalt  }
0x75: {  	_ =	shalt  }
0x76: {  	_ =	shalt  }
0x77: {  	_ =	shalt  }
0x78: {  	_ =	shalt  }
0x79: {  	_ =	shalt  }
0x7a: {  	_ =	shalt  }
0x7b: {  	_ =	shalt  }
0x7c: {  	_ =	shalt  }
0x7d: {  	_ =	shalt  }
0x7e: {  	_ =	shalt  }
0x7f: {  	_ =	shalt  }
0x80: {  	_ =	shalt  }
0x81: {  	_ =	shalt  }
0x82: {  	_ =	shalt  }
0x83: {  	_ =	shalt  }
0x84: {  	_ =	shalt  }
0x85: {  	_ =	shalt  }
0x86: {  	_ =	shalt  }
0x87: {  	_ =	shalt  }
.Lfunc_end0:
.L_simem_size_0:
called_computation.1_lowered:
.L_overlay_start_0:
0x88: {  	s2 =	sld [smem:$0x3FD9]  }
0x89: {  	s3 =	sld [smem:$0x3FFE];
	_ =	sdelay $0x1  }
0x8a: {  	s1 =	srdreg.scid  }
0x8b: {  	s0 =	sand.u32 $0x1, s1  }
0x8c: {  	s17 =	sshll.u32 s0, $0xA;
	s2 =	sadd.s32 s3, s2  }
0x8d: {  	s2 =	sadd.s32 s2, s17  }
0x8e: {  	[smem:$0x3FBF] =	sst s2  }
0x8f: {  	_ = 	snop  }
0x90: {  	s2 =	sld [smem:$0x3FD0];
	(tm) =	ssettm $0x1  }
0x91: {  	s18 =	sld [smem:$0x3FFB];
	_ =	sdelay $0x3  }
0x92: {  	_ =	strace s18  }
0x93: {  	s3 =	sld [smem:$0x3FFC];
	_ =	sdelay $0x3  }
0x94: {  	_ =	strace s3  }
0x95: {  	s3 =	sld [smem:$0x3FFD];
	_ =	sdelay $0x3  }
0x96: {  	_ =	strace s3  }
0x97: {  	_ =	strace $0x8FFFFFFF  }
0x98: {  	s19 =	sld [smem:$0x3FDB];
	_ =	sdelay $0x1  }
0x99: {  	s4 =	simm.s32 $_scs_section_size  }
0x9a: {  	s5 =	simm.s32 $_size__tile_overlayer_lowered;
	s6 =	simm.s32 $_tile_overlayer_lowered  }
0x9b: {  	s22 =	simm.s32 $0x1BFF;
	s21 =	sshll.u32 s6, $0x1;
	s3 =	sadd.s32 s4, s19  }
0x9c: {  	s7 =	simm.s32 $0x0;
	s20 =	sshll.u32 s5, $0x1;
	s5 =	sadd.s32 s21, s3  }
0x9d: {  	[timem:s7], [sflag:s22] =	dma.local [hbm:s5], s20  }
0x9e: {  	_ =	swait.ge [sflag:s22], s20  }
0x9f: {  	s4 =	ssub.s32 $0x0, s20;
	[sflag:s22] =	ssyncset.done $0x0  }
0xa0: {  	[sflag:s22] =	ssyncadd.s32 s4;
	_ =	sdelay $0x1  }
0xa1: {  	s23 =	simm.s32 $0x1B8B  }
0xa2: {  	_ =	swait.ge [sflag:s23], $0x1  }
0xa3: {  	[sflag:s23] =	ssyncset.done $0x0  }
0xa4: {  	s25 =	simm.s32 $0x1B8E;
	s24 =	sld [smem:$0x3FFE];
	[sflag:s23] =	ssyncadd.s32 $0xFFFFFFFF  }
0xa5: {  	s26 =	simm.s32 $execute0_lowered;
	[smem:$0x3FD2] =	sst s25  }
0xa6: {  	s5 =	sshll.u32 s26, $0x1;
	_ =	strace $0x80000049;
	[dreg:$0x1] =	wrdreg $0xFFFFFFFF  }
0xa7: {  	s28 =	simm.s32 $_size_execute0_lowered;
	s3 =	sadd.s32 s3, s5;
	[dreg:$0x0] =	wrdreg $0x0  }
0xa8: {  	s5 =	sshll.u32 s28, $0x1;
	[dreg:$0x2] =	wrdreg s3  }
0xa9: {  	[dreg:$0x3] =	wrdreg s5  }
0xaa: {  	[dreg:$0x4] =	wrdreg $0xC0  }
0xab: {  	_ =	task [dreg:s7], $0x5FFFF  }
0xac: {  	[dreg:$0x1] =	wrdreg $0xFFFFFFFF  }
0xad: {  	[dreg:$0x0] =	wrdreg $0x60  }
0xae: {  	[dreg:$0x2] =	wrdreg s24  }
0xaf: {  	[dreg:$0x3] =	wrdreg s2  }
0xb0: {  	[dreg:$0x4] =	wrdreg $0x9  }
0xb1: {  	_ =	task.clear_ibuf [dreg:s7], $0x5FFFF;
	_ =	strace $0x90000049  }
0xb2: {  	s29 =	simm.s32 $0x9;
	_ =	strace $0x8000004B  }
0xb3: {  	_ =	swait.ge [sflag:s29], $0x1  }
0xb4: {  	[sflag:s29] =	ssyncadd.s32 $0xFFFFFFFF  }
0xb5: {  	_ =	strace $0x9000004B  }
0xb6: {  	_ =	sfence  }
0xb7: {  	s30 =	sld [smem:$0x0];
	_ =	sdelay $0x2  }
0xb8: {  	s31 =	sshll.u32 s1, $0xD;
	s1 =	sshrl.u32 s1, $0x2  }
0xb9: {  	s3 =	sand.u32 $0x4000, s31;
	s1 =	sadd.s32 s1, s30  }
0xba: {  	s0 =	sor.u32 s3, s0;
	s1 =	sshll.u32 s1, $0x11  }
0xbb: {  	s0 =	sor.u32 s1, s0  }
0xbc: {  	s0 =	sadd.s32 $0x8F2B, s0  }
0xbd: {  	[sflag:s0] =	ssyncadd.remote.s32 $0x1  }
0xbe: {  	_ =	sfence.sel $0xFFFF  }
0xbf: {  	[dreg:$0x0] =	wrdreg $0xFFFFFFFF;
	(pc) =	sbr.abs _section_cstart, $3  }
0xc0: {  	[dreg:$0x1] =	wrdreg $0xFFFFFFFF  }
0xc1: {  	_ =	task.clear_ibuf [dreg:s7], $0x2FFFF;
	_ =	strace $0x9FFFFFFF  }
0xc2: {  	(tm) =	ssettm $0x7FFFFFFF  }
0xc3: {  	_ =	shalt  }
tec
execute0_lowered:
.L_overlay_start_1:
0x0: {  	(tag) =	ssettag $0x1  }
0x1: {  	s5 =	rddreg [dreg:$0x0]  }
0x2: {  	s0 =	srdreg.scid;
	s6 =	rddreg [dreg:$0x1]  }
0x3: {  	s1 =	stileid.u32;
	s2 =	simm.s32 $0x0;
	s10 =	simm.s32 $0x7  }
0x4: {  	s11 =	simm.s32 $0x70;
	s12 =	simm.s32 $0x2C00;
	s13 =	simm.s32 $0x80  }
0x5: {  	s14 =	simm.s32 $0x6400;
	s15 =	simm.s32 $0x100;
	s16 =	simm.s32 $0x9C00  }
0x6: {  	s17 =	simm.s32 $0x1;
	s18 =	simm.s32 $0xD400;
	s19 =	simm.s32 $0x2  }
0x7: {  	s20 =	simm.s32 $0x5;
	s21 =	simm.s32 $0xDC00;
	s22 =	simm.s32 $0x3  }
0x8: {  	s23 =	simm.s32 $0x6;
	s24 =	simm.s32 $0xE400;
	s0 =	sand.u32 $0x1, s0  }
0x9: {  	s25 =	simm.s32 $0x4;
	s26 =	simm.s32 $0x0;
	s3 =	sshll.u32 s0, $0x4  }
.Ltmp0:
0xa: {  	s0 =	ssub.s32 $0x2, s0;
	s4 =	sor.u32 s1, s3;
	(pc) =	sbr.rel .LBB2_1-.Ltmp0, $4  }
0xb: {  	[smem:$0x7FF] =	sst s2;
	s7 =	sshrl.u32 s0, $0x1;
	s3 =	smul.u32 $0x510, s4  }
0xc: {  	_ =	strace $0x8000004A;
	s8 =	smul.u32 $0x580, s4;
	s0 =	ssub.s32 s0, s7  }
0xd: {  	s4 =	sadd.s32 $0x282200, s5;
	s5 =	sadd.s32 $0x2000, s5;
	s9 =	smax.u32 s0, $0x1  }
0xe: {  	s6 =	sadd.s32 s6, s8;
	s7 =	sadd.s32 $0x10, s3;
	s8 =	sadd.s32 $0x20, s3  }
.LBB2_18:
0xf: {  	_ =	swait.ge [sflag:s25], $0x800  }
0x10: {  	[sflag:s25] =	ssyncset.done $0x0  }
0x11: {  	s26 =	sadd.s32 $0x1, s26;
	[sflag:s25] =	ssyncadd.s32 $0xFFFFF800  }
0x12: {  	p0 =	sne.s32 s26, s9;
	_ =	swait.ge [sflag:s20], $0x800  }
.Ltmp1:
0x13: {  	[sflag:s20] =	ssyncset.done $0x0;
	(pc) =	sbr.rel @!p0 .LBB2_19-.Ltmp1, $4  }
0x14: {  	[sflag:s20] =	ssyncadd.s32 $0xFFFFF800  }
0x15: {  	_ =	swait.ge [sflag:s23], $0x800  }
0x16: {  	[sflag:s23] =	ssyncset.done $0x0  }
0x17: {  	[sflag:s23] =	ssyncadd.s32 $0xFFFFF800  }
.LBB2_1:
0x18: {  	[tilespmem:s2], [sflag:$0x7] =	stream.linear.gather [hbm4b:s6+s2], $0x2880, $0x38;
	[tilespmem:$0xEC00] =	vst v63  }
0x19: {  	_ =	swait.ge [sflag:s10], $0x2880  }
0x1a: {  	[sflag:s10] =	ssyncset.done $0x0  }
0x1b: {  	[sflag:s10] =	ssyncadd.s32 $0xFFFFD780  }
0x1c: {  	[tilespmem:s12], [sflag:$0x1] =	stream.indirect.gather [hbm4b:s4+s11], $0x80, s2, s11, $0xb8;
	[tilespmem:$0xEC00] =	vst v63  }
0x1d: {  	_ = 	snop  }
0x1e: {  	[tilespmem:s14], [sflag:$0x2] =	stream.indirect.gather [hbm4b:s4+s11], $0x80, s13, s11, $0xb8;
	[tilespmem:$0xEC00] =	vst v63  }
0x1f: {  	s28 =	simm.s32 $0x0  }
0x20: {  	[tilespmem:s16], [sflag:$0x3] =	stream.indirect.gather [hbm4b:s4+s11], $0x80, s15, s11, $0xb8;
	[tilespmem:$0xEC00] =	vst v63  }
.LBB2_2:
0x21: {  	_ =	swait.ge [sflag:s17], $0x3800  }
0x22: {  	p0 =	seq.s32 s28, $0x0;
	[sflag:s17] =	ssyncset.done $0x0  }
0x23: {  	s0 =	simm.s32 @!p0 $0x4;
	[sflag:s17] =	ssyncadd.s32 $0xFFFFC800  }
0x24: {  	_ =	swait.ge @!p0 [sflag:s0], $0x800  }
0x25: {  	[sflag:s0] =	ssyncset.done @!p0 $0x0  }
0x26: {  	s29 =	simm.s32 $0x2DC0;
	[sflag:s0] =	ssyncadd.s32 @!p0 $0xFFFFF800  }
0x27: {  	v0 =	vld [tilespmem:s29+$0xFFFFFEC0]  }
0x28: {  	v1 =	vld [tilespmem:s29+$0xFFFFFE40];
	_ =	sdelay $0x1  }
0x29: {  	v2 =	vld [tilespmem:s29+$0xFFFFFF40];
	_ =	sdelay $0x1  }
0x2a: {  	v3 =	vld [tilespmem:s29+$0xFFFFFFC0]  }
0x2b: {  	v0 =	vadd.f32 v0, v1  }
0x2c: {  	v1 =	vld [tilespmem:s29+$0x40]  }
0x2d: {  	v0 =	vadd.f32 v2, v0  }
0x2e: {  	v2 =	vld [tilespmem:s29+$0xC0]  }
0x2f: {  	v0 =	vadd.f32 v3, v0  }
0x30: {  	v3 =	vld [tilespmem:s29+$0x140]  }
0x31: {  	v0 =	vadd.f32 v1, v0;
	_ =	sdelay $0x1  }
0x32: {  	v0 =	vadd.f32 v2, v0;
	_ =	sdelay $0x1  }
0x33: {  	v0 =	vadd.f32 v3, v0  }
0x34: {  	s30 =	simm.s32 $0x0  }
0x35: {  	[tilespmem:s30+$0xD400] =	vst v0  }
0x36: {  	v0 =	vld [tilespmem:s29+$0xFFFFFE50]  }
0x37: {  	v1 =	vld [tilespmem:s29+$0xFFFFFED0];
	_ =	sdelay $0x1  }
0x38: {  	v2 =	vld [tilespmem:s29+$0xFFFFFF50];
	_ =	sdelay $0x1  }
0x39: {  	v3 =	vld [tilespmem:s29+$0xFFFFFFD0]  }
0x3a: {  	v0 =	vadd.f32 v1, v0  }
0x3b: {  	v1 =	vld [tilespmem:s29+$0x50]  }
0x3c: {  	v0 =	vadd.f32 v2, v0  }
0x3d: {  	v2 =	vld [tilespmem:s29+$0xD0]  }
0x3e: {  	v0 =	vadd.f32 v3, v0  }
0x3f: {  	v3 =	vld [tilespmem:s29+$0x150]  }
0x40: {  	v0 =	vadd.f32 v1, v0;
	_ =	sdelay $0x1  }
0x41: {  	v0 =	vadd.f32 v2, v0;
	_ =	sdelay $0x1  }
0x42: {  	v0 =	vadd.f32 v3, v0;
	_ =	sdelay $0x1  }
0x43: {  	[tilespmem:s30+$0xD410] =	vst v0  }
0x44: {  	v0 =	vld [tilespmem:s29+$0xFFFFFE60]  }
0x45: {  	v1 =	vld [tilespmem:s29+$0xFFFFFEE0];
	_ =	sdelay $0x1  }
0x46: {  	v2 =	vld [tilespmem:s29+$0xFFFFFF60];
	_ =	sdelay $0x1  }
0x47: {  	v3 =	vld [tilespmem:s29+$0xFFFFFFE0]  }
0x48: {  	v0 =	vadd.f32 v1, v0  }
0x49: {  	v1 =	vld [tilespmem:s29+$0x60]  }
0x4a: {  	v0 =	vadd.f32 v2, v0  }
0x4b: {  	v2 =	vld [tilespmem:s29+$0xE0]  }
0x4c: {  	v0 =	vadd.f32 v3, v0  }
0x4d: {  	v3 =	vld [tilespmem:s29+$0x160]  }
0x4e: {  	v0 =	vadd.f32 v1, v0;
	_ =	sdelay $0x1  }
0x4f: {  	v0 =	vadd.f32 v2, v0;
	_ =	sdelay $0x1  }
0x50: {  	v0 =	vadd.f32 v3, v0;
	_ =	sdelay $0x1  }
0x51: {  	[tilespmem:s30+$0xD420] =	vst v0  }
0x52: {  	v0 =	vld [tilespmem:s29+$0xFFFFFE70]  }
0x53: {  	v1 =	vld [tilespmem:s29+$0xFFFFFEF0];
	_ =	sdelay $0x1  }
0x54: {  	v2 =	vld [tilespmem:s29+$0xFFFFFF70];
	_ =	sdelay $0x1  }
0x55: {  	v3 =	vld [tilespmem:s29+$0xFFFFFFF0]  }
0x56: {  	v0 =	vadd.f32 v1, v0  }
0x57: {  	v1 =	vld [tilespmem:s29+$0x70]  }
0x58: {  	v0 =	vadd.f32 v2, v0  }
0x59: {  	v2 =	vld [tilespmem:s29+$0xF0]  }
0x5a: {  	v0 =	vadd.f32 v3, v0  }
0x5b: {  	v3 =	vld [tilespmem:s29+$0x170]  }
0x5c: {  	v0 =	vadd.f32 v1, v0;
	_ =	sdelay $0x1  }
0x5d: {  	v0 =	vadd.f32 v2, v0;
	_ =	sdelay $0x1  }
0x5e: {  	v0 =	vadd.f32 v3, v0;
	_ =	sdelay $0x1  }
0x5f: {  	[tilespmem:s30+$0xD430] =	vst v0  }
0x60: {  	v0 =	vld [tilespmem:s29+$0xFFFFFE80]  }
0x61: {  	v1 =	vld [tilespmem:s29+$0xFFFFFF00];
	_ =	sdelay $0x1  }
0x62: {  	v2 =	vld [tilespmem:s29+$0xFFFFFF80];
	_ =	sdelay $0x1  }
0x63: {  	v3 =	vld [tilespmem:s29+$0x0]  }
0x64: {  	v0 =	vadd.f32 v1, v0  }
0x65: {  	v1 =	vld [tilespmem:s29+$0x80]  }
0x66: {  	v0 =	vadd.f32 v2, v0  }
0x67: {  	v2 =	vld [tilespmem:s29+$0x100]  }
0x68: {  	v0 =	vadd.f32 v3, v0  }
0x69: {  	v3 =	vld [tilespmem:s29+$0x180]  }
0x6a: {  	v0 =	vadd.f32 v1, v0;
	_ =	sdelay $0x1  }
0x6b: {  	v0 =	vadd.f32 v2, v0;
	_ =	sdelay $0x1  }
0x6c: {  	v0 =	vadd.f32 v3, v0;
	_ =	sdelay $0x1  }
0x6d: {  	[tilespmem:s30+$0xD440] =	vst v0  }
0x6e: {  	v0 =	vld [tilespmem:s29+$0xFFFFFE90]  }
0x6f: {  	v1 =	vld [tilespmem:s29+$0xFFFFFF10];
	_ =	sdelay $0x1  }
0x70: {  	v2 =	vld [tilespmem:s29+$0xFFFFFF90];
	_ =	sdelay $0x1  }
0x71: {  	v3 =	vld [tilespmem:s29+$0x10]  }
0x72: {  	v0 =	vadd.f32 v1, v0  }
0x73: {  	v1 =	vld [tilespmem:s29+$0x90]  }
0x74: {  	v0 =	vadd.f32 v2, v0  }
0x75: {  	v2 =	vld [tilespmem:s29+$0x110]  }
0x76: {  	v0 =	vadd.f32 v3, v0  }
0x77: {  	v3 =	vld [tilespmem:s29+$0x190]  }
0x78: {  	v0 =	vadd.f32 v1, v0;
	_ =	sdelay $0x1  }
0x79: {  	v0 =	vadd.f32 v2, v0;
	_ =	sdelay $0x1  }
0x7a: {  	v0 =	vadd.f32 v3, v0;
	_ =	sdelay $0x1  }
0x7b: {  	[tilespmem:s30+$0xD450] =	vst v0  }
0x7c: {  	v0 =	vld [tilespmem:s29+$0xFFFFFEA0]  }
0x7d: {  	v1 =	vld [tilespmem:s29+$0xFFFFFF20];
	_ =	sdelay $0x1  }
0x7e: {  	v2 =	vld [tilespmem:s29+$0xFFFFFFA0];
	_ =	sdelay $0x1  }
0x7f: {  	v3 =	vld [tilespmem:s29+$0x20]  }
0x80: {  	v0 =	vadd.f32 v1, v0  }
0x81: {  	v1 =	vld [tilespmem:s29+$0xA0]  }
0x82: {  	v0 =	vadd.f32 v2, v0  }
0x83: {  	v2 =	vld [tilespmem:s29+$0x120]  }
0x84: {  	v0 =	vadd.f32 v3, v0  }
0x85: {  	v3 =	vld [tilespmem:s29+$0x1A0]  }
0x86: {  	v0 =	vadd.f32 v1, v0;
	_ =	sdelay $0x1  }
0x87: {  	v0 =	vadd.f32 v2, v0;
	_ =	sdelay $0x1  }
0x88: {  	v0 =	vadd.f32 v3, v0;
	_ =	sdelay $0x1  }
0x89: {  	[tilespmem:s30+$0xD460] =	vst v0  }
0x8a: {  	v1 =	vld [tilespmem:s29+$0xFFFFFEB0]  }
0x8b: {  	v2 =	vld [tilespmem:s29+$0xFFFFFF30];
	_ =	sdelay $0x1  }
0x8c: {  	v4 =	vld [tilespmem:s29+$0xFFFFFFB0];
	_ =	sdelay $0x1  }
0x8d: {  	v3 =	vld [tilespmem:s29+$0x30]  }
0x8e: {  	v0 =	vld [tilespmem:s29+$0xB0];
	v5 =	vadd.f32 v2, v1  }
0x8f: {  	v1 =	vld [tilespmem:s29+$0x130]  }
0x90: {  	s31 =	simm.s32 $0x200;
	v2 =	vld [tilespmem:s29+$0x1B0];
	v4 =	vadd.f32 v4, v5  }
.LBB2_3:
0x91: {  	p1 =	sne.s32 s31, $0x1E00  }
0x92: {  	s29 =	sadd.s32 $0x380, s29;
	s0 =	smov.u32 s31;
	s31 =	sadd.s32 $0x200, s31;
	v3 =	vadd.f32 v3, v4  }
0x93: {  	_ = 	snop  }
0x94: {  	v0 =	vadd.f32 v0, v3;
	_ =	sdelay $0x1  }
0x95: {  	v0 =	vadd.f32 v1, v0;
	_ =	sdelay $0x1  }
0x96: {  	v0 =	vadd.f32 v2, v0;
	_ =	sdelay $0x1  }
0x97: {  	[tilespmem:s30+$0xD470] =	vst v0  }
0x98: {  	v0 =	vld [tilespmem:s29+$0xFFFFFEC0]  }
0x99: {  	v1 =	vld [tilespmem:s29+$0xFFFFFE40]  }
0x9a: {  	v2 =	vld [tilespmem:s29+$0xFFFFFF40];
	_ =	sdelay $0x2  }
0x9b: {  	v3 =	vld [tilespmem:s29+$0xFFFFFFC0]  }
0x9c: {  	v0 =	vadd.f32 v0, v1  }
0x9d: {  	v1 =	vld [tilespmem:s29+$0x40]  }
0x9e: {  	v0 =	vadd.f32 v2, v0  }
0x9f: {  	v2 =	vld [tilespmem:s29+$0xC0]  }
0xa0: {  	v0 =	vadd.f32 v3, v0  }
0xa1: {  	v3 =	vld [tilespmem:s29+$0x140]  }
0xa2: {  	v0 =	vadd.f32 v1, v0;
	_ =	sdelay $0x1  }
0xa3: {  	v0 =	vadd.f32 v2, v0;
	_ =	sdelay $0x1  }
0xa4: {  	v0 =	vadd.f32 v3, v0  }
0xa5: {  	s30 =	sshra.s32 s0, $0x2  }
0xa6: {  	[tilespmem:s30+$0xD400] =	vst v0  }
0xa7: {  	v0 =	vld [tilespmem:s29+$0xFFFFFE50]  }
0xa8: {  	v1 =	vld [tilespmem:s29+$0xFFFFFED0];
	_ =	sdelay $0x1  }
0xa9: {  	v2 =	vld [tilespmem:s29+$0xFFFFFF50];
	_ =	sdelay $0x1  }
0xaa: {  	v3 =	vld [tilespmem:s29+$0xFFFFFFD0]  }
0xab: {  	v0 =	vadd.f32 v1, v0  }
0xac: {  	v1 =	vld [tilespmem:s29+$0x50]  }
0xad: {  	v0 =	vadd.f32 v2, v0  }
0xae: {  	v2 =	vld [tilespmem:s29+$0xD0]  }
0xaf: {  	v0 =	vadd.f32 v3, v0  }
0xb0: {  	v3 =	vld [tilespmem:s29+$0x150]  }
0xb1: {  	v0 =	vadd.f32 v1, v0;
	_ =	sdelay $0x1  }
0xb2: {  	v0 =	vadd.f32 v2, v0;
	_ =	sdelay $0x1  }
0xb3: {  	v0 =	vadd.f32 v3, v0;
	_ =	sdelay $0x1  }
0xb4: {  	[tilespmem:s30+$0xD410] =	vst v0  }
0xb5: {  	v0 =	vld [tilespmem:s29+$0xFFFFFE60]  }
0xb6: {  	v1 =	vld [tilespmem:s29+$0xFFFFFEE0];
	_ =	sdelay $0x1  }
0xb7: {  	v2 =	vld [tilespmem:s29+$0xFFFFFF60];
	_ =	sdelay $0x1  }
0xb8: {  	v3 =	vld [tilespmem:s29+$0xFFFFFFE0]  }
0xb9: {  	v0 =	vadd.f32 v1, v0  }
0xba: {  	v1 =	vld [tilespmem:s29+$0x60]  }
0xbb: {  	v0 =	vadd.f32 v2, v0  }
0xbc: {  	v2 =	vld [tilespmem:s29+$0xE0]  }
0xbd: {  	v0 =	vadd.f32 v3, v0  }
0xbe: {  	v3 =	vld [tilespmem:s29+$0x160]  }
0xbf: {  	v0 =	vadd.f32 v1, v0;
	_ =	sdelay $0x1  }
0xc0: {  	v0 =	vadd.f32 v2, v0;
	_ =	sdelay $0x1  }
0xc1: {  	v0 =	vadd.f32 v3, v0;
	_ =	sdelay $0x1  }
0xc2: {  	[tilespmem:s30+$0xD420] =	vst v0  }
0xc3: {  	v0 =	vld [tilespmem:s29+$0xFFFFFE70]  }
0xc4: {  	v1 =	vld [tilespmem:s29+$0xFFFFFEF0]  }
0xc5: {  	v2 =	vld [tilespmem:s29+$0xFFFFFF70];
	_ =	sdelay $0x2  }
0xc6: {  	v3 =	vld [tilespmem:s29+$0xFFFFFFF0]  }
0xc7: {  	v0 =	vadd.f32 v1, v0  }
0xc8: {  	v1 =	vld [tilespmem:s29+$0x70]  }
0xc9: {  	v0 =	vadd.f32 v2, v0  }
0xca: {  	v2 =	vld [tilespmem:s29+$0xF0]  }
0xcb: {  	v0 =	vadd.f32 v3, v0  }
0xcc: {  	v3 =	vld [tilespmem:s29+$0x170]  }
0xcd: {  	v0 =	vadd.f32 v1, v0;
	_ =	sdelay $0x1  }
0xce: {  	v0 =	vadd.f32 v2, v0;
	_ =	sdelay $0x1  }
0xcf: {  	v0 =	vadd.f32 v3, v0;
	_ =	sdelay $0x1  }
0xd0: {  	[tilespmem:s30+$0xD430] =	vst v0  }
0xd1: {  	v0 =	vld [tilespmem:s29+$0xFFFFFE80]  }
0xd2: {  	v1 =	vld [tilespmem:s29+$0xFFFFFF00];
	_ =	sdelay $0x1  }
0xd3: {  	v2 =	vld [tilespmem:s29+$0xFFFFFF80];
	_ =	sdelay $0x1  }
0xd4: {  	v3 =	vld [tilespmem:s29+$0x0]  }
0xd5: {  	v0 =	vadd.f32 v1, v0  }
0xd6: {  	v1 =	vld [tilespmem:s29+$0x80]  }
0xd7: {  	v0 =	vadd.f32 v2, v0  }
0xd8: {  	v2 =	vld [tilespmem:s29+$0x100]  }
0xd9: {  	v0 =	vadd.f32 v3, v0  }
0xda: {  	v3 =	vld [tilespmem:s29+$0x180]  }
0xdb: {  	v0 =	vadd.f32 v1, v0;
	_ =	sdelay $0x1  }
0xdc: {  	v0 =	vadd.f32 v2, v0;
	_ =	sdelay $0x1  }
0xdd: {  	v0 =	vadd.f32 v3, v0;
	_ =	sdelay $0x1  }
0xde: {  	[tilespmem:s30+$0xD440] =	vst v0  }
0xdf: {  	v0 =	vld [tilespmem:s29+$0xFFFFFE90]  }
0xe0: {  	v1 =	vld [tilespmem:s29+$0xFFFFFF10]  }
0xe1: {  	v2 =	vld [tilespmem:s29+$0xFFFFFF90]  }
0xe2: {  	v3 =	vld [tilespmem:s29+$0x10]  }
0xe3: {  	v4 =	vld [tilespmem:s29+$0x90]  }
0xe4: {  	v5 =	vld [tilespmem:s29+$0x110]  }
0xe5: {  	v0 =	vadd.f32 v1, v0;
	v1 =	vld [tilespmem:s29+$0x190];
	_ =	sdelay $0x1  }
0xe6: {  	v0 =	vadd.f32 v2, v0;
	_ =	sdelay $0x1  }
0xe7: {  	v0 =	vadd.f32 v3, v0;
	_ =	sdelay $0x1  }
0xe8: {  	v0 =	vadd.f32 v4, v0;
	_ =	sdelay $0x1  }
0xe9: {  	v0 =	vadd.f32 v5, v0;
	_ =	sdelay $0x1  }
0xea: {  	v0 =	vadd.f32 v1, v0;
	_ =	sdelay $0x1  }
0xeb: {  	[tilespmem:s30+$0xD450] =	vst v0  }
0xec: {  	v0 =	vld [tilespmem:s29+$0xFFFFFEA0]  }
0xed: {  	v1 =	vld [tilespmem:s29+$0xFFFFFF20]  }
0xee: {  	v2 =	vld [tilespmem:s29+$0xFFFFFFA0]  }
0xef: {  	v3 =	vld [tilespmem:s29+$0x20]  }
0xf0: {  	v4 =	vld [tilespmem:s29+$0xA0]  }
0xf1: {  	v5 =	vld [tilespmem:s29+$0x120]  }
0xf2: {  	v0 =	vadd.f32 v1, v0;
	v1 =	vld [tilespmem:s29+$0x1A0];
	_ =	sdelay $0x1  }
0xf3: {  	v0 =	vadd.f32 v2, v0;
	_ =	sdelay $0x1  }
0xf4: {  	v0 =	vadd.f32 v3, v0;
	_ =	sdelay $0x1  }
0xf5: {  	v0 =	vadd.f32 v4, v0;
	_ =	sdelay $0x1  }
0xf6: {  	v0 =	vadd.f32 v5, v0;
	_ =	sdelay $0x1  }
0xf7: {  	v0 =	vadd.f32 v1, v0;
	_ =	sdelay $0x1  }
0xf8: {  	[tilespmem:s30+$0xD460] =	vst v0  }
0xf9: {  	v2 =	vld [tilespmem:s29+$0xFFFFFEB0]  }
0xfa: {  	v4 =	vld [tilespmem:s29+$0xFFFFFF30]  }
0xfb: {  	v5 =	vld [tilespmem:s29+$0xFFFFFFB0]  }
0xfc: {  	v3 =	vld [tilespmem:s29+$0x30]  }
.Ltmp2:
0xfd: {  	v0 =	vld [tilespmem:s29+$0xB0];
	(pc) =	sbr.rel @p1 .LBB2_3-.Ltmp2, $3  }
0xfe: {  	v1 =	vld [tilespmem:s29+$0x130]  }
0xff: {  	v4 =	vadd.f32 v4, v2;
	v2 =	vld [tilespmem:s29+$0x1B0];
	_ =	sdelay $0x1  }
0x100: {  	v4 =	vadd.f32 v5, v4  }
0x101: {  	_ = 	snop  }
0x102: {  	v3 =	vadd.f32 v3, v4;
	_ =	sdelay $0x1  }
0x103: {  	v0 =	vadd.f32 v0, v3;
	_ =	sdelay $0x1  }
0x104: {  	s29 =	smul.u32 $0x30, s28;
	p1 =	sne.s32 s28, $0x1A;
	v0 =	vadd.f32 v1, v0  }
.Ltmp3:
0x105: {  	_ = 	snop;
	(pc) =	sbr.rel @p1 .LBB2_6-.Ltmp3, $4  }
0x106: {  	s0 =	sadd.s32 s3, s29;
	v0 =	vadd.f32 v2, v0  }
0x107: {  	s0 =	sshll.u32 s0, $0x4  }
0x108: {  	s0 =	sadd.s32 s5, s0;
	[tilespmem:s30+$0xD470] =	vst v0  }
0x109: {  	[hbm4b:s0+s2] =	stream.linear.scatter [tilespmem:s18], [sflag:$0x4], $0x800, $0x38;
	[tilespmem:$0xEC00] =	vst v63  }
.Ltmp4:
0x10a: {  	(pc) =	sbr.rel .LBB2_7-.Ltmp4, $4  }
0x10b: {  	_ = 	snop  }
0x10c: {  	_ =	swait.ge [sflag:s19], $0x3800  }
0x10d: {  	[sflag:s19] =	ssyncset.done $0x0  }
0x10e: {  	[sflag:s19] =	ssyncadd.s32 $0xFFFFC800  }
.LBB2_6:
0x10f: {  	s0 =	smul.u32 $0x600, s28;
	_ =	sdelay $0x1  }
0x110: {  	s0 =	sshra.s32 s0, $0x2  }
.Ltmp5:
0x111: {  	s0 =	sadd.s32 $0x180, s0;
	(pc) =	sbr.rel @p0 .LBB2_8-.Ltmp5, $4  }
0x112: {  	[tilespmem:s12], [sflag:$0x1] =	stream.indirect.gather [hbm4b:s4+s11], $0x80, s0, s11, $0xb8;
	[tilespmem:$0xEC00] =	vst v63  }
0x113: {  	_ =	swait.ge [sflag:s19], $0x3800  }
0x114: {  	[sflag:s19] =	ssyncset.done $0x0  }
0x115: {  	[sflag:s19] =	ssyncadd.s32 $0xFFFFC800  }
.LBB2_7:
0x116: {  	_ =	swait.ge [sflag:s20], $0x800  }
0x117: {  	[sflag:s20] =	ssyncset.done $0x0  }
0x118: {  	[sflag:s20] =	ssyncadd.s32 $0xFFFFF800  }
.LBB2_8:
0x119: {  	s30 =	simm.s32 $0x65C0  }
0x11a: {  	v0 =	vld [tilespmem:s30+$0xFFFFFEC0]  }
0x11b: {  	v1 =	vld [tilespmem:s30+$0xFFFFFE40];
	_ =	sdelay $0x1  }
0x11c: {  	v2 =	vld [tilespmem:s30+$0xFFFFFF40];
	_ =	sdelay $0x1  }
0x11d: {  	v3 =	vld [tilespmem:s30+$0xFFFFFFC0]  }
0x11e: {  	v0 =	vadd.f32 v0, v1  }
0x11f: {  	v1 =	vld [tilespmem:s30+$0x40]  }
0x120: {  	v0 =	vadd.f32 v2, v0  }
0x121: {  	v2 =	vld [tilespmem:s30+$0xC0]  }
0x122: {  	v0 =	vadd.f32 v3, v0  }
0x123: {  	v3 =	vld [tilespmem:s30+$0x140]  }
0x124: {  	v0 =	vadd.f32 v1, v0;
	_ =	sdelay $0x1  }
0x125: {  	v0 =	vadd.f32 v2, v0;
	_ =	sdelay $0x1  }
0x126: {  	v0 =	vadd.f32 v3, v0  }
0x127: {  	s31 =	simm.s32 $0x0  }
0x128: {  	[tilespmem:s31+$0xDC00] =	vst v0  }
0x129: {  	v0 =	vld [tilespmem:s30+$0xFFFFFE50]  }
0x12a: {  	v1 =	vld [tilespmem:s30+$0xFFFFFED0];
	_ =	sdelay $0x1  }
0x12b: {  	v2 =	vld [tilespmem:s30+$0xFFFFFF50];
	_ =	sdelay $0x1  }
0x12c: {  	v3 =	vld [tilespmem:s30+$0xFFFFFFD0]  }
0x12d: {  	v0 =	vadd.f32 v1, v0  }
0x12e: {  	v1 =	vld [tilespmem:s30+$0x50]  }
0x12f: {  	v0 =	vadd.f32 v2, v0  }
0x130: {  	v2 =	vld [tilespmem:s30+$0xD0]  }
0x131: {  	v0 =	vadd.f32 v3, v0  }
0x132: {  	v3 =	vld [tilespmem:s30+$0x150]  }
0x133: {  	v0 =	vadd.f32 v1, v0;
	_ =	sdelay $0x1  }
0x134: {  	v0 =	vadd.f32 v2, v0;
	_ =	sdelay $0x1  }
0x135: {  	v0 =	vadd.f32 v3, v0;
	_ =	sdelay $0x1  }
0x136: {  	[tilespmem:s31+$0xDC10] =	vst v0  }
0x137: {  	v0 =	vld [tilespmem:s30+$0xFFFFFE60]  }
0x138: {  	v1 =	vld [tilespmem:s30+$0xFFFFFEE0];
	_ =	sdelay $0x1  }
0x139: {  	v2 =	vld [tilespmem:s30+$0xFFFFFF60];
	_ =	sdelay $0x1  }
0x13a: {  	v3 =	vld [tilespmem:s30+$0xFFFFFFE0]  }
0x13b: {  	v0 =	vadd.f32 v1, v0  }
0x13c: {  	v1 =	vld [tilespmem:s30+$0x60]  }
0x13d: {  	v0 =	vadd.f32 v2, v0  }
0x13e: {  	v2 =	vld [tilespmem:s30+$0xE0]  }
0x13f: {  	v0 =	vadd.f32 v3, v0  }
0x140: {  	v3 =	vld [tilespmem:s30+$0x160]  }
0x141: {  	v0 =	vadd.f32 v1, v0;
	_ =	sdelay $0x1  }
0x142: {  	v0 =	vadd.f32 v2, v0;
	_ =	sdelay $0x1  }
0x143: {  	v0 =	vadd.f32 v3, v0;
	_ =	sdelay $0x1  }
0x144: {  	[tilespmem:s31+$0xDC20] =	vst v0  }
0x145: {  	v0 =	vld [tilespmem:s30+$0xFFFFFE70]  }
0x146: {  	v1 =	vld [tilespmem:s30+$0xFFFFFEF0];
	_ =	sdelay $0x1  }
0x147: {  	v2 =	vld [tilespmem:s30+$0xFFFFFF70];
	_ =	sdelay $0x1  }
0x148: {  	v3 =	vld [tilespmem:s30+$0xFFFFFFF0]  }
0x149: {  	v0 =	vadd.f32 v1, v0  }
0x14a: {  	v1 =	vld [tilespmem:s30+$0x70]  }
0x14b: {  	v0 =	vadd.f32 v2, v0  }
0x14c: {  	v2 =	vld [tilespmem:s30+$0xF0]  }
0x14d: {  	v0 =	vadd.f32 v3, v0  }
0x14e: {  	v3 =	vld [tilespmem:s30+$0x170]  }
0x14f: {  	v0 =	vadd.f32 v1, v0;
	_ =	sdelay $0x1  }
0x150: {  	v0 =	vadd.f32 v2, v0;
	_ =	sdelay $0x1  }
0x151: {  	v0 =	vadd.f32 v3, v0;
	_ =	sdelay $0x1  }
0x152: {  	[tilespmem:s31+$0xDC30] =	vst v0  }
0x153: {  	v0 =	vld [tilespmem:s30+$0xFFFFFE80]  }
0x154: {  	v1 =	vld [tilespmem:s30+$0xFFFFFF00];
	_ =	sdelay $0x1  }
0x155: {  	v2 =	vld [tilespmem:s30+$0xFFFFFF80];
	_ =	sdelay $0x1  }
0x156: {  	v3 =	vld [tilespmem:s30+$0x0]  }
0x157: {  	v0 =	vadd.f32 v1, v0  }
0x158: {  	v1 =	vld [tilespmem:s30+$0x80]  }
0x159: {  	v0 =	vadd.f32 v2, v0  }
0x15a: {  	v2 =	vld [tilespmem:s30+$0x100]  }
0x15b: {  	v0 =	vadd.f32 v3, v0  }
0x15c: {  	v3 =	vld [tilespmem:s30+$0x180]  }
0x15d: {  	v0 =	vadd.f32 v1, v0;
	_ =	sdelay $0x1  }
0x15e: {  	v0 =	vadd.f32 v2, v0;
	_ =	sdelay $0x1  }
0x15f: {  	v0 =	vadd.f32 v3, v0;
	_ =	sdelay $0x1  }
0x160: {  	[tilespmem:s31+$0xDC40] =	vst v0  }
0x161: {  	v0 =	vld [tilespmem:s30+$0xFFFFFE90]  }
0x162: {  	v1 =	vld [tilespmem:s30+$0xFFFFFF10];
	_ =	sdelay $0x1  }
0x163: {  	v2 =	vld [tilespmem:s30+$0xFFFFFF90];
	_ =	sdelay $0x1  }
0x164: {  	v3 =	vld [tilespmem:s30+$0x10]  }
0x165: {  	v0 =	vadd.f32 v1, v0  }
0x166: {  	v1 =	vld [tilespmem:s30+$0x90]  }
0x167: {  	v0 =	vadd.f32 v2, v0  }
0x168: {  	v2 =	vld [tilespmem:s30+$0x110]  }
0x169: {  	v0 =	vadd.f32 v3, v0  }
0x16a: {  	v3 =	vld [tilespmem:s30+$0x190]  }
0x16b: {  	v0 =	vadd.f32 v1, v0;
	_ =	sdelay $0x1  }
0x16c: {  	v0 =	vadd.f32 v2, v0;
	_ =	sdelay $0x1  }
0x16d: {  	v0 =	vadd.f32 v3, v0;
	_ =	sdelay $0x1  }
0x16e: {  	[tilespmem:s31+$0xDC50] =	vst v0  }
0x16f: {  	v0 =	vld [tilespmem:s30+$0xFFFFFEA0]  }
0x170: {  	v1 =	vld [tilespmem:s30+$0xFFFFFF20];
	_ =	sdelay $0x1  }
0x171: {  	v2 =	vld [tilespmem:s30+$0xFFFFFFA0];
	_ =	sdelay $0x1  }
0x172: {  	v3 =	vld [tilespmem:s30+$0x20]  }
0x173: {  	v0 =	vadd.f32 v1, v0  }
0x174: {  	v1 =	vld [tilespmem:s30+$0xA0]  }
0x175: {  	v0 =	vadd.f32 v2, v0  }
0x176: {  	v2 =	vld [tilespmem:s30+$0x120]  }
0x177: {  	v0 =	vadd.f32 v3, v0  }
0x178: {  	v3 =	vld [tilespmem:s30+$0x1A0]  }
0x179: {  	v0 =	vadd.f32 v1, v0;
	_ =	sdelay $0x1  }
0x17a: {  	v0 =	vadd.f32 v2, v0;
	_ =	sdelay $0x1  }
0x17b: {  	v0 =	vadd.f32 v3, v0;
	_ =	sdelay $0x1  }
0x17c: {  	[tilespmem:s31+$0xDC60] =	vst v0  }
0x17d: {  	v1 =	vld [tilespmem:s30+$0xFFFFFEB0]  }
0x17e: {  	v2 =	vld [tilespmem:s30+$0xFFFFFF30];
	_ =	sdelay $0x1  }
0x17f: {  	v4 =	vld [tilespmem:s30+$0xFFFFFFB0];
	_ =	sdelay $0x1  }
0x180: {  	v3 =	vld [tilespmem:s30+$0x30]  }
0x181: {  	v0 =	vld [tilespmem:s30+$0xB0];
	v5 =	vadd.f32 v2, v1  }
0x182: {  	v1 =	vld [tilespmem:s30+$0x130]  }
0x183: {  	s0 =	simm.s32 $0x200;
	v2 =	vld [tilespmem:s30+$0x1B0];
	v4 =	vadd.f32 v4, v5  }
.LBB2_9:
0x184: {  	p2 =	sne.s32 s0, $0x1E00  }
0x185: {  	s30 =	sadd.s32 $0x380, s30;
	s1 =	smov.u32 s0;
	s0 =	sadd.s32 $0x200, s0;
	v3 =	vadd.f32 v3, v4  }
0x186: {  	_ = 	snop  }
0x187: {  	v0 =	vadd.f32 v0, v3;
	_ =	sdelay $0x1  }
0x188: {  	v0 =	vadd.f32 v1, v0;
	_ =	sdelay $0x1  }
0x189: {  	v0 =	vadd.f32 v2, v0;
	_ =	sdelay $0x1  }
0x18a: {  	[tilespmem:s31+$0xDC70] =	vst v0  }
0x18b: {  	v0 =	vld [tilespmem:s30+$0xFFFFFEC0]  }
0x18c: {  	v1 =	vld [tilespmem:s30+$0xFFFFFE40]  }
0x18d: {  	v2 =	vld [tilespmem:s30+$0xFFFFFF40];
	_ =	sdelay $0x2  }
0x18e: {  	v3 =	vld [tilespmem:s30+$0xFFFFFFC0]  }
0x18f: {  	v0 =	vadd.f32 v0, v1  }
0x190: {  	v1 =	vld [tilespmem:s30+$0x40]  }
0x191: {  	v0 =	vadd.f32 v2, v0  }
0x192: {  	v2 =	vld [tilespmem:s30+$0xC0]  }
0x193: {  	v0 =	vadd.f32 v3, v0  }
0x194: {  	v3 =	vld [tilespmem:s30+$0x140]  }
0x195: {  	v0 =	vadd.f32 v1, v0;
	_ =	sdelay $0x1  }
0x196: {  	v0 =	vadd.f32 v2, v0;
	_ =	sdelay $0x1  }
0x197: {  	v0 =	vadd.f32 v3, v0  }
0x198: {  	s31 =	sshra.s32 s1, $0x2  }
0x199: {  	[tilespmem:s31+$0xDC00] =	vst v0  }
0x19a: {  	v0 =	vld [tilespmem:s30+$0xFFFFFE50]  }
0x19b: {  	v1 =	vld [tilespmem:s30+$0xFFFFFED0];
	_ =	sdelay $0x1  }
0x19c: {  	v2 =	vld [tilespmem:s30+$0xFFFFFF50];
	_ =	sdelay $0x1  }
0x19d: {  	v3 =	vld [tilespmem:s30+$0xFFFFFFD0]  }
0x19e: {  	v0 =	vadd.f32 v1, v0  }
0x19f: {  	v1 =	vld [tilespmem:s30+$0x50]  }
0x1a0: {  	v0 =	vadd.f32 v2, v0  }
0x1a1: {  	v2 =	vld [tilespmem:s30+$0xD0]  }
0x1a2: {  	v0 =	vadd.f32 v3, v0  }
0x1a3: {  	v3 =	vld [tilespmem:s30+$0x150]  }
0x1a4: {  	v0 =	vadd.f32 v1, v0;
	_ =	sdelay $0x1  }
0x1a5: {  	v0 =	vadd.f32 v2, v0;
	_ =	sdelay $0x1  }
0x1a6: {  	v0 =	vadd.f32 v3, v0;
	_ =	sdelay $0x1  }
0x1a7: {  	[tilespmem:s31+$0xDC10] =	vst v0  }
0x1a8: {  	v0 =	vld [tilespmem:s30+$0xFFFFFE60]  }
0x1a9: {  	v1 =	vld [tilespmem:s30+$0xFFFFFEE0];
	_ =	sdelay $0x1  }
0x1aa: {  	v2 =	vld [tilespmem:s30+$0xFFFFFF60];
	_ =	sdelay $0x1  }
0x1ab: {  	v3 =	vld [tilespmem:s30+$0xFFFFFFE0]  }
0x1ac: {  	v0 =	vadd.f32 v1, v0  }
0x1ad: {  	v1 =	vld [tilespmem:s30+$0x60]  }
0x1ae: {  	v0 =	vadd.f32 v2, v0  }
0x1af: {  	v2 =	vld [tilespmem:s30+$0xE0]  }
0x1b0: {  	v0 =	vadd.f32 v3, v0  }
0x1b1: {  	v3 =	vld [tilespmem:s30+$0x160]  }
0x1b2: {  	v0 =	vadd.f32 v1, v0;
	_ =	sdelay $0x1  }
0x1b3: {  	v0 =	vadd.f32 v2, v0;
	_ =	sdelay $0x1  }
0x1b4: {  	v0 =	vadd.f32 v3, v0;
	_ =	sdelay $0x1  }
0x1b5: {  	[tilespmem:s31+$0xDC20] =	vst v0  }
0x1b6: {  	v0 =	vld [tilespmem:s30+$0xFFFFFE70]  }
0x1b7: {  	v1 =	vld [tilespmem:s30+$0xFFFFFEF0]  }
0x1b8: {  	v2 =	vld [tilespmem:s30+$0xFFFFFF70];
	_ =	sdelay $0x2  }
0x1b9: {  	v3 =	vld [tilespmem:s30+$0xFFFFFFF0]  }
0x1ba: {  	v0 =	vadd.f32 v1, v0  }
0x1bb: {  	v1 =	vld [tilespmem:s30+$0x70]  }
0x1bc: {  	v0 =	vadd.f32 v2, v0  }
0x1bd: {  	v2 =	vld [tilespmem:s30+$0xF0]  }
0x1be: {  	v0 =	vadd.f32 v3, v0  }
0x1bf: {  	v3 =	vld [tilespmem:s30+$0x170]  }
0x1c0: {  	v0 =	vadd.f32 v1, v0;
	_ =	sdelay $0x1  }
0x1c1: {  	v0 =	vadd.f32 v2, v0;
	_ =	sdelay $0x1  }
0x1c2: {  	v0 =	vadd.f32 v3, v0;
	_ =	sdelay $0x1  }
0x1c3: {  	[tilespmem:s31+$0xDC30] =	vst v0  }
0x1c4: {  	v0 =	vld [tilespmem:s30+$0xFFFFFE80]  }
0x1c5: {  	v1 =	vld [tilespmem:s30+$0xFFFFFF00];
	_ =	sdelay $0x1  }
0x1c6: {  	v2 =	vld [tilespmem:s30+$0xFFFFFF80];
	_ =	sdelay $0x1  }
0x1c7: {  	v3 =	vld [tilespmem:s30+$0x0]  }
0x1c8: {  	v0 =	vadd.f32 v1, v0  }
0x1c9: {  	v1 =	vld [tilespmem:s30+$0x80]  }
0x1ca: {  	v0 =	vadd.f32 v2, v0  }
0x1cb: {  	v2 =	vld [tilespmem:s30+$0x100]  }
0x1cc: {  	v0 =	vadd.f32 v3, v0  }
0x1cd: {  	v3 =	vld [tilespmem:s30+$0x180]  }
0x1ce: {  	v0 =	vadd.f32 v1, v0;
	_ =	sdelay $0x1  }
0x1cf: {  	v0 =	vadd.f32 v2, v0;
	_ =	sdelay $0x1  }
0x1d0: {  	v0 =	vadd.f32 v3, v0;
	_ =	sdelay $0x1  }
0x1d1: {  	[tilespmem:s31+$0xDC40] =	vst v0  }
0x1d2: {  	v0 =	vld [tilespmem:s30+$0xFFFFFE90]  }
0x1d3: {  	v1 =	vld [tilespmem:s30+$0xFFFFFF10]  }
0x1d4: {  	v2 =	vld [tilespmem:s30+$0xFFFFFF90]  }
0x1d5: {  	v3 =	vld [tilespmem:s30+$0x10]  }
0x1d6: {  	v4 =	vld [tilespmem:s30+$0x90]  }
0x1d7: {  	v5 =	vld [tilespmem:s30+$0x110]  }
0x1d8: {  	v0 =	vadd.f32 v1, v0;
	v1 =	vld [tilespmem:s30+$0x190];
	_ =	sdelay $0x1  }
0x1d9: {  	v0 =	vadd.f32 v2, v0;
	_ =	sdelay $0x1  }
0x1da: {  	v0 =	vadd.f32 v3, v0;
	_ =	sdelay $0x1  }
0x1db: {  	v0 =	vadd.f32 v4, v0;
	_ =	sdelay $0x1  }
0x1dc: {  	v0 =	vadd.f32 v5, v0;
	_ =	sdelay $0x1  }
0x1dd: {  	v0 =	vadd.f32 v1, v0;
	_ =	sdelay $0x1  }
0x1de: {  	[tilespmem:s31+$0xDC50] =	vst v0  }
0x1df: {  	v0 =	vld [tilespmem:s30+$0xFFFFFEA0]  }
0x1e0: {  	v1 =	vld [tilespmem:s30+$0xFFFFFF20]  }
0x1e1: {  	v2 =	vld [tilespmem:s30+$0xFFFFFFA0]  }
0x1e2: {  	v3 =	vld [tilespmem:s30+$0x20]  }
0x1e3: {  	v4 =	vld [tilespmem:s30+$0xA0]  }
0x1e4: {  	v5 =	vld [tilespmem:s30+$0x120]  }
0x1e5: {  	v0 =	vadd.f32 v1, v0;
	v1 =	vld [tilespmem:s30+$0x1A0];
	_ =	sdelay $0x1  }
0x1e6: {  	v0 =	vadd.f32 v2, v0;
	_ =	sdelay $0x1  }
0x1e7: {  	v0 =	vadd.f32 v3, v0;
	_ =	sdelay $0x1  }
0x1e8: {  	v0 =	vadd.f32 v4, v0;
	_ =	sdelay $0x1  }
0x1e9: {  	v0 =	vadd.f32 v5, v0;
	_ =	sdelay $0x1  }
0x1ea: {  	v0 =	vadd.f32 v1, v0;
	_ =	sdelay $0x1  }
0x1eb: {  	[tilespmem:s31+$0xDC60] =	vst v0  }
0x1ec: {  	v2 =	vld [tilespmem:s30+$0xFFFFFEB0]  }
0x1ed: {  	v4 =	vld [tilespmem:s30+$0xFFFFFF30]  }
0x1ee: {  	v5 =	vld [tilespmem:s30+$0xFFFFFFB0]  }
0x1ef: {  	v3 =	vld [tilespmem:s30+$0x30]  }
.Ltmp6:
0x1f0: {  	v0 =	vld [tilespmem:s30+$0xB0];
	(pc) =	sbr.rel @p2 .LBB2_9-.Ltmp6, $3  }
0x1f1: {  	v1 =	vld [tilespmem:s30+$0x130]  }
0x1f2: {  	v4 =	vadd.f32 v4, v2;
	v2 =	vld [tilespmem:s30+$0x1B0];
	_ =	sdelay $0x1  }
0x1f3: {  	v4 =	vadd.f32 v5, v4  }
0x1f4: {  	_ = 	snop  }
0x1f5: {  	v3 =	vadd.f32 v3, v4;
	_ =	sdelay $0x1  }
0x1f6: {  	v0 =	vadd.f32 v0, v3;
	_ =	sdelay $0x1  }
0x1f7: {  	v0 =	vadd.f32 v1, v0  }
.Ltmp7:
0x1f8: {  	_ = 	snop;
	(pc) =	sbr.rel @p1 .LBB2_12-.Ltmp7, $4  }
0x1f9: {  	s0 =	sadd.s32 s29, s7;
	v0 =	vadd.f32 v2, v0  }
0x1fa: {  	s0 =	sshll.u32 s0, $0x4  }
0x1fb: {  	s0 =	sadd.s32 s5, s0;
	[tilespmem:s31+$0xDC70] =	vst v0  }
0x1fc: {  	[hbm4b:s0+s2] =	stream.linear.scatter [tilespmem:s21], [sflag:$0x5], $0x800, $0x38;
	[tilespmem:$0xEC00] =	vst v63  }
.Ltmp8:
0x1fd: {  	(pc) =	sbr.rel .LBB2_13-.Ltmp8, $4  }
0x1fe: {  	_ = 	snop  }
0x1ff: {  	_ =	swait.ge [sflag:s22], $0x3800  }
0x200: {  	[sflag:s22] =	ssyncset.done $0x0  }
0x201: {  	[sflag:s22] =	ssyncadd.s32 $0xFFFFC800  }
.LBB2_12:
0x202: {  	s0 =	smul.u32 $0x600, s28;
	_ =	sdelay $0x1  }
0x203: {  	s0 =	sshra.s32 s0, $0x2  }
.Ltmp9:
0x204: {  	s0 =	sadd.s32 $0x200, s0;
	(pc) =	sbr.rel @p0 .LBB2_14-.Ltmp9, $4  }
0x205: {  	[tilespmem:s14], [sflag:$0x2] =	stream.indirect.gather [hbm4b:s4+s11], $0x80, s0, s11, $0xb8;
	[tilespmem:$0xEC00] =	vst v63  }
0x206: {  	_ =	swait.ge [sflag:s22], $0x3800  }
0x207: {  	[sflag:s22] =	ssyncset.done $0x0  }
0x208: {  	[sflag:s22] =	ssyncadd.s32 $0xFFFFC800  }
.LBB2_13:
0x209: {  	_ =	swait.ge [sflag:s23], $0x800  }
0x20a: {  	[sflag:s23] =	ssyncset.done $0x0  }
0x20b: {  	[sflag:s23] =	ssyncadd.s32 $0xFFFFF800  }
.LBB2_14:
0x20c: {  	s30 =	simm.s32 $0x9DC0  }
0x20d: {  	v0 =	vld [tilespmem:s30+$0xFFFFFEC0]  }
0x20e: {  	v1 =	vld [tilespmem:s30+$0xFFFFFE40];
	_ =	sdelay $0x1  }
0x20f: {  	v2 =	vld [tilespmem:s30+$0xFFFFFF40];
	_ =	sdelay $0x1  }
0x210: {  	v3 =	vld [tilespmem:s30+$0xFFFFFFC0]  }
0x211: {  	v0 =	vadd.f32 v0, v1  }
0x212: {  	v1 =	vld [tilespmem:s30+$0x40]  }
0x213: {  	v0 =	vadd.f32 v2, v0  }
0x214: {  	v2 =	vld [tilespmem:s30+$0xC0]  }
0x215: {  	v0 =	vadd.f32 v3, v0  }
0x216: {  	v3 =	vld [tilespmem:s30+$0x140]  }
0x217: {  	v0 =	vadd.f32 v1, v0;
	_ =	sdelay $0x1  }
0x218: {  	v0 =	vadd.f32 v2, v0;
	_ =	sdelay $0x1  }
0x219: {  	v0 =	vadd.f32 v3, v0  }
0x21a: {  	s31 =	simm.s32 $0x0  }
0x21b: {  	[tilespmem:s31+$0xE400] =	vst v0  }
0x21c: {  	v0 =	vld [tilespmem:s30+$0xFFFFFE50]  }
0x21d: {  	v1 =	vld [tilespmem:s30+$0xFFFFFED0];
	_ =	sdelay $0x1  }
0x21e: {  	v2 =	vld [tilespmem:s30+$0xFFFFFF50];
	_ =	sdelay $0x1  }
0x21f: {  	v3 =	vld [tilespmem:s30+$0xFFFFFFD0]  }
0x220: {  	v0 =	vadd.f32 v1, v0  }
0x221: {  	v1 =	vld [tilespmem:s30+$0x50]  }
0x222: {  	v0 =	vadd.f32 v2, v0  }
0x223: {  	v2 =	vld [tilespmem:s30+$0xD0]  }
0x224: {  	v0 =	vadd.f32 v3, v0  }
0x225: {  	v3 =	vld [tilespmem:s30+$0x150]  }
0x226: {  	v0 =	vadd.f32 v1, v0;
	_ =	sdelay $0x1  }
0x227: {  	v0 =	vadd.f32 v2, v0;
	_ =	sdelay $0x1  }
0x228: {  	v0 =	vadd.f32 v3, v0;
	_ =	sdelay $0x1  }
0x229: {  	[tilespmem:s31+$0xE410] =	vst v0  }
0x22a: {  	v0 =	vld [tilespmem:s30+$0xFFFFFE60]  }
0x22b: {  	v1 =	vld [tilespmem:s30+$0xFFFFFEE0];
	_ =	sdelay $0x1  }
0x22c: {  	v2 =	vld [tilespmem:s30+$0xFFFFFF60];
	_ =	sdelay $0x1  }
0x22d: {  	v3 =	vld [tilespmem:s30+$0xFFFFFFE0]  }
0x22e: {  	v0 =	vadd.f32 v1, v0  }
0x22f: {  	v1 =	vld [tilespmem:s30+$0x60]  }
0x230: {  	v0 =	vadd.f32 v2, v0  }
0x231: {  	v2 =	vld [tilespmem:s30+$0xE0]  }
0x232: {  	v0 =	vadd.f32 v3, v0  }
0x233: {  	v3 =	vld [tilespmem:s30+$0x160]  }
0x234: {  	v0 =	vadd.f32 v1, v0;
	_ =	sdelay $0x1  }
0x235: {  	v0 =	vadd.f32 v2, v0;
	_ =	sdelay $0x1  }
0x236: {  	v0 =	vadd.f32 v3, v0;
	_ =	sdelay $0x1  }
0x237: {  	[tilespmem:s31+$0xE420] =	vst v0  }
0x238: {  	v0 =	vld [tilespmem:s30+$0xFFFFFE70]  }
0x239: {  	v1 =	vld [tilespmem:s30+$0xFFFFFEF0];
	_ =	sdelay $0x1  }
0x23a: {  	v2 =	vld [tilespmem:s30+$0xFFFFFF70];
	_ =	sdelay $0x1  }
0x23b: {  	v3 =	vld [tilespmem:s30+$0xFFFFFFF0]  }
0x23c: {  	v0 =	vadd.f32 v1, v0  }
0x23d: {  	v1 =	vld [tilespmem:s30+$0x70]  }
0x23e: {  	v0 =	vadd.f32 v2, v0  }
0x23f: {  	v2 =	vld [tilespmem:s30+$0xF0]  }
0x240: {  	v0 =	vadd.f32 v3, v0  }
0x241: {  	v3 =	vld [tilespmem:s30+$0x170]  }
0x242: {  	v0 =	vadd.f32 v1, v0;
	_ =	sdelay $0x1  }
0x243: {  	v0 =	vadd.f32 v2, v0;
	_ =	sdelay $0x1  }
0x244: {  	v0 =	vadd.f32 v3, v0;
	_ =	sdelay $0x1  }
0x245: {  	[tilespmem:s31+$0xE430] =	vst v0  }
0x246: {  	v0 =	vld [tilespmem:s30+$0xFFFFFE80]  }
0x247: {  	v1 =	vld [tilespmem:s30+$0xFFFFFF00];
	_ =	sdelay $0x1  }
0x248: {  	v2 =	vld [tilespmem:s30+$0xFFFFFF80];
	_ =	sdelay $0x1  }
0x249: {  	v3 =	vld [tilespmem:s30+$0x0]  }
0x24a: {  	v0 =	vadd.f32 v1, v0  }
0x24b: {  	v1 =	vld [tilespmem:s30+$0x80]  }
0x24c: {  	v0 =	vadd.f32 v2, v0  }
0x24d: {  	v2 =	vld [tilespmem:s30+$0x100]  }
0x24e: {  	v0 =	vadd.f32 v3, v0  }
0x24f: {  	v3 =	vld [tilespmem:s30+$0x180]  }
0x250: {  	v0 =	vadd.f32 v1, v0;
	_ =	sdelay $0x1  }
0x251: {  	v0 =	vadd.f32 v2, v0;
	_ =	sdelay $0x1  }
0x252: {  	v0 =	vadd.f32 v3, v0;
	_ =	sdelay $0x1  }
0x253: {  	[tilespmem:s31+$0xE440] =	vst v0  }
0x254: {  	v0 =	vld [tilespmem:s30+$0xFFFFFE90]  }
0x255: {  	v1 =	vld [tilespmem:s30+$0xFFFFFF10];
	_ =	sdelay $0x1  }
0x256: {  	v2 =	vld [tilespmem:s30+$0xFFFFFF90];
	_ =	sdelay $0x1  }
0x257: {  	v3 =	vld [tilespmem:s30+$0x10]  }
0x258: {  	v0 =	vadd.f32 v1, v0  }
0x259: {  	v1 =	vld [tilespmem:s30+$0x90]  }
0x25a: {  	v0 =	vadd.f32 v2, v0  }
0x25b: {  	v2 =	vld [tilespmem:s30+$0x110]  }
0x25c: {  	v0 =	vadd.f32 v3, v0  }
0x25d: {  	v3 =	vld [tilespmem:s30+$0x190]  }
0x25e: {  	v0 =	vadd.f32 v1, v0;
	_ =	sdelay $0x1  }
0x25f: {  	v0 =	vadd.f32 v2, v0;
	_ =	sdelay $0x1  }
0x260: {  	v0 =	vadd.f32 v3, v0;
	_ =	sdelay $0x1  }
0x261: {  	[tilespmem:s31+$0xE450] =	vst v0  }
0x262: {  	v0 =	vld [tilespmem:s30+$0xFFFFFEA0]  }
0x263: {  	v1 =	vld [tilespmem:s30+$0xFFFFFF20];
	_ =	sdelay $0x1  }
0x264: {  	v2 =	vld [tilespmem:s30+$0xFFFFFFA0];
	_ =	sdelay $0x1  }
0x265: {  	v3 =	vld [tilespmem:s30+$0x20]  }
0x266: {  	v0 =	vadd.f32 v1, v0  }
0x267: {  	v1 =	vld [tilespmem:s30+$0xA0]  }
0x268: {  	v0 =	vadd.f32 v2, v0  }
0x269: {  	v2 =	vld [tilespmem:s30+$0x120]  }
0x26a: {  	v0 =	vadd.f32 v3, v0  }
0x26b: {  	v3 =	vld [tilespmem:s30+$0x1A0]  }
0x26c: {  	v0 =	vadd.f32 v1, v0;
	_ =	sdelay $0x1  }
0x26d: {  	v0 =	vadd.f32 v2, v0;
	_ =	sdelay $0x1  }
0x26e: {  	v0 =	vadd.f32 v3, v0;
	_ =	sdelay $0x1  }
0x26f: {  	[tilespmem:s31+$0xE460] =	vst v0  }
0x270: {  	v1 =	vld [tilespmem:s30+$0xFFFFFEB0]  }
0x271: {  	v2 =	vld [tilespmem:s30+$0xFFFFFF30];
	_ =	sdelay $0x1  }
0x272: {  	v4 =	vld [tilespmem:s30+$0xFFFFFFB0];
	_ =	sdelay $0x1  }
0x273: {  	v3 =	vld [tilespmem:s30+$0x30]  }
0x274: {  	v0 =	vld [tilespmem:s30+$0xB0];
	v5 =	vadd.f32 v2, v1  }
0x275: {  	v1 =	vld [tilespmem:s30+$0x130]  }
0x276: {  	s0 =	simm.s32 $0x200;
	v2 =	vld [tilespmem:s30+$0x1B0];
	v4 =	vadd.f32 v4, v5  }
.LBB2_15:
0x277: {  	p0 =	sne.s32 s0, $0x1E00  }
0x278: {  	s30 =	sadd.s32 $0x380, s30;
	s1 =	smov.u32 s0;
	s0 =	sadd.s32 $0x200, s0;
	v3 =	vadd.f32 v3, v4  }
0x279: {  	_ = 	snop  }
0x27a: {  	v0 =	vadd.f32 v0, v3;
	_ =	sdelay $0x1  }
0x27b: {  	v0 =	vadd.f32 v1, v0;
	_ =	sdelay $0x1  }
0x27c: {  	v0 =	vadd.f32 v2, v0;
	_ =	sdelay $0x1  }
0x27d: {  	[tilespmem:s31+$0xE470] =	vst v0  }
0x27e: {  	v0 =	vld [tilespmem:s30+$0xFFFFFEC0]  }
0x27f: {  	v1 =	vld [tilespmem:s30+$0xFFFFFE40]  }
0x280: {  	v2 =	vld [tilespmem:s30+$0xFFFFFF40];
	_ =	sdelay $0x2  }
0x281: {  	v3 =	vld [tilespmem:s30+$0xFFFFFFC0]  }
0x282: {  	v0 =	vadd.f32 v0, v1  }
0x283: {  	v1 =	vld [tilespmem:s30+$0x40]  }
0x284: {  	v0 =	vadd.f32 v2, v0  }
0x285: {  	v2 =	vld [tilespmem:s30+$0xC0]  }
0x286: {  	v0 =	vadd.f32 v3, v0  }
0x287: {  	v3 =	vld [tilespmem:s30+$0x140]  }
0x288: {  	v0 =	vadd.f32 v1, v0;
	_ =	sdelay $0x1  }
0x289: {  	v0 =	vadd.f32 v2, v0;
	_ =	sdelay $0x1  }
0x28a: {  	v0 =	vadd.f32 v3, v0  }
0x28b: {  	s31 =	sshra.s32 s1, $0x2  }
0x28c: {  	[tilespmem:s31+$0xE400] =	vst v0  }
0x28d: {  	v0 =	vld [tilespmem:s30+$0xFFFFFE50]  }
0x28e: {  	v1 =	vld [tilespmem:s30+$0xFFFFFED0];
	_ =	sdelay $0x1  }
0x28f: {  	v2 =	vld [tilespmem:s30+$0xFFFFFF50];
	_ =	sdelay $0x1  }
0x290: {  	v3 =	vld [tilespmem:s30+$0xFFFFFFD0]  }
0x291: {  	v0 =	vadd.f32 v1, v0  }
0x292: {  	v1 =	vld [tilespmem:s30+$0x50]  }
0x293: {  	v0 =	vadd.f32 v2, v0  }
0x294: {  	v2 =	vld [tilespmem:s30+$0xD0]  }
0x295: {  	v0 =	vadd.f32 v3, v0  }
0x296: {  	v3 =	vld [tilespmem:s30+$0x150]  }
0x297: {  	v0 =	vadd.f32 v1, v0;
	_ =	sdelay $0x1  }
0x298: {  	v0 =	vadd.f32 v2, v0;
	_ =	sdelay $0x1  }
0x299: {  	v0 =	vadd.f32 v3, v0;
	_ =	sdelay $0x1  }
0x29a: {  	[tilespmem:s31+$0xE410] =	vst v0  }
0x29b: {  	v0 =	vld [tilespmem:s30+$0xFFFFFE60]  }
0x29c: {  	v1 =	vld [tilespmem:s30+$0xFFFFFEE0];
	_ =	sdelay $0x1  }
0x29d: {  	v2 =	vld [tilespmem:s30+$0xFFFFFF60];
	_ =	sdelay $0x1  }
0x29e: {  	v3 =	vld [tilespmem:s30+$0xFFFFFFE0]  }
0x29f: {  	v0 =	vadd.f32 v1, v0  }
0x2a0: {  	v1 =	vld [tilespmem:s30+$0x60]  }
0x2a1: {  	v0 =	vadd.f32 v2, v0  }
0x2a2: {  	v2 =	vld [tilespmem:s30+$0xE0]  }
0x2a3: {  	v0 =	vadd.f32 v3, v0  }
0x2a4: {  	v3 =	vld [tilespmem:s30+$0x160]  }
0x2a5: {  	v0 =	vadd.f32 v1, v0;
	_ =	sdelay $0x1  }
0x2a6: {  	v0 =	vadd.f32 v2, v0;
	_ =	sdelay $0x1  }
0x2a7: {  	v0 =	vadd.f32 v3, v0;
	_ =	sdelay $0x1  }
0x2a8: {  	[tilespmem:s31+$0xE420] =	vst v0  }
0x2a9: {  	v0 =	vld [tilespmem:s30+$0xFFFFFE70]  }
0x2aa: {  	v1 =	vld [tilespmem:s30+$0xFFFFFEF0]  }
0x2ab: {  	v2 =	vld [tilespmem:s30+$0xFFFFFF70];
	_ =	sdelay $0x2  }
0x2ac: {  	v3 =	vld [tilespmem:s30+$0xFFFFFFF0]  }
0x2ad: {  	v0 =	vadd.f32 v1, v0  }
0x2ae: {  	v1 =	vld [tilespmem:s30+$0x70]  }
0x2af: {  	v0 =	vadd.f32 v2, v0  }
0x2b0: {  	v2 =	vld [tilespmem:s30+$0xF0]  }
0x2b1: {  	v0 =	vadd.f32 v3, v0  }
0x2b2: {  	v3 =	vld [tilespmem:s30+$0x170]  }
0x2b3: {  	v0 =	vadd.f32 v1, v0;
	_ =	sdelay $0x1  }
0x2b4: {  	v0 =	vadd.f32 v2, v0;
	_ =	sdelay $0x1  }
0x2b5: {  	v0 =	vadd.f32 v3, v0;
	_ =	sdelay $0x1  }
0x2b6: {  	[tilespmem:s31+$0xE430] =	vst v0  }
0x2b7: {  	v0 =	vld [tilespmem:s30+$0xFFFFFE80]  }
0x2b8: {  	v1 =	vld [tilespmem:s30+$0xFFFFFF00];
	_ =	sdelay $0x1  }
0x2b9: {  	v2 =	vld [tilespmem:s30+$0xFFFFFF80];
	_ =	sdelay $0x1  }
0x2ba: {  	v3 =	vld [tilespmem:s30+$0x0]  }
0x2bb: {  	v0 =	vadd.f32 v1, v0  }
0x2bc: {  	v1 =	vld [tilespmem:s30+$0x80]  }
0x2bd: {  	v0 =	vadd.f32 v2, v0  }
0x2be: {  	v2 =	vld [tilespmem:s30+$0x100]  }
0x2bf: {  	v0 =	vadd.f32 v3, v0  }
0x2c0: {  	v3 =	vld [tilespmem:s30+$0x180]  }
0x2c1: {  	v0 =	vadd.f32 v1, v0;
	_ =	sdelay $0x1  }
0x2c2: {  	v0 =	vadd.f32 v2, v0;
	_ =	sdelay $0x1  }
0x2c3: {  	v0 =	vadd.f32 v3, v0;
	_ =	sdelay $0x1  }
0x2c4: {  	[tilespmem:s31+$0xE440] =	vst v0  }
0x2c5: {  	v0 =	vld [tilespmem:s30+$0xFFFFFE90]  }
0x2c6: {  	v1 =	vld [tilespmem:s30+$0xFFFFFF10]  }
0x2c7: {  	v2 =	vld [tilespmem:s30+$0xFFFFFF90]  }
0x2c8: {  	v3 =	vld [tilespmem:s30+$0x10]  }
0x2c9: {  	v4 =	vld [tilespmem:s30+$0x90]  }
0x2ca: {  	v5 =	vld [tilespmem:s30+$0x110]  }
0x2cb: {  	v0 =	vadd.f32 v1, v0;
	v1 =	vld [tilespmem:s30+$0x190];
	_ =	sdelay $0x1  }
0x2cc: {  	v0 =	vadd.f32 v2, v0;
	_ =	sdelay $0x1  }
0x2cd: {  	v0 =	vadd.f32 v3, v0;
	_ =	sdelay $0x1  }
0x2ce: {  	v0 =	vadd.f32 v4, v0;
	_ =	sdelay $0x1  }
0x2cf: {  	v0 =	vadd.f32 v5, v0;
	_ =	sdelay $0x1  }
0x2d0: {  	v0 =	vadd.f32 v1, v0;
	_ =	sdelay $0x1  }
0x2d1: {  	[tilespmem:s31+$0xE450] =	vst v0  }
0x2d2: {  	v0 =	vld [tilespmem:s30+$0xFFFFFEA0]  }
0x2d3: {  	v1 =	vld [tilespmem:s30+$0xFFFFFF20]  }
0x2d4: {  	v2 =	vld [tilespmem:s30+$0xFFFFFFA0]  }
0x2d5: {  	v3 =	vld [tilespmem:s30+$0x20]  }
0x2d6: {  	v4 =	vld [tilespmem:s30+$0xA0]  }
0x2d7: {  	v5 =	vld [tilespmem:s30+$0x120]  }
0x2d8: {  	v0 =	vadd.f32 v1, v0;
	v1 =	vld [tilespmem:s30+$0x1A0];
	_ =	sdelay $0x1  }
0x2d9: {  	v0 =	vadd.f32 v2, v0;
	_ =	sdelay $0x1  }
0x2da: {  	v0 =	vadd.f32 v3, v0;
	_ =	sdelay $0x1  }
0x2db: {  	v0 =	vadd.f32 v4, v0;
	_ =	sdelay $0x1  }
0x2dc: {  	v0 =	vadd.f32 v5, v0;
	_ =	sdelay $0x1  }
0x2dd: {  	v0 =	vadd.f32 v1, v0;
	_ =	sdelay $0x1  }
0x2de: {  	[tilespmem:s31+$0xE460] =	vst v0  }
0x2df: {  	v2 =	vld [tilespmem:s30+$0xFFFFFEB0]  }
0x2e0: {  	v4 =	vld [tilespmem:s30+$0xFFFFFF30]  }
0x2e1: {  	v5 =	vld [tilespmem:s30+$0xFFFFFFB0]  }
0x2e2: {  	v3 =	vld [tilespmem:s30+$0x30]  }
.Ltmp10:
0x2e3: {  	v0 =	vld [tilespmem:s30+$0xB0];
	(pc) =	sbr.rel @p0 .LBB2_15-.Ltmp10, $3  }
0x2e4: {  	v1 =	vld [tilespmem:s30+$0x130]  }
0x2e5: {  	v4 =	vadd.f32 v4, v2;
	v2 =	vld [tilespmem:s30+$0x1B0];
	_ =	sdelay $0x1  }
0x2e6: {  	v4 =	vadd.f32 v5, v4  }
0x2e7: {  	_ = 	snop  }
0x2e8: {  	v3 =	vadd.f32 v3, v4;
	_ =	sdelay $0x1  }
0x2e9: {  	v0 =	vadd.f32 v0, v3;
	_ =	sdelay $0x1  }
0x2ea: {  	p0 =	seq.s32 s28, $0x1A;
	v0 =	vadd.f32 v1, v0  }
.Ltmp11:
0x2eb: {  	_ = 	snop;
	(pc) =	sbr.rel @p0 .LBB2_18-.Ltmp11, $4  }
0x2ec: {  	s0 =	sadd.s32 s29, s8;
	v0 =	vadd.f32 v2, v0  }
0x2ed: {  	s0 =	sshll.u32 s0, $0x4  }
0x2ee: {  	s0 =	sadd.s32 s5, s0;
	[tilespmem:s31+$0xE470] =	vst v0  }
0x2ef: {  	[hbm4b:s0+s2] =	stream.linear.scatter [tilespmem:s24], [sflag:$0x6], $0x800, $0x38;
	[tilespmem:$0xEC00] =	vst v63  }
0x2f0: {  	s0 =	smul.u32 $0x600, s28  }
.Ltmp12:
0x2f1: {  	_ = 	snop;
	(pc) =	sbr.rel .LBB2_2-.Ltmp12, $4  }
0x2f2: {  	_ = 	snop  }
0x2f3: {  	s0 =	sshra.s32 s0, $0x2  }
0x2f4: {  	s28 =	sadd.s32 $0x1, s28;
	s0 =	sadd.s32 $0x280, s0  }
0x2f5: {  	[tilespmem:s16], [sflag:$0x3] =	stream.indirect.gather [hbm4b:s4+s11], $0x80, s0, s11, $0xb8;
	[tilespmem:$0xEC00] =	vst v63  }
.LBB2_19:
0x2f6: {  	_ =	sfence.sel $0x180000  }
0x2f7: {  	[bflag:$0x0] =	sbarrier.arrive $0xFFFF  }
0x2f8: {  	_ =	strace $0x9000004A  }
0x2f9: {  	s0 =	stileid.u32;
	[bflag:$0x2] =	sbarrier.arrive $0xFFFF  }
0x2fa: {  	p0 =	sne.s32 s0, $0x0;
	s0 =	rddreg [dreg:$0x2]  }
0x2fb: {  	s0 =	sadd.s32 @!p0 $0x100000, s0  }
0x2fc: {  	[sflag:s0] =	ssyncadd.tile.s32 @!p0 $0x1;
	_ =	shalt  }
.Lfunc_end2:
_tile_overlayer_lowered:
.L_overlay_start_2:
0x2fd: {  	(tag) =	ssettag $0x2  }
0x2fe: {  	s0 =	rddreg [dreg:$0x0];
	s2 =	stileid.u32  }
0x2ff: {  	s1 =	rddreg [dreg:$0x1];
	p0 =	sne.s32 s2, $0x0  }
0x300: {  	s3 =	rddreg [dreg:$0x2];
	[bflag:$0x3] =	sbarrier.arrive $0xFFFF;
	s2 =	simm.s32 @!p0 $0x1C07  }
0x301: {  	[timem:s3], [sflag:s2] =	dma.local @!p0 [hbm:s0], s1  }
0x302: {  	s0 =	simm.s32 @!p0 $0x7  }
0x303: {  	_ =	swait.ge @!p0 [sflag:s0], s1  }
0x304: {  	s1 =	ssub.s32 @!p0 $0x0, s1;
	[sflag:s0] =	ssyncset.done @!p0 $0x0  }
0x305: {  	[sflag:s0] =	ssyncadd.s32 @!p0 s1  }
0x306: {  	[bflag:$0x3] =	sbarrier.arrive $0xFFFF  }
0x307: {  	_ =	shalt  }

// kernel: sparse-core-data-format-call.cloned.1.call-start
scs
called_computation_lowered:
.L_overlay_start_0:
0x0: {  	s2 =	sld [smem:$0x3FD9]  }
0x1: {  	s3 =	sld [smem:$0x3FFE];
	_ =	sdelay $0x1  }
0x2: {  	s1 =	srdreg.scid  }
0x3: {  	s0 =	sand.u32 $0x1, s1  }
0x4: {  	s18 =	sshll.u32 s0, $0xA;
	s2 =	sadd.s32 s3, s2  }
0x5: {  	s2 =	sadd.s32 s2, s18  }
0x6: {  	[smem:$0x3FBF] =	sst s2  }
0x7: {  	_ = 	snop  }
0x8: {  	s2 =	sld [smem:$0x3FC9];
	(tm) =	ssettm $0x1  }
0x9: {  	s19 =	sld [smem:$0x3FFB];
	_ =	sdelay $0x3  }
0xa: {  	_ =	strace s19  }
0xb: {  	s3 =	sld [smem:$0x3FFC];
	_ =	sdelay $0x3  }
0xc: {  	_ =	strace s3  }
0xd: {  	s3 =	sld [smem:$0x3FFD];
	_ =	sdelay $0x3  }
0xe: {  	_ =	strace s3  }
0xf: {  	_ =	strace $0x8FFFFFFF  }
0x10: {  	s20 =	sld [smem:$0x3FDB];
	_ =	sdelay $0x1  }
0x11: {  	s4 =	simm.s32 $_scs_section_size  }
0x12: {  	s5 =	simm.s32 $_size__tile_overlayer_lowered;
	s6 =	simm.s32 $_tile_overlayer_lowered  }
0x13: {  	s23 =	simm.s32 $0x1BFF;
	s22 =	sshll.u32 s6, $0x1;
	s3 =	sadd.s32 s4, s20  }
0x14: {  	s7 =	simm.s32 $0x0;
	s21 =	sshll.u32 s5, $0x1;
	s5 =	sadd.s32 s22, s3  }
0x15: {  	[timem:s7], [sflag:s23] =	dma.local [hbm:s5], s21  }
0x16: {  	_ =	swait.ge [sflag:s23], s21  }
0x17: {  	s4 =	ssub.s32 $0x0, s21;
	[sflag:s23] =	ssyncset.done $0x0  }
0x18: {  	[sflag:s23] =	ssyncadd.s32 s4;
	_ =	sdelay $0x1  }
0x19: {  	s24 =	simm.s32 $0x1B8B  }
0x1a: {  	_ =	swait.ge [sflag:s24], $0x1  }
0x1b: {  	[sflag:s24] =	ssyncset.done $0x0  }
0x1c: {  	s26 =	simm.s32 $0x1B8E;
	s25 =	sld [smem:$0x3FFE];
	[sflag:s24] =	ssyncadd.s32 $0xFFFFFFFF  }
0x1d: {  	s27 =	simm.s32 $execute0_lowered;
	[smem:$0x3FD2] =	sst s26  }
0x1e: {  	s5 =	sshll.u32 s27, $0x1;
	_ =	strace $0x80000046;
	[dreg:$0x1] =	wrdreg $0xFFFFFFFF  }
0x1f: {  	s28 =	simm.s32 $_size_execute0_lowered;
	s3 =	sadd.s32 s3, s5;
	[dreg:$0x0] =	wrdreg $0x0  }
0x20: {  	s5 =	sshll.u32 s28, $0x1;
	[dreg:$0x2] =	wrdreg s3  }
0x21: {  	[dreg:$0x3] =	wrdreg s5  }
0x22: {  	[dreg:$0x4] =	wrdreg $0xC0  }
0x23: {  	_ =	task [dreg:s7], $0x5FFFF  }
0x24: {  	[dreg:$0x1] =	wrdreg $0xFFFFFFFF  }
0x25: {  	[dreg:$0x0] =	wrdreg $0x60  }
0x26: {  	[dreg:$0x2] =	wrdreg s2  }
0x27: {  	[dreg:$0x3] =	wrdreg s25  }
0x28: {  	[dreg:$0x4] =	wrdreg $0x9  }
0x29: {  	_ =	task.clear_ibuf [dreg:s7], $0x5FFFF;
	_ =	strace $0x90000046  }
0x2a: {  	s29 =	simm.s32 $0x9;
	_ =	strace $0x80000048  }
0x2b: {  	_ =	swait.ge [sflag:s29], $0x1  }
0x2c: {  	[sflag:s29] =	ssyncadd.s32 $0xFFFFFFFF  }
0x2d: {  	_ =	strace $0x90000048  }
0x2e: {  	_ =	sfence  }
0x2f: {  	s30 =	sld [smem:$0x0];
	_ =	sdelay $0x2  }
0x30: {  	s31 =	sshll.u32 s1, $0xD;
	s1 =	sshrl.u32 s1, $0x2  }
0x31: {  	s3 =	sand.u32 $0x4000, s31;
	s1 =	sadd.s32 s1, s30  }
0x32: {  	s0 =	sor.u32 s3, s0;
	s1 =	sshll.u32 s1, $0x11  }
0x33: {  	s0 =	sor.u32 s1, s0  }
0x34: {  	s0 =	sadd.s32 $0x8F2B, s0  }
0x35: {  	[sflag:s0] =	ssyncadd.remote.s32 $0x1  }
0x36: {  	_ =	sfence.sel $0xFFFF  }
0x37: {  	[dreg:$0x0] =	wrdreg $0xFFFFFFFF;
	(pc) =	sbr.abs _section_cstart, $3  }
0x38: {  	[dreg:$0x1] =	wrdreg $0xFFFFFFFF  }
0x39: {  	_ =	task.clear_ibuf [dreg:s7], $0x2FFFF;
	_ =	strace $0x9FFFFFFF  }
0x3a: {  	(tm) =	ssettm $0x7FFFFFFF  }
0x3b: {  	_ =	shalt  }
tec
execute0_lowered:
.L_overlay_start_1:
0x0: {  	(tag) =	ssettag $0x1  }
0x1: {  	s7 =	rddreg [dreg:$0x0]  }
0x2: {  	s2 =	rddreg [dreg:$0x1]  }
0x3: {  	s0 =	rddreg [dreg:$0x2]  }
0x4: {  	s3 =	srdreg.scid;
	_ =	strace $0x80000047;
	s1 =	stileid.u32  }
0x5: {  	s8 =	simm.s32 $0x2;
	s10 =	simm.s32 $0x0;
	s14 =	simm.s32 $0x0  }
0x6: {  	s15 =	simm.s32 $0x0;
	s11 =	simm.s32 $0x0;
	s3 =	sshll.u32 s3, $0x4  }
0x7: {  	s13 =	simm.s32 $0x0;
	s2 =	sadd.s32 $0x2000, s2;
	s3 =	sand.u32 $0x10, s3  }
.Ltmp0:
0x8: {  	s4 =	sshll.u32 s1, $0x7;
	s5 =	sor.u32 s1, s3;
	(pc) =	sbr.rel .LBB1_1-.Ltmp0, $4  }
0x9: {  	s3 =	sand.u32 $0x380, s4;
	s4 =	simm.s32 $0x1;
	s5 =	sshrl.u32 s5, $0x3  }
0xa: {  	[sflag:s4] =	ssyncpa.u1 $0x0;
	s6 =	ssub.s32 $0xA000, s3;
	s12 =	smov.u32 s3  }
0xb: {  	s6 =	sshrl.u32 s6, $0xA;
	s9 =	sshll.u32 s5, $0x4;
	[sflag:s8] =	ssyncpa.u1 $0x0  }
0xc: {  	s7 =	sadd.s32 s7, s9;
	s8 =	sadd.s32 $0x2, s6;
	s9 =	simm.s32 $0x0  }
.LBB1_4:
0xd: {  	s21 =	simm.s32 $0x0  }
.LBB1_8:
0xe: {  	_ =	sdelay $0x3  }
0xf: {  	v6 =	vld [tilespmem:s18+$0xFFFFFFC0];
	[tilespmem:v0+s20+$0x30 ss:$0x1] =	vst.idx.msk @p0 $0xffff, v2  }
0x10: {  	v58 =	vld [tilespmem:s18+$0xFFFFFFD0];
	[tilespmem:v0+s20+$0x40 ss:$0x1] =	vst.idx.msk @p0 $0xffff, v3;
	s21 =	sadd.s32 @p0 $0x80, s21  }
0x11: {  	v59 =	vld [tilespmem:s18+$0xFFFFFFE0];
	[tilespmem:v0+s20+$0x50 ss:$0x1] =	vst.idx.msk @p0 $0xffff, v5;
	s19 =	smov.u32 @p0 s21  }
0x12: {  	v60 =	vld [tilespmem:s18+$0xFFFFFFF0];
	[tilespmem:v0+s20+$0x60 ss:$0x1] =	vst.idx.msk @p0 $0xffff, v4;
	s19 =	sand.u32 $0x3F80, s19  }
0x13: {  	v61 =	vld [tilespmem:s18+$0x0];
	[tilespmem:v0+s19+$0x70 ss:$0x1] =	vst.idx.msk $0xffff, v1  }
0x14: {  	v62 =	vld [tilespmem:s18+$0x10];
	[tilespmem:v0+s19+$0x0 ss:$0x1] =	vst.idx.msk $0xffff, v6  }
0x15: {  	v63 =	vld [tilespmem:s18+$0x20];
	[tilespmem:v0+s19+$0x10 ss:$0x1] =	vst.idx.msk $0xffff, v58  }
0x16: {  	[tilespmem:v0+s19+$0x20 ss:$0x1] =	vst.idx.msk $0xffff, v59  }
0x17: {  	[tilespmem:v0+s19+$0x30 ss:$0x1] =	vst.idx.msk $0xffff, v60  }
0x18: {  	[tilespmem:v0+s19+$0x40 ss:$0x1] =	vst.idx.msk $0xffff, v61  }
0x19: {  	[tilespmem:v0+s19+$0x50 ss:$0x1] =	vst.idx.msk $0xffff, v62  }
0x1a: {  	[tilespmem:v0+s19+$0x60 ss:$0x1] =	vst.idx.msk $0xffff, v63  }
.LBB1_9:
0x1b: {  	s18 =	sand.u32 $0x1FFFFFF, s11  }
0x1c: {  	p0 =	sgt.s32 s11, $0x9F88;
	s20 =	smov.u32 s11;
	s19 =	smulhi.u32 $0xCCC29, s18  }
0x1d: {  	s20 =	simm.s32 @!p0 $0x9F88  }
0x1e: {  	s15 =	smul.u32 $0xA0080, s15;
	s16 =	sadd.s32 s16, s20;
	s19 =	sshrl.u32 s19, $0x3  }
0x1f: {  	s16 =	sadd.s32 $0xFFFF6078, s16;
	s19 =	smul.u32 $0xA008, s19  }
0x20: {  	s30 =	sshll.u32 s16, $0x7  }
0x21: {  	s15 =	sadd.s32 s2, s15;
	s31 =	ssub.s32 $0x4000, s30;
	s18 =	ssub.s32 s18, s19  }
0x22: {  	p0 =	sgt.s32 s16, $0x7F;
	s16 =	sand.u32 $0x3FFFFF80, s31;
	s18 =	sshll.u32 s18, $0x4  }
0x23: {  	s16 =	simm.s32 @p0 $0x0;
	s15 =	sadd.s32 s18, s15  }
0x24: {  	[hbm4b:s15+s9] =	stream.linear.scatter [tilespmem:s17], [sflag:$0x2], s16, $0x38;
	[tilespmem:$0x10000] =	vst v63  }
.LBB1_10:
0x25: {  	p0 =	slt.u32 s13, $0x2  }
0x26: {  	p1 =	sgt.s32 @!p0 s14, $0x9F88  }
0x27: {  	s15 =	smov.u32 s14;
	s16 =	sshra.s32 @!p0 s14, $0x1F;
	p1 =	por !p1, p0  }
0x28: {  	s14 =	sand.u32 @!p0 s16, s14;
	s15 =	simm.s32 @p1 $0x9F88  }
0x29: {  	s14 =	ssub.s32 @!p0 s15, s14  }
0x2a: {  	s14 =	sadd.s32 @!p0 $0xFFFF6078, s14  }
0x2b: {  	s15 =	sshll.u32 @!p0 s14, $0x7  }
0x2c: {  	p1 =	sgt.s32 @!p0 s14, $0x7F;
	s14 =	ssub.s32 @!p0 $0x4000, s15  }
0x2d: {  	s16 =	sadd.s32 $0x400, s12;
	p1 =	por !p1, p0;
	s14 =	sand.u32 @!p0 $0x3FFFFF80, s14  }
0x2e: {  	s14 =	simm.s32 @!p1 $0x0;
	p1 =	sgt.s32 s16, $0xA001  }
0x2f: {  	s16 =	smov.u32 @p1 s3;
	p1 =	sne.s32 s13, s8  }
.Ltmp1:
0x30: {  	_ = 	snop;
	(pc) =	sbr.rel @!p1 .LBB1_11-.Ltmp1, $4  }
0x31: {  	s10 =	sadd.s32 $0x4000, s10;
	s15 =	simm.s32 @!p0 $0x2  }
0x32: {  	_ =	swait.ge @!p0 [sflag:s15], s14;
	s17 =	ssub.s32 @!p0 $0x0, s14;
	s14 =	smov.u32 s11  }
0x33: {  	s13 =	sadd.s32 $0x1, s13;
	s11 =	smov.u32 s12;
	[sflag:s15] =	ssyncset.done @!p0 $0x0  }
0x34: {  	s12 =	smov.u32 s16;
	[sflag:s15] =	ssyncadd.s32 @!p0 s17;
	s15 =	smov.u32 s5  }
.LBB1_1:
0x35: {  	p0 =	sgt.u32 s13, s6  }
0x36: {  	p1 =	sgt.s32 @!p0 s12, $0x9F82  }
0x37: {  	s16 =	smov.u32 s12;
	s17 =	sshra.s32 @!p0 s12, $0x1F;
	p1 =	por !p1, p0  }
0x38: {  	s17 =	sand.u32 @!p0 s17, s12;
	s16 =	simm.s32 @p1 $0x9F82  }
0x39: {  	s16 =	ssub.s32 @!p0 s16, s17  }
0x3a: {  	s18 =	sxor.u32 @!p0 $0xFFFFFFFF, s13;
	s16 =	sadd.s32 @!p0 $0xFFFF607E, s16  }
0x3b: {  	s19 =	simm.s32 @!p0 $0x80;
	s20 =	simm.s32 @!p0 $0x200;
	s17 =	sshll.u32 @!p0 s16, $0x7  }
0x3c: {  	p1 =	sgt.s32 @!p0 s16, $0x7F;
	s16 =	ssub.s32 @!p0 $0x4000, s17;
	s17 =	sshll.u32 @!p0 s18, $0xE  }
0x3d: {  	p1 =	por !p1, p0;
	s18 =	sshll.u32 @!p0 s12, $0x6;
	s16 =	sand.u32 @!p0 $0x3FFFFF80, s16  }
0x3e: {  	s17 =	sand.u32 @!p0 $0x4000, s17;
	s18 =	sadd.s32 @!p0 s18, s7;
	s16 =	simm.s32 @!p1 $0x0  }
0x3f: {  	[tilespmem:s17], [sflag:$0x1] =	stream.strided.gather @!p0 [hbm4b:s18+s19], s16, s20, s19, $0x38;
	[tilespmem:$0x10000] =	vst v63  }
0x40: {  	p0 =	seq.s32 s13, $0x0  }
0x41: {  	p1 =	sge.u32 @!p0 s13, s8  }
0x42: {  	p0 =	por p0, p1  }
.Ltmp2:
0x43: {  	_ = 	snop;
	(pc) =	sbr.rel @p0 .LBB1_10-.Ltmp2, $1  }
0x44: {  	_ =	sdelay $0x3  }
0x45: {  	s16 =	ssub.s32 $0x0, s11  }
0x46: {  	s17 =	sshra.s32 s11, $0x1F;
	p0 =	sgt.s32 s11, $0x9F82;
	s18 =	smov.u32 s11  }
0x47: {  	s16 =	sand.u32 s16, s17;
	s18 =	simm.s32 @!p0 $0x9F82  }
0x48: {  	s17 =	sadd.s32 s16, s18  }
0x49: {  	s17 =	sadd.s32 $0xFFFF607E, s17  }
0x4a: {  	s30 =	sshll.u32 s17, $0x7  }
0x4b: {  	s18 =	ssub.s32 $0x4000, s30  }
0x4c: {  	p0 =	sgt.s32 s17, $0x7F;
	s17 =	sand.u32 $0x3FFFFF80, s18;
	s18 =	sadd.s32 $0x80, s11  }
0x4d: {  	s17 =	simm.s32 @p0 $0x0;
	p0 =	slt.s32 s18, $0xA002  }
0x4e: {  	s18 =	simm.s32 @!p0 $0xA002  }
0x4f: {  	s20 =	ssub.s32 s18, s11  }
0x50: {  	p0 =	slt.s32 s20, $0x1  }
.Ltmp3:
0x51: {  	_ = 	snop;
	(pc) =	sbr.rel @p0 .LBB1_9-.Ltmp3, $4  }
0x52: {  	_ = 	snop  }
0x53: {  	s31 =	sshll.u32 s13, $0xE;
	_ =	swait.ge [sflag:s4], s17  }
0x54: {  	s19 =	ssub.s32 $0x0, s17;
	s17 =	sand.u32 $0x4000, s31;
	[sflag:s4] =	ssyncset.done $0x0  }
0x55: {  	s17 =	sor.u32 $0x8000, s17;
	[sflag:s4] =	ssyncadd.s32 s19  }
0x56: {  	p1 =	sne.s32 s20, $0x1  }
.Ltmp4:
0x57: {  	v0 =	vmov s17;
	(pc) =	sbr.rel @!p1 .LBB1_4-.Ltmp4, $4  }
0x58: {  	_ = 	snop  }
0x59: {  	s18 =	sand.u32 $0x4000, s10  }
0x5a: {  	s18 =	sor.u32 $0x40, s18  }
0x5b: {  	s19 =	simm.s32 $0x0;
	s21 =	sadd.s32 $0xFFFFFFFF, s20;
	p0 =	por $0x0, $0x0;
	v1 =	vld [tilespmem:s18+$0x30]  }
0x5c: {  	v4 =	vld [tilespmem:s18+$0xFFFFFFC0]  }
0x5d: {  	v6 =	vld [tilespmem:s18+$0xFFFFFFD0]  }
0x5e: {  	v7 =	vld [tilespmem:s18+$0xFFFFFFE0];
	p1 =	sne.s32 s21, $0x1  }
.Ltmp5:
0x5f: {  	v2 =	vld [tilespmem:s18+$0xFFFFFFF0];
	s20 =	sand.u32 $0x3F80, s19;
	(pc) =	sbr.rel @!p1 .LBB1_6-.Ltmp5, $4  }
0x60: {  	v3 =	vld [tilespmem:s18+$0x0];
	[tilespmem:v0+s20+$0x70 ss:$0x1] =	vst.idx.msk $0xffff, v1  }
0x61: {  	v5 =	vld [tilespmem:s18+$0x10];
	[tilespmem:v0+s20+$0x0 ss:$0x1] =	vst.idx.msk $0xffff, v4  }
0x62: {  	v4 =	vld [tilespmem:s18+$0x20];
	[tilespmem:v0+s20+$0x10 ss:$0x1] =	vst.idx.msk $0xffff, v6;
	s18 =	sadd.s32 $0x80, s18  }
0x63: {  	s22 =	sadd.s32 $0xFFFFFFFF, s21;
	p0 =	por $0x1, $0x1;
	s21 =	simm.s32 $0x0;
	[tilespmem:v0+s20+$0x20 ss:$0x1] =	vst.idx.msk $0xffff, v7;
	v1 =	vld [tilespmem:s18+$0x30]  }
.LBB1_7:
0x64: {  	p1 =	sne.s32 s22, $0x1;
	v6 =	vld [tilespmem:s18+$0xFFFFFFC0];
	[tilespmem:v0+s20+$0x30 ss:$0x1] =	vst.idx.msk $0xffff, v2  }
0x65: {  	v7 =	vld [tilespmem:s18+$0xFFFFFFD0];
	[tilespmem:v0+s20+$0x40 ss:$0x1] =	vst.idx.msk $0xffff, v3  }
0x66: {  	s21 =	sadd.s32 $0x80, s21;
	v8 =	vld [tilespmem:s18+$0xFFFFFFE0];
	[tilespmem:v0+s20+$0x50 ss:$0x1] =	vst.idx.msk $0xffff, v5  }
.Ltmp6:
0x67: {  	v2 =	vld [tilespmem:s18+$0xFFFFFFF0];
	[tilespmem:v0+s20+$0x60 ss:$0x1] =	vst.idx.msk $0xffff, v4;
	s20 =	sand.u32 $0x3F80, s21;
	(pc) =	sbr.rel @p1 .LBB1_7-.Ltmp6, $4  }
0x68: {  	v3 =	vld [tilespmem:s18+$0x0];
	[tilespmem:v0+s20+$0x70 ss:$0x1] =	vst.idx.msk $0xffff, v1  }
0x69: {  	[tilespmem:v0+s20+$0x0 ss:$0x1] =	vst.idx.msk $0xffff, v6;
	v5 =	vld [tilespmem:s18+$0x10]  }
0x6a: {  	[tilespmem:v0+s20+$0x10 ss:$0x1] =	vst.idx.msk $0xffff, v7;
	v4 =	vld [tilespmem:s18+$0x20];
	s18 =	sadd.s32 $0x80, s18  }
0x6b: {  	s22 =	sadd.s32 $0xFFFFFFFF, s22;
	v1 =	vld [tilespmem:s18+$0x30];
	[tilespmem:v0+s20+$0x20 ss:$0x1] =	vst.idx.msk $0xffff, v8  }
.Ltmp7:
0x6c: {  	_ = 	snop;
	(pc) =	sbr.rel .LBB1_8-.Ltmp7, $1  }
0x6d: {  	_ =	sdelay $0x3  }
.LBB1_6:
.Ltmp8:
0x6e: {  	(pc) =	sbr.rel .LBB1_8-.Ltmp8, $2  }
0x6f: {  	_ =	sdelay $0x2  }
0x70: {  	s21 =	simm.s32 $0x0  }
.LBB1_11:
0x71: {  	_ =	sfence.sel $0x180000  }
0x72: {  	s2 =	simm.s32 $0x1;
	[bflag:$0x0] =	sbarrier.arrive $0xFFFF  }
0x73: {  	s31 =	simm.s32 $0x2;
	[sflag:s2] =	ssyncpa.u1 $0x1  }
0x74: {  	[sflag:s31] =	ssyncpa.u1 $0x1  }
0x75: {  	p0 =	sne.s32 s1, $0x0;
	_ =	strace $0x90000047  }
0x76: {  	s0 =	sadd.s32 @!p0 $0x100000, s0;
	[bflag:$0x2] =	sbarrier.arrive $0xFFFF  }
0x77: {  	[sflag:s0] =	ssyncadd.tile.s32 @!p0 $0x1;
	_ =	shalt  }
.Lfunc_end1:
_tile_overlayer_lowered:
.L_overlay_start_2:
0x78: {  	(tag) =	ssettag $0x2  }
0x79: {  	s0 =	rddreg [dreg:$0x0];
	s2 =	stileid.u32  }
0x7a: {  	s1 =	rddreg [dreg:$0x1];
	p0 =	sne.s32 s2, $0x0  }
0x7b: {  	s3 =	rddreg [dreg:$0x2];
	[bflag:$0x3] =	sbarrier.arrive $0xFFFF;
	s2 =	simm.s32 @!p0 $0x1C01  }
0x7c: {  	[timem:s3], [sflag:s2] =	dma.local @!p0 [hbm:s0], s1  }
0x7d: {  	s0 =	simm.s32 @!p0 $0x1  }
0x7e: {  	_ =	swait.ge @!p0 [sflag:s0], s1  }
0x7f: {  	s1 =	ssub.s32 @!p0 $0x0, s1;
	[sflag:s0] =	ssyncset.done @!p0 $0x0  }
0x80: {  	[sflag:s0] =	ssyncadd.s32 @!p0 s1  }
0x81: {  	[bflag:$0x3] =	sbarrier.arrive $0xFFFF  }
0x82: {  	_ =	shalt  }

</sc_bundles>
